<compile_context>
chip_gen: v7x
topology: tpu7x:2x2x1
jax: 0.10.2.dev20260603
libtpu: 0.0.44.dev20260713+nightly
codegen_flags: <defaults>
</compile_context>

<pallas_src>
import functools
import jax
import jax.numpy as jnp
from jax import lax
from jax.experimental import pallas as pl
from jax.experimental.pallas import tpu as pltpu
from jax.experimental.pallas import tpu_sc as plsc

N = 10000
E = 160000
E_PAD = 163840
IN = 128
EMB = 8
H = 8
HID = 32
NEG = 0.2

NW = 32
BE = 1024
BN = 2000
F32 = jnp.float32

_MESH = plsc.VectorSubcoreMesh(core_axis_name="c", subcore_axis_name="s")



def _make_gather2(ca, cb):
    epw = E_PAD // NW
    ch = 128
    nch = epw // ch

    @functools.partial(
        pl.kernel, mesh=_MESH,
        out_type=(jax.ShapeDtypeStruct((E_PAD, ca), F32),
                  jax.ShapeDtypeStruct((E_PAD, cb), F32)),
        scratch_types=[pltpu.VMEM((ch,), jnp.int32), pltpu.VMEM((ch,), jnp.int32),
                       pltpu.VMEM((ch, ca), F32), pltpu.VMEM((ch, cb), F32),
                       pltpu.SemaphoreType.DMA, pltpu.SemaphoreType.DMA],
    )
    def gk(ia_hbm, ta_hbm, ib_hbm, tb_hbm, oa_hbm, ob_hbm,
           ia_v, ib_v, ra_v, rb_v, sa, sb):
        wid = lax.axis_index("s") * 2 + lax.axis_index("c")
        base = wid * epw

        def body(j, carry):
            off = pl.multiple_of(base + j * ch, ch)
            pltpu.sync_copy(ia_hbm.at[pl.ds(off, ch)], ia_v)
            pltpu.sync_copy(ib_hbm.at[pl.ds(off, ch)], ib_v)
            da = pltpu.async_copy(ta_hbm.at[ia_v], ra_v, sa)
            db = pltpu.async_copy(tb_hbm.at[ib_v], rb_v, sb)
            da.wait()
            db.wait()
            pltpu.sync_copy(ra_v, oa_hbm.at[pl.ds(off, ch)])
            pltpu.sync_copy(rb_v, ob_hbm.at[pl.ds(off, ch)])
            return carry

        lax.fori_loop(0, nch, body, 0)

    return gk


def _make_gather1(ca):
    epw = E_PAD // NW
    ch = 128
    nch = epw // ch

    @functools.partial(
        pl.kernel, mesh=_MESH,
        out_type=jax.ShapeDtypeStruct((E_PAD, ca), F32),
        scratch_types=[pltpu.VMEM((ch,), jnp.int32),
                       pltpu.VMEM((ch, ca), F32),
                       pltpu.SemaphoreType.DMA],
    )
    def gk(ia_hbm, ta_hbm, oa_hbm, ia_v, ra_v, sa):
        wid = lax.axis_index("s") * 2 + lax.axis_index("c")
        base = wid * epw

        def body(j, carry):
            off = pl.multiple_of(base + j * ch, ch)
            pltpu.sync_copy(ia_hbm.at[pl.ds(off, ch)], ia_v)
            pltpu.async_copy(ta_hbm.at[ia_v], ra_v, sa).wait()
            pltpu.sync_copy(ra_v, oa_hbm.at[pl.ds(off, ch)])
            return carry

        lax.fori_loop(0, nch, body, 0)

    return gk


def _make_scatter_cols():
    ept = E_PAD // 16
    ch = 128
    nch = ept // ch
    cs = 128
    rpt = 640

    @functools.partial(
        pl.kernel, mesh=_MESH,
        out_type=jax.ShapeDtypeStruct((N, 256), F32),
        scratch_types=[pltpu.VMEM((ch,), jnp.int32),
                       pltpu.VMEM((ch, cs), F32),
                       pltpu.VMEM_SHARED((N, cs), F32)],
    )
    def sk(idx_hbm, vals_hbm, zer_hbm, out_hbm, idx_v, val_v, sp):
        cid = lax.axis_index("c")
        sid = lax.axis_index("s")
        col0 = cid * cs

        @pl.when(sid == 0)
        def _():
            pltpu.sync_copy(zer_hbm, sp)

        plsc.subcore_barrier()
        base = sid * ept

        def body(j, carry):
            off = pl.multiple_of(base + j * ch, ch)
            pltpu.sync_copy(idx_hbm.at[pl.ds(off, ch)], idx_v)
            pltpu.sync_copy(vals_hbm.at[pl.ds(off, ch), pl.ds(col0, cs)], val_v)
            pltpu.sync_copy(val_v, sp.at[idx_v], add=True)
            return carry

        lax.fori_loop(0, nch, body, 0)
        plsc.subcore_barrier()
        r0 = pl.multiple_of(sid * 624, 8)
        pltpu.sync_copy(sp.at[pl.ds(r0, rpt)],
                        out_hbm.at[pl.ds(r0, rpt), pl.ds(col0, cs)])

    return sk


def _make_scatter_edges():
    ept = E_PAD // NW
    ch = 128
    nch = ept // ch
    rpt = 640

    @functools.partial(
        pl.kernel, mesh=_MESH,
        out_type=jax.ShapeDtypeStruct((2 * N, 16), F32),
        scratch_types=[pltpu.VMEM((ch,), jnp.int32),
                       pltpu.VMEM((ch, 16), F32),
                       pltpu.VMEM_SHARED((N, 16), F32)],
    )
    def sk(idx_hbm, vals_hbm, zer_hbm, out_hbm, idx_v, val_v, sp):
        cid = lax.axis_index("c")
        sid = lax.axis_index("s")

        @pl.when(sid == 0)
        def _():
            pltpu.sync_copy(zer_hbm, sp)

        plsc.subcore_barrier()
        base = (cid * 16 + sid) * ept

        def body(j, carry):
            off = pl.multiple_of(base + j * ch, ch)
            pltpu.sync_copy(idx_hbm.at[pl.ds(off, ch)], idx_v)
            pltpu.sync_copy(vals_hbm.at[pl.ds(off, ch)], val_v)
            pltpu.sync_copy(val_v, sp.at[idx_v], add=True)
            return carry

        lax.fori_loop(0, nch, body, 0)
        plsc.subcore_barrier()
        r0 = pl.multiple_of(sid * 624, 8)
        pltpu.sync_copy(sp.at[pl.ds(r0, rpt)],
                        out_hbm.at[pl.ds(cid * N + r0, rpt)])

    return sk


_gather_gat = _make_gather2(256, 128)
_gather_mlp = _make_gather2(128, 128)
_gather_nn = _make_gather1(128)
_scatter_cols = _make_scatter_cols()
_scatter_edges = _make_scatter_edges()



def _row_mask(be):
    gid = pl.program_id(0) * be + lax.broadcasted_iota(jnp.int32, (be, 1), 0)
    return (gid < E).astype(F32)


def _nnconv_pre_body(x_ref, w2m_ref, rootw_ref, t2_ref, root_ref):
    x = x_ref[...]
    t2_ref[...] = jnp.dot(x, w2m_ref[...], preferred_element_type=F32)
    root_ref[...] = jnp.dot(x, rootw_ref[...], preferred_element_type=F32)


def _nnconv_msg_body(gt_ref, ea_ref, w1p_ref, b1_ref, expk_ref, c64_ref, o_ref):
    h = jnp.maximum(jnp.dot(ea_ref[...], w1p_ref[...],
                            preferred_element_type=F32) + b1_ref[...], 0.0)
    h2e = jnp.dot(h, expk_ref[...], preferred_element_type=F32)
    gt = gt_ref[...]
    msg = jnp.dot(h2e * gt[:, :64], c64_ref[...],
                  preferred_element_type=F32) + gt[:, 64:72]
    o_ref[...] = jnp.concatenate(
        [msg * _row_mask(BE), jnp.zeros((BE, 8), F32)], axis=1)


def _nnconv_post_body(root_ref, p0_ref, p1_ref, b_ref, o_ref):
    v = root_ref[...] + p0_ref[...][:, :8] + p1_ref[...][:, :8] + b_ref[...]
    o_ref[...] = jnp.where(v > 0, v, jnp.exp(v) - 1.0)


def _gat_pre_body(xh_ref, lin_ref, msrc_ref, mdst_ref, xt_ref, dt_ref):
    xl = jnp.dot(xh_ref[...], lin_ref[...], preferred_element_type=F32)
    a_s = jnp.dot(xl, msrc_ref[...], preferred_element_type=F32)
    a_d = jnp.dot(xl, mdst_ref[...], preferred_element_type=F32)
    t = a_s + a_d
    b = jnp.where(t >= 0, t, NEG * t)
    xt_ref[...] = xl
    dt_ref[...] = jnp.concatenate([a_d, b, jnp.zeros((BN, 112), F32)], axis=1)


def _gat_mid_body(gx_ref, gd_ref, msrc_ref, exp8_ref, wm_ref, ev_ref):
    gx = gx_ref[...]
    gd = gd_ref[...]
    a_s = jnp.dot(gx, msrc_ref[...], preferred_element_type=F32)
    t = a_s + gd[:, 0:8]
    al = jnp.where(t >= 0, t, NEG * t)
    ev = jnp.exp(al - gd[:, 8:16]) * _row_mask(BE)
    evx = jnp.dot(ev, exp8_ref[...], preferred_element_type=F32)
    wm_ref[...] = gx * evx
    ev_ref[...] = jnp.concatenate([ev, jnp.zeros((BE, 8), F32)], axis=1)


def _gat_post_body(s_ref, xt_ref, p0_ref, p1_ref, prev_ref, b_ref, exp8_ref,
                   col_ref, o_ref):
    r = 1.0 / (p0_ref[...][:, :8] + p1_ref[...][:, :8] + 1.0)
    rexp = jnp.dot(r, exp8_ref[...], preferred_element_type=F32)
    tmp = (s_ref[...] + xt_ref[...]) * rexp
    outm = jnp.dot(tmp, col_ref[...], preferred_element_type=F32) + b_ref[...]
    v = outm + prev_ref[...]
    o_ref[...] = jnp.where(v > 0, v, jnp.exp(v) - 1.0)


def _mlp_body(g1_ref, g2_ref, w0a_ref, w0b_ref, b0_ref, w1_ref, b1_ref,
              w2_ref, b2_ref, o_ref):
    h0 = jnp.maximum(
        jnp.dot(g1_ref[...][:, :HID], w0a_ref[...], preferred_element_type=F32)
        + jnp.dot(g2_ref[...][:, :HID], w0b_ref[...], preferred_element_type=F32)
        + b0_ref[...], 0.0)
    h1 = jnp.maximum(
        jnp.dot(h0, w1_ref[...], preferred_element_type=F32) + b1_ref[...] + h0,
        0.0)
    o_ref[...] = jnp.dot(h1, w2_ref[...], preferred_element_type=F32) + b2_ref[...]


def _full(c):
    return pl.BlockSpec(c, lambda i: (0,) * len(c))


def _rows(b, c):
    return pl.BlockSpec((b, c), lambda i: (i, 0))


def _nnconv_pre(x, w2m, rootw):
    return pl.pallas_call(
        _nnconv_pre_body, grid=(N // BN,),
        in_specs=[_rows(BN, IN), _full((IN, 128)), _full((IN, 8))],
        out_specs=(_rows(BN, 128), _rows(BN, 8)),
        out_shape=(jax.ShapeDtypeStruct((N, 128), F32),
                   jax.ShapeDtypeStruct((N, 8), F32)),
    )(x, w2m, rootw)


def _nnconv_msg(gt, ea8, w1p, b1, expk, c64):
    return pl.pallas_call(
        _nnconv_msg_body, grid=(E_PAD // BE,),
        in_specs=[_rows(BE, 128), _rows(BE, 8), _full((8, 8)), _full((1, 8)),
                  _full((8, 64)), _full((64, 8))],
        out_specs=_rows(BE, 16),
        out_shape=jax.ShapeDtypeStruct((E_PAD, 16), F32),
    )(gt, ea8, w1p, b1, expk, c64)


def _nnconv_post(root, p0, p1, b):
    return pl.pallas_call(
        _nnconv_post_body, grid=(N // BN,),
        in_specs=[_rows(BN, 8), _rows(BN, 16), _rows(BN, 16), _full((1, 8))],
        out_specs=_rows(BN, 8),
        out_shape=jax.ShapeDtypeStruct((N, 8), F32),
    )(root, p0, p1, b)


def _gat_pre(xh, lin, msrc, mdst):
    cin = xh.shape[1]
    return pl.pallas_call(
        _gat_pre_body, grid=(N // BN,),
        in_specs=[_rows(BN, cin), _full((cin, 256)), _full((256, 8)),
                  _full((256, 8))],
        out_specs=(_rows(BN, 256), _rows(BN, 128)),
        out_shape=(jax.ShapeDtypeStruct((N, 256), F32),
                   jax.ShapeDtypeStruct((N, 128), F32)),
    )(xh, lin, msrc, mdst)


def _gat_mid(gx, gd, msrc, exp8):
    return pl.pallas_call(
        _gat_mid_body, grid=(E_PAD // BE,),
        in_specs=[_rows(BE, 256), _rows(BE, 128), _full((256, 8)),
                  _full((8, 256))],
        out_specs=(_rows(BE, 256), _rows(BE, 16)),
        out_shape=(jax.ShapeDtypeStruct((E_PAD, 256), F32),
                   jax.ShapeDtypeStruct((E_PAD, 16), F32)),
    )(gx, gd, msrc, exp8)


def _gat_post(s, xt, p0, p1, prev, b, exp8, col):
    return pl.pallas_call(
        _gat_post_body, grid=(N // BN,),
        in_specs=[_rows(BN, 256), _rows(BN, 256), _rows(BN, 16), _rows(BN, 16),
                  _rows(BN, HID), _full((1, HID)), _full((8, 256)),
                  _full((256, HID))],
        out_specs=_rows(BN, HID),
        out_shape=jax.ShapeDtypeStruct((N, HID), F32),
    )(s, xt, p0, p1, prev, b, exp8, col)


def _edge_mlp(g1, g2, w0a, w0b, b0, w1, b1, w2p, b2p):
    return pl.pallas_call(
        _mlp_body, grid=(E_PAD // BE,),
        in_specs=[_rows(BE, 128), _rows(BE, 128), _full((HID, HID)),
                  _full((HID, HID)), _full((1, HID)), _full((HID, HID)),
                  _full((1, HID)), _full((HID, 8)), _full((1, 8))],
        out_specs=_rows(BE, 8),
        out_shape=jax.ShapeDtypeStruct((E_PAD, 8), F32),
    )(g1, g2, w0a, w0b, b0, w1, b1, w2p, b2p)



def kernel(x, edge_index, edge_attr, enn_w1, enn_b1, enn_w2, enn_b2, root_w,
           nnconv_b,
           gat0_lin, gat0_asrc, gat0_adst, gat0_b,
           gat1_lin, gat1_asrc, gat1_adst, gat1_b,
           gat2_lin, gat2_asrc, gat2_adst, gat2_b,
           gat3_lin, gat3_asrc, gat3_adst, gat3_b,
           mlp0_w, mlp0_b, mlp1_w, mlp1_b, mlp2_w, mlp2_b):
    src = edge_index[0]
    dst = edge_index[1]
    pad = (jnp.arange(E_PAD - E, dtype=jnp.int32) * 131) % N
    srcp = jnp.concatenate([src, pad])
    dstp = jnp.concatenate([dst, pad])

    eye8 = jnp.eye(8, dtype=F32)
    exp8 = jnp.repeat(eye8, 32, axis=1)
    col = jnp.tile(jnp.eye(HID, dtype=F32), (8, 1)) / 8.0
    expk = jnp.repeat(eye8, 8, axis=1)
    c64 = jnp.tile(eye8, (8, 1))
    zer128 = jnp.zeros((N, 128), F32)
    zer16 = jnp.zeros((N, 16), F32)

    w2m = jnp.concatenate(
        [enn_w2.reshape(8, IN, EMB).transpose(1, 0, 2).reshape(IN, 64),
         enn_b2.reshape(IN, EMB), jnp.zeros((IN, 56), F32)], axis=1)
    t2p, xroot = _nnconv_pre(x, w2m, root_w)
    gt = _gather_nn(srcp, t2p)
    ea8 = jnp.pad(edge_attr, ((0, E_PAD - E), (0, 5)))
    w1p = jnp.pad(enn_w1, ((0, 5), (0, 0)))
    msgp = _nnconv_msg(gt, ea8, w1p, enn_b1[None, :], expk, c64)
    parts = _scatter_edges(dstp, msgp, zer16)
    xh = _nnconv_post(xroot, parts[:N], parts[N:], nnconv_b[None, :])

    prev = jnp.zeros((N, HID), F32)
    for i, (lin, asrc, adst, bias) in enumerate(
            ((gat0_lin, gat0_asrc, gat0_adst, gat0_b),
             (gat1_lin, gat1_asrc, gat1_adst, gat1_b),
             (gat2_lin, gat2_asrc, gat2_adst, gat2_b),
             (gat3_lin, gat3_asrc, gat3_adst, gat3_b))):
        msrc = (eye8[:, None, :] * asrc[:, :, None]).reshape(256, 8)
        mdst = (eye8[:, None, :] * adst[:, :, None]).reshape(256, 8)
        xt, dt = _gat_pre(xh, lin, msrc, mdst)
        gx, gd = _gather_gat(srcp, xt, dstp, dt)
        wm, evp = _gat_mid(gx, gd, msrc, exp8)
        sparts = _scatter_edges(dstp, evp, zer16)
        s = _scatter_cols(dstp, wm, zer128)
        xh = _gat_post(s, xt, sparts[:N], sparts[N:], prev, bias[None, :],
                       exp8, col)
        prev = xh

    xhp = jnp.pad(xh, ((0, 0), (0, 128 - HID)))
    g1, g2 = _gather_mlp(srcp, xhp, dstp, xhp)
    w2p = jnp.zeros((HID, 8), F32).at[:, :1].set(mlp2_w)
    b2p = jnp.zeros((1, 8), F32).at[:, :1].set(mlp2_b[None, :])
    outp = _edge_mlp(g1, g2, mlp0_w[:HID], mlp0_w[HID:], mlp0_b[None, :],
                     mlp1_w, mlp1_b[None, :], w2p, b2p)
    return outp[:E, :1]

# --- scband reference (transcript-rebuilt; emitter-appended) ---
"""Pipeline reference for scband-gatedge-classifier-13211319402837 (READ-ONLY COPY).

The authoritative reference and input builder live on the scoring server;
editing this copy changes nothing except your own understanding.
"""

import jax, jax.numpy as jnp
import numpy as np

N = 10000
E = 160000
IN = 128
EMB = 8
H = 8
HID = 32
NEG_SLOPE = 0.2


def segment_softmax(alpha, seg, num_segments):
    m = jax.ops.segment_max(alpha, seg, num_segments=num_segments)
    m = jnp.where(jnp.isfinite(m), m, 0.0)
    e = jnp.exp(alpha - m[seg])
    s = jax.ops.segment_sum(e, seg, num_segments=num_segments)
    return e / (s[seg] + 1e-16)


def gat_layer(x, src, dst, lin, asrc, adst, bias):
    n = x.shape[0]
    xl = (x @ lin).reshape(n, H, HID)
    a_src = jnp.sum(xl * asrc[None, :, :], axis=-1)
    a_dst = jnp.sum(xl * adst[None, :, :], axis=-1)
    alpha = a_src[src] + a_dst[dst]
    alpha = jnp.where(alpha >= 0, alpha, NEG_SLOPE * alpha)
    alpha = segment_softmax(alpha, dst, n)
    msg = xl[src] * alpha[:, :, None]
    out = jax.ops.segment_sum(msg, dst, num_segments=n)
    return out.mean(axis=1) + bias


def setup_inputs(seed: int = 0):
    key = jax.random.key(seed)
    ks = jax.random.split(key, 32)
    d = {}
    d["x"] = jax.random.normal(ks[0], (N, IN), dtype=jnp.float32)
    d["edge_index"] = jax.random.randint(ks[1], (2, E), 0, N, dtype=jnp.int32)
    d["edge_attr"] = jax.random.uniform(ks[2], (E, 3), dtype=jnp.float32)
    d["enn_w1"] = jax.random.normal(ks[3], (3, 8), dtype=jnp.float32) * 0.5
    d["enn_b1"] = jnp.zeros((8,), dtype=jnp.float32)
    d["enn_w2"] = jax.random.normal(ks[4], (8, IN * EMB), dtype=jnp.float32) * 0.05
    d["enn_b2"] = jnp.zeros((IN * EMB,), dtype=jnp.float32)
    d["root_w"] = jax.random.normal(ks[5], (IN, EMB), dtype=jnp.float32) * 0.1
    d["nnconv_b"] = jnp.zeros((EMB,), dtype=jnp.float32)
    for i in range(4):
        cin = EMB if i == 0 else HID
        d["gat%d_lin" % i] = jax.random.normal(ks[6 + 4 * i], (cin, H * HID), dtype=jnp.float32) * 0.1
        d["gat%d_asrc" % i] = jax.random.normal(ks[7 + 4 * i], (H, HID), dtype=jnp.float32) * 0.1
        d["gat%d_adst" % i] = jax.random.normal(ks[8 + 4 * i], (H, HID), dtype=jnp.float32) * 0.1
        d["gat%d_b" % i] = jnp.zeros((HID,), dtype=jnp.float32)
    d["mlp0_w"] = jax.random.normal(ks[22], (2 * HID, HID), dtype=jnp.float32) * 0.1
    d["mlp0_b"] = jnp.zeros((HID,), dtype=jnp.float32)
    d["mlp1_w"] = jax.random.normal(ks[23], (HID, HID), dtype=jnp.float32) * 0.1
    d["mlp1_b"] = jnp.zeros((HID,), dtype=jnp.float32)
    d["mlp2_w"] = jax.random.normal(ks[24], (HID, 1), dtype=jnp.float32) * 0.1
    d["mlp2_b"] = jnp.zeros((1,), dtype=jnp.float32)
    return d


def reference(x, edge_index, edge_attr, enn_w1, enn_b1, enn_w2, enn_b2, root_w, nnconv_b,
              gat0_lin, gat0_asrc, gat0_adst, gat0_b,
              gat1_lin, gat1_asrc, gat1_adst, gat1_b,
              gat2_lin, gat2_asrc, gat2_adst, gat2_b,
              gat3_lin, gat3_asrc, gat3_adst, gat3_b,
              mlp0_w, mlp0_b, mlp1_w, mlp1_b, mlp2_w, mlp2_b):
    src = edge_index[0]
    dst = edge_index[1]
    n = x.shape[0]
    # NNConv (aggr='add') with edge_nn MLP producing per-edge weight matrices
    h = jax.nn.relu(edge_attr @ enn_w1 + enn_b1)
    w_e = (h @ enn_w2 + enn_b2).reshape(-1, IN, EMB)
    msg = jnp.einsum('ei,eio->eo', x[src], w_e)
    out = x @ root_w + jax.ops.segment_sum(msg, dst, num_segments=n) + nnconv_b
    xh = jax.nn.elu(out)
    # GATConv layers add self-loops by default in PyG
    loop = jnp.arange(n, dtype=src.dtype)
    src_sl = jnp.concatenate([src, loop])
    dst_sl = jnp.concatenate([dst, loop])
    xh = jax.nn.elu(gat_layer(xh, src_sl, dst_sl, gat0_lin, gat0_asrc, gat0_adst, gat0_b))
    for (lin, asrc, adst, b) in ((gat1_lin, gat1_asrc, gat1_adst, gat1_b),
                                 (gat2_lin, gat2_asrc, gat2_adst, gat2_b),
                                 (gat3_lin, gat3_asrc, gat3_adst, gat3_b)):
        identity = xh
        xh = gat_layer(xh, src_sl, dst_sl, lin, asrc, adst, b)
        xh = jax.nn.elu(xh + identity)
    # edge classifier MLP with residual
    er = jnp.concatenate([xh[src], xh[dst]], axis=1)
    h0 = er @ mlp0_w + mlp0_b
    er = jax.nn.relu(h0)  # shape changes 2*HID -> HID, no residual
    h1 = er @ mlp1_w + mlp1_b
    er = jax.nn.relu(h1 + er)  # same shape, residual
    return er @ mlp2_w + mlp2_b

if __name__ == "__main__":
    import jax
    _d = setup_inputs()
    print(jax.jit(kernel)(*tuple(_d.values())))

</pallas_src>

<mosaic_0001>
#map = affine_map<(d0, d1) -> (0)>
#map1 = affine_map<(d0, d1) -> (0, 0)>
module attributes {stable_mosaic.version = 14 : i64} {
  func.func @gk(%arg0: i32, %arg1: i32, %arg2: memref<163840xi32, #tpu.memory_space<hbm>>, %arg3: memref<10000x128xf32, #tpu.memory_space<hbm>>, %arg4: memref<163840x128xf32, #tpu.memory_space<hbm>>, %arg5: memref<128xi32, #tpu.memory_space<vmem>>, %arg6: memref<128x128xf32, #tpu.memory_space<vmem>>, %arg7: memref<!tpu.dma_semaphore, #tpu.memory_space<semaphore_mem>>) attributes {dimension_semantics = [#tpu.dimension_semantics<core_parallel>, #tpu.dimension_semantics<subcore_parallel>], iteration_bounds = array<i64: 2, 16>, scalar_prefetch = 0 : i64, scratch_operands = 3 : i64, tpu.core_type = #tpu.core_type<sc_vector_subcore>, window_params = [{transform_indices = #map}, {transform_indices = #map1}, {transform_indices = #map1}]} {
    %mul3A = arith.constant 2 : i32
    %mul3A_0 = arith.muli %arg1, %mul3A : i32
    %add3A = arith.addi %mul3A_0, %arg0 : i32
    %mul3A_1 = arith.constant 5120 : i32
    %mul3A_2 = arith.muli %add3A, %mul3A_1 : i32
    %scan3A = arith.constant 0 : i32
    %scan3A_3 = arith.constant 0 : i32
    %scan3A_4 = arith.constant 40 : i32
    %scan3A_5 = arith.addi %scan3A_3, %scan3A_4 : i32
    %scan3A_6 = arith.constant 1 : i32
    scf.for %scan3A_8 = %scan3A_3 to %scan3A_5 step %scan3A_6  : i32 {
      %mul3A_9 = arith.constant 128 : i32
      %mul3A_10 = arith.muli %scan3A_8, %mul3A_9 : i32
      %add3A_11 = arith.addi %mul3A_2, %mul3A_10 : i32
      %multiple_of3A = tpu.assume_multiple %add3A_11, 128 : i32
      "tpu.region"() ({
        %run_scoped3A = tpu.sem_alloc : memref<!tpu.dma_semaphore, #tpu.memory_space<semaphore_mem>>
        %dma_start3A_16 = tpu.memref_slice %arg2[%multiple_of3A] : memref<163840xi32, #tpu.memory_space<hbm>> -> memref<128xi32, #tpu.memory_space<hbm>>
        %dma_start3A_17 = tpu.memref_slice %arg2[%multiple_of3A] : memref<163840xi32, #tpu.memory_space<hbm>> -> memref<128xi32, #tpu.memory_space<hbm>>
        tpu.enqueue_dma source(%dma_start3A_17 : memref<128xi32, #tpu.memory_space<hbm>>) target(%arg5 : memref<128xi32, #tpu.memory_space<vmem>>) target_semaphore(%run_scoped3A : memref<!tpu.dma_semaphore, #tpu.memory_space<semaphore_mem>>)
        %dma_wait3A_18 = tpu.memref_slice %arg2[%multiple_of3A] : memref<163840xi32, #tpu.memory_space<hbm>> -> memref<128xi32, #tpu.memory_space<hbm>>
        %dma_wait3A_19 = tpu.memref_slice %arg2[%multiple_of3A] : memref<163840xi32, #tpu.memory_space<hbm>> -> memref<128xi32, #tpu.memory_space<hbm>>
        tpu.wait_dma2 semaphore(%run_scoped3A : memref<!tpu.dma_semaphore, #tpu.memory_space<semaphore_mem>>) src(%dma_wait3A_19 : memref<128xi32, #tpu.memory_space<hbm>>) dst(%arg5 : memref<128xi32, #tpu.memory_space<vmem>>)
        tpu.yield
      }) : () -> ()
      %dma_start3A = arith.constant 0 : i32
      %dma_start3A_12 = arith.constant 0 : i32
      %dma_start3A_13 = tpu.memref_slice %arg3[%dma_start3A, %dma_start3A_12] : memref<10000x128xf32, #tpu.memory_space<hbm>> -> memref<10000x128xf32, #tpu.memory_space<hbm>>
      tpu.enqueue_indirect_dma source(%dma_start3A_13 : memref<10000x128xf32, #tpu.memory_space<hbm>>) target(%arg6 : memref<128x128xf32, #tpu.memory_space<vmem>>) offsets(%arg5 : memref<128xi32, #tpu.memory_space<vmem>>) semaphore(%arg7 : memref<!tpu.dma_semaphore, #tpu.memory_space<semaphore_mem>>)
      %dma_wait3A = arith.constant 0 : i32
      %dma_wait3A_14 = arith.constant 0 : i32
      %dma_wait3A_15 = tpu.memref_slice %arg3[%dma_wait3A, %dma_wait3A_14] : memref<10000x128xf32, #tpu.memory_space<hbm>> -> memref<10000x128xf32, #tpu.memory_space<hbm>>
      tpu.wait_indirect_dma semaphore(%arg7 : memref<!tpu.dma_semaphore, #tpu.memory_space<semaphore_mem>>) src(%dma_wait3A_15 : memref<10000x128xf32, #tpu.memory_space<hbm>>) dst(%arg6 : memref<128x128xf32, #tpu.memory_space<vmem>>)
      "tpu.region"() ({
        %run_scoped3A = tpu.sem_alloc : memref<!tpu.dma_semaphore, #tpu.memory_space<semaphore_mem>>
        %dma_start3A_16 = arith.constant 0 : i32
        %dma_start3A_17 = tpu.memref_slice %arg4[%multiple_of3A, %dma_start3A_16] : memref<163840x128xf32, #tpu.memory_space<hbm>> -> memref<128x128xf32, #tpu.memory_space<hbm>>
        %dma_start3A_18 = arith.constant 0 : i32
        %dma_start3A_19 = tpu.memref_slice %arg4[%multiple_of3A, %dma_start3A_18] : memref<163840x128xf32, #tpu.memory_space<hbm>> -> memref<128x128xf32, #tpu.memory_space<hbm>>
        tpu.enqueue_dma source(%arg6 : memref<128x128xf32, #tpu.memory_space<vmem>>) target(%dma_start3A_19 : memref<128x128xf32, #tpu.memory_space<hbm>>) target_semaphore(%run_scoped3A : memref<!tpu.dma_semaphore, #tpu.memory_space<semaphore_mem>>)
        %dma_wait3A_20 = arith.constant 0 : i32
        %dma_wait3A_21 = tpu.memref_slice %arg4[%multiple_of3A, %dma_wait3A_20] : memref<163840x128xf32, #tpu.memory_space<hbm>> -> memref<128x128xf32, #tpu.memory_space<hbm>>
        %dma_wait3A_22 = arith.constant 0 : i32
        %dma_wait3A_23 = tpu.memref_slice %arg4[%multiple_of3A, %dma_wait3A_22] : memref<163840x128xf32, #tpu.memory_space<hbm>> -> memref<128x128xf32, #tpu.memory_space<hbm>>
        tpu.wait_dma2 semaphore(%run_scoped3A : memref<!tpu.dma_semaphore, #tpu.memory_space<semaphore_mem>>) src(%arg6 : memref<128x128xf32, #tpu.memory_space<vmem>>) dst(%dma_wait3A_23 : memref<128x128xf32, #tpu.memory_space<hbm>>)
        tpu.yield
      }) : () -> ()
    }
    %scan3A_7 = arith.constant 40 : i32
    return
  }
}

#map = affine_map<(d0, d1) -> (0)>
#map1 = affine_map<(d0, d1) -> (0, 0)>
module attributes {stable_mosaic.version = 14 : i64} {
  func.func @sk(%arg0: i32, %arg1: i32, %arg2: memref<163840xi32, #tpu.memory_space<hbm>>, %arg3: memref<163840x16xf32, #tpu.memory_space<hbm>>, %arg4: memref<10000x16xf32, #tpu.memory_space<hbm>>, %arg5: memref<20000x16xf32, #tpu.memory_space<hbm>>, %arg6: memref<128xi32, #tpu.memory_space<vmem>>, %arg7: memref<128x16xf32, #tpu.memory_space<vmem>>, %arg8: memref<10000x16xf32, #tpu.memory_space<vmem_shared>>) attributes {dimension_semantics = [#tpu.dimension_semantics<core_parallel>, #tpu.dimension_semantics<subcore_parallel>], iteration_bounds = array<i64: 2, 16>, scalar_prefetch = 0 : i64, scratch_operands = 3 : i64, tpu.core_type = #tpu.core_type<sc_vector_subcore>, window_params = [{transform_indices = #map}, {transform_indices = #map1}, {transform_indices = #map1}, {transform_indices = #map1}]} {
    %eq3A = arith.constant 0 : i32
    %eq3A_0 = arith.cmpi eq, %arg1, %eq3A : i32
    %convert_element_type3A = arith.extui %eq3A_0 : i1 to i32
    %cond3A = arith.constant 0 : i32
    %cond3A_1 = arith.cmpi ne, %convert_element_type3A, %cond3A : i32
    scf.if %cond3A_1 {
      "tpu.region"() ({
        %run_scoped3A = tpu.sem_alloc : memref<!tpu.dma_semaphore, #tpu.memory_space<semaphore_mem>>
        tpu.enqueue_dma source(%arg4 : memref<10000x16xf32, #tpu.memory_space<hbm>>) target(%arg8 : memref<10000x16xf32, #tpu.memory_space<vmem_shared>>) target_semaphore(%run_scoped3A : memref<!tpu.dma_semaphore, #tpu.memory_space<semaphore_mem>>)
        tpu.wait_dma2 semaphore(%run_scoped3A : memref<!tpu.dma_semaphore, #tpu.memory_space<semaphore_mem>>) src(%arg4 : memref<10000x16xf32, #tpu.memory_space<hbm>>) dst(%arg8 : memref<10000x16xf32, #tpu.memory_space<vmem_shared>>)
        tpu.yield
      }) : () -> ()
    } else {
    }
    %barrier3A = arith.constant 0 : index
    tpu.barrier barrier_id(%barrier3A)
    %mul3A = arith.constant 16 : i32
    %mul3A_2 = arith.muli %arg0, %mul3A : i32
    %add3A = arith.addi %mul3A_2, %arg1 : i32
    %mul3A_3 = arith.constant 5120 : i32
    %mul3A_4 = arith.muli %add3A, %mul3A_3 : i32
    %scan3A = arith.constant 0 : i32
    %scan3A_5 = arith.constant 0 : i32
    %scan3A_6 = arith.constant 40 : i32
    %scan3A_7 = arith.addi %scan3A_5, %scan3A_6 : i32
    %scan3A_8 = arith.constant 1 : i32
    scf.for %scan3A_16 = %scan3A_5 to %scan3A_7 step %scan3A_8  : i32 {
      %mul3A_17 = arith.constant 128 : i32
      %mul3A_18 = arith.muli %scan3A_16, %mul3A_17 : i32
      %add3A_19 = arith.addi %mul3A_4, %mul3A_18 : i32
      %multiple_of3A_20 = tpu.assume_multiple %add3A_19, 128 : i32
      "tpu.region"() ({
        %run_scoped3A = tpu.sem_alloc : memref<!tpu.dma_semaphore, #tpu.memory_space<semaphore_mem>>
        %dma_start3A = tpu.memref_slice %arg2[%multiple_of3A_20] : memref<163840xi32, #tpu.memory_space<hbm>> -> memref<128xi32, #tpu.memory_space<hbm>>
        %dma_start3A_21 = tpu.memref_slice %arg2[%multiple_of3A_20] : memref<163840xi32, #tpu.memory_space<hbm>> -> memref<128xi32, #tpu.memory_space<hbm>>
        tpu.enqueue_dma source(%dma_start3A_21 : memref<128xi32, #tpu.memory_space<hbm>>) target(%arg6 : memref<128xi32, #tpu.memory_space<vmem>>) target_semaphore(%run_scoped3A : memref<!tpu.dma_semaphore, #tpu.memory_space<semaphore_mem>>)
        %dma_wait3A = tpu.memref_slice %arg2[%multiple_of3A_20] : memref<163840xi32, #tpu.memory_space<hbm>> -> memref<128xi32, #tpu.memory_space<hbm>>
        %dma_wait3A_22 = tpu.memref_slice %arg2[%multiple_of3A_20] : memref<163840xi32, #tpu.memory_space<hbm>> -> memref<128xi32, #tpu.memory_space<hbm>>
        tpu.wait_dma2 semaphore(%run_scoped3A : memref<!tpu.dma_semaphore, #tpu.memory_space<semaphore_mem>>) src(%dma_wait3A_22 : memref<128xi32, #tpu.memory_space<hbm>>) dst(%arg6 : memref<128xi32, #tpu.memory_space<vmem>>)
        tpu.yield
      }) : () -> ()
      "tpu.region"() ({
        %run_scoped3A = tpu.sem_alloc : memref<!tpu.dma_semaphore, #tpu.memory_space<semaphore_mem>>
        %dma_start3A = arith.constant 0 : i32
        %dma_start3A_21 = tpu.memref_slice %arg3[%multiple_of3A_20, %dma_start3A] : memref<163840x16xf32, #tpu.memory_space<hbm>> -> memref<128x16xf32, #tpu.memory_space<hbm>>
        %dma_start3A_22 = arith.constant 0 : i32
        %dma_start3A_23 = tpu.memref_slice %arg3[%multiple_of3A_20, %dma_start3A_22] : memref<163840x16xf32, #tpu.memory_space<hbm>> -> memref<128x16xf32, #tpu.memory_space<hbm>>
        tpu.enqueue_dma source(%dma_start3A_23 : memref<128x16xf32, #tpu.memory_space<hbm>>) target(%arg7 : memref<128x16xf32, #tpu.memory_space<vmem>>) target_semaphore(%run_scoped3A : memref<!tpu.dma_semaphore, #tpu.memory_space<semaphore_mem>>)
        %dma_wait3A = arith.constant 0 : i32
        %dma_wait3A_24 = tpu.memref_slice %arg3[%multiple_of3A_20, %dma_wait3A] : memref<163840x16xf32, #tpu.memory_space<hbm>> -> memref<128x16xf32, #tpu.memory_space<hbm>>
        %dma_wait3A_25 = arith.constant 0 : i32
        %dma_wait3A_26 = tpu.memref_slice %arg3[%multiple_of3A_20, %dma_wait3A_25] : memref<163840x16xf32, #tpu.memory_space<hbm>> -> memref<128x16xf32, #tpu.memory_space<hbm>>
        tpu.wait_dma2 semaphore(%run_scoped3A : memref<!tpu.dma_semaphore, #tpu.memory_space<semaphore_mem>>) src(%dma_wait3A_26 : memref<128x16xf32, #tpu.memory_space<hbm>>) dst(%arg7 : memref<128x16xf32, #tpu.memory_space<vmem>>)
        tpu.yield
      }) : () -> ()
      "tpu.region"() ({
        %run_scoped3A = tpu.sem_alloc : memref<!tpu.dma_semaphore, #tpu.memory_space<semaphore_mem>>
        %dma_start3A = arith.constant 0 : i32
        %dma_start3A_21 = arith.constant 0 : i32
        %dma_start3A_22 = tpu.memref_slice %arg8[%dma_start3A, %dma_start3A_21] : memref<10000x16xf32, #tpu.memory_space<vmem_shared>> -> memref<10000x16xf32, #tpu.memory_space<vmem_shared>>
        tpu.enqueue_indirect_dma source(%arg7 : memref<128x16xf32, #tpu.memory_space<vmem>>) target(%dma_start3A_22 : memref<10000x16xf32, #tpu.memory_space<vmem_shared>>) offsets(%arg6 : memref<128xi32, #tpu.memory_space<vmem>>) semaphore(%run_scoped3A : memref<!tpu.dma_semaphore, #tpu.memory_space<semaphore_mem>>) {add = true}
        %dma_wait3A = arith.constant 0 : i32
        %dma_wait3A_23 = arith.constant 0 : i32
        %dma_wait3A_24 = tpu.memref_slice %arg8[%dma_wait3A, %dma_wait3A_23] : memref<10000x16xf32, #tpu.memory_space<vmem_shared>> -> memref<10000x16xf32, #tpu.memory_space<vmem_shared>>
        tpu.wait_indirect_dma semaphore(%run_scoped3A : memref<!tpu.dma_semaphore, #tpu.memory_space<semaphore_mem>>) src(%arg7 : memref<128x16xf32, #tpu.memory_space<vmem>>) dst(%dma_wait3A_24 : memref<10000x16xf32, #tpu.memory_space<vmem_shared>>)
        tpu.yield
      }) : () -> ()
    }
    %scan3A_9 = arith.constant 40 : i32
    %barrier3A_10 = arith.constant 0 : index
    tpu.barrier barrier_id(%barrier3A_10)
    %mul3A_11 = arith.constant 624 : i32
    %mul3A_12 = arith.muli %arg1, %mul3A_11 : i32
    %multiple_of3A = tpu.assume_multiple %mul3A_12, 8 : i32
    %mul3A_13 = arith.constant 10000 : i32
    %mul3A_14 = arith.muli %arg0, %mul3A_13 : i32
    %add3A_15 = arith.addi %mul3A_14, %multiple_of3A : i32
    "tpu.region"() ({
      %run_scoped3A = tpu.sem_alloc : memref<!tpu.dma_semaphore, #tpu.memory_space<semaphore_mem>>
      %dma_start3A = arith.constant 0 : i32
      %dma_start3A_16 = tpu.memref_slice %arg5[%add3A_15, %dma_start3A] : memref<20000x16xf32, #tpu.memory_space<hbm>> -> memref<640x16xf32, #tpu.memory_space<hbm>>
      %dma_start3A_17 = arith.constant 0 : i32
      %dma_start3A_18 = tpu.memref_slice %arg8[%multiple_of3A, %dma_start3A_17] : memref<10000x16xf32, #tpu.memory_space<vmem_shared>> -> memref<640x16xf32, #tpu.memory_space<vmem_shared>>
      tpu.enqueue_dma source(%dma_start3A_18 : memref<640x16xf32, #tpu.memory_space<vmem_shared>>) target(%dma_start3A_16 : memref<640x16xf32, #tpu.memory_space<hbm>>) target_semaphore(%run_scoped3A : memref<!tpu.dma_semaphore, #tpu.memory_space<semaphore_mem>>)
      %dma_wait3A = arith.constant 0 : i32
      %dma_wait3A_19 = tpu.memref_slice %arg5[%add3A_15, %dma_wait3A] : memref<20000x16xf32, #tpu.memory_space<hbm>> -> memref<640x16xf32, #tpu.memory_space<hbm>>
      %dma_wait3A_20 = arith.constant 0 : i32
      %dma_wait3A_21 = tpu.memref_slice %arg8[%multiple_of3A, %dma_wait3A_20] : memref<10000x16xf32, #tpu.memory_space<vmem_shared>> -> memref<640x16xf32, #tpu.memory_space<vmem_shared>>
      tpu.wait_dma2 semaphore(%run_scoped3A : memref<!tpu.dma_semaphore, #tpu.memory_space<semaphore_mem>>) src(%dma_wait3A_21 : memref<640x16xf32, #tpu.memory_space<vmem_shared>>) dst(%dma_wait3A_19 : memref<640x16xf32, #tpu.memory_space<hbm>>)
      tpu.yield
    }) : () -> ()
    return
  }
}

#map = affine_map<(d0, d1) -> (0)>
#map1 = affine_map<(d0, d1) -> (0, 0)>
module attributes {stable_mosaic.version = 14 : i64} {
  func.func @sk(%arg0: i32, %arg1: i32, %arg2: memref<163840xi32, #tpu.memory_space<hbm>>, %arg3: memref<163840x16xf32, #tpu.memory_space<hbm>>, %arg4: memref<10000x16xf32, #tpu.memory_space<hbm>>, %arg5: memref<20000x16xf32, #tpu.memory_space<hbm>>, %arg6: memref<128xi32, #tpu.memory_space<vmem>>, %arg7: memref<128x16xf32, #tpu.memory_space<vmem>>, %arg8: memref<10000x16xf32, #tpu.memory_space<vmem_shared>>) attributes {dimension_semantics = [#tpu.dimension_semantics<core_parallel>, #tpu.dimension_semantics<subcore_parallel>], iteration_bounds = array<i64: 2, 16>, scalar_prefetch = 0 : i64, scratch_operands = 3 : i64, tpu.core_type = #tpu.core_type<sc_vector_subcore>, window_params = [{transform_indices = #map}, {transform_indices = #map1}, {transform_indices = #map1}, {transform_indices = #map1}]} {
    %eq3A = arith.constant 0 : i32
    %eq3A_0 = arith.cmpi eq, %arg1, %eq3A : i32
    %convert_element_type3A = arith.extui %eq3A_0 : i1 to i32
    %cond3A = arith.constant 0 : i32
    %cond3A_1 = arith.cmpi ne, %convert_element_type3A, %cond3A : i32
    scf.if %cond3A_1 {
      "tpu.region"() ({
        %run_scoped3A = tpu.sem_alloc : memref<!tpu.dma_semaphore, #tpu.memory_space<semaphore_mem>>
        tpu.enqueue_dma source(%arg4 : memref<10000x16xf32, #tpu.memory_space<hbm>>) target(%arg8 : memref<10000x16xf32, #tpu.memory_space<vmem_shared>>) target_semaphore(%run_scoped3A : memref<!tpu.dma_semaphore, #tpu.memory_space<semaphore_mem>>)
        tpu.wait_dma2 semaphore(%run_scoped3A : memref<!tpu.dma_semaphore, #tpu.memory_space<semaphore_mem>>) src(%arg4 : memref<10000x16xf32, #tpu.memory_space<hbm>>) dst(%arg8 : memref<10000x16xf32, #tpu.memory_space<vmem_shared>>)
        tpu.yield
      }) : () -> ()
    } else {
    }
    %barrier3A = arith.constant 0 : index
    tpu.barrier barrier_id(%barrier3A)
    %mul3A = arith.constant 16 : i32
    %mul3A_2 = arith.muli %arg0, %mul3A : i32
    %add3A = arith.addi %mul3A_2, %arg1 : i32
    %mul3A_3 = arith.constant 5120 : i32
    %mul3A_4 = arith.muli %add3A, %mul3A_3 : i32
    %scan3A = arith.constant 0 : i32
    %scan3A_5 = arith.constant 0 : i32
    %scan3A_6 = arith.constant 40 : i32
    %scan3A_7 = arith.addi %scan3A_5, %scan3A_6 : i32
    %scan3A_8 = arith.constant 1 : i32
    scf.for %scan3A_16 = %scan3A_5 to %scan3A_7 step %scan3A_8  : i32 {
      %mul3A_17 = arith.constant 128 : i32
      %mul3A_18 = arith.muli %scan3A_16, %mul3A_17 : i32
      %add3A_19 = arith.addi %mul3A_4, %mul3A_18 : i32
      %multiple_of3A_20 = tpu.assume_multiple %add3A_19, 128 : i32
      "tpu.region"() ({
        %run_scoped3A = tpu.sem_alloc : memref<!tpu.dma_semaphore, #tpu.memory_space<semaphore_mem>>
        %dma_start3A = tpu.memref_slice %arg2[%multiple_of3A_20] : memref<163840xi32, #tpu.memory_space<hbm>> -> memref<128xi32, #tpu.memory_space<hbm>>
        %dma_start3A_21 = tpu.memref_slice %arg2[%multiple_of3A_20] : memref<163840xi32, #tpu.memory_space<hbm>> -> memref<128xi32, #tpu.memory_space<hbm>>
        tpu.enqueue_dma source(%dma_start3A_21 : memref<128xi32, #tpu.memory_space<hbm>>) target(%arg6 : memref<128xi32, #tpu.memory_space<vmem>>) target_semaphore(%run_scoped3A : memref<!tpu.dma_semaphore, #tpu.memory_space<semaphore_mem>>)
        %dma_wait3A = tpu.memref_slice %arg2[%multiple_of3A_20] : memref<163840xi32, #tpu.memory_space<hbm>> -> memref<128xi32, #tpu.memory_space<hbm>>
        %dma_wait3A_22 = tpu.memref_slice %arg2[%multiple_of3A_20] : memref<163840xi32, #tpu.memory_space<hbm>> -> memref<128xi32, #tpu.memory_space<hbm>>
        tpu.wait_dma2 semaphore(%run_scoped3A : memref<!tpu.dma_semaphore, #tpu.memory_space<semaphore_mem>>) src(%dma_wait3A_22 : memref<128xi32, #tpu.memory_space<hbm>>) dst(%arg6 : memref<128xi32, #tpu.memory_space<vmem>>)
        tpu.yield
      }) : () -> ()
      "tpu.region"() ({
        %run_scoped3A = tpu.sem_alloc : memref<!tpu.dma_semaphore, #tpu.memory_space<semaphore_mem>>
        %dma_start3A = arith.constant 0 : i32
        %dma_start3A_21 = tpu.memref_slice %arg3[%multiple_of3A_20, %dma_start3A] : memref<163840x16xf32, #tpu.memory_space<hbm>> -> memref<128x16xf32, #tpu.memory_space<hbm>>
        %dma_start3A_22 = arith.constant 0 : i32
        %dma_start3A_23 = tpu.memref_slice %arg3[%multiple_of3A_20, %dma_start3A_22] : memref<163840x16xf32, #tpu.memory_space<hbm>> -> memref<128x16xf32, #tpu.memory_space<hbm>>
        tpu.enqueue_dma source(%dma_start3A_23 : memref<128x16xf32, #tpu.memory_space<hbm>>) target(%arg7 : memref<128x16xf32, #tpu.memory_space<vmem>>) target_semaphore(%run_scoped3A : memref<!tpu.dma_semaphore, #tpu.memory_space<semaphore_mem>>)
        %dma_wait3A = arith.constant 0 : i32
        %dma_wait3A_24 = tpu.memref_slice %arg3[%multiple_of3A_20, %dma_wait3A] : memref<163840x16xf32, #tpu.memory_space<hbm>> -> memref<128x16xf32, #tpu.memory_space<hbm>>
        %dma_wait3A_25 = arith.constant 0 : i32
        %dma_wait3A_26 = tpu.memref_slice %arg3[%multiple_of3A_20, %dma_wait3A_25] : memref<163840x16xf32, #tpu.memory_space<hbm>> -> memref<128x16xf32, #tpu.memory_space<hbm>>
        tpu.wait_dma2 semaphore(%run_scoped3A : memref<!tpu.dma_semaphore, #tpu.memory_space<semaphore_mem>>) src(%dma_wait3A_26 : memref<128x16xf32, #tpu.memory_space<hbm>>) dst(%arg7 : memref<128x16xf32, #tpu.memory_space<vmem>>)
        tpu.yield
      }) : () -> ()
      "tpu.region"() ({
        %run_scoped3A = tpu.sem_alloc : memref<!tpu.dma_semaphore, #tpu.memory_space<semaphore_mem>>
        %dma_start3A = arith.constant 0 : i32
        %dma_start3A_21 = arith.constant 0 : i32
        %dma_start3A_22 = tpu.memref_slice %arg8[%dma_start3A, %dma_start3A_21] : memref<10000x16xf32, #tpu.memory_space<vmem_shared>> -> memref<10000x16xf32, #tpu.memory_space<vmem_shared>>
        tpu.enqueue_indirect_dma source(%arg7 : memref<128x16xf32, #tpu.memory_space<vmem>>) target(%dma_start3A_22 : memref<10000x16xf32, #tpu.memory_space<vmem_shared>>) offsets(%arg6 : memref<128xi32, #tpu.memory_space<vmem>>) semaphore(%run_scoped3A : memref<!tpu.dma_semaphore, #tpu.memory_space<semaphore_mem>>) {add = true}
        %dma_wait3A = arith.constant 0 : i32
        %dma_wait3A_23 = arith.constant 0 : i32
        %dma_wait3A_24 = tpu.memref_slice %arg8[%dma_wait3A, %dma_wait3A_23] : memref<10000x16xf32, #tpu.memory_space<vmem_shared>> -> memref<10000x16xf32, #tpu.memory_space<vmem_shared>>
        tpu.wait_indirect_dma semaphore(%run_scoped3A : memref<!tpu.dma_semaphore, #tpu.memory_space<semaphore_mem>>) src(%arg7 : memref<128x16xf32, #tpu.memory_space<vmem>>) dst(%dma_wait3A_24 : memref<10000x16xf32, #tpu.memory_space<vmem_shared>>)
        tpu.yield
      }) : () -> ()
    }
    %scan3A_9 = arith.constant 40 : i32
    %barrier3A_10 = arith.constant 0 : index
    tpu.barrier barrier_id(%barrier3A_10)
    %mul3A_11 = arith.constant 624 : i32
    %mul3A_12 = arith.muli %arg1, %mul3A_11 : i32
    %multiple_of3A = tpu.assume_multiple %mul3A_12, 8 : i32
    %mul3A_13 = arith.constant 10000 : i32
    %mul3A_14 = arith.muli %arg0, %mul3A_13 : i32
    %add3A_15 = arith.addi %mul3A_14, %multiple_of3A : i32
    "tpu.region"() ({
      %run_scoped3A = tpu.sem_alloc : memref<!tpu.dma_semaphore, #tpu.memory_space<semaphore_mem>>
      %dma_start3A = arith.constant 0 : i32
      %dma_start3A_16 = tpu.memref_slice %arg5[%add3A_15, %dma_start3A] : memref<20000x16xf32, #tpu.memory_space<hbm>> -> memref<640x16xf32, #tpu.memory_space<hbm>>
      %dma_start3A_17 = arith.constant 0 : i32
      %dma_start3A_18 = tpu.memref_slice %arg8[%multiple_of3A, %dma_start3A_17] : memref<10000x16xf32, #tpu.memory_space<vmem_shared>> -> memref<640x16xf32, #tpu.memory_space<vmem_shared>>
      tpu.enqueue_dma source(%dma_start3A_18 : memref<640x16xf32, #tpu.memory_space<vmem_shared>>) target(%dma_start3A_16 : memref<640x16xf32, #tpu.memory_space<hbm>>) target_semaphore(%run_scoped3A : memref<!tpu.dma_semaphore, #tpu.memory_space<semaphore_mem>>)
      %dma_wait3A = arith.constant 0 : i32
      %dma_wait3A_19 = tpu.memref_slice %arg5[%add3A_15, %dma_wait3A] : memref<20000x16xf32, #tpu.memory_space<hbm>> -> memref<640x16xf32, #tpu.memory_space<hbm>>
      %dma_wait3A_20 = arith.constant 0 : i32
      %dma_wait3A_21 = tpu.memref_slice %arg8[%multiple_of3A, %dma_wait3A_20] : memref<10000x16xf32, #tpu.memory_space<vmem_shared>> -> memref<640x16xf32, #tpu.memory_space<vmem_shared>>
      tpu.wait_dma2 semaphore(%run_scoped3A : memref<!tpu.dma_semaphore, #tpu.memory_space<semaphore_mem>>) src(%dma_wait3A_21 : memref<640x16xf32, #tpu.memory_space<vmem_shared>>) dst(%dma_wait3A_19 : memref<640x16xf32, #tpu.memory_space<hbm>>)
      tpu.yield
    }) : () -> ()
    return
  }
}

#map = affine_map<(d0, d1) -> (0)>
#map1 = affine_map<(d0, d1) -> (0, 0)>
module attributes {stable_mosaic.version = 14 : i64} {
  func.func @gk(%arg0: i32, %arg1: i32, %arg2: memref<163840xi32, #tpu.memory_space<hbm>>, %arg3: memref<10000x256xf32, #tpu.memory_space<hbm>>, %arg4: memref<163840xi32, #tpu.memory_space<hbm>>, %arg5: memref<10000x128xf32, #tpu.memory_space<hbm>>, %arg6: memref<163840x256xf32, #tpu.memory_space<hbm>>, %arg7: memref<163840x128xf32, #tpu.memory_space<hbm>>, %arg8: memref<128xi32, #tpu.memory_space<vmem>>, %arg9: memref<128xi32, #tpu.memory_space<vmem>>, %arg10: memref<128x256xf32, #tpu.memory_space<vmem>>, %arg11: memref<128x128xf32, #tpu.memory_space<vmem>>, %arg12: memref<!tpu.dma_semaphore, #tpu.memory_space<semaphore_mem>>, %arg13: memref<!tpu.dma_semaphore, #tpu.memory_space<semaphore_mem>>) attributes {dimension_semantics = [#tpu.dimension_semantics<core_parallel>, #tpu.dimension_semantics<subcore_parallel>], iteration_bounds = array<i64: 2, 16>, scalar_prefetch = 0 : i64, scratch_operands = 6 : i64, tpu.core_type = #tpu.core_type<sc_vector_subcore>, window_params = [{transform_indices = #map}, {transform_indices = #map1}, {transform_indices = #map}, {transform_indices = #map1}, {transform_indices = #map1}, {transform_indices = #map1}]} {
    %mul3A = arith.constant 2 : i32
    %mul3A_0 = arith.muli %arg1, %mul3A : i32
    %add3A = arith.addi %mul3A_0, %arg0 : i32
    %mul3A_1 = arith.constant 5120 : i32
    %mul3A_2 = arith.muli %add3A, %mul3A_1 : i32
    %scan3A = arith.constant 0 : i32
    %scan3A_3 = arith.constant 0 : i32
    %scan3A_4 = arith.constant 40 : i32
    %scan3A_5 = arith.addi %scan3A_3, %scan3A_4 : i32
    %scan3A_6 = arith.constant 1 : i32
    scf.for %scan3A_8 = %scan3A_3 to %scan3A_5 step %scan3A_6  : i32 {
      %mul3A_9 = arith.constant 128 : i32
      %mul3A_10 = arith.muli %scan3A_8, %mul3A_9 : i32
      %add3A_11 = arith.addi %mul3A_2, %mul3A_10 : i32
      %multiple_of3A = tpu.assume_multiple %add3A_11, 128 : i32
      "tpu.region"() ({
        %run_scoped3A = tpu.sem_alloc : memref<!tpu.dma_semaphore, #tpu.memory_space<semaphore_mem>>
        %dma_start3A_22 = tpu.memref_slice %arg2[%multiple_of3A] : memref<163840xi32, #tpu.memory_space<hbm>> -> memref<128xi32, #tpu.memory_space<hbm>>
        %dma_start3A_23 = tpu.memref_slice %arg2[%multiple_of3A] : memref<163840xi32, #tpu.memory_space<hbm>> -> memref<128xi32, #tpu.memory_space<hbm>>
        tpu.enqueue_dma source(%dma_start3A_23 : memref<128xi32, #tpu.memory_space<hbm>>) target(%arg8 : memref<128xi32, #tpu.memory_space<vmem>>) target_semaphore(%run_scoped3A : memref<!tpu.dma_semaphore, #tpu.memory_space<semaphore_mem>>)
        %dma_wait3A_24 = tpu.memref_slice %arg2[%multiple_of3A] : memref<163840xi32, #tpu.memory_space<hbm>> -> memref<128xi32, #tpu.memory_space<hbm>>
        %dma_wait3A_25 = tpu.memref_slice %arg2[%multiple_of3A] : memref<163840xi32, #tpu.memory_space<hbm>> -> memref<128xi32, #tpu.memory_space<hbm>>
        tpu.wait_dma2 semaphore(%run_scoped3A : memref<!tpu.dma_semaphore, #tpu.memory_space<semaphore_mem>>) src(%dma_wait3A_25 : memref<128xi32, #tpu.memory_space<hbm>>) dst(%arg8 : memref<128xi32, #tpu.memory_space<vmem>>)
        tpu.yield
      }) : () -> ()
      "tpu.region"() ({
        %run_scoped3A = tpu.sem_alloc : memref<!tpu.dma_semaphore, #tpu.memory_space<semaphore_mem>>
        %dma_start3A_22 = tpu.memref_slice %arg4[%multiple_of3A] : memref<163840xi32, #tpu.memory_space<hbm>> -> memref<128xi32, #tpu.memory_space<hbm>>
        %dma_start3A_23 = tpu.memref_slice %arg4[%multiple_of3A] : memref<163840xi32, #tpu.memory_space<hbm>> -> memref<128xi32, #tpu.memory_space<hbm>>
        tpu.enqueue_dma source(%dma_start3A_23 : memref<128xi32, #tpu.memory_space<hbm>>) target(%arg9 : memref<128xi32, #tpu.memory_space<vmem>>) target_semaphore(%run_scoped3A : memref<!tpu.dma_semaphore, #tpu.memory_space<semaphore_mem>>)
        %dma_wait3A_24 = tpu.memref_slice %arg4[%multiple_of3A] : memref<163840xi32, #tpu.memory_space<hbm>> -> memref<128xi32, #tpu.memory_space<hbm>>
        %dma_wait3A_25 = tpu.memref_slice %arg4[%multiple_of3A] : memref<163840xi32, #tpu.memory_space<hbm>> -> memref<128xi32, #tpu.memory_space<hbm>>
        tpu.wait_dma2 semaphore(%run_scoped3A : memref<!tpu.dma_semaphore, #tpu.memory_space<semaphore_mem>>) src(%dma_wait3A_25 : memref<128xi32, #tpu.memory_space<hbm>>) dst(%arg9 : memref<128xi32, #tpu.memory_space<vmem>>)
        tpu.yield
      }) : () -> ()
      %dma_start3A = arith.constant 0 : i32
      %dma_start3A_12 = arith.constant 0 : i32
      %dma_start3A_13 = tpu.memref_slice %arg3[%dma_start3A, %dma_start3A_12] : memref<10000x256xf32, #tpu.memory_space<hbm>> -> memref<10000x256xf32, #tpu.memory_space<hbm>>
      tpu.enqueue_indirect_dma source(%dma_start3A_13 : memref<10000x256xf32, #tpu.memory_space<hbm>>) target(%arg10 : memref<128x256xf32, #tpu.memory_space<vmem>>) offsets(%arg8 : memref<128xi32, #tpu.memory_space<vmem>>) semaphore(%arg12 : memref<!tpu.dma_semaphore, #tpu.memory_space<semaphore_mem>>)
      %dma_start3A_14 = arith.constant 0 : i32
      %dma_start3A_15 = arith.constant 0 : i32
      %dma_start3A_16 = tpu.memref_slice %arg5[%dma_start3A_14, %dma_start3A_15] : memref<10000x128xf32, #tpu.memory_space<hbm>> -> memref<10000x128xf32, #tpu.memory_space<hbm>>
      tpu.enqueue_indirect_dma source(%dma_start3A_16 : memref<10000x128xf32, #tpu.memory_space<hbm>>) target(%arg11 : memref<128x128xf32, #tpu.memory_space<vmem>>) offsets(%arg9 : memref<128xi32, #tpu.memory_space<vmem>>) semaphore(%arg13 : memref<!tpu.dma_semaphore, #tpu.memory_space<semaphore_mem>>)
      %dma_wait3A = arith.constant 0 : i32
      %dma_wait3A_17 = arith.constant 0 : i32
      %dma_wait3A_18 = tpu.memref_slice %arg3[%dma_wait3A, %dma_wait3A_17] : memref<10000x256xf32, #tpu.memory_space<hbm>> -> memref<10000x256xf32, #tpu.memory_space<hbm>>
      tpu.wait_indirect_dma semaphore(%arg12 : memref<!tpu.dma_semaphore, #tpu.memory_space<semaphore_mem>>) src(%dma_wait3A_18 : memref<10000x256xf32, #tpu.memory_space<hbm>>) dst(%arg10 : memref<128x256xf32, #tpu.memory_space<vmem>>)
      %dma_wait3A_19 = arith.constant 0 : i32
      %dma_wait3A_20 = arith.constant 0 : i32
      %dma_wait3A_21 = tpu.memref_slice %arg5[%dma_wait3A_19, %dma_wait3A_20] : memref<10000x128xf32, #tpu.memory_space<hbm>> -> memref<10000x128xf32, #tpu.memory_space<hbm>>
      tpu.wait_indirect_dma semaphore(%arg13 : memref<!tpu.dma_semaphore, #tpu.memory_space<semaphore_mem>>) src(%dma_wait3A_21 : memref<10000x128xf32, #tpu.memory_space<hbm>>) dst(%arg11 : memref<128x128xf32, #tpu.memory_space<vmem>>)
      "tpu.region"() ({
        %run_scoped3A = tpu.sem_alloc : memref<!tpu.dma_semaphore, #tpu.memory_space<semaphore_mem>>
        %dma_start3A_22 = arith.constant 0 : i32
        %dma_start3A_23 = tpu.memref_slice %arg6[%multiple_of3A, %dma_start3A_22] : memref<163840x256xf32, #tpu.memory_space<hbm>> -> memref<128x256xf32, #tpu.memory_space<hbm>>
        %dma_start3A_24 = arith.constant 0 : i32
        %dma_start3A_25 = tpu.memref_slice %arg6[%multiple_of3A, %dma_start3A_24] : memref<163840x256xf32, #tpu.memory_space<hbm>> -> memref<128x256xf32, #tpu.memory_space<hbm>>
        tpu.enqueue_dma source(%arg10 : memref<128x256xf32, #tpu.memory_space<vmem>>) target(%dma_start3A_25 : memref<128x256xf32, #tpu.memory_space<hbm>>) target_semaphore(%run_scoped3A : memref<!tpu.dma_semaphore, #tpu.memory_space<semaphore_mem>>)
        %dma_wait3A_26 = arith.constant 0 : i32
        %dma_wait3A_27 = tpu.memref_slice %arg6[%multiple_of3A, %dma_wait3A_26] : memref<163840x256xf32, #tpu.memory_space<hbm>> -> memref<128x256xf32, #tpu.memory_space<hbm>>
        %dma_wait3A_28 = arith.constant 0 : i32
        %dma_wait3A_29 = tpu.memref_slice %arg6[%multiple_of3A, %dma_wait3A_28] : memref<163840x256xf32, #tpu.memory_space<hbm>> -> memref<128x256xf32, #tpu.memory_space<hbm>>
        tpu.wait_dma2 semaphore(%run_scoped3A : memref<!tpu.dma_semaphore, #tpu.memory_space<semaphore_mem>>) src(%arg10 : memref<128x256xf32, #tpu.memory_space<vmem>>) dst(%dma_wait3A_29 : memref<128x256xf32, #tpu.memory_space<hbm>>)
        tpu.yield
      }) : () -> ()
      "tpu.region"() ({
        %run_scoped3A = tpu.sem_alloc : memref<!tpu.dma_semaphore, #tpu.memory_space<semaphore_mem>>
        %dma_start3A_22 = arith.constant 0 : i32
        %dma_start3A_23 = tpu.memref_slice %arg7[%multiple_of3A, %dma_start3A_22] : memref<163840x128xf32, #tpu.memory_space<hbm>> -> memref<128x128xf32, #tpu.memory_space<hbm>>
        %dma_start3A_24 = arith.constant 0 : i32
        %dma_start3A_25 = tpu.memref_slice %arg7[%multiple_of3A, %dma_start3A_24] : memref<163840x128xf32, #tpu.memory_space<hbm>> -> memref<128x128xf32, #tpu.memory_space<hbm>>
        tpu.enqueue_dma source(%arg11 : memref<128x128xf32, #tpu.memory_space<vmem>>) target(%dma_start3A_25 : memref<128x128xf32, #tpu.memory_space<hbm>>) target_semaphore(%run_scoped3A : memref<!tpu.dma_semaphore, #tpu.memory_space<semaphore_mem>>)
        %dma_wait3A_26 = arith.constant 0 : i32
        %dma_wait3A_27 = tpu.memref_slice %arg7[%multiple_of3A, %dma_wait3A_26] : memref<163840x128xf32, #tpu.memory_space<hbm>> -> memref<128x128xf32, #tpu.memory_space<hbm>>
        %dma_wait3A_28 = arith.constant 0 : i32
        %dma_wait3A_29 = tpu.memref_slice %arg7[%multiple_of3A, %dma_wait3A_28] : memref<163840x128xf32, #tpu.memory_space<hbm>> -> memref<128x128xf32, #tpu.memory_space<hbm>>
        tpu.wait_dma2 semaphore(%run_scoped3A : memref<!tpu.dma_semaphore, #tpu.memory_space<semaphore_mem>>) src(%arg11 : memref<128x128xf32, #tpu.memory_space<vmem>>) dst(%dma_wait3A_29 : memref<128x128xf32, #tpu.memory_space<hbm>>)
        tpu.yield
      }) : () -> ()
    }
    %scan3A_7 = arith.constant 40 : i32
    return
  }
}

#map = affine_map<(d0, d1) -> (0)>
#map1 = affine_map<(d0, d1) -> (0, 0)>
module attributes {stable_mosaic.version = 14 : i64} {
  func.func @sk(%arg0: i32, %arg1: i32, %arg2: memref<163840xi32, #tpu.memory_space<hbm>>, %arg3: memref<163840x256xf32, #tpu.memory_space<hbm>>, %arg4: memref<10000x128xf32, #tpu.memory_space<hbm>>, %arg5: memref<10000x256xf32, #tpu.memory_space<hbm>>, %arg6: memref<128xi32, #tpu.memory_space<vmem>>, %arg7: memref<128x128xf32, #tpu.memory_space<vmem>>, %arg8: memref<10000x128xf32, #tpu.memory_space<vmem_shared>>) attributes {dimension_semantics = [#tpu.dimension_semantics<core_parallel>, #tpu.dimension_semantics<subcore_parallel>], iteration_bounds = array<i64: 2, 16>, scalar_prefetch = 0 : i64, scratch_operands = 3 : i64, tpu.core_type = #tpu.core_type<sc_vector_subcore>, window_params = [{transform_indices = #map}, {transform_indices = #map1}, {transform_indices = #map1}, {transform_indices = #map1}]} {
    %mul3A = arith.constant 128 : i32
    %mul3A_0 = arith.muli %arg0, %mul3A : i32
    %eq3A = arith.constant 0 : i32
    %eq3A_1 = arith.cmpi eq, %arg1, %eq3A : i32
    %convert_element_type3A = arith.extui %eq3A_1 : i1 to i32
    %cond3A = arith.constant 0 : i32
    %cond3A_2 = arith.cmpi ne, %convert_element_type3A, %cond3A : i32
    scf.if %cond3A_2 {
      "tpu.region"() ({
        %run_scoped3A = tpu.sem_alloc : memref<!tpu.dma_semaphore, #tpu.memory_space<semaphore_mem>>
        tpu.enqueue_dma source(%arg4 : memref<10000x128xf32, #tpu.memory_space<hbm>>) target(%arg8 : memref<10000x128xf32, #tpu.memory_space<vmem_shared>>) target_semaphore(%run_scoped3A : memref<!tpu.dma_semaphore, #tpu.memory_space<semaphore_mem>>)
        tpu.wait_dma2 semaphore(%run_scoped3A : memref<!tpu.dma_semaphore, #tpu.memory_space<semaphore_mem>>) src(%arg4 : memref<10000x128xf32, #tpu.memory_space<hbm>>) dst(%arg8 : memref<10000x128xf32, #tpu.memory_space<vmem_shared>>)
        tpu.yield
      }) : () -> ()
    } else {
    }
    %barrier3A = arith.constant 0 : index
    tpu.barrier barrier_id(%barrier3A)
    %mul3A_3 = arith.constant 10240 : i32
    %mul3A_4 = arith.muli %arg1, %mul3A_3 : i32
    %scan3A = arith.constant 0 : i32
    %scan3A_5 = arith.constant 0 : i32
    %scan3A_6 = arith.constant 80 : i32
    %scan3A_7 = arith.addi %scan3A_5, %scan3A_6 : i32
    %scan3A_8 = arith.constant 1 : i32
    scf.for %scan3A_13 = %scan3A_5 to %scan3A_7 step %scan3A_8  : i32 {
      %mul3A_14 = arith.constant 128 : i32
      %mul3A_15 = arith.muli %scan3A_13, %mul3A_14 : i32
      %add3A = arith.addi %mul3A_4, %mul3A_15 : i32
      %multiple_of3A_16 = tpu.assume_multiple %add3A, 128 : i32
      "tpu.region"() ({
        %run_scoped3A = tpu.sem_alloc : memref<!tpu.dma_semaphore, #tpu.memory_space<semaphore_mem>>
        %dma_start3A = tpu.memref_slice %arg2[%multiple_of3A_16] : memref<163840xi32, #tpu.memory_space<hbm>> -> memref<128xi32, #tpu.memory_space<hbm>>
        %dma_start3A_17 = tpu.memref_slice %arg2[%multiple_of3A_16] : memref<163840xi32, #tpu.memory_space<hbm>> -> memref<128xi32, #tpu.memory_space<hbm>>
        tpu.enqueue_dma source(%dma_start3A_17 : memref<128xi32, #tpu.memory_space<hbm>>) target(%arg6 : memref<128xi32, #tpu.memory_space<vmem>>) target_semaphore(%run_scoped3A : memref<!tpu.dma_semaphore, #tpu.memory_space<semaphore_mem>>)
        %dma_wait3A = tpu.memref_slice %arg2[%multiple_of3A_16] : memref<163840xi32, #tpu.memory_space<hbm>> -> memref<128xi32, #tpu.memory_space<hbm>>
        %dma_wait3A_18 = tpu.memref_slice %arg2[%multiple_of3A_16] : memref<163840xi32, #tpu.memory_space<hbm>> -> memref<128xi32, #tpu.memory_space<hbm>>
        tpu.wait_dma2 semaphore(%run_scoped3A : memref<!tpu.dma_semaphore, #tpu.memory_space<semaphore_mem>>) src(%dma_wait3A_18 : memref<128xi32, #tpu.memory_space<hbm>>) dst(%arg6 : memref<128xi32, #tpu.memory_space<vmem>>)
        tpu.yield
      }) : () -> ()
      "tpu.region"() ({
        %run_scoped3A = tpu.sem_alloc : memref<!tpu.dma_semaphore, #tpu.memory_space<semaphore_mem>>
        %dma_start3A = tpu.memref_slice %arg3[%multiple_of3A_16, %mul3A_0] : memref<163840x256xf32, #tpu.memory_space<hbm>> -> memref<128x128xf32, #tpu.memory_space<hbm>>
        %dma_start3A_17 = tpu.memref_slice %arg3[%multiple_of3A_16, %mul3A_0] : memref<163840x256xf32, #tpu.memory_space<hbm>> -> memref<128x128xf32, #tpu.memory_space<hbm>>
        tpu.enqueue_dma source(%dma_start3A_17 : memref<128x128xf32, #tpu.memory_space<hbm>>) target(%arg7 : memref<128x128xf32, #tpu.memory_space<vmem>>) target_semaphore(%run_scoped3A : memref<!tpu.dma_semaphore, #tpu.memory_space<semaphore_mem>>)
        %dma_wait3A = tpu.memref_slice %arg3[%multiple_of3A_16, %mul3A_0] : memref<163840x256xf32, #tpu.memory_space<hbm>> -> memref<128x128xf32, #tpu.memory_space<hbm>>
        %dma_wait3A_18 = tpu.memref_slice %arg3[%multiple_of3A_16, %mul3A_0] : memref<163840x256xf32, #tpu.memory_space<hbm>> -> memref<128x128xf32, #tpu.memory_space<hbm>>
        tpu.wait_dma2 semaphore(%run_scoped3A : memref<!tpu.dma_semaphore, #tpu.memory_space<semaphore_mem>>) src(%dma_wait3A_18 : memref<128x128xf32, #tpu.memory_space<hbm>>) dst(%arg7 : memref<128x128xf32, #tpu.memory_space<vmem>>)
        tpu.yield
      }) : () -> ()
      "tpu.region"() ({
        %run_scoped3A = tpu.sem_alloc : memref<!tpu.dma_semaphore, #tpu.memory_space<semaphore_mem>>
        %dma_start3A = arith.constant 0 : i32
        %dma_start3A_17 = arith.constant 0 : i32
        %dma_start3A_18 = tpu.memref_slice %arg8[%dma_start3A, %dma_start3A_17] : memref<10000x128xf32, #tpu.memory_space<vmem_shared>> -> memref<10000x128xf32, #tpu.memory_space<vmem_shared>>
        tpu.enqueue_indirect_dma source(%arg7 : memref<128x128xf32, #tpu.memory_space<vmem>>) target(%dma_start3A_18 : memref<10000x128xf32, #tpu.memory_space<vmem_shared>>) offsets(%arg6 : memref<128xi32, #tpu.memory_space<vmem>>) semaphore(%run_scoped3A : memref<!tpu.dma_semaphore, #tpu.memory_space<semaphore_mem>>) {add = true}
        %dma_wait3A = arith.constant 0 : i32
        %dma_wait3A_19 = arith.constant 0 : i32
        %dma_wait3A_20 = tpu.memref_slice %arg8[%dma_wait3A, %dma_wait3A_19] : memref<10000x128xf32, #tpu.memory_space<vmem_shared>> -> memref<10000x128xf32, #tpu.memory_space<vmem_shared>>
        tpu.wait_indirect_dma semaphore(%run_scoped3A : memref<!tpu.dma_semaphore, #tpu.memory_space<semaphore_mem>>) src(%arg7 : memref<128x128xf32, #tpu.memory_space<vmem>>) dst(%dma_wait3A_20 : memref<10000x128xf32, #tpu.memory_space<vmem_shared>>)
        tpu.yield
      }) : () -> ()
    }
    %scan3A_9 = arith.constant 80 : i32
    %barrier3A_10 = arith.constant 0 : index
    tpu.barrier barrier_id(%barrier3A_10)
    %mul3A_11 = arith.constant 624 : i32
    %mul3A_12 = arith.muli %arg1, %mul3A_11 : i32
    %multiple_of3A = tpu.assume_multiple %mul3A_12, 8 : i32
    "tpu.region"() ({
      %run_scoped3A = tpu.sem_alloc : memref<!tpu.dma_semaphore, #tpu.memory_space<semaphore_mem>>
      %dma_start3A = tpu.memref_slice %arg5[%multiple_of3A, %mul3A_0] : memref<10000x256xf32, #tpu.memory_space<hbm>> -> memref<640x128xf32, #tpu.memory_space<hbm>>
      %dma_start3A_13 = arith.constant 0 : i32
      %dma_start3A_14 = tpu.memref_slice %arg8[%multiple_of3A, %dma_start3A_13] : memref<10000x128xf32, #tpu.memory_space<vmem_shared>> -> memref<640x128xf32, #tpu.memory_space<vmem_shared>>
      tpu.enqueue_dma source(%dma_start3A_14 : memref<640x128xf32, #tpu.memory_space<vmem_shared>>) target(%dma_start3A : memref<640x128xf32, #tpu.memory_space<hbm>>) target_semaphore(%run_scoped3A : memref<!tpu.dma_semaphore, #tpu.memory_space<semaphore_mem>>)
      %dma_wait3A = tpu.memref_slice %arg5[%multiple_of3A, %mul3A_0] : memref<10000x256xf32, #tpu.memory_space<hbm>> -> memref<640x128xf32, #tpu.memory_space<hbm>>
      %dma_wait3A_15 = arith.constant 0 : i32
      %dma_wait3A_16 = tpu.memref_slice %arg8[%multiple_of3A, %dma_wait3A_15] : memref<10000x128xf32, #tpu.memory_space<vmem_shared>> -> memref<640x128xf32, #tpu.memory_space<vmem_shared>>
      tpu.wait_dma2 semaphore(%run_scoped3A : memref<!tpu.dma_semaphore, #tpu.memory_space<semaphore_mem>>) src(%dma_wait3A_16 : memref<640x128xf32, #tpu.memory_space<vmem_shared>>) dst(%dma_wait3A : memref<640x128xf32, #tpu.memory_space<hbm>>)
      tpu.yield
    }) : () -> ()
    return
  }
}

#map = affine_map<(d0, d1) -> (0)>
#map1 = affine_map<(d0, d1) -> (0, 0)>
module attributes {stable_mosaic.version = 14 : i64} {
  func.func @gk(%arg0: i32, %arg1: i32, %arg2: memref<163840xi32, #tpu.memory_space<hbm>>, %arg3: memref<10000x256xf32, #tpu.memory_space<hbm>>, %arg4: memref<163840xi32, #tpu.memory_space<hbm>>, %arg5: memref<10000x128xf32, #tpu.memory_space<hbm>>, %arg6: memref<163840x256xf32, #tpu.memory_space<hbm>>, %arg7: memref<163840x128xf32, #tpu.memory_space<hbm>>, %arg8: memref<128xi32, #tpu.memory_space<vmem>>, %arg9: memref<128xi32, #tpu.memory_space<vmem>>, %arg10: memref<128x256xf32, #tpu.memory_space<vmem>>, %arg11: memref<128x128xf32, #tpu.memory_space<vmem>>, %arg12: memref<!tpu.dma_semaphore, #tpu.memory_space<semaphore_mem>>, %arg13: memref<!tpu.dma_semaphore, #tpu.memory_space<semaphore_mem>>) attributes {dimension_semantics = [#tpu.dimension_semantics<core_parallel>, #tpu.dimension_semantics<subcore_parallel>], iteration_bounds = array<i64: 2, 16>, scalar_prefetch = 0 : i64, scratch_operands = 6 : i64, tpu.core_type = #tpu.core_type<sc_vector_subcore>, window_params = [{transform_indices = #map}, {transform_indices = #map1}, {transform_indices = #map}, {transform_indices = #map1}, {transform_indices = #map1}, {transform_indices = #map1}]} {
    %mul3A = arith.constant 2 : i32
    %mul3A_0 = arith.muli %arg1, %mul3A : i32
    %add3A = arith.addi %mul3A_0, %arg0 : i32
    %mul3A_1 = arith.constant 5120 : i32
    %mul3A_2 = arith.muli %add3A, %mul3A_1 : i32
    %scan3A = arith.constant 0 : i32
    %scan3A_3 = arith.constant 0 : i32
    %scan3A_4 = arith.constant 40 : i32
    %scan3A_5 = arith.addi %scan3A_3, %scan3A_4 : i32
    %scan3A_6 = arith.constant 1 : i32
    scf.for %scan3A_8 = %scan3A_3 to %scan3A_5 step %scan3A_6  : i32 {
      %mul3A_9 = arith.constant 128 : i32
      %mul3A_10 = arith.muli %scan3A_8, %mul3A_9 : i32
      %add3A_11 = arith.addi %mul3A_2, %mul3A_10 : i32
      %multiple_of3A = tpu.assume_multiple %add3A_11, 128 : i32
      "tpu.region"() ({
        %run_scoped3A = tpu.sem_alloc : memref<!tpu.dma_semaphore, #tpu.memory_space<semaphore_mem>>
        %dma_start3A_22 = tpu.memref_slice %arg2[%multiple_of3A] : memref<163840xi32, #tpu.memory_space<hbm>> -> memref<128xi32, #tpu.memory_space<hbm>>
        %dma_start3A_23 = tpu.memref_slice %arg2[%multiple_of3A] : memref<163840xi32, #tpu.memory_space<hbm>> -> memref<128xi32, #tpu.memory_space<hbm>>
        tpu.enqueue_dma source(%dma_start3A_23 : memref<128xi32, #tpu.memory_space<hbm>>) target(%arg8 : memref<128xi32, #tpu.memory_space<vmem>>) target_semaphore(%run_scoped3A : memref<!tpu.dma_semaphore, #tpu.memory_space<semaphore_mem>>)
        %dma_wait3A_24 = tpu.memref_slice %arg2[%multiple_of3A] : memref<163840xi32, #tpu.memory_space<hbm>> -> memref<128xi32, #tpu.memory_space<hbm>>
        %dma_wait3A_25 = tpu.memref_slice %arg2[%multiple_of3A] : memref<163840xi32, #tpu.memory_space<hbm>> -> memref<128xi32, #tpu.memory_space<hbm>>
        tpu.wait_dma2 semaphore(%run_scoped3A : memref<!tpu.dma_semaphore, #tpu.memory_space<semaphore_mem>>) src(%dma_wait3A_25 : memref<128xi32, #tpu.memory_space<hbm>>) dst(%arg8 : memref<128xi32, #tpu.memory_space<vmem>>)
        tpu.yield
      }) : () -> ()
      "tpu.region"() ({
        %run_scoped3A = tpu.sem_alloc : memref<!tpu.dma_semaphore, #tpu.memory_space<semaphore_mem>>
        %dma_start3A_22 = tpu.memref_slice %arg4[%multiple_of3A] : memref<163840xi32, #tpu.memory_space<hbm>> -> memref<128xi32, #tpu.memory_space<hbm>>
        %dma_start3A_23 = tpu.memref_slice %arg4[%multiple_of3A] : memref<163840xi32, #tpu.memory_space<hbm>> -> memref<128xi32, #tpu.memory_space<hbm>>
        tpu.enqueue_dma source(%dma_start3A_23 : memref<128xi32, #tpu.memory_space<hbm>>) target(%arg9 : memref<128xi32, #tpu.memory_space<vmem>>) target_semaphore(%run_scoped3A : memref<!tpu.dma_semaphore, #tpu.memory_space<semaphore_mem>>)
        %dma_wait3A_24 = tpu.memref_slice %arg4[%multiple_of3A] : memref<163840xi32, #tpu.memory_space<hbm>> -> memref<128xi32, #tpu.memory_space<hbm>>
        %dma_wait3A_25 = tpu.memref_slice %arg4[%multiple_of3A] : memref<163840xi32, #tpu.memory_space<hbm>> -> memref<128xi32, #tpu.memory_space<hbm>>
        tpu.wait_dma2 semaphore(%run_scoped3A : memref<!tpu.dma_semaphore, #tpu.memory_space<semaphore_mem>>) src(%dma_wait3A_25 : memref<128xi32, #tpu.memory_space<hbm>>) dst(%arg9 : memref<128xi32, #tpu.memory_space<vmem>>)
        tpu.yield
      }) : () -> ()
      %dma_start3A = arith.constant 0 : i32
      %dma_start3A_12 = arith.constant 0 : i32
      %dma_start3A_13 = tpu.memref_slice %arg3[%dma_start3A, %dma_start3A_12] : memref<10000x256xf32, #tpu.memory_space<hbm>> -> memref<10000x256xf32, #tpu.memory_space<hbm>>
      tpu.enqueue_indirect_dma source(%dma_start3A_13 : memref<10000x256xf32, #tpu.memory_space<hbm>>) target(%arg10 : memref<128x256xf32, #tpu.memory_space<vmem>>) offsets(%arg8 : memref<128xi32, #tpu.memory_space<vmem>>) semaphore(%arg12 : memref<!tpu.dma_semaphore, #tpu.memory_space<semaphore_mem>>)
      %dma_start3A_14 = arith.constant 0 : i32
      %dma_start3A_15 = arith.constant 0 : i32
      %dma_start3A_16 = tpu.memref_slice %arg5[%dma_start3A_14, %dma_start3A_15] : memref<10000x128xf32, #tpu.memory_space<hbm>> -> memref<10000x128xf32, #tpu.memory_space<hbm>>
      tpu.enqueue_indirect_dma source(%dma_start3A_16 : memref<10000x128xf32, #tpu.memory_space<hbm>>) target(%arg11 : memref<128x128xf32, #tpu.memory_space<vmem>>) offsets(%arg9 : memref<128xi32, #tpu.memory_space<vmem>>) semaphore(%arg13 : memref<!tpu.dma_semaphore, #tpu.memory_space<semaphore_mem>>)
      %dma_wait3A = arith.constant 0 : i32
      %dma_wait3A_17 = arith.constant 0 : i32
      %dma_wait3A_18 = tpu.memref_slice %arg3[%dma_wait3A, %dma_wait3A_17] : memref<10000x256xf32, #tpu.memory_space<hbm>> -> memref<10000x256xf32, #tpu.memory_space<hbm>>
      tpu.wait_indirect_dma semaphore(%arg12 : memref<!tpu.dma_semaphore, #tpu.memory_space<semaphore_mem>>) src(%dma_wait3A_18 : memref<10000x256xf32, #tpu.memory_space<hbm>>) dst(%arg10 : memref<128x256xf32, #tpu.memory_space<vmem>>)
      %dma_wait3A_19 = arith.constant 0 : i32
      %dma_wait3A_20 = arith.constant 0 : i32
      %dma_wait3A_21 = tpu.memref_slice %arg5[%dma_wait3A_19, %dma_wait3A_20] : memref<10000x128xf32, #tpu.memory_space<hbm>> -> memref<10000x128xf32, #tpu.memory_space<hbm>>
      tpu.wait_indirect_dma semaphore(%arg13 : memref<!tpu.dma_semaphore, #tpu.memory_space<semaphore_mem>>) src(%dma_wait3A_21 : memref<10000x128xf32, #tpu.memory_space<hbm>>) dst(%arg11 : memref<128x128xf32, #tpu.memory_space<vmem>>)
      "tpu.region"() ({
        %run_scoped3A = tpu.sem_alloc : memref<!tpu.dma_semaphore, #tpu.memory_space<semaphore_mem>>
        %dma_start3A_22 = arith.constant 0 : i32
        %dma_start3A_23 = tpu.memref_slice %arg6[%multiple_of3A, %dma_start3A_22] : memref<163840x256xf32, #tpu.memory_space<hbm>> -> memref<128x256xf32, #tpu.memory_space<hbm>>
        %dma_start3A_24 = arith.constant 0 : i32
        %dma_start3A_25 = tpu.memref_slice %arg6[%multiple_of3A, %dma_start3A_24] : memref<163840x256xf32, #tpu.memory_space<hbm>> -> memref<128x256xf32, #tpu.memory_space<hbm>>
        tpu.enqueue_dma source(%arg10 : memref<128x256xf32, #tpu.memory_space<vmem>>) target(%dma_start3A_25 : memref<128x256xf32, #tpu.memory_space<hbm>>) target_semaphore(%run_scoped3A : memref<!tpu.dma_semaphore, #tpu.memory_space<semaphore_mem>>)
        %dma_wait3A_26 = arith.constant 0 : i32
        %dma_wait3A_27 = tpu.memref_slice %arg6[%multiple_of3A, %dma_wait3A_26] : memref<163840x256xf32, #tpu.memory_space<hbm>> -> memref<128x256xf32, #tpu.memory_space<hbm>>
        %dma_wait3A_28 = arith.constant 0 : i32
        %dma_wait3A_29 = tpu.memref_slice %arg6[%multiple_of3A, %dma_wait3A_28] : memref<163840x256xf32, #tpu.memory_space<hbm>> -> memref<128x256xf32, #tpu.memory_space<hbm>>
        tpu.wait_dma2 semaphore(%run_scoped3A : memref<!tpu.dma_semaphore, #tpu.memory_space<semaphore_mem>>) src(%arg10 : memref<128x256xf32, #tpu.memory_space<vmem>>) dst(%dma_wait3A_29 : memref<128x256xf32, #tpu.memory_space<hbm>>)
        tpu.yield
      }) : () -> ()
      "tpu.region"() ({
        %run_scoped3A = tpu.sem_alloc : memref<!tpu.dma_semaphore, #tpu.memory_space<semaphore_mem>>
        %dma_start3A_22 = arith.constant 0 : i32
        %dma_start3A_23 = tpu.memref_slice %arg7[%multiple_of3A, %dma_start3A_22] : memref<163840x128xf32, #tpu.memory_space<hbm>> -> memref<128x128xf32, #tpu.memory_space<hbm>>
        %dma_start3A_24 = arith.constant 0 : i32
        %dma_start3A_25 = tpu.memref_slice %arg7[%multiple_of3A, %dma_start3A_24] : memref<163840x128xf32, #tpu.memory_space<hbm>> -> memref<128x128xf32, #tpu.memory_space<hbm>>
        tpu.enqueue_dma source(%arg11 : memref<128x128xf32, #tpu.memory_space<vmem>>) target(%dma_start3A_25 : memref<128x128xf32, #tpu.memory_space<hbm>>) target_semaphore(%run_scoped3A : memref<!tpu.dma_semaphore, #tpu.memory_space<semaphore_mem>>)
        %dma_wait3A_26 = arith.constant 0 : i32
        %dma_wait3A_27 = tpu.memref_slice %arg7[%multiple_of3A, %dma_wait3A_26] : memref<163840x128xf32, #tpu.memory_space<hbm>> -> memref<128x128xf32, #tpu.memory_space<hbm>>
        %dma_wait3A_28 = arith.constant 0 : i32
        %dma_wait3A_29 = tpu.memref_slice %arg7[%multiple_of3A, %dma_wait3A_28] : memref<163840x128xf32, #tpu.memory_space<hbm>> -> memref<128x128xf32, #tpu.memory_space<hbm>>
        tpu.wait_dma2 semaphore(%run_scoped3A : memref<!tpu.dma_semaphore, #tpu.memory_space<semaphore_mem>>) src(%arg11 : memref<128x128xf32, #tpu.memory_space<vmem>>) dst(%dma_wait3A_29 : memref<128x128xf32, #tpu.memory_space<hbm>>)
        tpu.yield
      }) : () -> ()
    }
    %scan3A_7 = arith.constant 40 : i32
    return
  }
}

#map = affine_map<(d0, d1) -> (0)>
#map1 = affine_map<(d0, d1) -> (0, 0)>
module attributes {stable_mosaic.version = 14 : i64} {
  func.func @sk(%arg0: i32, %arg1: i32, %arg2: memref<163840xi32, #tpu.memory_space<hbm>>, %arg3: memref<163840x16xf32, #tpu.memory_space<hbm>>, %arg4: memref<10000x16xf32, #tpu.memory_space<hbm>>, %arg5: memref<20000x16xf32, #tpu.memory_space<hbm>>, %arg6: memref<128xi32, #tpu.memory_space<vmem>>, %arg7: memref<128x16xf32, #tpu.memory_space<vmem>>, %arg8: memref<10000x16xf32, #tpu.memory_space<vmem_shared>>) attributes {dimension_semantics = [#tpu.dimension_semantics<core_parallel>, #tpu.dimension_semantics<subcore_parallel>], iteration_bounds = array<i64: 2, 16>, scalar_prefetch = 0 : i64, scratch_operands = 3 : i64, tpu.core_type = #tpu.core_type<sc_vector_subcore>, window_params = [{transform_indices = #map}, {transform_indices = #map1}, {transform_indices = #map1}, {transform_indices = #map1}]} {
    %eq3A = arith.constant 0 : i32
    %eq3A_0 = arith.cmpi eq, %arg1, %eq3A : i32
    %convert_element_type3A = arith.extui %eq3A_0 : i1 to i32
    %cond3A = arith.constant 0 : i32
    %cond3A_1 = arith.cmpi ne, %convert_element_type3A, %cond3A : i32
    scf.if %cond3A_1 {
      "tpu.region"() ({
        %run_scoped3A = tpu.sem_alloc : memref<!tpu.dma_semaphore, #tpu.memory_space<semaphore_mem>>
        tpu.enqueue_dma source(%arg4 : memref<10000x16xf32, #tpu.memory_space<hbm>>) target(%arg8 : memref<10000x16xf32, #tpu.memory_space<vmem_shared>>) target_semaphore(%run_scoped3A : memref<!tpu.dma_semaphore, #tpu.memory_space<semaphore_mem>>)
        tpu.wait_dma2 semaphore(%run_scoped3A : memref<!tpu.dma_semaphore, #tpu.memory_space<semaphore_mem>>) src(%arg4 : memref<10000x16xf32, #tpu.memory_space<hbm>>) dst(%arg8 : memref<10000x16xf32, #tpu.memory_space<vmem_shared>>)
        tpu.yield
      }) : () -> ()
    } else {
    }
    %barrier3A = arith.constant 0 : index
    tpu.barrier barrier_id(%barrier3A)
    %mul3A = arith.constant 16 : i32
    %mul3A_2 = arith.muli %arg0, %mul3A : i32
    %add3A = arith.addi %mul3A_2, %arg1 : i32
    %mul3A_3 = arith.constant 5120 : i32
    %mul3A_4 = arith.muli %add3A, %mul3A_3 : i32
    %scan3A = arith.constant 0 : i32
    %scan3A_5 = arith.constant 0 : i32
    %scan3A_6 = arith.constant 40 : i32
    %scan3A_7 = arith.addi %scan3A_5, %scan3A_6 : i32
    %scan3A_8 = arith.constant 1 : i32
    scf.for %scan3A_16 = %scan3A_5 to %scan3A_7 step %scan3A_8  : i32 {
      %mul3A_17 = arith.constant 128 : i32
      %mul3A_18 = arith.muli %scan3A_16, %mul3A_17 : i32
      %add3A_19 = arith.addi %mul3A_4, %mul3A_18 : i32
      %multiple_of3A_20 = tpu.assume_multiple %add3A_19, 128 : i32
      "tpu.region"() ({
        %run_scoped3A = tpu.sem_alloc : memref<!tpu.dma_semaphore, #tpu.memory_space<semaphore_mem>>
        %dma_start3A = tpu.memref_slice %arg2[%multiple_of3A_20] : memref<163840xi32, #tpu.memory_space<hbm>> -> memref<128xi32, #tpu.memory_space<hbm>>
        %dma_start3A_21 = tpu.memref_slice %arg2[%multiple_of3A_20] : memref<163840xi32, #tpu.memory_space<hbm>> -> memref<128xi32, #tpu.memory_space<hbm>>
        tpu.enqueue_dma source(%dma_start3A_21 : memref<128xi32, #tpu.memory_space<hbm>>) target(%arg6 : memref<128xi32, #tpu.memory_space<vmem>>) target_semaphore(%run_scoped3A : memref<!tpu.dma_semaphore, #tpu.memory_space<semaphore_mem>>)
        %dma_wait3A = tpu.memref_slice %arg2[%multiple_of3A_20] : memref<163840xi32, #tpu.memory_space<hbm>> -> memref<128xi32, #tpu.memory_space<hbm>>
        %dma_wait3A_22 = tpu.memref_slice %arg2[%multiple_of3A_20] : memref<163840xi32, #tpu.memory_space<hbm>> -> memref<128xi32, #tpu.memory_space<hbm>>
        tpu.wait_dma2 semaphore(%run_scoped3A : memref<!tpu.dma_semaphore, #tpu.memory_space<semaphore_mem>>) src(%dma_wait3A_22 : memref<128xi32, #tpu.memory_space<hbm>>) dst(%arg6 : memref<128xi32, #tpu.memory_space<vmem>>)
        tpu.yield
      }) : () -> ()
      "tpu.region"() ({
        %run_scoped3A = tpu.sem_alloc : memref<!tpu.dma_semaphore, #tpu.memory_space<semaphore_mem>>
        %dma_start3A = arith.constant 0 : i32
        %dma_start3A_21 = tpu.memref_slice %arg3[%multiple_of3A_20, %dma_start3A] : memref<163840x16xf32, #tpu.memory_space<hbm>> -> memref<128x16xf32, #tpu.memory_space<hbm>>
        %dma_start3A_22 = arith.constant 0 : i32
        %dma_start3A_23 = tpu.memref_slice %arg3[%multiple_of3A_20, %dma_start3A_22] : memref<163840x16xf32, #tpu.memory_space<hbm>> -> memref<128x16xf32, #tpu.memory_space<hbm>>
        tpu.enqueue_dma source(%dma_start3A_23 : memref<128x16xf32, #tpu.memory_space<hbm>>) target(%arg7 : memref<128x16xf32, #tpu.memory_space<vmem>>) target_semaphore(%run_scoped3A : memref<!tpu.dma_semaphore, #tpu.memory_space<semaphore_mem>>)
        %dma_wait3A = arith.constant 0 : i32
        %dma_wait3A_24 = tpu.memref_slice %arg3[%multiple_of3A_20, %dma_wait3A] : memref<163840x16xf32, #tpu.memory_space<hbm>> -> memref<128x16xf32, #tpu.memory_space<hbm>>
        %dma_wait3A_25 = arith.constant 0 : i32
        %dma_wait3A_26 = tpu.memref_slice %arg3[%multiple_of3A_20, %dma_wait3A_25] : memref<163840x16xf32, #tpu.memory_space<hbm>> -> memref<128x16xf32, #tpu.memory_space<hbm>>
        tpu.wait_dma2 semaphore(%run_scoped3A : memref<!tpu.dma_semaphore, #tpu.memory_space<semaphore_mem>>) src(%dma_wait3A_26 : memref<128x16xf32, #tpu.memory_space<hbm>>) dst(%arg7 : memref<128x16xf32, #tpu.memory_space<vmem>>)
        tpu.yield
      }) : () -> ()
      "tpu.region"() ({
        %run_scoped3A = tpu.sem_alloc : memref<!tpu.dma_semaphore, #tpu.memory_space<semaphore_mem>>
        %dma_start3A = arith.constant 0 : i32
        %dma_start3A_21 = arith.constant 0 : i32
        %dma_start3A_22 = tpu.memref_slice %arg8[%dma_start3A, %dma_start3A_21] : memref<10000x16xf32, #tpu.memory_space<vmem_shared>> -> memref<10000x16xf32, #tpu.memory_space<vmem_shared>>
        tpu.enqueue_indirect_dma source(%arg7 : memref<128x16xf32, #tpu.memory_space<vmem>>) target(%dma_start3A_22 : memref<10000x16xf32, #tpu.memory_space<vmem_shared>>) offsets(%arg6 : memref<128xi32, #tpu.memory_space<vmem>>) semaphore(%run_scoped3A : memref<!tpu.dma_semaphore, #tpu.memory_space<semaphore_mem>>) {add = true}
        %dma_wait3A = arith.constant 0 : i32
        %dma_wait3A_23 = arith.constant 0 : i32
        %dma_wait3A_24 = tpu.memref_slice %arg8[%dma_wait3A, %dma_wait3A_23] : memref<10000x16xf32, #tpu.memory_space<vmem_shared>> -> memref<10000x16xf32, #tpu.memory_space<vmem_shared>>
        tpu.wait_indirect_dma semaphore(%run_scoped3A : memref<!tpu.dma_semaphore, #tpu.memory_space<semaphore_mem>>) src(%arg7 : memref<128x16xf32, #tpu.memory_space<vmem>>) dst(%dma_wait3A_24 : memref<10000x16xf32, #tpu.memory_space<vmem_shared>>)
        tpu.yield
      }) : () -> ()
    }
    %scan3A_9 = arith.constant 40 : i32
    %barrier3A_10 = arith.constant 0 : index
    tpu.barrier barrier_id(%barrier3A_10)
    %mul3A_11 = arith.constant 624 : i32
    %mul3A_12 = arith.muli %arg1, %mul3A_11 : i32
    %multiple_of3A = tpu.assume_multiple %mul3A_12, 8 : i32
    %mul3A_13 = arith.constant 10000 : i32
    %mul3A_14 = arith.muli %arg0, %mul3A_13 : i32
    %add3A_15 = arith.addi %mul3A_14, %multiple_of3A : i32
    "tpu.region"() ({
      %run_scoped3A = tpu.sem_alloc : memref<!tpu.dma_semaphore, #tpu.memory_space<semaphore_mem>>
      %dma_start3A = arith.constant 0 : i32
      %dma_start3A_16 = tpu.memref_slice %arg5[%add3A_15, %dma_start3A] : memref<20000x16xf32, #tpu.memory_space<hbm>> -> memref<640x16xf32, #tpu.memory_space<hbm>>
      %dma_start3A_17 = arith.constant 0 : i32
      %dma_start3A_18 = tpu.memref_slice %arg8[%multiple_of3A, %dma_start3A_17] : memref<10000x16xf32, #tpu.memory_space<vmem_shared>> -> memref<640x16xf32, #tpu.memory_space<vmem_shared>>
      tpu.enqueue_dma source(%dma_start3A_18 : memref<640x16xf32, #tpu.memory_space<vmem_shared>>) target(%dma_start3A_16 : memref<640x16xf32, #tpu.memory_space<hbm>>) target_semaphore(%run_scoped3A : memref<!tpu.dma_semaphore, #tpu.memory_space<semaphore_mem>>)
      %dma_wait3A = arith.constant 0 : i32
      %dma_wait3A_19 = tpu.memref_slice %arg5[%add3A_15, %dma_wait3A] : memref<20000x16xf32, #tpu.memory_space<hbm>> -> memref<640x16xf32, #tpu.memory_space<hbm>>
      %dma_wait3A_20 = arith.constant 0 : i32
      %dma_wait3A_21 = tpu.memref_slice %arg8[%multiple_of3A, %dma_wait3A_20] : memref<10000x16xf32, #tpu.memory_space<vmem_shared>> -> memref<640x16xf32, #tpu.memory_space<vmem_shared>>
      tpu.wait_dma2 semaphore(%run_scoped3A : memref<!tpu.dma_semaphore, #tpu.memory_space<semaphore_mem>>) src(%dma_wait3A_21 : memref<640x16xf32, #tpu.memory_space<vmem_shared>>) dst(%dma_wait3A_19 : memref<640x16xf32, #tpu.memory_space<hbm>>)
      tpu.yield
    }) : () -> ()
    return
  }
}

#map = affine_map<(d0, d1) -> (0)>
#map1 = affine_map<(d0, d1) -> (0, 0)>
module attributes {stable_mosaic.version = 14 : i64} {
  func.func @sk(%arg0: i32, %arg1: i32, %arg2: memref<163840xi32, #tpu.memory_space<hbm>>, %arg3: memref<163840x256xf32, #tpu.memory_space<hbm>>, %arg4: memref<10000x128xf32, #tpu.memory_space<hbm>>, %arg5: memref<10000x256xf32, #tpu.memory_space<hbm>>, %arg6: memref<128xi32, #tpu.memory_space<vmem>>, %arg7: memref<128x128xf32, #tpu.memory_space<vmem>>, %arg8: memref<10000x128xf32, #tpu.memory_space<vmem_shared>>) attributes {dimension_semantics = [#tpu.dimension_semantics<core_parallel>, #tpu.dimension_semantics<subcore_parallel>], iteration_bounds = array<i64: 2, 16>, scalar_prefetch = 0 : i64, scratch_operands = 3 : i64, tpu.core_type = #tpu.core_type<sc_vector_subcore>, window_params = [{transform_indices = #map}, {transform_indices = #map1}, {transform_indices = #map1}, {transform_indices = #map1}]} {
    %mul3A = arith.constant 128 : i32
    %mul3A_0 = arith.muli %arg0, %mul3A : i32
    %eq3A = arith.constant 0 : i32
    %eq3A_1 = arith.cmpi eq, %arg1, %eq3A : i32
    %convert_element_type3A = arith.extui %eq3A_1 : i1 to i32
    %cond3A = arith.constant 0 : i32
    %cond3A_2 = arith.cmpi ne, %convert_element_type3A, %cond3A : i32
    scf.if %cond3A_2 {
      "tpu.region"() ({
        %run_scoped3A = tpu.sem_alloc : memref<!tpu.dma_semaphore, #tpu.memory_space<semaphore_mem>>
        tpu.enqueue_dma source(%arg4 : memref<10000x128xf32, #tpu.memory_space<hbm>>) target(%arg8 : memref<10000x128xf32, #tpu.memory_space<vmem_shared>>) target_semaphore(%run_scoped3A : memref<!tpu.dma_semaphore, #tpu.memory_space<semaphore_mem>>)
        tpu.wait_dma2 semaphore(%run_scoped3A : memref<!tpu.dma_semaphore, #tpu.memory_space<semaphore_mem>>) src(%arg4 : memref<10000x128xf32, #tpu.memory_space<hbm>>) dst(%arg8 : memref<10000x128xf32, #tpu.memory_space<vmem_shared>>)
        tpu.yield
      }) : () -> ()
    } else {
    }
    %barrier3A = arith.constant 0 : index
    tpu.barrier barrier_id(%barrier3A)
    %mul3A_3 = arith.constant 10240 : i32
    %mul3A_4 = arith.muli %arg1, %mul3A_3 : i32
    %scan3A = arith.constant 0 : i32
    %scan3A_5 = arith.constant 0 : i32
    %scan3A_6 = arith.constant 80 : i32
    %scan3A_7 = arith.addi %scan3A_5, %scan3A_6 : i32
    %scan3A_8 = arith.constant 1 : i32
    scf.for %scan3A_13 = %scan3A_5 to %scan3A_7 step %scan3A_8  : i32 {
      %mul3A_14 = arith.constant 128 : i32
      %mul3A_15 = arith.muli %scan3A_13, %mul3A_14 : i32
      %add3A = arith.addi %mul3A_4, %mul3A_15 : i32
      %multiple_of3A_16 = tpu.assume_multiple %add3A, 128 : i32
      "tpu.region"() ({
        %run_scoped3A = tpu.sem_alloc : memref<!tpu.dma_semaphore, #tpu.memory_space<semaphore_mem>>
        %dma_start3A = tpu.memref_slice %arg2[%multiple_of3A_16] : memref<163840xi32, #tpu.memory_space<hbm>> -> memref<128xi32, #tpu.memory_space<hbm>>
        %dma_start3A_17 = tpu.memref_slice %arg2[%multiple_of3A_16] : memref<163840xi32, #tpu.memory_space<hbm>> -> memref<128xi32, #tpu.memory_space<hbm>>
        tpu.enqueue_dma source(%dma_start3A_17 : memref<128xi32, #tpu.memory_space<hbm>>) target(%arg6 : memref<128xi32, #tpu.memory_space<vmem>>) target_semaphore(%run_scoped3A : memref<!tpu.dma_semaphore, #tpu.memory_space<semaphore_mem>>)
        %dma_wait3A = tpu.memref_slice %arg2[%multiple_of3A_16] : memref<163840xi32, #tpu.memory_space<hbm>> -> memref<128xi32, #tpu.memory_space<hbm>>
        %dma_wait3A_18 = tpu.memref_slice %arg2[%multiple_of3A_16] : memref<163840xi32, #tpu.memory_space<hbm>> -> memref<128xi32, #tpu.memory_space<hbm>>
        tpu.wait_dma2 semaphore(%run_scoped3A : memref<!tpu.dma_semaphore, #tpu.memory_space<semaphore_mem>>) src(%dma_wait3A_18 : memref<128xi32, #tpu.memory_space<hbm>>) dst(%arg6 : memref<128xi32, #tpu.memory_space<vmem>>)
        tpu.yield
      }) : () -> ()
      "tpu.region"() ({
        %run_scoped3A = tpu.sem_alloc : memref<!tpu.dma_semaphore, #tpu.memory_space<semaphore_mem>>
        %dma_start3A = tpu.memref_slice %arg3[%multiple_of3A_16, %mul3A_0] : memref<163840x256xf32, #tpu.memory_space<hbm>> -> memref<128x128xf32, #tpu.memory_space<hbm>>
        %dma_start3A_17 = tpu.memref_slice %arg3[%multiple_of3A_16, %mul3A_0] : memref<163840x256xf32, #tpu.memory_space<hbm>> -> memref<128x128xf32, #tpu.memory_space<hbm>>
        tpu.enqueue_dma source(%dma_start3A_17 : memref<128x128xf32, #tpu.memory_space<hbm>>) target(%arg7 : memref<128x128xf32, #tpu.memory_space<vmem>>) target_semaphore(%run_scoped3A : memref<!tpu.dma_semaphore, #tpu.memory_space<semaphore_mem>>)
        %dma_wait3A = tpu.memref_slice %arg3[%multiple_of3A_16, %mul3A_0] : memref<163840x256xf32, #tpu.memory_space<hbm>> -> memref<128x128xf32, #tpu.memory_space<hbm>>
        %dma_wait3A_18 = tpu.memref_slice %arg3[%multiple_of3A_16, %mul3A_0] : memref<163840x256xf32, #tpu.memory_space<hbm>> -> memref<128x128xf32, #tpu.memory_space<hbm>>
        tpu.wait_dma2 semaphore(%run_scoped3A : memref<!tpu.dma_semaphore, #tpu.memory_space<semaphore_mem>>) src(%dma_wait3A_18 : memref<128x128xf32, #tpu.memory_space<hbm>>) dst(%arg7 : memref<128x128xf32, #tpu.memory_space<vmem>>)
        tpu.yield
      }) : () -> ()
      "tpu.region"() ({
        %run_scoped3A = tpu.sem_alloc : memref<!tpu.dma_semaphore, #tpu.memory_space<semaphore_mem>>
        %dma_start3A = arith.constant 0 : i32
        %dma_start3A_17 = arith.constant 0 : i32
        %dma_start3A_18 = tpu.memref_slice %arg8[%dma_start3A, %dma_start3A_17] : memref<10000x128xf32, #tpu.memory_space<vmem_shared>> -> memref<10000x128xf32, #tpu.memory_space<vmem_shared>>
        tpu.enqueue_indirect_dma source(%arg7 : memref<128x128xf32, #tpu.memory_space<vmem>>) target(%dma_start3A_18 : memref<10000x128xf32, #tpu.memory_space<vmem_shared>>) offsets(%arg6 : memref<128xi32, #tpu.memory_space<vmem>>) semaphore(%run_scoped3A : memref<!tpu.dma_semaphore, #tpu.memory_space<semaphore_mem>>) {add = true}
        %dma_wait3A = arith.constant 0 : i32
        %dma_wait3A_19 = arith.constant 0 : i32
        %dma_wait3A_20 = tpu.memref_slice %arg8[%dma_wait3A, %dma_wait3A_19] : memref<10000x128xf32, #tpu.memory_space<vmem_shared>> -> memref<10000x128xf32, #tpu.memory_space<vmem_shared>>
        tpu.wait_indirect_dma semaphore(%run_scoped3A : memref<!tpu.dma_semaphore, #tpu.memory_space<semaphore_mem>>) src(%arg7 : memref<128x128xf32, #tpu.memory_space<vmem>>) dst(%dma_wait3A_20 : memref<10000x128xf32, #tpu.memory_space<vmem_shared>>)
        tpu.yield
      }) : () -> ()
    }
    %scan3A_9 = arith.constant 80 : i32
    %barrier3A_10 = arith.constant 0 : index
    tpu.barrier barrier_id(%barrier3A_10)
    %mul3A_11 = arith.constant 624 : i32
    %mul3A_12 = arith.muli %arg1, %mul3A_11 : i32
    %multiple_of3A = tpu.assume_multiple %mul3A_12, 8 : i32
    "tpu.region"() ({
      %run_scoped3A = tpu.sem_alloc : memref<!tpu.dma_semaphore, #tpu.memory_space<semaphore_mem>>
      %dma_start3A = tpu.memref_slice %arg5[%multiple_of3A, %mul3A_0] : memref<10000x256xf32, #tpu.memory_space<hbm>> -> memref<640x128xf32, #tpu.memory_space<hbm>>
      %dma_start3A_13 = arith.constant 0 : i32
      %dma_start3A_14 = tpu.memref_slice %arg8[%multiple_of3A, %dma_start3A_13] : memref<10000x128xf32, #tpu.memory_space<vmem_shared>> -> memref<640x128xf32, #tpu.memory_space<vmem_shared>>
      tpu.enqueue_dma source(%dma_start3A_14 : memref<640x128xf32, #tpu.memory_space<vmem_shared>>) target(%dma_start3A : memref<640x128xf32, #tpu.memory_space<hbm>>) target_semaphore(%run_scoped3A : memref<!tpu.dma_semaphore, #tpu.memory_space<semaphore_mem>>)
      %dma_wait3A = tpu.memref_slice %arg5[%multiple_of3A, %mul3A_0] : memref<10000x256xf32, #tpu.memory_space<hbm>> -> memref<640x128xf32, #tpu.memory_space<hbm>>
      %dma_wait3A_15 = arith.constant 0 : i32
      %dma_wait3A_16 = tpu.memref_slice %arg8[%multiple_of3A, %dma_wait3A_15] : memref<10000x128xf32, #tpu.memory_space<vmem_shared>> -> memref<640x128xf32, #tpu.memory_space<vmem_shared>>
      tpu.wait_dma2 semaphore(%run_scoped3A : memref<!tpu.dma_semaphore, #tpu.memory_space<semaphore_mem>>) src(%dma_wait3A_16 : memref<640x128xf32, #tpu.memory_space<vmem_shared>>) dst(%dma_wait3A : memref<640x128xf32, #tpu.memory_space<hbm>>)
      tpu.yield
    }) : () -> ()
    return
  }
}

#map = affine_map<(d0, d1) -> (0)>
#map1 = affine_map<(d0, d1) -> (0, 0)>
module attributes {stable_mosaic.version = 14 : i64} {
  func.func @gk(%arg0: i32, %arg1: i32, %arg2: memref<163840xi32, #tpu.memory_space<hbm>>, %arg3: memref<10000x256xf32, #tpu.memory_space<hbm>>, %arg4: memref<163840xi32, #tpu.memory_space<hbm>>, %arg5: memref<10000x128xf32, #tpu.memory_space<hbm>>, %arg6: memref<163840x256xf32, #tpu.memory_space<hbm>>, %arg7: memref<163840x128xf32, #tpu.memory_space<hbm>>, %arg8: memref<128xi32, #tpu.memory_space<vmem>>, %arg9: memref<128xi32, #tpu.memory_space<vmem>>, %arg10: memref<128x256xf32, #tpu.memory_space<vmem>>, %arg11: memref<128x128xf32, #tpu.memory_space<vmem>>, %arg12: memref<!tpu.dma_semaphore, #tpu.memory_space<semaphore_mem>>, %arg13: memref<!tpu.dma_semaphore, #tpu.memory_space<semaphore_mem>>) attributes {dimension_semantics = [#tpu.dimension_semantics<core_parallel>, #tpu.dimension_semantics<subcore_parallel>], iteration_bounds = array<i64: 2, 16>, scalar_prefetch = 0 : i64, scratch_operands = 6 : i64, tpu.core_type = #tpu.core_type<sc_vector_subcore>, window_params = [{transform_indices = #map}, {transform_indices = #map1}, {transform_indices = #map}, {transform_indices = #map1}, {transform_indices = #map1}, {transform_indices = #map1}]} {
    %mul3A = arith.constant 2 : i32
    %mul3A_0 = arith.muli %arg1, %mul3A : i32
    %add3A = arith.addi %mul3A_0, %arg0 : i32
    %mul3A_1 = arith.constant 5120 : i32
    %mul3A_2 = arith.muli %add3A, %mul3A_1 : i32
    %scan3A = arith.constant 0 : i32
    %scan3A_3 = arith.constant 0 : i32
    %scan3A_4 = arith.constant 40 : i32
    %scan3A_5 = arith.addi %scan3A_3, %scan3A_4 : i32
    %scan3A_6 = arith.constant 1 : i32
    scf.for %scan3A_8 = %scan3A_3 to %scan3A_5 step %scan3A_6  : i32 {
      %mul3A_9 = arith.constant 128 : i32
      %mul3A_10 = arith.muli %scan3A_8, %mul3A_9 : i32
      %add3A_11 = arith.addi %mul3A_2, %mul3A_10 : i32
      %multiple_of3A = tpu.assume_multiple %add3A_11, 128 : i32
      "tpu.region"() ({
        %run_scoped3A = tpu.sem_alloc : memref<!tpu.dma_semaphore, #tpu.memory_space<semaphore_mem>>
        %dma_start3A_22 = tpu.memref_slice %arg2[%multiple_of3A] : memref<163840xi32, #tpu.memory_space<hbm>> -> memref<128xi32, #tpu.memory_space<hbm>>
        %dma_start3A_23 = tpu.memref_slice %arg2[%multiple_of3A] : memref<163840xi32, #tpu.memory_space<hbm>> -> memref<128xi32, #tpu.memory_space<hbm>>
        tpu.enqueue_dma source(%dma_start3A_23 : memref<128xi32, #tpu.memory_space<hbm>>) target(%arg8 : memref<128xi32, #tpu.memory_space<vmem>>) target_semaphore(%run_scoped3A : memref<!tpu.dma_semaphore, #tpu.memory_space<semaphore_mem>>)
        %dma_wait3A_24 = tpu.memref_slice %arg2[%multiple_of3A] : memref<163840xi32, #tpu.memory_space<hbm>> -> memref<128xi32, #tpu.memory_space<hbm>>
        %dma_wait3A_25 = tpu.memref_slice %arg2[%multiple_of3A] : memref<163840xi32, #tpu.memory_space<hbm>> -> memref<128xi32, #tpu.memory_space<hbm>>
        tpu.wait_dma2 semaphore(%run_scoped3A : memref<!tpu.dma_semaphore, #tpu.memory_space<semaphore_mem>>) src(%dma_wait3A_25 : memref<128xi32, #tpu.memory_space<hbm>>) dst(%arg8 : memref<128xi32, #tpu.memory_space<vmem>>)
        tpu.yield
      }) : () -> ()
      "tpu.region"() ({
        %run_scoped3A = tpu.sem_alloc : memref<!tpu.dma_semaphore, #tpu.memory_space<semaphore_mem>>
        %dma_start3A_22 = tpu.memref_slice %arg4[%multiple_of3A] : memref<163840xi32, #tpu.memory_space<hbm>> -> memref<128xi32, #tpu.memory_space<hbm>>
        %dma_start3A_23 = tpu.memref_slice %arg4[%multiple_of3A] : memref<163840xi32, #tpu.memory_space<hbm>> -> memref<128xi32, #tpu.memory_space<hbm>>
        tpu.enqueue_dma source(%dma_start3A_23 : memref<128xi32, #tpu.memory_space<hbm>>) target(%arg9 : memref<128xi32, #tpu.memory_space<vmem>>) target_semaphore(%run_scoped3A : memref<!tpu.dma_semaphore, #tpu.memory_space<semaphore_mem>>)
        %dma_wait3A_24 = tpu.memref_slice %arg4[%multiple_of3A] : memref<163840xi32, #tpu.memory_space<hbm>> -> memref<128xi32, #tpu.memory_space<hbm>>
        %dma_wait3A_25 = tpu.memref_slice %arg4[%multiple_of3A] : memref<163840xi32, #tpu.memory_space<hbm>> -> memref<128xi32, #tpu.memory_space<hbm>>
        tpu.wait_dma2 semaphore(%run_scoped3A : memref<!tpu.dma_semaphore, #tpu.memory_space<semaphore_mem>>) src(%dma_wait3A_25 : memref<128xi32, #tpu.memory_space<hbm>>) dst(%arg9 : memref<128xi32, #tpu.memory_space<vmem>>)
        tpu.yield
      }) : () -> ()
      %dma_start3A = arith.constant 0 : i32
      %dma_start3A_12 = arith.constant 0 : i32
      %dma_start3A_13 = tpu.memref_slice %arg3[%dma_start3A, %dma_start3A_12] : memref<10000x256xf32, #tpu.memory_space<hbm>> -> memref<10000x256xf32, #tpu.memory_space<hbm>>
      tpu.enqueue_indirect_dma source(%dma_start3A_13 : memref<10000x256xf32, #tpu.memory_space<hbm>>) target(%arg10 : memref<128x256xf32, #tpu.memory_space<vmem>>) offsets(%arg8 : memref<128xi32, #tpu.memory_space<vmem>>) semaphore(%arg12 : memref<!tpu.dma_semaphore, #tpu.memory_space<semaphore_mem>>)
      %dma_start3A_14 = arith.constant 0 : i32
      %dma_start3A_15 = arith.constant 0 : i32
      %dma_start3A_16 = tpu.memref_slice %arg5[%dma_start3A_14, %dma_start3A_15] : memref<10000x128xf32, #tpu.memory_space<hbm>> -> memref<10000x128xf32, #tpu.memory_space<hbm>>
      tpu.enqueue_indirect_dma source(%dma_start3A_16 : memref<10000x128xf32, #tpu.memory_space<hbm>>) target(%arg11 : memref<128x128xf32, #tpu.memory_space<vmem>>) offsets(%arg9 : memref<128xi32, #tpu.memory_space<vmem>>) semaphore(%arg13 : memref<!tpu.dma_semaphore, #tpu.memory_space<semaphore_mem>>)
      %dma_wait3A = arith.constant 0 : i32
      %dma_wait3A_17 = arith.constant 0 : i32
      %dma_wait3A_18 = tpu.memref_slice %arg3[%dma_wait3A, %dma_wait3A_17] : memref<10000x256xf32, #tpu.memory_space<hbm>> -> memref<10000x256xf32, #tpu.memory_space<hbm>>
      tpu.wait_indirect_dma semaphore(%arg12 : memref<!tpu.dma_semaphore, #tpu.memory_space<semaphore_mem>>) src(%dma_wait3A_18 : memref<10000x256xf32, #tpu.memory_space<hbm>>) dst(%arg10 : memref<128x256xf32, #tpu.memory_space<vmem>>)
      %dma_wait3A_19 = arith.constant 0 : i32
      %dma_wait3A_20 = arith.constant 0 : i32
      %dma_wait3A_21 = tpu.memref_slice %arg5[%dma_wait3A_19, %dma_wait3A_20] : memref<10000x128xf32, #tpu.memory_space<hbm>> -> memref<10000x128xf32, #tpu.memory_space<hbm>>
      tpu.wait_indirect_dma semaphore(%arg13 : memref<!tpu.dma_semaphore, #tpu.memory_space<semaphore_mem>>) src(%dma_wait3A_21 : memref<10000x128xf32, #tpu.memory_space<hbm>>) dst(%arg11 : memref<128x128xf32, #tpu.memory_space<vmem>>)
      "tpu.region"() ({
        %run_scoped3A = tpu.sem_alloc : memref<!tpu.dma_semaphore, #tpu.memory_space<semaphore_mem>>
        %dma_start3A_22 = arith.constant 0 : i32
        %dma_start3A_23 = tpu.memref_slice %arg6[%multiple_of3A, %dma_start3A_22] : memref<163840x256xf32, #tpu.memory_space<hbm>> -> memref<128x256xf32, #tpu.memory_space<hbm>>
        %dma_start3A_24 = arith.constant 0 : i32
        %dma_start3A_25 = tpu.memref_slice %arg6[%multiple_of3A, %dma_start3A_24] : memref<163840x256xf32, #tpu.memory_space<hbm>> -> memref<128x256xf32, #tpu.memory_space<hbm>>
        tpu.enqueue_dma source(%arg10 : memref<128x256xf32, #tpu.memory_space<vmem>>) target(%dma_start3A_25 : memref<128x256xf32, #tpu.memory_space<hbm>>) target_semaphore(%run_scoped3A : memref<!tpu.dma_semaphore, #tpu.memory_space<semaphore_mem>>)
        %dma_wait3A_26 = arith.constant 0 : i32
        %dma_wait3A_27 = tpu.memref_slice %arg6[%multiple_of3A, %dma_wait3A_26] : memref<163840x256xf32, #tpu.memory_space<hbm>> -> memref<128x256xf32, #tpu.memory_space<hbm>>
        %dma_wait3A_28 = arith.constant 0 : i32
        %dma_wait3A_29 = tpu.memref_slice %arg6[%multiple_of3A, %dma_wait3A_28] : memref<163840x256xf32, #tpu.memory_space<hbm>> -> memref<128x256xf32, #tpu.memory_space<hbm>>
        tpu.wait_dma2 semaphore(%run_scoped3A : memref<!tpu.dma_semaphore, #tpu.memory_space<semaphore_mem>>) src(%arg10 : memref<128x256xf32, #tpu.memory_space<vmem>>) dst(%dma_wait3A_29 : memref<128x256xf32, #tpu.memory_space<hbm>>)
        tpu.yield
      }) : () -> ()
      "tpu.region"() ({
        %run_scoped3A = tpu.sem_alloc : memref<!tpu.dma_semaphore, #tpu.memory_space<semaphore_mem>>
        %dma_start3A_22 = arith.constant 0 : i32
        %dma_start3A_23 = tpu.memref_slice %arg7[%multiple_of3A, %dma_start3A_22] : memref<163840x128xf32, #tpu.memory_space<hbm>> -> memref<128x128xf32, #tpu.memory_space<hbm>>
        %dma_start3A_24 = arith.constant 0 : i32
        %dma_start3A_25 = tpu.memref_slice %arg7[%multiple_of3A, %dma_start3A_24] : memref<163840x128xf32, #tpu.memory_space<hbm>> -> memref<128x128xf32, #tpu.memory_space<hbm>>
        tpu.enqueue_dma source(%arg11 : memref<128x128xf32, #tpu.memory_space<vmem>>) target(%dma_start3A_25 : memref<128x128xf32, #tpu.memory_space<hbm>>) target_semaphore(%run_scoped3A : memref<!tpu.dma_semaphore, #tpu.memory_space<semaphore_mem>>)
        %dma_wait3A_26 = arith.constant 0 : i32
        %dma_wait3A_27 = tpu.memref_slice %arg7[%multiple_of3A, %dma_wait3A_26] : memref<163840x128xf32, #tpu.memory_space<hbm>> -> memref<128x128xf32, #tpu.memory_space<hbm>>
        %dma_wait3A_28 = arith.constant 0 : i32
        %dma_wait3A_29 = tpu.memref_slice %arg7[%multiple_of3A, %dma_wait3A_28] : memref<163840x128xf32, #tpu.memory_space<hbm>> -> memref<128x128xf32, #tpu.memory_space<hbm>>
        tpu.wait_dma2 semaphore(%run_scoped3A : memref<!tpu.dma_semaphore, #tpu.memory_space<semaphore_mem>>) src(%arg11 : memref<128x128xf32, #tpu.memory_space<vmem>>) dst(%dma_wait3A_29 : memref<128x128xf32, #tpu.memory_space<hbm>>)
        tpu.yield
      }) : () -> ()
    }
    %scan3A_7 = arith.constant 40 : i32
    return
  }
}

#map = affine_map<(d0, d1) -> (0)>
#map1 = affine_map<(d0, d1) -> (0, 0)>
module attributes {stable_mosaic.version = 14 : i64} {
  func.func @sk(%arg0: i32, %arg1: i32, %arg2: memref<163840xi32, #tpu.memory_space<hbm>>, %arg3: memref<163840x16xf32, #tpu.memory_space<hbm>>, %arg4: memref<10000x16xf32, #tpu.memory_space<hbm>>, %arg5: memref<20000x16xf32, #tpu.memory_space<hbm>>, %arg6: memref<128xi32, #tpu.memory_space<vmem>>, %arg7: memref<128x16xf32, #tpu.memory_space<vmem>>, %arg8: memref<10000x16xf32, #tpu.memory_space<vmem_shared>>) attributes {dimension_semantics = [#tpu.dimension_semantics<core_parallel>, #tpu.dimension_semantics<subcore_parallel>], iteration_bounds = array<i64: 2, 16>, scalar_prefetch = 0 : i64, scratch_operands = 3 : i64, tpu.core_type = #tpu.core_type<sc_vector_subcore>, window_params = [{transform_indices = #map}, {transform_indices = #map1}, {transform_indices = #map1}, {transform_indices = #map1}]} {
    %eq3A = arith.constant 0 : i32
    %eq3A_0 = arith.cmpi eq, %arg1, %eq3A : i32
    %convert_element_type3A = arith.extui %eq3A_0 : i1 to i32
    %cond3A = arith.constant 0 : i32
    %cond3A_1 = arith.cmpi ne, %convert_element_type3A, %cond3A : i32
    scf.if %cond3A_1 {
      "tpu.region"() ({
        %run_scoped3A = tpu.sem_alloc : memref<!tpu.dma_semaphore, #tpu.memory_space<semaphore_mem>>
        tpu.enqueue_dma source(%arg4 : memref<10000x16xf32, #tpu.memory_space<hbm>>) target(%arg8 : memref<10000x16xf32, #tpu.memory_space<vmem_shared>>) target_semaphore(%run_scoped3A : memref<!tpu.dma_semaphore, #tpu.memory_space<semaphore_mem>>)
        tpu.wait_dma2 semaphore(%run_scoped3A : memref<!tpu.dma_semaphore, #tpu.memory_space<semaphore_mem>>) src(%arg4 : memref<10000x16xf32, #tpu.memory_space<hbm>>) dst(%arg8 : memref<10000x16xf32, #tpu.memory_space<vmem_shared>>)
        tpu.yield
      }) : () -> ()
    } else {
    }
    %barrier3A = arith.constant 0 : index
    tpu.barrier barrier_id(%barrier3A)
    %mul3A = arith.constant 16 : i32
    %mul3A_2 = arith.muli %arg0, %mul3A : i32
    %add3A = arith.addi %mul3A_2, %arg1 : i32
    %mul3A_3 = arith.constant 5120 : i32
    %mul3A_4 = arith.muli %add3A, %mul3A_3 : i32
    %scan3A = arith.constant 0 : i32
    %scan3A_5 = arith.constant 0 : i32
    %scan3A_6 = arith.constant 40 : i32
    %scan3A_7 = arith.addi %scan3A_5, %scan3A_6 : i32
    %scan3A_8 = arith.constant 1 : i32
    scf.for %scan3A_16 = %scan3A_5 to %scan3A_7 step %scan3A_8  : i32 {
      %mul3A_17 = arith.constant 128 : i32
      %mul3A_18 = arith.muli %scan3A_16, %mul3A_17 : i32
      %add3A_19 = arith.addi %mul3A_4, %mul3A_18 : i32
      %multiple_of3A_20 = tpu.assume_multiple %add3A_19, 128 : i32
      "tpu.region"() ({
        %run_scoped3A = tpu.sem_alloc : memref<!tpu.dma_semaphore, #tpu.memory_space<semaphore_mem>>
        %dma_start3A = tpu.memref_slice %arg2[%multiple_of3A_20] : memref<163840xi32, #tpu.memory_space<hbm>> -> memref<128xi32, #tpu.memory_space<hbm>>
        %dma_start3A_21 = tpu.memref_slice %arg2[%multiple_of3A_20] : memref<163840xi32, #tpu.memory_space<hbm>> -> memref<128xi32, #tpu.memory_space<hbm>>
        tpu.enqueue_dma source(%dma_start3A_21 : memref<128xi32, #tpu.memory_space<hbm>>) target(%arg6 : memref<128xi32, #tpu.memory_space<vmem>>) target_semaphore(%run_scoped3A : memref<!tpu.dma_semaphore, #tpu.memory_space<semaphore_mem>>)
        %dma_wait3A = tpu.memref_slice %arg2[%multiple_of3A_20] : memref<163840xi32, #tpu.memory_space<hbm>> -> memref<128xi32, #tpu.memory_space<hbm>>
        %dma_wait3A_22 = tpu.memref_slice %arg2[%multiple_of3A_20] : memref<163840xi32, #tpu.memory_space<hbm>> -> memref<128xi32, #tpu.memory_space<hbm>>
        tpu.wait_dma2 semaphore(%run_scoped3A : memref<!tpu.dma_semaphore, #tpu.memory_space<semaphore_mem>>) src(%dma_wait3A_22 : memref<128xi32, #tpu.memory_space<hbm>>) dst(%arg6 : memref<128xi32, #tpu.memory_space<vmem>>)
        tpu.yield
      }) : () -> ()
      "tpu.region"() ({
        %run_scoped3A = tpu.sem_alloc : memref<!tpu.dma_semaphore, #tpu.memory_space<semaphore_mem>>
        %dma_start3A = arith.constant 0 : i32
        %dma_start3A_21 = tpu.memref_slice %arg3[%multiple_of3A_20, %dma_start3A] : memref<163840x16xf32, #tpu.memory_space<hbm>> -> memref<128x16xf32, #tpu.memory_space<hbm>>
        %dma_start3A_22 = arith.constant 0 : i32
        %dma_start3A_23 = tpu.memref_slice %arg3[%multiple_of3A_20, %dma_start3A_22] : memref<163840x16xf32, #tpu.memory_space<hbm>> -> memref<128x16xf32, #tpu.memory_space<hbm>>
        tpu.enqueue_dma source(%dma_start3A_23 : memref<128x16xf32, #tpu.memory_space<hbm>>) target(%arg7 : memref<128x16xf32, #tpu.memory_space<vmem>>) target_semaphore(%run_scoped3A : memref<!tpu.dma_semaphore, #tpu.memory_space<semaphore_mem>>)
        %dma_wait3A = arith.constant 0 : i32
        %dma_wait3A_24 = tpu.memref_slice %arg3[%multiple_of3A_20, %dma_wait3A] : memref<163840x16xf32, #tpu.memory_space<hbm>> -> memref<128x16xf32, #tpu.memory_space<hbm>>
        %dma_wait3A_25 = arith.constant 0 : i32
        %dma_wait3A_26 = tpu.memref_slice %arg3[%multiple_of3A_20, %dma_wait3A_25] : memref<163840x16xf32, #tpu.memory_space<hbm>> -> memref<128x16xf32, #tpu.memory_space<hbm>>
        tpu.wait_dma2 semaphore(%run_scoped3A : memref<!tpu.dma_semaphore, #tpu.memory_space<semaphore_mem>>) src(%dma_wait3A_26 : memref<128x16xf32, #tpu.memory_space<hbm>>) dst(%arg7 : memref<128x16xf32, #tpu.memory_space<vmem>>)
        tpu.yield
      }) : () -> ()
      "tpu.region"() ({
        %run_scoped3A = tpu.sem_alloc : memref<!tpu.dma_semaphore, #tpu.memory_space<semaphore_mem>>
        %dma_start3A = arith.constant 0 : i32
        %dma_start3A_21 = arith.constant 0 : i32
        %dma_start3A_22 = tpu.memref_slice %arg8[%dma_start3A, %dma_start3A_21] : memref<10000x16xf32, #tpu.memory_space<vmem_shared>> -> memref<10000x16xf32, #tpu.memory_space<vmem_shared>>
        tpu.enqueue_indirect_dma source(%arg7 : memref<128x16xf32, #tpu.memory_space<vmem>>) target(%dma_start3A_22 : memref<10000x16xf32, #tpu.memory_space<vmem_shared>>) offsets(%arg6 : memref<128xi32, #tpu.memory_space<vmem>>) semaphore(%run_scoped3A : memref<!tpu.dma_semaphore, #tpu.memory_space<semaphore_mem>>) {add = true}
        %dma_wait3A = arith.constant 0 : i32
        %dma_wait3A_23 = arith.constant 0 : i32
        %dma_wait3A_24 = tpu.memref_slice %arg8[%dma_wait3A, %dma_wait3A_23] : memref<10000x16xf32, #tpu.memory_space<vmem_shared>> -> memref<10000x16xf32, #tpu.memory_space<vmem_shared>>
        tpu.wait_indirect_dma semaphore(%run_scoped3A : memref<!tpu.dma_semaphore, #tpu.memory_space<semaphore_mem>>) src(%arg7 : memref<128x16xf32, #tpu.memory_space<vmem>>) dst(%dma_wait3A_24 : memref<10000x16xf32, #tpu.memory_space<vmem_shared>>)
        tpu.yield
      }) : () -> ()
    }
    %scan3A_9 = arith.constant 40 : i32
    %barrier3A_10 = arith.constant 0 : index
    tpu.barrier barrier_id(%barrier3A_10)
    %mul3A_11 = arith.constant 624 : i32
    %mul3A_12 = arith.muli %arg1, %mul3A_11 : i32
    %multiple_of3A = tpu.assume_multiple %mul3A_12, 8 : i32
    %mul3A_13 = arith.constant 10000 : i32
    %mul3A_14 = arith.muli %arg0, %mul3A_13 : i32
    %add3A_15 = arith.addi %mul3A_14, %multiple_of3A : i32
    "tpu.region"() ({
      %run_scoped3A = tpu.sem_alloc : memref<!tpu.dma_semaphore, #tpu.memory_space<semaphore_mem>>
      %dma_start3A = arith.constant 0 : i32
      %dma_start3A_16 = tpu.memref_slice %arg5[%add3A_15, %dma_start3A] : memref<20000x16xf32, #tpu.memory_space<hbm>> -> memref<640x16xf32, #tpu.memory_space<hbm>>
      %dma_start3A_17 = arith.constant 0 : i32
      %dma_start3A_18 = tpu.memref_slice %arg8[%multiple_of3A, %dma_start3A_17] : memref<10000x16xf32, #tpu.memory_space<vmem_shared>> -> memref<640x16xf32, #tpu.memory_space<vmem_shared>>
      tpu.enqueue_dma source(%dma_start3A_18 : memref<640x16xf32, #tpu.memory_space<vmem_shared>>) target(%dma_start3A_16 : memref<640x16xf32, #tpu.memory_space<hbm>>) target_semaphore(%run_scoped3A : memref<!tpu.dma_semaphore, #tpu.memory_space<semaphore_mem>>)
      %dma_wait3A = arith.constant 0 : i32
      %dma_wait3A_19 = tpu.memref_slice %arg5[%add3A_15, %dma_wait3A] : memref<20000x16xf32, #tpu.memory_space<hbm>> -> memref<640x16xf32, #tpu.memory_space<hbm>>
      %dma_wait3A_20 = arith.constant 0 : i32
      %dma_wait3A_21 = tpu.memref_slice %arg8[%multiple_of3A, %dma_wait3A_20] : memref<10000x16xf32, #tpu.memory_space<vmem_shared>> -> memref<640x16xf32, #tpu.memory_space<vmem_shared>>
      tpu.wait_dma2 semaphore(%run_scoped3A : memref<!tpu.dma_semaphore, #tpu.memory_space<semaphore_mem>>) src(%dma_wait3A_21 : memref<640x16xf32, #tpu.memory_space<vmem_shared>>) dst(%dma_wait3A_19 : memref<640x16xf32, #tpu.memory_space<hbm>>)
      tpu.yield
    }) : () -> ()
    return
  }
}

#map = affine_map<(d0, d1) -> (0)>
#map1 = affine_map<(d0, d1) -> (0, 0)>
module attributes {stable_mosaic.version = 14 : i64} {
  func.func @sk(%arg0: i32, %arg1: i32, %arg2: memref<163840xi32, #tpu.memory_space<hbm>>, %arg3: memref<163840x256xf32, #tpu.memory_space<hbm>>, %arg4: memref<10000x128xf32, #tpu.memory_space<hbm>>, %arg5: memref<10000x256xf32, #tpu.memory_space<hbm>>, %arg6: memref<128xi32, #tpu.memory_space<vmem>>, %arg7: memref<128x128xf32, #tpu.memory_space<vmem>>, %arg8: memref<10000x128xf32, #tpu.memory_space<vmem_shared>>) attributes {dimension_semantics = [#tpu.dimension_semantics<core_parallel>, #tpu.dimension_semantics<subcore_parallel>], iteration_bounds = array<i64: 2, 16>, scalar_prefetch = 0 : i64, scratch_operands = 3 : i64, tpu.core_type = #tpu.core_type<sc_vector_subcore>, window_params = [{transform_indices = #map}, {transform_indices = #map1}, {transform_indices = #map1}, {transform_indices = #map1}]} {
    %mul3A = arith.constant 128 : i32
    %mul3A_0 = arith.muli %arg0, %mul3A : i32
    %eq3A = arith.constant 0 : i32
    %eq3A_1 = arith.cmpi eq, %arg1, %eq3A : i32
    %convert_element_type3A = arith.extui %eq3A_1 : i1 to i32
    %cond3A = arith.constant 0 : i32
    %cond3A_2 = arith.cmpi ne, %convert_element_type3A, %cond3A : i32
    scf.if %cond3A_2 {
      "tpu.region"() ({
        %run_scoped3A = tpu.sem_alloc : memref<!tpu.dma_semaphore, #tpu.memory_space<semaphore_mem>>
        tpu.enqueue_dma source(%arg4 : memref<10000x128xf32, #tpu.memory_space<hbm>>) target(%arg8 : memref<10000x128xf32, #tpu.memory_space<vmem_shared>>) target_semaphore(%run_scoped3A : memref<!tpu.dma_semaphore, #tpu.memory_space<semaphore_mem>>)
        tpu.wait_dma2 semaphore(%run_scoped3A : memref<!tpu.dma_semaphore, #tpu.memory_space<semaphore_mem>>) src(%arg4 : memref<10000x128xf32, #tpu.memory_space<hbm>>) dst(%arg8 : memref<10000x128xf32, #tpu.memory_space<vmem_shared>>)
        tpu.yield
      }) : () -> ()
    } else {
    }
    %barrier3A = arith.constant 0 : index
    tpu.barrier barrier_id(%barrier3A)
    %mul3A_3 = arith.constant 10240 : i32
    %mul3A_4 = arith.muli %arg1, %mul3A_3 : i32
    %scan3A = arith.constant 0 : i32
    %scan3A_5 = arith.constant 0 : i32
    %scan3A_6 = arith.constant 80 : i32
    %scan3A_7 = arith.addi %scan3A_5, %scan3A_6 : i32
    %scan3A_8 = arith.constant 1 : i32
    scf.for %scan3A_13 = %scan3A_5 to %scan3A_7 step %scan3A_8  : i32 {
      %mul3A_14 = arith.constant 128 : i32
      %mul3A_15 = arith.muli %scan3A_13, %mul3A_14 : i32
      %add3A = arith.addi %mul3A_4, %mul3A_15 : i32
      %multiple_of3A_16 = tpu.assume_multiple %add3A, 128 : i32
      "tpu.region"() ({
        %run_scoped3A = tpu.sem_alloc : memref<!tpu.dma_semaphore, #tpu.memory_space<semaphore_mem>>
        %dma_start3A = tpu.memref_slice %arg2[%multiple_of3A_16] : memref<163840xi32, #tpu.memory_space<hbm>> -> memref<128xi32, #tpu.memory_space<hbm>>
        %dma_start3A_17 = tpu.memref_slice %arg2[%multiple_of3A_16] : memref<163840xi32, #tpu.memory_space<hbm>> -> memref<128xi32, #tpu.memory_space<hbm>>
        tpu.enqueue_dma source(%dma_start3A_17 : memref<128xi32, #tpu.memory_space<hbm>>) target(%arg6 : memref<128xi32, #tpu.memory_space<vmem>>) target_semaphore(%run_scoped3A : memref<!tpu.dma_semaphore, #tpu.memory_space<semaphore_mem>>)
        %dma_wait3A = tpu.memref_slice %arg2[%multiple_of3A_16] : memref<163840xi32, #tpu.memory_space<hbm>> -> memref<128xi32, #tpu.memory_space<hbm>>
        %dma_wait3A_18 = tpu.memref_slice %arg2[%multiple_of3A_16] : memref<163840xi32, #tpu.memory_space<hbm>> -> memref<128xi32, #tpu.memory_space<hbm>>
        tpu.wait_dma2 semaphore(%run_scoped3A : memref<!tpu.dma_semaphore, #tpu.memory_space<semaphore_mem>>) src(%dma_wait3A_18 : memref<128xi32, #tpu.memory_space<hbm>>) dst(%arg6 : memref<128xi32, #tpu.memory_space<vmem>>)
        tpu.yield
      }) : () -> ()
      "tpu.region"() ({
        %run_scoped3A = tpu.sem_alloc : memref<!tpu.dma_semaphore, #tpu.memory_space<semaphore_mem>>
        %dma_start3A = tpu.memref_slice %arg3[%multiple_of3A_16, %mul3A_0] : memref<163840x256xf32, #tpu.memory_space<hbm>> -> memref<128x128xf32, #tpu.memory_space<hbm>>
        %dma_start3A_17 = tpu.memref_slice %arg3[%multiple_of3A_16, %mul3A_0] : memref<163840x256xf32, #tpu.memory_space<hbm>> -> memref<128x128xf32, #tpu.memory_space<hbm>>
        tpu.enqueue_dma source(%dma_start3A_17 : memref<128x128xf32, #tpu.memory_space<hbm>>) target(%arg7 : memref<128x128xf32, #tpu.memory_space<vmem>>) target_semaphore(%run_scoped3A : memref<!tpu.dma_semaphore, #tpu.memory_space<semaphore_mem>>)
        %dma_wait3A = tpu.memref_slice %arg3[%multiple_of3A_16, %mul3A_0] : memref<163840x256xf32, #tpu.memory_space<hbm>> -> memref<128x128xf32, #tpu.memory_space<hbm>>
        %dma_wait3A_18 = tpu.memref_slice %arg3[%multiple_of3A_16, %mul3A_0] : memref<163840x256xf32, #tpu.memory_space<hbm>> -> memref<128x128xf32, #tpu.memory_space<hbm>>
        tpu.wait_dma2 semaphore(%run_scoped3A : memref<!tpu.dma_semaphore, #tpu.memory_space<semaphore_mem>>) src(%dma_wait3A_18 : memref<128x128xf32, #tpu.memory_space<hbm>>) dst(%arg7 : memref<128x128xf32, #tpu.memory_space<vmem>>)
        tpu.yield
      }) : () -> ()
      "tpu.region"() ({
        %run_scoped3A = tpu.sem_alloc : memref<!tpu.dma_semaphore, #tpu.memory_space<semaphore_mem>>
        %dma_start3A = arith.constant 0 : i32
        %dma_start3A_17 = arith.constant 0 : i32
        %dma_start3A_18 = tpu.memref_slice %arg8[%dma_start3A, %dma_start3A_17] : memref<10000x128xf32, #tpu.memory_space<vmem_shared>> -> memref<10000x128xf32, #tpu.memory_space<vmem_shared>>
        tpu.enqueue_indirect_dma source(%arg7 : memref<128x128xf32, #tpu.memory_space<vmem>>) target(%dma_start3A_18 : memref<10000x128xf32, #tpu.memory_space<vmem_shared>>) offsets(%arg6 : memref<128xi32, #tpu.memory_space<vmem>>) semaphore(%run_scoped3A : memref<!tpu.dma_semaphore, #tpu.memory_space<semaphore_mem>>) {add = true}
        %dma_wait3A = arith.constant 0 : i32
        %dma_wait3A_19 = arith.constant 0 : i32
        %dma_wait3A_20 = tpu.memref_slice %arg8[%dma_wait3A, %dma_wait3A_19] : memref<10000x128xf32, #tpu.memory_space<vmem_shared>> -> memref<10000x128xf32, #tpu.memory_space<vmem_shared>>
        tpu.wait_indirect_dma semaphore(%run_scoped3A : memref<!tpu.dma_semaphore, #tpu.memory_space<semaphore_mem>>) src(%arg7 : memref<128x128xf32, #tpu.memory_space<vmem>>) dst(%dma_wait3A_20 : memref<10000x128xf32, #tpu.memory_space<vmem_shared>>)
        tpu.yield
      }) : () -> ()
    }
    %scan3A_9 = arith.constant 80 : i32
    %barrier3A_10 = arith.constant 0 : index
    tpu.barrier barrier_id(%barrier3A_10)
    %mul3A_11 = arith.constant 624 : i32
    %mul3A_12 = arith.muli %arg1, %mul3A_11 : i32
    %multiple_of3A = tpu.assume_multiple %mul3A_12, 8 : i32
    "tpu.region"() ({
      %run_scoped3A = tpu.sem_alloc : memref<!tpu.dma_semaphore, #tpu.memory_space<semaphore_mem>>
      %dma_start3A = tpu.memref_slice %arg5[%multiple_of3A, %mul3A_0] : memref<10000x256xf32, #tpu.memory_space<hbm>> -> memref<640x128xf32, #tpu.memory_space<hbm>>
      %dma_start3A_13 = arith.constant 0 : i32
      %dma_start3A_14 = tpu.memref_slice %arg8[%multiple_of3A, %dma_start3A_13] : memref<10000x128xf32, #tpu.memory_space<vmem_shared>> -> memref<640x128xf32, #tpu.memory_space<vmem_shared>>
      tpu.enqueue_dma source(%dma_start3A_14 : memref<640x128xf32, #tpu.memory_space<vmem_shared>>) target(%dma_start3A : memref<640x128xf32, #tpu.memory_space<hbm>>) target_semaphore(%run_scoped3A : memref<!tpu.dma_semaphore, #tpu.memory_space<semaphore_mem>>)
      %dma_wait3A = tpu.memref_slice %arg5[%multiple_of3A, %mul3A_0] : memref<10000x256xf32, #tpu.memory_space<hbm>> -> memref<640x128xf32, #tpu.memory_space<hbm>>
      %dma_wait3A_15 = arith.constant 0 : i32
      %dma_wait3A_16 = tpu.memref_slice %arg8[%multiple_of3A, %dma_wait3A_15] : memref<10000x128xf32, #tpu.memory_space<vmem_shared>> -> memref<640x128xf32, #tpu.memory_space<vmem_shared>>
      tpu.wait_dma2 semaphore(%run_scoped3A : memref<!tpu.dma_semaphore, #tpu.memory_space<semaphore_mem>>) src(%dma_wait3A_16 : memref<640x128xf32, #tpu.memory_space<vmem_shared>>) dst(%dma_wait3A : memref<640x128xf32, #tpu.memory_space<hbm>>)
      tpu.yield
    }) : () -> ()
    return
  }
}

#map = affine_map<(d0, d1) -> (0)>
#map1 = affine_map<(d0, d1) -> (0, 0)>
module attributes {stable_mosaic.version = 14 : i64} {
  func.func @sk(%arg0: i32, %arg1: i32, %arg2: memref<163840xi32, #tpu.memory_space<hbm>>, %arg3: memref<163840x16xf32, #tpu.memory_space<hbm>>, %arg4: memref<10000x16xf32, #tpu.memory_space<hbm>>, %arg5: memref<20000x16xf32, #tpu.memory_space<hbm>>, %arg6: memref<128xi32, #tpu.memory_space<vmem>>, %arg7: memref<128x16xf32, #tpu.memory_space<vmem>>, %arg8: memref<10000x16xf32, #tpu.memory_space<vmem_shared>>) attributes {dimension_semantics = [#tpu.dimension_semantics<core_parallel>, #tpu.dimension_semantics<subcore_parallel>], iteration_bounds = array<i64: 2, 16>, scalar_prefetch = 0 : i64, scratch_operands = 3 : i64, tpu.core_type = #tpu.core_type<sc_vector_subcore>, window_params = [{transform_indices = #map}, {transform_indices = #map1}, {transform_indices = #map1}, {transform_indices = #map1}]} {
    %eq3A = arith.constant 0 : i32
    %eq3A_0 = arith.cmpi eq, %arg1, %eq3A : i32
    %convert_element_type3A = arith.extui %eq3A_0 : i1 to i32
    %cond3A = arith.constant 0 : i32
    %cond3A_1 = arith.cmpi ne, %convert_element_type3A, %cond3A : i32
    scf.if %cond3A_1 {
      "tpu.region"() ({
        %run_scoped3A = tpu.sem_alloc : memref<!tpu.dma_semaphore, #tpu.memory_space<semaphore_mem>>
        tpu.enqueue_dma source(%arg4 : memref<10000x16xf32, #tpu.memory_space<hbm>>) target(%arg8 : memref<10000x16xf32, #tpu.memory_space<vmem_shared>>) target_semaphore(%run_scoped3A : memref<!tpu.dma_semaphore, #tpu.memory_space<semaphore_mem>>)
        tpu.wait_dma2 semaphore(%run_scoped3A : memref<!tpu.dma_semaphore, #tpu.memory_space<semaphore_mem>>) src(%arg4 : memref<10000x16xf32, #tpu.memory_space<hbm>>) dst(%arg8 : memref<10000x16xf32, #tpu.memory_space<vmem_shared>>)
        tpu.yield
      }) : () -> ()
    } else {
    }
    %barrier3A = arith.constant 0 : index
    tpu.barrier barrier_id(%barrier3A)
    %mul3A = arith.constant 16 : i32
    %mul3A_2 = arith.muli %arg0, %mul3A : i32
    %add3A = arith.addi %mul3A_2, %arg1 : i32
    %mul3A_3 = arith.constant 5120 : i32
    %mul3A_4 = arith.muli %add3A, %mul3A_3 : i32
    %scan3A = arith.constant 0 : i32
    %scan3A_5 = arith.constant 0 : i32
    %scan3A_6 = arith.constant 40 : i32
    %scan3A_7 = arith.addi %scan3A_5, %scan3A_6 : i32
    %scan3A_8 = arith.constant 1 : i32
    scf.for %scan3A_16 = %scan3A_5 to %scan3A_7 step %scan3A_8  : i32 {
      %mul3A_17 = arith.constant 128 : i32
      %mul3A_18 = arith.muli %scan3A_16, %mul3A_17 : i32
      %add3A_19 = arith.addi %mul3A_4, %mul3A_18 : i32
      %multiple_of3A_20 = tpu.assume_multiple %add3A_19, 128 : i32
      "tpu.region"() ({
        %run_scoped3A = tpu.sem_alloc : memref<!tpu.dma_semaphore, #tpu.memory_space<semaphore_mem>>
        %dma_start3A = tpu.memref_slice %arg2[%multiple_of3A_20] : memref<163840xi32, #tpu.memory_space<hbm>> -> memref<128xi32, #tpu.memory_space<hbm>>
        %dma_start3A_21 = tpu.memref_slice %arg2[%multiple_of3A_20] : memref<163840xi32, #tpu.memory_space<hbm>> -> memref<128xi32, #tpu.memory_space<hbm>>
        tpu.enqueue_dma source(%dma_start3A_21 : memref<128xi32, #tpu.memory_space<hbm>>) target(%arg6 : memref<128xi32, #tpu.memory_space<vmem>>) target_semaphore(%run_scoped3A : memref<!tpu.dma_semaphore, #tpu.memory_space<semaphore_mem>>)
        %dma_wait3A = tpu.memref_slice %arg2[%multiple_of3A_20] : memref<163840xi32, #tpu.memory_space<hbm>> -> memref<128xi32, #tpu.memory_space<hbm>>
        %dma_wait3A_22 = tpu.memref_slice %arg2[%multiple_of3A_20] : memref<163840xi32, #tpu.memory_space<hbm>> -> memref<128xi32, #tpu.memory_space<hbm>>
        tpu.wait_dma2 semaphore(%run_scoped3A : memref<!tpu.dma_semaphore, #tpu.memory_space<semaphore_mem>>) src(%dma_wait3A_22 : memref<128xi32, #tpu.memory_space<hbm>>) dst(%arg6 : memref<128xi32, #tpu.memory_space<vmem>>)
        tpu.yield
      }) : () -> ()
      "tpu.region"() ({
        %run_scoped3A = tpu.sem_alloc : memref<!tpu.dma_semaphore, #tpu.memory_space<semaphore_mem>>
        %dma_start3A = arith.constant 0 : i32
        %dma_start3A_21 = tpu.memref_slice %arg3[%multiple_of3A_20, %dma_start3A] : memref<163840x16xf32, #tpu.memory_space<hbm>> -> memref<128x16xf32, #tpu.memory_space<hbm>>
        %dma_start3A_22 = arith.constant 0 : i32
        %dma_start3A_23 = tpu.memref_slice %arg3[%multiple_of3A_20, %dma_start3A_22] : memref<163840x16xf32, #tpu.memory_space<hbm>> -> memref<128x16xf32, #tpu.memory_space<hbm>>
        tpu.enqueue_dma source(%dma_start3A_23 : memref<128x16xf32, #tpu.memory_space<hbm>>) target(%arg7 : memref<128x16xf32, #tpu.memory_space<vmem>>) target_semaphore(%run_scoped3A : memref<!tpu.dma_semaphore, #tpu.memory_space<semaphore_mem>>)
        %dma_wait3A = arith.constant 0 : i32
        %dma_wait3A_24 = tpu.memref_slice %arg3[%multiple_of3A_20, %dma_wait3A] : memref<163840x16xf32, #tpu.memory_space<hbm>> -> memref<128x16xf32, #tpu.memory_space<hbm>>
        %dma_wait3A_25 = arith.constant 0 : i32
        %dma_wait3A_26 = tpu.memref_slice %arg3[%multiple_of3A_20, %dma_wait3A_25] : memref<163840x16xf32, #tpu.memory_space<hbm>> -> memref<128x16xf32, #tpu.memory_space<hbm>>
        tpu.wait_dma2 semaphore(%run_scoped3A : memref<!tpu.dma_semaphore, #tpu.memory_space<semaphore_mem>>) src(%dma_wait3A_26 : memref<128x16xf32, #tpu.memory_space<hbm>>) dst(%arg7 : memref<128x16xf32, #tpu.memory_space<vmem>>)
        tpu.yield
      }) : () -> ()
      "tpu.region"() ({
        %run_scoped3A = tpu.sem_alloc : memref<!tpu.dma_semaphore, #tpu.memory_space<semaphore_mem>>
        %dma_start3A = arith.constant 0 : i32
        %dma_start3A_21 = arith.constant 0 : i32
        %dma_start3A_22 = tpu.memref_slice %arg8[%dma_start3A, %dma_start3A_21] : memref<10000x16xf32, #tpu.memory_space<vmem_shared>> -> memref<10000x16xf32, #tpu.memory_space<vmem_shared>>
        tpu.enqueue_indirect_dma source(%arg7 : memref<128x16xf32, #tpu.memory_space<vmem>>) target(%dma_start3A_22 : memref<10000x16xf32, #tpu.memory_space<vmem_shared>>) offsets(%arg6 : memref<128xi32, #tpu.memory_space<vmem>>) semaphore(%run_scoped3A : memref<!tpu.dma_semaphore, #tpu.memory_space<semaphore_mem>>) {add = true}
        %dma_wait3A = arith.constant 0 : i32
        %dma_wait3A_23 = arith.constant 0 : i32
        %dma_wait3A_24 = tpu.memref_slice %arg8[%dma_wait3A, %dma_wait3A_23] : memref<10000x16xf32, #tpu.memory_space<vmem_shared>> -> memref<10000x16xf32, #tpu.memory_space<vmem_shared>>
        tpu.wait_indirect_dma semaphore(%run_scoped3A : memref<!tpu.dma_semaphore, #tpu.memory_space<semaphore_mem>>) src(%arg7 : memref<128x16xf32, #tpu.memory_space<vmem>>) dst(%dma_wait3A_24 : memref<10000x16xf32, #tpu.memory_space<vmem_shared>>)
        tpu.yield
      }) : () -> ()
    }
    %scan3A_9 = arith.constant 40 : i32
    %barrier3A_10 = arith.constant 0 : index
    tpu.barrier barrier_id(%barrier3A_10)
    %mul3A_11 = arith.constant 624 : i32
    %mul3A_12 = arith.muli %arg1, %mul3A_11 : i32
    %multiple_of3A = tpu.assume_multiple %mul3A_12, 8 : i32
    %mul3A_13 = arith.constant 10000 : i32
    %mul3A_14 = arith.muli %arg0, %mul3A_13 : i32
    %add3A_15 = arith.addi %mul3A_14, %multiple_of3A : i32
    "tpu.region"() ({
      %run_scoped3A = tpu.sem_alloc : memref<!tpu.dma_semaphore, #tpu.memory_space<semaphore_mem>>
      %dma_start3A = arith.constant 0 : i32
      %dma_start3A_16 = tpu.memref_slice %arg5[%add3A_15, %dma_start3A] : memref<20000x16xf32, #tpu.memory_space<hbm>> -> memref<640x16xf32, #tpu.memory_space<hbm>>
      %dma_start3A_17 = arith.constant 0 : i32
      %dma_start3A_18 = tpu.memref_slice %arg8[%multiple_of3A, %dma_start3A_17] : memref<10000x16xf32, #tpu.memory_space<vmem_shared>> -> memref<640x16xf32, #tpu.memory_space<vmem_shared>>
      tpu.enqueue_dma source(%dma_start3A_18 : memref<640x16xf32, #tpu.memory_space<vmem_shared>>) target(%dma_start3A_16 : memref<640x16xf32, #tpu.memory_space<hbm>>) target_semaphore(%run_scoped3A : memref<!tpu.dma_semaphore, #tpu.memory_space<semaphore_mem>>)
      %dma_wait3A = arith.constant 0 : i32
      %dma_wait3A_19 = tpu.memref_slice %arg5[%add3A_15, %dma_wait3A] : memref<20000x16xf32, #tpu.memory_space<hbm>> -> memref<640x16xf32, #tpu.memory_space<hbm>>
      %dma_wait3A_20 = arith.constant 0 : i32
      %dma_wait3A_21 = tpu.memref_slice %arg8[%multiple_of3A, %dma_wait3A_20] : memref<10000x16xf32, #tpu.memory_space<vmem_shared>> -> memref<640x16xf32, #tpu.memory_space<vmem_shared>>
      tpu.wait_dma2 semaphore(%run_scoped3A : memref<!tpu.dma_semaphore, #tpu.memory_space<semaphore_mem>>) src(%dma_wait3A_21 : memref<640x16xf32, #tpu.memory_space<vmem_shared>>) dst(%dma_wait3A_19 : memref<640x16xf32, #tpu.memory_space<hbm>>)
      tpu.yield
    }) : () -> ()
    return
  }
}

#map = affine_map<(d0, d1) -> (0)>
#map1 = affine_map<(d0, d1) -> (0, 0)>
module attributes {stable_mosaic.version = 14 : i64} {
  func.func @gk(%arg0: i32, %arg1: i32, %arg2: memref<163840xi32, #tpu.memory_space<hbm>>, %arg3: memref<10000x256xf32, #tpu.memory_space<hbm>>, %arg4: memref<163840xi32, #tpu.memory_space<hbm>>, %arg5: memref<10000x128xf32, #tpu.memory_space<hbm>>, %arg6: memref<163840x256xf32, #tpu.memory_space<hbm>>, %arg7: memref<163840x128xf32, #tpu.memory_space<hbm>>, %arg8: memref<128xi32, #tpu.memory_space<vmem>>, %arg9: memref<128xi32, #tpu.memory_space<vmem>>, %arg10: memref<128x256xf32, #tpu.memory_space<vmem>>, %arg11: memref<128x128xf32, #tpu.memory_space<vmem>>, %arg12: memref<!tpu.dma_semaphore, #tpu.memory_space<semaphore_mem>>, %arg13: memref<!tpu.dma_semaphore, #tpu.memory_space<semaphore_mem>>) attributes {dimension_semantics = [#tpu.dimension_semantics<core_parallel>, #tpu.dimension_semantics<subcore_parallel>], iteration_bounds = array<i64: 2, 16>, scalar_prefetch = 0 : i64, scratch_operands = 6 : i64, tpu.core_type = #tpu.core_type<sc_vector_subcore>, window_params = [{transform_indices = #map}, {transform_indices = #map1}, {transform_indices = #map}, {transform_indices = #map1}, {transform_indices = #map1}, {transform_indices = #map1}]} {
    %mul3A = arith.constant 2 : i32
    %mul3A_0 = arith.muli %arg1, %mul3A : i32
    %add3A = arith.addi %mul3A_0, %arg0 : i32
    %mul3A_1 = arith.constant 5120 : i32
    %mul3A_2 = arith.muli %add3A, %mul3A_1 : i32
    %scan3A = arith.constant 0 : i32
    %scan3A_3 = arith.constant 0 : i32
    %scan3A_4 = arith.constant 40 : i32
    %scan3A_5 = arith.addi %scan3A_3, %scan3A_4 : i32
    %scan3A_6 = arith.constant 1 : i32
    scf.for %scan3A_8 = %scan3A_3 to %scan3A_5 step %scan3A_6  : i32 {
      %mul3A_9 = arith.constant 128 : i32
      %mul3A_10 = arith.muli %scan3A_8, %mul3A_9 : i32
      %add3A_11 = arith.addi %mul3A_2, %mul3A_10 : i32
      %multiple_of3A = tpu.assume_multiple %add3A_11, 128 : i32
      "tpu.region"() ({
        %run_scoped3A = tpu.sem_alloc : memref<!tpu.dma_semaphore, #tpu.memory_space<semaphore_mem>>
        %dma_start3A_22 = tpu.memref_slice %arg2[%multiple_of3A] : memref<163840xi32, #tpu.memory_space<hbm>> -> memref<128xi32, #tpu.memory_space<hbm>>
        %dma_start3A_23 = tpu.memref_slice %arg2[%multiple_of3A] : memref<163840xi32, #tpu.memory_space<hbm>> -> memref<128xi32, #tpu.memory_space<hbm>>
        tpu.enqueue_dma source(%dma_start3A_23 : memref<128xi32, #tpu.memory_space<hbm>>) target(%arg8 : memref<128xi32, #tpu.memory_space<vmem>>) target_semaphore(%run_scoped3A : memref<!tpu.dma_semaphore, #tpu.memory_space<semaphore_mem>>)
        %dma_wait3A_24 = tpu.memref_slice %arg2[%multiple_of3A] : memref<163840xi32, #tpu.memory_space<hbm>> -> memref<128xi32, #tpu.memory_space<hbm>>
        %dma_wait3A_25 = tpu.memref_slice %arg2[%multiple_of3A] : memref<163840xi32, #tpu.memory_space<hbm>> -> memref<128xi32, #tpu.memory_space<hbm>>
        tpu.wait_dma2 semaphore(%run_scoped3A : memref<!tpu.dma_semaphore, #tpu.memory_space<semaphore_mem>>) src(%dma_wait3A_25 : memref<128xi32, #tpu.memory_space<hbm>>) dst(%arg8 : memref<128xi32, #tpu.memory_space<vmem>>)
        tpu.yield
      }) : () -> ()
      "tpu.region"() ({
        %run_scoped3A = tpu.sem_alloc : memref<!tpu.dma_semaphore, #tpu.memory_space<semaphore_mem>>
        %dma_start3A_22 = tpu.memref_slice %arg4[%multiple_of3A] : memref<163840xi32, #tpu.memory_space<hbm>> -> memref<128xi32, #tpu.memory_space<hbm>>
        %dma_start3A_23 = tpu.memref_slice %arg4[%multiple_of3A] : memref<163840xi32, #tpu.memory_space<hbm>> -> memref<128xi32, #tpu.memory_space<hbm>>
        tpu.enqueue_dma source(%dma_start3A_23 : memref<128xi32, #tpu.memory_space<hbm>>) target(%arg9 : memref<128xi32, #tpu.memory_space<vmem>>) target_semaphore(%run_scoped3A : memref<!tpu.dma_semaphore, #tpu.memory_space<semaphore_mem>>)
        %dma_wait3A_24 = tpu.memref_slice %arg4[%multiple_of3A] : memref<163840xi32, #tpu.memory_space<hbm>> -> memref<128xi32, #tpu.memory_space<hbm>>
        %dma_wait3A_25 = tpu.memref_slice %arg4[%multiple_of3A] : memref<163840xi32, #tpu.memory_space<hbm>> -> memref<128xi32, #tpu.memory_space<hbm>>
        tpu.wait_dma2 semaphore(%run_scoped3A : memref<!tpu.dma_semaphore, #tpu.memory_space<semaphore_mem>>) src(%dma_wait3A_25 : memref<128xi32, #tpu.memory_space<hbm>>) dst(%arg9 : memref<128xi32, #tpu.memory_space<vmem>>)
        tpu.yield
      }) : () -> ()
      %dma_start3A = arith.constant 0 : i32
      %dma_start3A_12 = arith.constant 0 : i32
      %dma_start3A_13 = tpu.memref_slice %arg3[%dma_start3A, %dma_start3A_12] : memref<10000x256xf32, #tpu.memory_space<hbm>> -> memref<10000x256xf32, #tpu.memory_space<hbm>>
      tpu.enqueue_indirect_dma source(%dma_start3A_13 : memref<10000x256xf32, #tpu.memory_space<hbm>>) target(%arg10 : memref<128x256xf32, #tpu.memory_space<vmem>>) offsets(%arg8 : memref<128xi32, #tpu.memory_space<vmem>>) semaphore(%arg12 : memref<!tpu.dma_semaphore, #tpu.memory_space<semaphore_mem>>)
      %dma_start3A_14 = arith.constant 0 : i32
      %dma_start3A_15 = arith.constant 0 : i32
      %dma_start3A_16 = tpu.memref_slice %arg5[%dma_start3A_14, %dma_start3A_15] : memref<10000x128xf32, #tpu.memory_space<hbm>> -> memref<10000x128xf32, #tpu.memory_space<hbm>>
      tpu.enqueue_indirect_dma source(%dma_start3A_16 : memref<10000x128xf32, #tpu.memory_space<hbm>>) target(%arg11 : memref<128x128xf32, #tpu.memory_space<vmem>>) offsets(%arg9 : memref<128xi32, #tpu.memory_space<vmem>>) semaphore(%arg13 : memref<!tpu.dma_semaphore, #tpu.memory_space<semaphore_mem>>)
      %dma_wait3A = arith.constant 0 : i32
      %dma_wait3A_17 = arith.constant 0 : i32
      %dma_wait3A_18 = tpu.memref_slice %arg3[%dma_wait3A, %dma_wait3A_17] : memref<10000x256xf32, #tpu.memory_space<hbm>> -> memref<10000x256xf32, #tpu.memory_space<hbm>>
      tpu.wait_indirect_dma semaphore(%arg12 : memref<!tpu.dma_semaphore, #tpu.memory_space<semaphore_mem>>) src(%dma_wait3A_18 : memref<10000x256xf32, #tpu.memory_space<hbm>>) dst(%arg10 : memref<128x256xf32, #tpu.memory_space<vmem>>)
      %dma_wait3A_19 = arith.constant 0 : i32
      %dma_wait3A_20 = arith.constant 0 : i32
      %dma_wait3A_21 = tpu.memref_slice %arg5[%dma_wait3A_19, %dma_wait3A_20] : memref<10000x128xf32, #tpu.memory_space<hbm>> -> memref<10000x128xf32, #tpu.memory_space<hbm>>
      tpu.wait_indirect_dma semaphore(%arg13 : memref<!tpu.dma_semaphore, #tpu.memory_space<semaphore_mem>>) src(%dma_wait3A_21 : memref<10000x128xf32, #tpu.memory_space<hbm>>) dst(%arg11 : memref<128x128xf32, #tpu.memory_space<vmem>>)
      "tpu.region"() ({
        %run_scoped3A = tpu.sem_alloc : memref<!tpu.dma_semaphore, #tpu.memory_space<semaphore_mem>>
        %dma_start3A_22 = arith.constant 0 : i32
        %dma_start3A_23 = tpu.memref_slice %arg6[%multiple_of3A, %dma_start3A_22] : memref<163840x256xf32, #tpu.memory_space<hbm>> -> memref<128x256xf32, #tpu.memory_space<hbm>>
        %dma_start3A_24 = arith.constant 0 : i32
        %dma_start3A_25 = tpu.memref_slice %arg6[%multiple_of3A, %dma_start3A_24] : memref<163840x256xf32, #tpu.memory_space<hbm>> -> memref<128x256xf32, #tpu.memory_space<hbm>>
        tpu.enqueue_dma source(%arg10 : memref<128x256xf32, #tpu.memory_space<vmem>>) target(%dma_start3A_25 : memref<128x256xf32, #tpu.memory_space<hbm>>) target_semaphore(%run_scoped3A : memref<!tpu.dma_semaphore, #tpu.memory_space<semaphore_mem>>)
        %dma_wait3A_26 = arith.constant 0 : i32
        %dma_wait3A_27 = tpu.memref_slice %arg6[%multiple_of3A, %dma_wait3A_26] : memref<163840x256xf32, #tpu.memory_space<hbm>> -> memref<128x256xf32, #tpu.memory_space<hbm>>
        %dma_wait3A_28 = arith.constant 0 : i32
        %dma_wait3A_29 = tpu.memref_slice %arg6[%multiple_of3A, %dma_wait3A_28] : memref<163840x256xf32, #tpu.memory_space<hbm>> -> memref<128x256xf32, #tpu.memory_space<hbm>>
        tpu.wait_dma2 semaphore(%run_scoped3A : memref<!tpu.dma_semaphore, #tpu.memory_space<semaphore_mem>>) src(%arg10 : memref<128x256xf32, #tpu.memory_space<vmem>>) dst(%dma_wait3A_29 : memref<128x256xf32, #tpu.memory_space<hbm>>)
        tpu.yield
      }) : () -> ()
      "tpu.region"() ({
        %run_scoped3A = tpu.sem_alloc : memref<!tpu.dma_semaphore, #tpu.memory_space<semaphore_mem>>
        %dma_start3A_22 = arith.constant 0 : i32
        %dma_start3A_23 = tpu.memref_slice %arg7[%multiple_of3A, %dma_start3A_22] : memref<163840x128xf32, #tpu.memory_space<hbm>> -> memref<128x128xf32, #tpu.memory_space<hbm>>
        %dma_start3A_24 = arith.constant 0 : i32
        %dma_start3A_25 = tpu.memref_slice %arg7[%multiple_of3A, %dma_start3A_24] : memref<163840x128xf32, #tpu.memory_space<hbm>> -> memref<128x128xf32, #tpu.memory_space<hbm>>
        tpu.enqueue_dma source(%arg11 : memref<128x128xf32, #tpu.memory_space<vmem>>) target(%dma_start3A_25 : memref<128x128xf32, #tpu.memory_space<hbm>>) target_semaphore(%run_scoped3A : memref<!tpu.dma_semaphore, #tpu.memory_space<semaphore_mem>>)
        %dma_wait3A_26 = arith.constant 0 : i32
        %dma_wait3A_27 = tpu.memref_slice %arg7[%multiple_of3A, %dma_wait3A_26] : memref<163840x128xf32, #tpu.memory_space<hbm>> -> memref<128x128xf32, #tpu.memory_space<hbm>>
        %dma_wait3A_28 = arith.constant 0 : i32
        %dma_wait3A_29 = tpu.memref_slice %arg7[%multiple_of3A, %dma_wait3A_28] : memref<163840x128xf32, #tpu.memory_space<hbm>> -> memref<128x128xf32, #tpu.memory_space<hbm>>
        tpu.wait_dma2 semaphore(%run_scoped3A : memref<!tpu.dma_semaphore, #tpu.memory_space<semaphore_mem>>) src(%arg11 : memref<128x128xf32, #tpu.memory_space<vmem>>) dst(%dma_wait3A_29 : memref<128x128xf32, #tpu.memory_space<hbm>>)
        tpu.yield
      }) : () -> ()
    }
    %scan3A_7 = arith.constant 40 : i32
    return
  }
}

#map = affine_map<(d0, d1) -> (0)>
#map1 = affine_map<(d0, d1) -> (0, 0)>
module attributes {stable_mosaic.version = 14 : i64} {
  func.func @sk(%arg0: i32, %arg1: i32, %arg2: memref<163840xi32, #tpu.memory_space<hbm>>, %arg3: memref<163840x256xf32, #tpu.memory_space<hbm>>, %arg4: memref<10000x128xf32, #tpu.memory_space<hbm>>, %arg5: memref<10000x256xf32, #tpu.memory_space<hbm>>, %arg6: memref<128xi32, #tpu.memory_space<vmem>>, %arg7: memref<128x128xf32, #tpu.memory_space<vmem>>, %arg8: memref<10000x128xf32, #tpu.memory_space<vmem_shared>>) attributes {dimension_semantics = [#tpu.dimension_semantics<core_parallel>, #tpu.dimension_semantics<subcore_parallel>], iteration_bounds = array<i64: 2, 16>, scalar_prefetch = 0 : i64, scratch_operands = 3 : i64, tpu.core_type = #tpu.core_type<sc_vector_subcore>, window_params = [{transform_indices = #map}, {transform_indices = #map1}, {transform_indices = #map1}, {transform_indices = #map1}]} {
    %mul3A = arith.constant 128 : i32
    %mul3A_0 = arith.muli %arg0, %mul3A : i32
    %eq3A = arith.constant 0 : i32
    %eq3A_1 = arith.cmpi eq, %arg1, %eq3A : i32
    %convert_element_type3A = arith.extui %eq3A_1 : i1 to i32
    %cond3A = arith.constant 0 : i32
    %cond3A_2 = arith.cmpi ne, %convert_element_type3A, %cond3A : i32
    scf.if %cond3A_2 {
      "tpu.region"() ({
        %run_scoped3A = tpu.sem_alloc : memref<!tpu.dma_semaphore, #tpu.memory_space<semaphore_mem>>
        tpu.enqueue_dma source(%arg4 : memref<10000x128xf32, #tpu.memory_space<hbm>>) target(%arg8 : memref<10000x128xf32, #tpu.memory_space<vmem_shared>>) target_semaphore(%run_scoped3A : memref<!tpu.dma_semaphore, #tpu.memory_space<semaphore_mem>>)
        tpu.wait_dma2 semaphore(%run_scoped3A : memref<!tpu.dma_semaphore, #tpu.memory_space<semaphore_mem>>) src(%arg4 : memref<10000x128xf32, #tpu.memory_space<hbm>>) dst(%arg8 : memref<10000x128xf32, #tpu.memory_space<vmem_shared>>)
        tpu.yield
      }) : () -> ()
    } else {
    }
    %barrier3A = arith.constant 0 : index
    tpu.barrier barrier_id(%barrier3A)
    %mul3A_3 = arith.constant 10240 : i32
    %mul3A_4 = arith.muli %arg1, %mul3A_3 : i32
    %scan3A = arith.constant 0 : i32
    %scan3A_5 = arith.constant 0 : i32
    %scan3A_6 = arith.constant 80 : i32
    %scan3A_7 = arith.addi %scan3A_5, %scan3A_6 : i32
    %scan3A_8 = arith.constant 1 : i32
    scf.for %scan3A_13 = %scan3A_5 to %scan3A_7 step %scan3A_8  : i32 {
      %mul3A_14 = arith.constant 128 : i32
      %mul3A_15 = arith.muli %scan3A_13, %mul3A_14 : i32
      %add3A = arith.addi %mul3A_4, %mul3A_15 : i32
      %multiple_of3A_16 = tpu.assume_multiple %add3A, 128 : i32
      "tpu.region"() ({
        %run_scoped3A = tpu.sem_alloc : memref<!tpu.dma_semaphore, #tpu.memory_space<semaphore_mem>>
        %dma_start3A = tpu.memref_slice %arg2[%multiple_of3A_16] : memref<163840xi32, #tpu.memory_space<hbm>> -> memref<128xi32, #tpu.memory_space<hbm>>
        %dma_start3A_17 = tpu.memref_slice %arg2[%multiple_of3A_16] : memref<163840xi32, #tpu.memory_space<hbm>> -> memref<128xi32, #tpu.memory_space<hbm>>
        tpu.enqueue_dma source(%dma_start3A_17 : memref<128xi32, #tpu.memory_space<hbm>>) target(%arg6 : memref<128xi32, #tpu.memory_space<vmem>>) target_semaphore(%run_scoped3A : memref<!tpu.dma_semaphore, #tpu.memory_space<semaphore_mem>>)
        %dma_wait3A = tpu.memref_slice %arg2[%multiple_of3A_16] : memref<163840xi32, #tpu.memory_space<hbm>> -> memref<128xi32, #tpu.memory_space<hbm>>
        %dma_wait3A_18 = tpu.memref_slice %arg2[%multiple_of3A_16] : memref<163840xi32, #tpu.memory_space<hbm>> -> memref<128xi32, #tpu.memory_space<hbm>>
        tpu.wait_dma2 semaphore(%run_scoped3A : memref<!tpu.dma_semaphore, #tpu.memory_space<semaphore_mem>>) src(%dma_wait3A_18 : memref<128xi32, #tpu.memory_space<hbm>>) dst(%arg6 : memref<128xi32, #tpu.memory_space<vmem>>)
        tpu.yield
      }) : () -> ()
      "tpu.region"() ({
        %run_scoped3A = tpu.sem_alloc : memref<!tpu.dma_semaphore, #tpu.memory_space<semaphore_mem>>
        %dma_start3A = tpu.memref_slice %arg3[%multiple_of3A_16, %mul3A_0] : memref<163840x256xf32, #tpu.memory_space<hbm>> -> memref<128x128xf32, #tpu.memory_space<hbm>>
        %dma_start3A_17 = tpu.memref_slice %arg3[%multiple_of3A_16, %mul3A_0] : memref<163840x256xf32, #tpu.memory_space<hbm>> -> memref<128x128xf32, #tpu.memory_space<hbm>>
        tpu.enqueue_dma source(%dma_start3A_17 : memref<128x128xf32, #tpu.memory_space<hbm>>) target(%arg7 : memref<128x128xf32, #tpu.memory_space<vmem>>) target_semaphore(%run_scoped3A : memref<!tpu.dma_semaphore, #tpu.memory_space<semaphore_mem>>)
        %dma_wait3A = tpu.memref_slice %arg3[%multiple_of3A_16, %mul3A_0] : memref<163840x256xf32, #tpu.memory_space<hbm>> -> memref<128x128xf32, #tpu.memory_space<hbm>>
        %dma_wait3A_18 = tpu.memref_slice %arg3[%multiple_of3A_16, %mul3A_0] : memref<163840x256xf32, #tpu.memory_space<hbm>> -> memref<128x128xf32, #tpu.memory_space<hbm>>
        tpu.wait_dma2 semaphore(%run_scoped3A : memref<!tpu.dma_semaphore, #tpu.memory_space<semaphore_mem>>) src(%dma_wait3A_18 : memref<128x128xf32, #tpu.memory_space<hbm>>) dst(%arg7 : memref<128x128xf32, #tpu.memory_space<vmem>>)
        tpu.yield
      }) : () -> ()
      "tpu.region"() ({
        %run_scoped3A = tpu.sem_alloc : memref<!tpu.dma_semaphore, #tpu.memory_space<semaphore_mem>>
        %dma_start3A = arith.constant 0 : i32
        %dma_start3A_17 = arith.constant 0 : i32
        %dma_start3A_18 = tpu.memref_slice %arg8[%dma_start3A, %dma_start3A_17] : memref<10000x128xf32, #tpu.memory_space<vmem_shared>> -> memref<10000x128xf32, #tpu.memory_space<vmem_shared>>
        tpu.enqueue_indirect_dma source(%arg7 : memref<128x128xf32, #tpu.memory_space<vmem>>) target(%dma_start3A_18 : memref<10000x128xf32, #tpu.memory_space<vmem_shared>>) offsets(%arg6 : memref<128xi32, #tpu.memory_space<vmem>>) semaphore(%run_scoped3A : memref<!tpu.dma_semaphore, #tpu.memory_space<semaphore_mem>>) {add = true}
        %dma_wait3A = arith.constant 0 : i32
        %dma_wait3A_19 = arith.constant 0 : i32
        %dma_wait3A_20 = tpu.memref_slice %arg8[%dma_wait3A, %dma_wait3A_19] : memref<10000x128xf32, #tpu.memory_space<vmem_shared>> -> memref<10000x128xf32, #tpu.memory_space<vmem_shared>>
        tpu.wait_indirect_dma semaphore(%run_scoped3A : memref<!tpu.dma_semaphore, #tpu.memory_space<semaphore_mem>>) src(%arg7 : memref<128x128xf32, #tpu.memory_space<vmem>>) dst(%dma_wait3A_20 : memref<10000x128xf32, #tpu.memory_space<vmem_shared>>)
        tpu.yield
      }) : () -> ()
    }
    %scan3A_9 = arith.constant 80 : i32
    %barrier3A_10 = arith.constant 0 : index
    tpu.barrier barrier_id(%barrier3A_10)
    %mul3A_11 = arith.constant 624 : i32
    %mul3A_12 = arith.muli %arg1, %mul3A_11 : i32
    %multiple_of3A = tpu.assume_multiple %mul3A_12, 8 : i32
    "tpu.region"() ({
      %run_scoped3A = tpu.sem_alloc : memref<!tpu.dma_semaphore, #tpu.memory_space<semaphore_mem>>
      %dma_start3A = tpu.memref_slice %arg5[%multiple_of3A, %mul3A_0] : memref<10000x256xf32, #tpu.memory_space<hbm>> -> memref<640x128xf32, #tpu.memory_space<hbm>>
      %dma_start3A_13 = arith.constant 0 : i32
      %dma_start3A_14 = tpu.memref_slice %arg8[%multiple_of3A, %dma_start3A_13] : memref<10000x128xf32, #tpu.memory_space<vmem_shared>> -> memref<640x128xf32, #tpu.memory_space<vmem_shared>>
      tpu.enqueue_dma source(%dma_start3A_14 : memref<640x128xf32, #tpu.memory_space<vmem_shared>>) target(%dma_start3A : memref<640x128xf32, #tpu.memory_space<hbm>>) target_semaphore(%run_scoped3A : memref<!tpu.dma_semaphore, #tpu.memory_space<semaphore_mem>>)
      %dma_wait3A = tpu.memref_slice %arg5[%multiple_of3A, %mul3A_0] : memref<10000x256xf32, #tpu.memory_space<hbm>> -> memref<640x128xf32, #tpu.memory_space<hbm>>
      %dma_wait3A_15 = arith.constant 0 : i32
      %dma_wait3A_16 = tpu.memref_slice %arg8[%multiple_of3A, %dma_wait3A_15] : memref<10000x128xf32, #tpu.memory_space<vmem_shared>> -> memref<640x128xf32, #tpu.memory_space<vmem_shared>>
      tpu.wait_dma2 semaphore(%run_scoped3A : memref<!tpu.dma_semaphore, #tpu.memory_space<semaphore_mem>>) src(%dma_wait3A_16 : memref<640x128xf32, #tpu.memory_space<vmem_shared>>) dst(%dma_wait3A : memref<640x128xf32, #tpu.memory_space<hbm>>)
      tpu.yield
    }) : () -> ()
    return
  }
}

#map = affine_map<(d0, d1) -> (0)>
#map1 = affine_map<(d0, d1) -> (0, 0)>
module attributes {stable_mosaic.version = 14 : i64} {
  func.func @gk(%arg0: i32, %arg1: i32, %arg2: memref<163840xi32, #tpu.memory_space<hbm>>, %arg3: memref<10000x128xf32, #tpu.memory_space<hbm>>, %arg4: memref<163840xi32, #tpu.memory_space<hbm>>, %arg5: memref<10000x128xf32, #tpu.memory_space<hbm>>, %arg6: memref<163840x128xf32, #tpu.memory_space<hbm>>, %arg7: memref<163840x128xf32, #tpu.memory_space<hbm>>, %arg8: memref<128xi32, #tpu.memory_space<vmem>>, %arg9: memref<128xi32, #tpu.memory_space<vmem>>, %arg10: memref<128x128xf32, #tpu.memory_space<vmem>>, %arg11: memref<128x128xf32, #tpu.memory_space<vmem>>, %arg12: memref<!tpu.dma_semaphore, #tpu.memory_space<semaphore_mem>>, %arg13: memref<!tpu.dma_semaphore, #tpu.memory_space<semaphore_mem>>) attributes {dimension_semantics = [#tpu.dimension_semantics<core_parallel>, #tpu.dimension_semantics<subcore_parallel>], iteration_bounds = array<i64: 2, 16>, scalar_prefetch = 0 : i64, scratch_operands = 6 : i64, tpu.core_type = #tpu.core_type<sc_vector_subcore>, window_params = [{transform_indices = #map}, {transform_indices = #map1}, {transform_indices = #map}, {transform_indices = #map1}, {transform_indices = #map1}, {transform_indices = #map1}]} {
    %mul3A = arith.constant 2 : i32
    %mul3A_0 = arith.muli %arg1, %mul3A : i32
    %add3A = arith.addi %mul3A_0, %arg0 : i32
    %mul3A_1 = arith.constant 5120 : i32
    %mul3A_2 = arith.muli %add3A, %mul3A_1 : i32
    %scan3A = arith.constant 0 : i32
    %scan3A_3 = arith.constant 0 : i32
    %scan3A_4 = arith.constant 40 : i32
    %scan3A_5 = arith.addi %scan3A_3, %scan3A_4 : i32
    %scan3A_6 = arith.constant 1 : i32
    scf.for %scan3A_8 = %scan3A_3 to %scan3A_5 step %scan3A_6  : i32 {
      %mul3A_9 = arith.constant 128 : i32
      %mul3A_10 = arith.muli %scan3A_8, %mul3A_9 : i32
      %add3A_11 = arith.addi %mul3A_2, %mul3A_10 : i32
      %multiple_of3A = tpu.assume_multiple %add3A_11, 128 : i32
      "tpu.region"() ({
        %run_scoped3A = tpu.sem_alloc : memref<!tpu.dma_semaphore, #tpu.memory_space<semaphore_mem>>
        %dma_start3A_22 = tpu.memref_slice %arg2[%multiple_of3A] : memref<163840xi32, #tpu.memory_space<hbm>> -> memref<128xi32, #tpu.memory_space<hbm>>
        %dma_start3A_23 = tpu.memref_slice %arg2[%multiple_of3A] : memref<163840xi32, #tpu.memory_space<hbm>> -> memref<128xi32, #tpu.memory_space<hbm>>
        tpu.enqueue_dma source(%dma_start3A_23 : memref<128xi32, #tpu.memory_space<hbm>>) target(%arg8 : memref<128xi32, #tpu.memory_space<vmem>>) target_semaphore(%run_scoped3A : memref<!tpu.dma_semaphore, #tpu.memory_space<semaphore_mem>>)
        %dma_wait3A_24 = tpu.memref_slice %arg2[%multiple_of3A] : memref<163840xi32, #tpu.memory_space<hbm>> -> memref<128xi32, #tpu.memory_space<hbm>>
        %dma_wait3A_25 = tpu.memref_slice %arg2[%multiple_of3A] : memref<163840xi32, #tpu.memory_space<hbm>> -> memref<128xi32, #tpu.memory_space<hbm>>
        tpu.wait_dma2 semaphore(%run_scoped3A : memref<!tpu.dma_semaphore, #tpu.memory_space<semaphore_mem>>) src(%dma_wait3A_25 : memref<128xi32, #tpu.memory_space<hbm>>) dst(%arg8 : memref<128xi32, #tpu.memory_space<vmem>>)
        tpu.yield
      }) : () -> ()
      "tpu.region"() ({
        %run_scoped3A = tpu.sem_alloc : memref<!tpu.dma_semaphore, #tpu.memory_space<semaphore_mem>>
        %dma_start3A_22 = tpu.memref_slice %arg4[%multiple_of3A] : memref<163840xi32, #tpu.memory_space<hbm>> -> memref<128xi32, #tpu.memory_space<hbm>>
        %dma_start3A_23 = tpu.memref_slice %arg4[%multiple_of3A] : memref<163840xi32, #tpu.memory_space<hbm>> -> memref<128xi32, #tpu.memory_space<hbm>>
        tpu.enqueue_dma source(%dma_start3A_23 : memref<128xi32, #tpu.memory_space<hbm>>) target(%arg9 : memref<128xi32, #tpu.memory_space<vmem>>) target_semaphore(%run_scoped3A : memref<!tpu.dma_semaphore, #tpu.memory_space<semaphore_mem>>)
        %dma_wait3A_24 = tpu.memref_slice %arg4[%multiple_of3A] : memref<163840xi32, #tpu.memory_space<hbm>> -> memref<128xi32, #tpu.memory_space<hbm>>
        %dma_wait3A_25 = tpu.memref_slice %arg4[%multiple_of3A] : memref<163840xi32, #tpu.memory_space<hbm>> -> memref<128xi32, #tpu.memory_space<hbm>>
        tpu.wait_dma2 semaphore(%run_scoped3A : memref<!tpu.dma_semaphore, #tpu.memory_space<semaphore_mem>>) src(%dma_wait3A_25 : memref<128xi32, #tpu.memory_space<hbm>>) dst(%arg9 : memref<128xi32, #tpu.memory_space<vmem>>)
        tpu.yield
      }) : () -> ()
      %dma_start3A = arith.constant 0 : i32
      %dma_start3A_12 = arith.constant 0 : i32
      %dma_start3A_13 = tpu.memref_slice %arg3[%dma_start3A, %dma_start3A_12] : memref<10000x128xf32, #tpu.memory_space<hbm>> -> memref<10000x128xf32, #tpu.memory_space<hbm>>
      tpu.enqueue_indirect_dma source(%dma_start3A_13 : memref<10000x128xf32, #tpu.memory_space<hbm>>) target(%arg10 : memref<128x128xf32, #tpu.memory_space<vmem>>) offsets(%arg8 : memref<128xi32, #tpu.memory_space<vmem>>) semaphore(%arg12 : memref<!tpu.dma_semaphore, #tpu.memory_space<semaphore_mem>>)
      %dma_start3A_14 = arith.constant 0 : i32
      %dma_start3A_15 = arith.constant 0 : i32
      %dma_start3A_16 = tpu.memref_slice %arg5[%dma_start3A_14, %dma_start3A_15] : memref<10000x128xf32, #tpu.memory_space<hbm>> -> memref<10000x128xf32, #tpu.memory_space<hbm>>
      tpu.enqueue_indirect_dma source(%dma_start3A_16 : memref<10000x128xf32, #tpu.memory_space<hbm>>) target(%arg11 : memref<128x128xf32, #tpu.memory_space<vmem>>) offsets(%arg9 : memref<128xi32, #tpu.memory_space<vmem>>) semaphore(%arg13 : memref<!tpu.dma_semaphore, #tpu.memory_space<semaphore_mem>>)
      %dma_wait3A = arith.constant 0 : i32
      %dma_wait3A_17 = arith.constant 0 : i32
      %dma_wait3A_18 = tpu.memref_slice %arg3[%dma_wait3A, %dma_wait3A_17] : memref<10000x128xf32, #tpu.memory_space<hbm>> -> memref<10000x128xf32, #tpu.memory_space<hbm>>
      tpu.wait_indirect_dma semaphore(%arg12 : memref<!tpu.dma_semaphore, #tpu.memory_space<semaphore_mem>>) src(%dma_wait3A_18 : memref<10000x128xf32, #tpu.memory_space<hbm>>) dst(%arg10 : memref<128x128xf32, #tpu.memory_space<vmem>>)
      %dma_wait3A_19 = arith.constant 0 : i32
      %dma_wait3A_20 = arith.constant 0 : i32
      %dma_wait3A_21 = tpu.memref_slice %arg5[%dma_wait3A_19, %dma_wait3A_20] : memref<10000x128xf32, #tpu.memory_space<hbm>> -> memref<10000x128xf32, #tpu.memory_space<hbm>>
      tpu.wait_indirect_dma semaphore(%arg13 : memref<!tpu.dma_semaphore, #tpu.memory_space<semaphore_mem>>) src(%dma_wait3A_21 : memref<10000x128xf32, #tpu.memory_space<hbm>>) dst(%arg11 : memref<128x128xf32, #tpu.memory_space<vmem>>)
      "tpu.region"() ({
        %run_scoped3A = tpu.sem_alloc : memref<!tpu.dma_semaphore, #tpu.memory_space<semaphore_mem>>
        %dma_start3A_22 = arith.constant 0 : i32
        %dma_start3A_23 = tpu.memref_slice %arg6[%multiple_of3A, %dma_start3A_22] : memref<163840x128xf32, #tpu.memory_space<hbm>> -> memref<128x128xf32, #tpu.memory_space<hbm>>
        %dma_start3A_24 = arith.constant 0 : i32
        %dma_start3A_25 = tpu.memref_slice %arg6[%multiple_of3A, %dma_start3A_24] : memref<163840x128xf32, #tpu.memory_space<hbm>> -> memref<128x128xf32, #tpu.memory_space<hbm>>
        tpu.enqueue_dma source(%arg10 : memref<128x128xf32, #tpu.memory_space<vmem>>) target(%dma_start3A_25 : memref<128x128xf32, #tpu.memory_space<hbm>>) target_semaphore(%run_scoped3A : memref<!tpu.dma_semaphore, #tpu.memory_space<semaphore_mem>>)
        %dma_wait3A_26 = arith.constant 0 : i32
        %dma_wait3A_27 = tpu.memref_slice %arg6[%multiple_of3A, %dma_wait3A_26] : memref<163840x128xf32, #tpu.memory_space<hbm>> -> memref<128x128xf32, #tpu.memory_space<hbm>>
        %dma_wait3A_28 = arith.constant 0 : i32
        %dma_wait3A_29 = tpu.memref_slice %arg6[%multiple_of3A, %dma_wait3A_28] : memref<163840x128xf32, #tpu.memory_space<hbm>> -> memref<128x128xf32, #tpu.memory_space<hbm>>
        tpu.wait_dma2 semaphore(%run_scoped3A : memref<!tpu.dma_semaphore, #tpu.memory_space<semaphore_mem>>) src(%arg10 : memref<128x128xf32, #tpu.memory_space<vmem>>) dst(%dma_wait3A_29 : memref<128x128xf32, #tpu.memory_space<hbm>>)
        tpu.yield
      }) : () -> ()
      "tpu.region"() ({
        %run_scoped3A = tpu.sem_alloc : memref<!tpu.dma_semaphore, #tpu.memory_space<semaphore_mem>>
        %dma_start3A_22 = arith.constant 0 : i32
        %dma_start3A_23 = tpu.memref_slice %arg7[%multiple_of3A, %dma_start3A_22] : memref<163840x128xf32, #tpu.memory_space<hbm>> -> memref<128x128xf32, #tpu.memory_space<hbm>>
        %dma_start3A_24 = arith.constant 0 : i32
        %dma_start3A_25 = tpu.memref_slice %arg7[%multiple_of3A, %dma_start3A_24] : memref<163840x128xf32, #tpu.memory_space<hbm>> -> memref<128x128xf32, #tpu.memory_space<hbm>>
        tpu.enqueue_dma source(%arg11 : memref<128x128xf32, #tpu.memory_space<vmem>>) target(%dma_start3A_25 : memref<128x128xf32, #tpu.memory_space<hbm>>) target_semaphore(%run_scoped3A : memref<!tpu.dma_semaphore, #tpu.memory_space<semaphore_mem>>)
        %dma_wait3A_26 = arith.constant 0 : i32
        %dma_wait3A_27 = tpu.memref_slice %arg7[%multiple_of3A, %dma_wait3A_26] : memref<163840x128xf32, #tpu.memory_space<hbm>> -> memref<128x128xf32, #tpu.memory_space<hbm>>
        %dma_wait3A_28 = arith.constant 0 : i32
        %dma_wait3A_29 = tpu.memref_slice %arg7[%multiple_of3A, %dma_wait3A_28] : memref<163840x128xf32, #tpu.memory_space<hbm>> -> memref<128x128xf32, #tpu.memory_space<hbm>>
        tpu.wait_dma2 semaphore(%run_scoped3A : memref<!tpu.dma_semaphore, #tpu.memory_space<semaphore_mem>>) src(%arg11 : memref<128x128xf32, #tpu.memory_space<vmem>>) dst(%dma_wait3A_29 : memref<128x128xf32, #tpu.memory_space<hbm>>)
        tpu.yield
      }) : () -> ()
    }
    %scan3A_7 = arith.constant 40 : i32
    return
  }
}

module attributes {stable_mosaic.version = 14 : i64} {
  func.func @_nnconv_pre_body(%arg0: i32, %arg1: memref<2000x128xf32, #tpu.memory_space<vmem>>, %arg2: memref<128x128xf32, #tpu.memory_space<vmem>>, %arg3: memref<128x8xf32, #tpu.memory_space<vmem>>, %arg4: memref<2000x128xf32, #tpu.memory_space<vmem>>, %arg5: memref<2000x8xf32, #tpu.memory_space<vmem>>) attributes {dimension_semantics = [#tpu.dimension_semantics<arbitrary>], iteration_bounds = array<i64: 5>, scalar_prefetch = 0 : i64, scratch_operands = 0 : i64, tpu.core_type = #tpu.core_type<tc>, window_params = [{transform_indices = @transform_0, window_bounds = array<i64: 2000, 128>}, {pipeline_mode = #tpu.pipeline_mode<synchronous>, transform_indices = @transform_1, window_bounds = array<i64: 128, 128>}, {pipeline_mode = #tpu.pipeline_mode<synchronous>, transform_indices = @transform_2, window_bounds = array<i64: 128, 8>}, {transform_indices = @transform_3, window_bounds = array<i64: 2000, 128>}, {transform_indices = @transform_4, window_bounds = array<i64: 2000, 8>}]} {
    %get3A = arith.constant 0 : index
    %get3A_0 = arith.constant 0 : index
    %get3A_1 = vector.load %arg1[%get3A, %get3A_0] : memref<2000x128xf32, #tpu.memory_space<vmem>>, vector<2000x128xf32>
    %get3A_2 = arith.constant 0 : index
    %get3A_3 = arith.constant 0 : index
    %get3A_4 = vector.load %arg2[%get3A_2, %get3A_3] : memref<128x128xf32, #tpu.memory_space<vmem>>, vector<128x128xf32>
    %dot_general3A = arith.constant dense<0.000000e+00> : vector<2000x128xf32>
    %dot_general3A_5 = tpu.matmul %get3A_1, %get3A_4, %dot_general3A {dimension_numbers = #tpu.dot_dimension_numbers<[1], [0], [0], [1], [0, 0, 1, 1], [], []>, transpose_lhs_hint = false} : vector<2000x128xf32>, vector<128x128xf32>, vector<2000x128xf32> -> vector<2000x128xf32>
    %swap3A = arith.constant 0 : index
    %swap3A_6 = arith.constant 0 : index
    %swap3A_7 = vector.load %arg4[%swap3A, %swap3A_6] : memref<2000x128xf32, #tpu.memory_space<vmem>>, vector<2000x128xf32>
    tpu.vector_store %arg4[%swap3A, %swap3A_6], %dot_general3A_5 {strides = array<i32>} : memref<2000x128xf32, #tpu.memory_space<vmem>>, vector<2000x128xf32>,
    %get3A_8 = arith.constant 0 : index
    %get3A_9 = arith.constant 0 : index
    %get3A_10 = vector.load %arg3[%get3A_8, %get3A_9] : memref<128x8xf32, #tpu.memory_space<vmem>>, vector<128x8xf32>
    %dot_general3A_11 = arith.constant dense<0.000000e+00> : vector<2000x8xf32>
    %dot_general3A_12 = tpu.matmul %get3A_1, %get3A_10, %dot_general3A_11 {dimension_numbers = #tpu.dot_dimension_numbers<[1], [0], [0], [1], [0, 0, 1, 1], [], []>, transpose_lhs_hint = false} : vector<2000x128xf32>, vector<128x8xf32>, vector<2000x8xf32> -> vector<2000x8xf32>
    %swap3A_13 = arith.constant 0 : index
    %swap3A_14 = arith.constant 0 : index
    %swap3A_15 = vector.load %arg5[%swap3A_13, %swap3A_14] : memref<2000x8xf32, #tpu.memory_space<vmem>>, vector<2000x8xf32>
    tpu.vector_store %arg5[%swap3A_13, %swap3A_14], %dot_general3A_12 {strides = array<i32>} : memref<2000x8xf32, #tpu.memory_space<vmem>>, vector<2000x8xf32>,
    return
  }
  func.func @transform_0(%arg0: i32) -> (i32, i32) {
    %c0_i32 = arith.constant 0 : i32
    %c0_i32_0 = arith.constant 0 : i32
    return %arg0, %c0_i32 : i32, i32
  }
  func.func @transform_1(%arg0: i32) -> (i32, i32) {
    %c0_i32 = arith.constant 0 : i32
    %c0_i32_0 = arith.constant 0 : i32
    %c0_i32_1 = arith.constant 0 : i32
    return %c0_i32, %c0_i32_0 : i32, i32
  }
  func.func @transform_2(%arg0: i32) -> (i32, i32) {
    %c0_i32 = arith.constant 0 : i32
    %c0_i32_0 = arith.constant 0 : i32
    %c0_i32_1 = arith.constant 0 : i32
    return %c0_i32, %c0_i32_0 : i32, i32
  }
  func.func @transform_3(%arg0: i32) -> (i32, i32) {
    %c0_i32 = arith.constant 0 : i32
    %c0_i32_0 = arith.constant 0 : i32
    return %arg0, %c0_i32 : i32, i32
  }
  func.func @transform_4(%arg0: i32) -> (i32, i32) {
    %c0_i32 = arith.constant 0 : i32
    %c0_i32_0 = arith.constant 0 : i32
    return %arg0, %c0_i32 : i32, i32
  }
}

module attributes {stable_mosaic.version = 14 : i64} {
  func.func @_nnconv_msg_body(%arg0: i32, %arg1: memref<1024x128xf32, #tpu.memory_space<vmem>>, %arg2: memref<1024x8xf32, #tpu.memory_space<vmem>>, %arg3: memref<8x8xf32, #tpu.memory_space<vmem>>, %arg4: memref<1x8xf32, #tpu.memory_space<vmem>>, %arg5: memref<8x64xf32, #tpu.memory_space<vmem>>, %arg6: memref<64x8xf32, #tpu.memory_space<vmem>>, %arg7: memref<1024x16xf32, #tpu.memory_space<vmem>>) attributes {dimension_semantics = [#tpu.dimension_semantics<arbitrary>], iteration_bounds = array<i64: 160>, scalar_prefetch = 0 : i64, scratch_operands = 0 : i64, tpu.core_type = #tpu.core_type<tc>, window_params = [{transform_indices = @transform_0, window_bounds = array<i64: 1024, 128>}, {transform_indices = @transform_1, window_bounds = array<i64: 1024, 8>}, {pipeline_mode = #tpu.pipeline_mode<synchronous>, transform_indices = @transform_2, window_bounds = array<i64: 8, 8>}, {pipeline_mode = #tpu.pipeline_mode<synchronous>, transform_indices = @transform_3, window_bounds = array<i64: 1, 8>}, {pipeline_mode = #tpu.pipeline_mode<synchronous>, transform_indices = @transform_4, window_bounds = array<i64: 8, 64>}, {pipeline_mode = #tpu.pipeline_mode<synchronous>, transform_indices = @transform_5, window_bounds = array<i64: 64, 8>}, {transform_indices = @transform_6, window_bounds = array<i64: 1024, 16>}]} {
    %get3A = arith.constant 0 : index
    %get3A_0 = arith.constant 0 : index
    %get3A_1 = vector.load %arg2[%get3A, %get3A_0] : memref<1024x8xf32, #tpu.memory_space<vmem>>, vector<1024x8xf32>
    %get3A_2 = arith.constant 0 : index
    %get3A_3 = arith.constant 0 : index
    %get3A_4 = vector.load %arg3[%get3A_2, %get3A_3] : memref<8x8xf32, #tpu.memory_space<vmem>>, vector<8x8xf32>
    %dot_general3A = arith.constant dense<0.000000e+00> : vector<1024x8xf32>
    %dot_general3A_5 = tpu.matmul %get3A_1, %get3A_4, %dot_general3A {dimension_numbers = #tpu.dot_dimension_numbers<[1], [0], [0], [1], [0, 0, 1, 1], [], []>, transpose_lhs_hint = false} : vector<1024x8xf32>, vector<8x8xf32>, vector<1024x8xf32> -> vector<1024x8xf32>
    %get3A_6 = arith.constant 0 : index
    %get3A_7 = arith.constant 0 : index
    %get3A_8 = vector.load %arg4[%get3A_6, %get3A_7] : memref<1x8xf32, #tpu.memory_space<vmem>>, vector<1x8xf32>
    %add3A = vector.broadcast %get3A_8 : vector<1x8xf32> to vector<1024x8xf32>
    %add3A_9 = arith.addf %dot_general3A_5, %add3A : vector<1024x8xf32>
    %max3A = arith.constant 0.000000e+00 : f32
    %max3A_10 = vector.broadcast %max3A : f32 to vector<1024x8xf32>
    %max3A_11 = arith.maximumf %add3A_9, %max3A_10 : vector<1024x8xf32>
    %get3A_12 = arith.constant 0 : index
    %get3A_13 = arith.constant 0 : index
    %get3A_14 = vector.load %arg5[%get3A_12, %get3A_13] : memref<8x64xf32, #tpu.memory_space<vmem>>, vector<8x64xf32>
    %dot_general3A_15 = arith.constant dense<0.000000e+00> : vector<1024x64xf32>
    %dot_general3A_16 = tpu.matmul %max3A_11, %get3A_14, %dot_general3A_15 {dimension_numbers = #tpu.dot_dimension_numbers<[1], [0], [0], [1], [0, 0, 1, 1], [], []>, transpose_lhs_hint = false} : vector<1024x8xf32>, vector<8x64xf32>, vector<1024x64xf32> -> vector<1024x64xf32>
    %get3A_17 = arith.constant 0 : index
    %get3A_18 = arith.constant 0 : index
    %get3A_19 = vector.load %arg1[%get3A_17, %get3A_18] : memref<1024x128xf32, #tpu.memory_space<vmem>>, vector<1024x128xf32>
    %slice3A = vector.extract_strided_slice %get3A_19 {offsets = [0, 0], sizes = [1024, 64], strides = [1, 1]} : vector<1024x128xf32> to vector<1024x64xf32>
    %mul3A = arith.mulf %dot_general3A_16, %slice3A : vector<1024x64xf32>
    %get3A_20 = arith.constant 0 : index
    %get3A_21 = arith.constant 0 : index
    %get3A_22 = vector.load %arg6[%get3A_20, %get3A_21] : memref<64x8xf32, #tpu.memory_space<vmem>>, vector<64x8xf32>
    %dot_general3A_23 = arith.constant dense<0.000000e+00> : vector<1024x8xf32>
    %dot_general3A_24 = tpu.matmul %mul3A, %get3A_22, %dot_general3A_23 {dimension_numbers = #tpu.dot_dimension_numbers<[1], [0], [0], [1], [0, 0, 1, 1], [], []>, transpose_lhs_hint = false} : vector<1024x64xf32>, vector<64x8xf32>, vector<1024x8xf32> -> vector<1024x8xf32>
    %slice3A_25 = vector.extract_strided_slice %get3A_19 {offsets = [0, 64], sizes = [1024, 8], strides = [1, 1]} : vector<1024x128xf32> to vector<1024x8xf32>
    %add3A_26 = arith.addf %dot_general3A_24, %slice3A_25 : vector<1024x8xf32>
    %mul3A_27 = arith.constant 1024 : i32
    %mul3A_28 = arith.muli %arg0, %mul3A_27 : i32
    %iota3A = tpu.iota {dimensions = array<i32: 0>} : vector<1024x1xi32>
    %add3A_29 = vector.broadcast %mul3A_28 : i32 to vector<1024x1xi32>
    %add3A_30 = arith.addi %add3A_29, %iota3A : vector<1024x1xi32>
    %lt3A = arith.constant 160000 : i32
    %lt3A_31 = vector.broadcast %lt3A : i32 to vector<1024x1xi32>
    %lt3A_32 = arith.cmpi slt, %add3A_30, %lt3A_31 : vector<1024x1xi32>
    %convert_element_type3A = arith.extui %lt3A_32 : vector<1024x1xi1> to vector<1024x1xi32>
    %convert_element_type3A_33 = arith.sitofp %convert_element_type3A : vector<1024x1xi32> to vector<1024x1xf32>
    %mul3A_34 = vector.broadcast %convert_element_type3A_33 : vector<1024x1xf32> to vector<1024x8xf32>
    %mul3A_35 = arith.mulf %add3A_26, %mul3A_34 : vector<1024x8xf32>
    %broadcast_in_dim3A = arith.constant 0.000000e+00 : f32
    %broadcast_in_dim3A_36 = vector.broadcast %broadcast_in_dim3A : f32 to vector<1024x8xf32>
    %concatenate3A = tpu.concatenate %mul3A_35, %broadcast_in_dim3A_36 in 1 : vector<1024x8xf32>, vector<1024x8xf32> -> vector<1024x16xf32>
    %swap3A = arith.constant 0 : index
    %swap3A_37 = arith.constant 0 : index
    %swap3A_38 = vector.load %arg7[%swap3A, %swap3A_37] : memref<1024x16xf32, #tpu.memory_space<vmem>>, vector<1024x16xf32>
    tpu.vector_store %arg7[%swap3A, %swap3A_37], %concatenate3A {strides = array<i32>} : memref<1024x16xf32, #tpu.memory_space<vmem>>, vector<1024x16xf32>,
    return
  }
  func.func @transform_0(%arg0: i32) -> (i32, i32) {
    %c0_i32 = arith.constant 0 : i32
    %c0_i32_0 = arith.constant 0 : i32
    return %arg0, %c0_i32 : i32, i32
  }
  func.func @transform_1(%arg0: i32) -> (i32, i32) {
    %c0_i32 = arith.constant 0 : i32
    %c0_i32_0 = arith.constant 0 : i32
    return %arg0, %c0_i32 : i32, i32
  }
  func.func @transform_2(%arg0: i32) -> (i32, i32) {
    %c0_i32 = arith.constant 0 : i32
    %c0_i32_0 = arith.constant 0 : i32
    %c0_i32_1 = arith.constant 0 : i32
    return %c0_i32, %c0_i32_0 : i32, i32
  }
  func.func @transform_3(%arg0: i32) -> (i32, i32) {
    %c0_i32 = arith.constant 0 : i32
    %c0_i32_0 = arith.constant 0 : i32
    %c0_i32_1 = arith.constant 0 : i32
    return %c0_i32, %c0_i32_0 : i32, i32
  }
  func.func @transform_4(%arg0: i32) -> (i32, i32) {
    %c0_i32 = arith.constant 0 : i32
    %c0_i32_0 = arith.constant 0 : i32
    %c0_i32_1 = arith.constant 0 : i32
    return %c0_i32, %c0_i32_0 : i32, i32
  }
  func.func @transform_5(%arg0: i32) -> (i32, i32) {
    %c0_i32 = arith.constant 0 : i32
    %c0_i32_0 = arith.constant 0 : i32
    %c0_i32_1 = arith.constant 0 : i32
    return %c0_i32, %c0_i32_0 : i32, i32
  }
  func.func @transform_6(%arg0: i32) -> (i32, i32) {
    %c0_i32 = arith.constant 0 : i32
    %c0_i32_0 = arith.constant 0 : i32
    return %arg0, %c0_i32 : i32, i32
  }
}

module attributes {stable_mosaic.version = 14 : i64} {
  func.func @_nnconv_post_body(%arg0: i32, %arg1: memref<2000x8xf32, #tpu.memory_space<vmem>>, %arg2: memref<2000x16xf32, #tpu.memory_space<vmem>>, %arg3: memref<2000x16xf32, #tpu.memory_space<vmem>>, %arg4: memref<1x8xf32, #tpu.memory_space<vmem>>, %arg5: memref<2000x8xf32, #tpu.memory_space<vmem>>) attributes {dimension_semantics = [#tpu.dimension_semantics<arbitrary>], iteration_bounds = array<i64: 5>, scalar_prefetch = 0 : i64, scratch_operands = 0 : i64, tpu.core_type = #tpu.core_type<tc>, window_params = [{transform_indices = @transform_0, window_bounds = array<i64: 2000, 8>}, {transform_indices = @transform_1, window_bounds = array<i64: 2000, 16>}, {transform_indices = @transform_2, window_bounds = array<i64: 2000, 16>}, {pipeline_mode = #tpu.pipeline_mode<synchronous>, transform_indices = @transform_3, window_bounds = array<i64: 1, 8>}, {transform_indices = @transform_4, window_bounds = array<i64: 2000, 8>}]} {
    %get3A = arith.constant 0 : index
    %get3A_0 = arith.constant 0 : index
    %get3A_1 = vector.load %arg1[%get3A, %get3A_0] : memref<2000x8xf32, #tpu.memory_space<vmem>>, vector<2000x8xf32>
    %get3A_2 = arith.constant 0 : index
    %get3A_3 = arith.constant 0 : index
    %get3A_4 = vector.load %arg2[%get3A_2, %get3A_3] : memref<2000x16xf32, #tpu.memory_space<vmem>>, vector<2000x16xf32>
    %slice3A = vector.extract_strided_slice %get3A_4 {offsets = [0, 0], sizes = [2000, 8], strides = [1, 1]} : vector<2000x16xf32> to vector<2000x8xf32>
    %add3A = arith.addf %get3A_1, %slice3A : vector<2000x8xf32>
    %get3A_5 = arith.constant 0 : index
    %get3A_6 = arith.constant 0 : index
    %get3A_7 = vector.load %arg3[%get3A_5, %get3A_6] : memref<2000x16xf32, #tpu.memory_space<vmem>>, vector<2000x16xf32>
    %slice3A_8 = vector.extract_strided_slice %get3A_7 {offsets = [0, 0], sizes = [2000, 8], strides = [1, 1]} : vector<2000x16xf32> to vector<2000x8xf32>
    %add3A_9 = arith.addf %add3A, %slice3A_8 : vector<2000x8xf32>
    %get3A_10 = arith.constant 0 : index
    %get3A_11 = arith.constant 0 : index
    %get3A_12 = vector.load %arg4[%get3A_10, %get3A_11] : memref<1x8xf32, #tpu.memory_space<vmem>>, vector<1x8xf32>
    %add3A_13 = vector.broadcast %get3A_12 : vector<1x8xf32> to vector<2000x8xf32>
    %add3A_14 = arith.addf %add3A_9, %add3A_13 : vector<2000x8xf32>
    %gt3A = arith.constant 0.000000e+00 : f32
    %gt3A_15 = vector.broadcast %gt3A : f32 to vector<2000x8xf32>
    %gt3A_16 = arith.cmpf ogt, %add3A_14, %gt3A_15 : vector<2000x8xf32>
    %exp3A = math.exp %add3A_14 : vector<2000x8xf32>
    %sub3A = arith.constant 1.000000e+00 : f32
    %sub3A_17 = vector.broadcast %sub3A : f32 to vector<2000x8xf32>
    %sub3A_18 = arith.subf %exp3A, %sub3A_17 : vector<2000x8xf32>
    %select_n3A = arith.select %gt3A_16, %add3A_14, %sub3A_18 : vector<2000x8xi1>, vector<2000x8xf32>
    %swap3A = arith.constant 0 : index
    %swap3A_19 = arith.constant 0 : index
    %swap3A_20 = vector.load %arg5[%swap3A, %swap3A_19] : memref<2000x8xf32, #tpu.memory_space<vmem>>, vector<2000x8xf32>
    tpu.vector_store %arg5[%swap3A, %swap3A_19], %select_n3A {strides = array<i32>} : memref<2000x8xf32, #tpu.memory_space<vmem>>, vector<2000x8xf32>,
    return
  }
  func.func @transform_0(%arg0: i32) -> (i32, i32) {
    %c0_i32 = arith.constant 0 : i32
    %c0_i32_0 = arith.constant 0 : i32
    return %arg0, %c0_i32 : i32, i32
  }
  func.func @transform_1(%arg0: i32) -> (i32, i32) {
    %c0_i32 = arith.constant 0 : i32
    %c0_i32_0 = arith.constant 0 : i32
    return %arg0, %c0_i32 : i32, i32
  }
  func.func @transform_2(%arg0: i32) -> (i32, i32) {
    %c0_i32 = arith.constant 0 : i32
    %c0_i32_0 = arith.constant 0 : i32
    return %arg0, %c0_i32 : i32, i32
  }
  func.func @transform_3(%arg0: i32) -> (i32, i32) {
    %c0_i32 = arith.constant 0 : i32
    %c0_i32_0 = arith.constant 0 : i32
    %c0_i32_1 = arith.constant 0 : i32
    return %c0_i32, %c0_i32_0 : i32, i32
  }
  func.func @transform_4(%arg0: i32) -> (i32, i32) {
    %c0_i32 = arith.constant 0 : i32
    %c0_i32_0 = arith.constant 0 : i32
    return %arg0, %c0_i32 : i32, i32
  }
}

module attributes {stable_mosaic.version = 14 : i64} {
  func.func @_gat_pre_body(%arg0: i32, %arg1: memref<2000x8xf32, #tpu.memory_space<vmem>>, %arg2: memref<8x256xf32, #tpu.memory_space<vmem>>, %arg3: memref<256x8xf32, #tpu.memory_space<vmem>>, %arg4: memref<256x8xf32, #tpu.memory_space<vmem>>, %arg5: memref<2000x256xf32, #tpu.memory_space<vmem>>, %arg6: memref<2000x128xf32, #tpu.memory_space<vmem>>) attributes {dimension_semantics = [#tpu.dimension_semantics<arbitrary>], iteration_bounds = array<i64: 5>, scalar_prefetch = 0 : i64, scratch_operands = 0 : i64, tpu.core_type = #tpu.core_type<tc>, window_params = [{transform_indices = @transform_0, window_bounds = array<i64: 2000, 8>}, {pipeline_mode = #tpu.pipeline_mode<synchronous>, transform_indices = @transform_1, window_bounds = array<i64: 8, 256>}, {pipeline_mode = #tpu.pipeline_mode<synchronous>, transform_indices = @transform_2, window_bounds = array<i64: 256, 8>}, {pipeline_mode = #tpu.pipeline_mode<synchronous>, transform_indices = @transform_3, window_bounds = array<i64: 256, 8>}, {transform_indices = @transform_4, window_bounds = array<i64: 2000, 256>}, {transform_indices = @transform_5, window_bounds = array<i64: 2000, 128>}]} {
    %get3A = arith.constant 0 : index
    %get3A_0 = arith.constant 0 : index
    %get3A_1 = vector.load %arg1[%get3A, %get3A_0] : memref<2000x8xf32, #tpu.memory_space<vmem>>, vector<2000x8xf32>
    %get3A_2 = arith.constant 0 : index
    %get3A_3 = arith.constant 0 : index
    %get3A_4 = vector.load %arg2[%get3A_2, %get3A_3] : memref<8x256xf32, #tpu.memory_space<vmem>>, vector<8x256xf32>
    %dot_general3A = arith.constant dense<0.000000e+00> : vector<2000x256xf32>
    %dot_general3A_5 = tpu.matmul %get3A_1, %get3A_4, %dot_general3A {dimension_numbers = #tpu.dot_dimension_numbers<[1], [0], [0], [1], [0, 0, 1, 1], [], []>, transpose_lhs_hint = false} : vector<2000x8xf32>, vector<8x256xf32>, vector<2000x256xf32> -> vector<2000x256xf32>
    %get3A_6 = arith.constant 0 : index
    %get3A_7 = arith.constant 0 : index
    %get3A_8 = vector.load %arg3[%get3A_6, %get3A_7] : memref<256x8xf32, #tpu.memory_space<vmem>>, vector<256x8xf32>
    %dot_general3A_9 = arith.constant dense<0.000000e+00> : vector<2000x8xf32>
    %dot_general3A_10 = tpu.matmul %dot_general3A_5, %get3A_8, %dot_general3A_9 {dimension_numbers = #tpu.dot_dimension_numbers<[1], [0], [0], [1], [0, 0, 1, 1], [], []>, transpose_lhs_hint = false} : vector<2000x256xf32>, vector<256x8xf32>, vector<2000x8xf32> -> vector<2000x8xf32>
    %get3A_11 = arith.constant 0 : index
    %get3A_12 = arith.constant 0 : index
    %get3A_13 = vector.load %arg4[%get3A_11, %get3A_12] : memref<256x8xf32, #tpu.memory_space<vmem>>, vector<256x8xf32>
    %dot_general3A_14 = arith.constant dense<0.000000e+00> : vector<2000x8xf32>
    %dot_general3A_15 = tpu.matmul %dot_general3A_5, %get3A_13, %dot_general3A_14 {dimension_numbers = #tpu.dot_dimension_numbers<[1], [0], [0], [1], [0, 0, 1, 1], [], []>, transpose_lhs_hint = false} : vector<2000x256xf32>, vector<256x8xf32>, vector<2000x8xf32> -> vector<2000x8xf32>
    %add3A = arith.addf %dot_general3A_10, %dot_general3A_15 : vector<2000x8xf32>
    %ge3A = arith.constant 0.000000e+00 : f32
    %ge3A_16 = vector.broadcast %ge3A : f32 to vector<2000x8xf32>
    %ge3A_17 = arith.cmpf oge, %add3A, %ge3A_16 : vector<2000x8xf32>
    %mul3A = arith.constant 2.000000e-01 : f32
    %mul3A_18 = vector.broadcast %mul3A : f32 to vector<2000x8xf32>
    %mul3A_19 = arith.mulf %mul3A_18, %add3A : vector<2000x8xf32>
    %select_n3A = arith.select %ge3A_17, %add3A, %mul3A_19 : vector<2000x8xi1>, vector<2000x8xf32>
    %swap3A = arith.constant 0 : index
    %swap3A_20 = arith.constant 0 : index
    %swap3A_21 = vector.load %arg5[%swap3A, %swap3A_20] : memref<2000x256xf32, #tpu.memory_space<vmem>>, vector<2000x256xf32>
    tpu.vector_store %arg5[%swap3A, %swap3A_20], %dot_general3A_5 {strides = array<i32>} : memref<2000x256xf32, #tpu.memory_space<vmem>>, vector<2000x256xf32>,
    %broadcast_in_dim3A = arith.constant 0.000000e+00 : f32
    %broadcast_in_dim3A_22 = vector.broadcast %broadcast_in_dim3A : f32 to vector<2000x112xf32>
    %concatenate3A = tpu.concatenate %dot_general3A_15, %select_n3A, %broadcast_in_dim3A_22 in 1 : vector<2000x8xf32>, vector<2000x8xf32>, vector<2000x112xf32> -> vector<2000x128xf32>
    %swap3A_23 = arith.constant 0 : index
    %swap3A_24 = arith.constant 0 : index
    %swap3A_25 = vector.load %arg6[%swap3A_23, %swap3A_24] : memref<2000x128xf32, #tpu.memory_space<vmem>>, vector<2000x128xf32>
    tpu.vector_store %arg6[%swap3A_23, %swap3A_24], %concatenate3A {strides = array<i32>} : memref<2000x128xf32, #tpu.memory_space<vmem>>, vector<2000x128xf32>,
    return
  }
  func.func @transform_0(%arg0: i32) -> (i32, i32) {
    %c0_i32 = arith.constant 0 : i32
    %c0_i32_0 = arith.constant 0 : i32
    return %arg0, %c0_i32 : i32, i32
  }
  func.func @transform_1(%arg0: i32) -> (i32, i32) {
    %c0_i32 = arith.constant 0 : i32
    %c0_i32_0 = arith.constant 0 : i32
    %c0_i32_1 = arith.constant 0 : i32
    return %c0_i32, %c0_i32_0 : i32, i32
  }
  func.func @transform_2(%arg0: i32) -> (i32, i32) {
    %c0_i32 = arith.constant 0 : i32
    %c0_i32_0 = arith.constant 0 : i32
    %c0_i32_1 = arith.constant 0 : i32
    return %c0_i32, %c0_i32_0 : i32, i32
  }
  func.func @transform_3(%arg0: i32) -> (i32, i32) {
    %c0_i32 = arith.constant 0 : i32
    %c0_i32_0 = arith.constant 0 : i32
    %c0_i32_1 = arith.constant 0 : i32
    return %c0_i32, %c0_i32_0 : i32, i32
  }
  func.func @transform_4(%arg0: i32) -> (i32, i32) {
    %c0_i32 = arith.constant 0 : i32
    %c0_i32_0 = arith.constant 0 : i32
    return %arg0, %c0_i32 : i32, i32
  }
  func.func @transform_5(%arg0: i32) -> (i32, i32) {
    %c0_i32 = arith.constant 0 : i32
    %c0_i32_0 = arith.constant 0 : i32
    return %arg0, %c0_i32 : i32, i32
  }
}

module attributes {stable_mosaic.version = 14 : i64} {
  func.func @_gat_mid_body(%arg0: i32, %arg1: memref<1024x256xf32, #tpu.memory_space<vmem>>, %arg2: memref<1024x128xf32, #tpu.memory_space<vmem>>, %arg3: memref<256x8xf32, #tpu.memory_space<vmem>>, %arg4: memref<8x256xf32, #tpu.memory_space<vmem>>, %arg5: memref<1024x256xf32, #tpu.memory_space<vmem>>, %arg6: memref<1024x16xf32, #tpu.memory_space<vmem>>) attributes {dimension_semantics = [#tpu.dimension_semantics<arbitrary>], iteration_bounds = array<i64: 160>, scalar_prefetch = 0 : i64, scratch_operands = 0 : i64, tpu.core_type = #tpu.core_type<tc>, window_params = [{transform_indices = @transform_0, window_bounds = array<i64: 1024, 256>}, {transform_indices = @transform_1, window_bounds = array<i64: 1024, 128>}, {pipeline_mode = #tpu.pipeline_mode<synchronous>, transform_indices = @transform_2, window_bounds = array<i64: 256, 8>}, {pipeline_mode = #tpu.pipeline_mode<synchronous>, transform_indices = @transform_3, window_bounds = array<i64: 8, 256>}, {transform_indices = @transform_4, window_bounds = array<i64: 1024, 256>}, {transform_indices = @transform_5, window_bounds = array<i64: 1024, 16>}]} {
    %get3A = arith.constant 0 : index
    %get3A_0 = arith.constant 0 : index
    %get3A_1 = vector.load %arg1[%get3A, %get3A_0] : memref<1024x256xf32, #tpu.memory_space<vmem>>, vector<1024x256xf32>
    %get3A_2 = arith.constant 0 : index
    %get3A_3 = arith.constant 0 : index
    %get3A_4 = vector.load %arg2[%get3A_2, %get3A_3] : memref<1024x128xf32, #tpu.memory_space<vmem>>, vector<1024x128xf32>
    %get3A_5 = arith.constant 0 : index
    %get3A_6 = arith.constant 0 : index
    %get3A_7 = vector.load %arg3[%get3A_5, %get3A_6] : memref<256x8xf32, #tpu.memory_space<vmem>>, vector<256x8xf32>
    %dot_general3A = arith.constant dense<0.000000e+00> : vector<1024x8xf32>
    %dot_general3A_8 = tpu.matmul %get3A_1, %get3A_7, %dot_general3A {dimension_numbers = #tpu.dot_dimension_numbers<[1], [0], [0], [1], [0, 0, 1, 1], [], []>, transpose_lhs_hint = false} : vector<1024x256xf32>, vector<256x8xf32>, vector<1024x8xf32> -> vector<1024x8xf32>
    %slice3A = vector.extract_strided_slice %get3A_4 {offsets = [0, 0], sizes = [1024, 8], strides = [1, 1]} : vector<1024x128xf32> to vector<1024x8xf32>
    %add3A = arith.addf %dot_general3A_8, %slice3A : vector<1024x8xf32>
    %ge3A = arith.constant 0.000000e+00 : f32
    %ge3A_9 = vector.broadcast %ge3A : f32 to vector<1024x8xf32>
    %ge3A_10 = arith.cmpf oge, %add3A, %ge3A_9 : vector<1024x8xf32>
    %mul3A = arith.constant 2.000000e-01 : f32
    %mul3A_11 = vector.broadcast %mul3A : f32 to vector<1024x8xf32>
    %mul3A_12 = arith.mulf %mul3A_11, %add3A : vector<1024x8xf32>
    %select_n3A = arith.select %ge3A_10, %add3A, %mul3A_12 : vector<1024x8xi1>, vector<1024x8xf32>
    %slice3A_13 = vector.extract_strided_slice %get3A_4 {offsets = [0, 8], sizes = [1024, 8], strides = [1, 1]} : vector<1024x128xf32> to vector<1024x8xf32>
    %sub3A = arith.subf %select_n3A, %slice3A_13 : vector<1024x8xf32>
    %exp3A = math.exp %sub3A : vector<1024x8xf32>
    %mul3A_14 = arith.constant 1024 : i32
    %mul3A_15 = arith.muli %arg0, %mul3A_14 : i32
    %iota3A = tpu.iota {dimensions = array<i32: 0>} : vector<1024x1xi32>
    %add3A_16 = vector.broadcast %mul3A_15 : i32 to vector<1024x1xi32>
    %add3A_17 = arith.addi %add3A_16, %iota3A : vector<1024x1xi32>
    %lt3A = arith.constant 160000 : i32
    %lt3A_18 = vector.broadcast %lt3A : i32 to vector<1024x1xi32>
    %lt3A_19 = arith.cmpi slt, %add3A_17, %lt3A_18 : vector<1024x1xi32>
    %convert_element_type3A = arith.extui %lt3A_19 : vector<1024x1xi1> to vector<1024x1xi32>
    %convert_element_type3A_20 = arith.sitofp %convert_element_type3A : vector<1024x1xi32> to vector<1024x1xf32>
    %mul3A_21 = vector.broadcast %convert_element_type3A_20 : vector<1024x1xf32> to vector<1024x8xf32>
    %mul3A_22 = arith.mulf %exp3A, %mul3A_21 : vector<1024x8xf32>
    %get3A_23 = arith.constant 0 : index
    %get3A_24 = arith.constant 0 : index
    %get3A_25 = vector.load %arg4[%get3A_23, %get3A_24] : memref<8x256xf32, #tpu.memory_space<vmem>>, vector<8x256xf32>
    %dot_general3A_26 = arith.constant dense<0.000000e+00> : vector<1024x256xf32>
    %dot_general3A_27 = tpu.matmul %mul3A_22, %get3A_25, %dot_general3A_26 {dimension_numbers = #tpu.dot_dimension_numbers<[1], [0], [0], [1], [0, 0, 1, 1], [], []>, transpose_lhs_hint = false} : vector<1024x8xf32>, vector<8x256xf32>, vector<1024x256xf32> -> vector<1024x256xf32>
    %mul3A_28 = arith.mulf %get3A_1, %dot_general3A_27 : vector<1024x256xf32>
    %swap3A = arith.constant 0 : index
    %swap3A_29 = arith.constant 0 : index
    %swap3A_30 = vector.load %arg5[%swap3A, %swap3A_29] : memref<1024x256xf32, #tpu.memory_space<vmem>>, vector<1024x256xf32>
    tpu.vector_store %arg5[%swap3A, %swap3A_29], %mul3A_28 {strides = array<i32>} : memref<1024x256xf32, #tpu.memory_space<vmem>>, vector<1024x256xf32>,
    %broadcast_in_dim3A = arith.constant 0.000000e+00 : f32
    %broadcast_in_dim3A_31 = vector.broadcast %broadcast_in_dim3A : f32 to vector<1024x8xf32>
    %concatenate3A = tpu.concatenate %mul3A_22, %broadcast_in_dim3A_31 in 1 : vector<1024x8xf32>, vector<1024x8xf32> -> vector<1024x16xf32>
    %swap3A_32 = arith.constant 0 : index
    %swap3A_33 = arith.constant 0 : index
    %swap3A_34 = vector.load %arg6[%swap3A_32, %swap3A_33] : memref<1024x16xf32, #tpu.memory_space<vmem>>, vector<1024x16xf32>
    tpu.vector_store %arg6[%swap3A_32, %swap3A_33], %concatenate3A {strides = array<i32>} : memref<1024x16xf32, #tpu.memory_space<vmem>>, vector<1024x16xf32>,
    return
  }
  func.func @transform_0(%arg0: i32) -> (i32, i32) {
    %c0_i32 = arith.constant 0 : i32
    %c0_i32_0 = arith.constant 0 : i32
    return %arg0, %c0_i32 : i32, i32
  }
  func.func @transform_1(%arg0: i32) -> (i32, i32) {
    %c0_i32 = arith.constant 0 : i32
    %c0_i32_0 = arith.constant 0 : i32
    return %arg0, %c0_i32 : i32, i32
  }
  func.func @transform_2(%arg0: i32) -> (i32, i32) {
    %c0_i32 = arith.constant 0 : i32
    %c0_i32_0 = arith.constant 0 : i32
    %c0_i32_1 = arith.constant 0 : i32
    return %c0_i32, %c0_i32_0 : i32, i32
  }
  func.func @transform_3(%arg0: i32) -> (i32, i32) {
    %c0_i32 = arith.constant 0 : i32
    %c0_i32_0 = arith.constant 0 : i32
    %c0_i32_1 = arith.constant 0 : i32
    return %c0_i32, %c0_i32_0 : i32, i32
  }
  func.func @transform_4(%arg0: i32) -> (i32, i32) {
    %c0_i32 = arith.constant 0 : i32
    %c0_i32_0 = arith.constant 0 : i32
    return %arg0, %c0_i32 : i32, i32
  }
  func.func @transform_5(%arg0: i32) -> (i32, i32) {
    %c0_i32 = arith.constant 0 : i32
    %c0_i32_0 = arith.constant 0 : i32
    return %arg0, %c0_i32 : i32, i32
  }
}

module attributes {stable_mosaic.version = 14 : i64} {
  func.func @_gat_post_body(%arg0: i32, %arg1: memref<2000x256xf32, #tpu.memory_space<vmem>>, %arg2: memref<2000x256xf32, #tpu.memory_space<vmem>>, %arg3: memref<2000x16xf32, #tpu.memory_space<vmem>>, %arg4: memref<2000x16xf32, #tpu.memory_space<vmem>>, %arg5: memref<2000x32xf32, #tpu.memory_space<vmem>>, %arg6: memref<1x32xf32, #tpu.memory_space<vmem>>, %arg7: memref<8x256xf32, #tpu.memory_space<vmem>>, %arg8: memref<256x32xf32, #tpu.memory_space<vmem>>, %arg9: memref<2000x32xf32, #tpu.memory_space<vmem>>) attributes {dimension_semantics = [#tpu.dimension_semantics<arbitrary>], iteration_bounds = array<i64: 5>, scalar_prefetch = 0 : i64, scratch_operands = 0 : i64, tpu.core_type = #tpu.core_type<tc>, window_params = [{transform_indices = @transform_0, window_bounds = array<i64: 2000, 256>}, {transform_indices = @transform_1, window_bounds = array<i64: 2000, 256>}, {transform_indices = @transform_2, window_bounds = array<i64: 2000, 16>}, {transform_indices = @transform_3, window_bounds = array<i64: 2000, 16>}, {transform_indices = @transform_4, window_bounds = array<i64: 2000, 32>}, {pipeline_mode = #tpu.pipeline_mode<synchronous>, transform_indices = @transform_5, window_bounds = array<i64: 1, 32>}, {pipeline_mode = #tpu.pipeline_mode<synchronous>, transform_indices = @transform_6, window_bounds = array<i64: 8, 256>}, {pipeline_mode = #tpu.pipeline_mode<synchronous>, transform_indices = @transform_7, window_bounds = array<i64: 256, 32>}, {transform_indices = @transform_8, window_bounds = array<i64: 2000, 32>}]} {
    %get3A = arith.constant 0 : index
    %get3A_0 = arith.constant 0 : index
    %get3A_1 = vector.load %arg3[%get3A, %get3A_0] : memref<2000x16xf32, #tpu.memory_space<vmem>>, vector<2000x16xf32>
    %slice3A = vector.extract_strided_slice %get3A_1 {offsets = [0, 0], sizes = [2000, 8], strides = [1, 1]} : vector<2000x16xf32> to vector<2000x8xf32>
    %get3A_2 = arith.constant 0 : index
    %get3A_3 = arith.constant 0 : index
    %get3A_4 = vector.load %arg4[%get3A_2, %get3A_3] : memref<2000x16xf32, #tpu.memory_space<vmem>>, vector<2000x16xf32>
    %slice3A_5 = vector.extract_strided_slice %get3A_4 {offsets = [0, 0], sizes = [2000, 8], strides = [1, 1]} : vector<2000x16xf32> to vector<2000x8xf32>
    %add3A = arith.addf %slice3A, %slice3A_5 : vector<2000x8xf32>
    %add3A_6 = arith.constant 1.000000e+00 : f32
    %add3A_7 = vector.broadcast %add3A_6 : f32 to vector<2000x8xf32>
    %add3A_8 = arith.addf %add3A, %add3A_7 : vector<2000x8xf32>
    %div3A = arith.constant 1.000000e+00 : f32
    %div3A_9 = vector.broadcast %div3A : f32 to vector<2000x8xf32>
    %div3A_10 = arith.divf %div3A_9, %add3A_8 : vector<2000x8xf32>
    %get3A_11 = arith.constant 0 : index
    %get3A_12 = arith.constant 0 : index
    %get3A_13 = vector.load %arg7[%get3A_11, %get3A_12] : memref<8x256xf32, #tpu.memory_space<vmem>>, vector<8x256xf32>
    %dot_general3A = arith.constant dense<0.000000e+00> : vector<2000x256xf32>
    %dot_general3A_14 = tpu.matmul %div3A_10, %get3A_13, %dot_general3A {dimension_numbers = #tpu.dot_dimension_numbers<[1], [0], [0], [1], [0, 0, 1, 1], [], []>, transpose_lhs_hint = false} : vector<2000x8xf32>, vector<8x256xf32>, vector<2000x256xf32> -> vector<2000x256xf32>
    %get3A_15 = arith.constant 0 : index
    %get3A_16 = arith.constant 0 : index
    %get3A_17 = vector.load %arg1[%get3A_15, %get3A_16] : memref<2000x256xf32, #tpu.memory_space<vmem>>, vector<2000x256xf32>
    %get3A_18 = arith.constant 0 : index
    %get3A_19 = arith.constant 0 : index
    %get3A_20 = vector.load %arg2[%get3A_18, %get3A_19] : memref<2000x256xf32, #tpu.memory_space<vmem>>, vector<2000x256xf32>
    %add3A_21 = arith.addf %get3A_17, %get3A_20 : vector<2000x256xf32>
    %mul3A = arith.mulf %add3A_21, %dot_general3A_14 : vector<2000x256xf32>
    %get3A_22 = arith.constant 0 : index
    %get3A_23 = arith.constant 0 : index
    %get3A_24 = vector.load %arg8[%get3A_22, %get3A_23] : memref<256x32xf32, #tpu.memory_space<vmem>>, vector<256x32xf32>
    %dot_general3A_25 = arith.constant dense<0.000000e+00> : vector<2000x32xf32>
    %dot_general3A_26 = tpu.matmul %mul3A, %get3A_24, %dot_general3A_25 {dimension_numbers = #tpu.dot_dimension_numbers<[1], [0], [0], [1], [0, 0, 1, 1], [], []>, transpose_lhs_hint = false} : vector<2000x256xf32>, vector<256x32xf32>, vector<2000x32xf32> -> vector<2000x32xf32>
    %get3A_27 = arith.constant 0 : index
    %get3A_28 = arith.constant 0 : index
    %get3A_29 = vector.load %arg6[%get3A_27, %get3A_28] : memref<1x32xf32, #tpu.memory_space<vmem>>, vector<1x32xf32>
    %add3A_30 = vector.broadcast %get3A_29 : vector<1x32xf32> to vector<2000x32xf32>
    %add3A_31 = arith.addf %dot_general3A_26, %add3A_30 : vector<2000x32xf32>
    %get3A_32 = arith.constant 0 : index
    %get3A_33 = arith.constant 0 : index
    %get3A_34 = vector.load %arg5[%get3A_32, %get3A_33] : memref<2000x32xf32, #tpu.memory_space<vmem>>, vector<2000x32xf32>
    %add3A_35 = arith.addf %add3A_31, %get3A_34 : vector<2000x32xf32>
    %gt3A = arith.constant 0.000000e+00 : f32
    %gt3A_36 = vector.broadcast %gt3A : f32 to vector<2000x32xf32>
    %gt3A_37 = arith.cmpf ogt, %add3A_35, %gt3A_36 : vector<2000x32xf32>
    %exp3A = math.exp %add3A_35 : vector<2000x32xf32>
    %sub3A = arith.constant 1.000000e+00 : f32
    %sub3A_38 = vector.broadcast %sub3A : f32 to vector<2000x32xf32>
    %sub3A_39 = arith.subf %exp3A, %sub3A_38 : vector<2000x32xf32>
    %select_n3A = arith.select %gt3A_37, %add3A_35, %sub3A_39 : vector<2000x32xi1>, vector<2000x32xf32>
    %swap3A = arith.constant 0 : index
    %swap3A_40 = arith.constant 0 : index
    %swap3A_41 = vector.load %arg9[%swap3A, %swap3A_40] : memref<2000x32xf32, #tpu.memory_space<vmem>>, vector<2000x32xf32>
    tpu.vector_store %arg9[%swap3A, %swap3A_40], %select_n3A {strides = array<i32>} : memref<2000x32xf32, #tpu.memory_space<vmem>>, vector<2000x32xf32>,
    return
  }
  func.func @transform_0(%arg0: i32) -> (i32, i32) {
    %c0_i32 = arith.constant 0 : i32
    %c0_i32_0 = arith.constant 0 : i32
    return %arg0, %c0_i32 : i32, i32
  }
  func.func @transform_1(%arg0: i32) -> (i32, i32) {
    %c0_i32 = arith.constant 0 : i32
    %c0_i32_0 = arith.constant 0 : i32
    return %arg0, %c0_i32 : i32, i32
  }
  func.func @transform_2(%arg0: i32) -> (i32, i32) {
    %c0_i32 = arith.constant 0 : i32
    %c0_i32_0 = arith.constant 0 : i32
    return %arg0, %c0_i32 : i32, i32
  }
  func.func @transform_3(%arg0: i32) -> (i32, i32) {
    %c0_i32 = arith.constant 0 : i32
    %c0_i32_0 = arith.constant 0 : i32
    return %arg0, %c0_i32 : i32, i32
  }
  func.func @transform_4(%arg0: i32) -> (i32, i32) {
    %c0_i32 = arith.constant 0 : i32
    %c0_i32_0 = arith.constant 0 : i32
    return %arg0, %c0_i32 : i32, i32
  }
  func.func @transform_5(%arg0: i32) -> (i32, i32) {
    %c0_i32 = arith.constant 0 : i32
    %c0_i32_0 = arith.constant 0 : i32
    %c0_i32_1 = arith.constant 0 : i32
    return %c0_i32, %c0_i32_0 : i32, i32
  }
  func.func @transform_6(%arg0: i32) -> (i32, i32) {
    %c0_i32 = arith.constant 0 : i32
    %c0_i32_0 = arith.constant 0 : i32
    %c0_i32_1 = arith.constant 0 : i32
    return %c0_i32, %c0_i32_0 : i32, i32
  }
  func.func @transform_7(%arg0: i32) -> (i32, i32) {
    %c0_i32 = arith.constant 0 : i32
    %c0_i32_0 = arith.constant 0 : i32
    %c0_i32_1 = arith.constant 0 : i32
    return %c0_i32, %c0_i32_0 : i32, i32
  }
  func.func @transform_8(%arg0: i32) -> (i32, i32) {
    %c0_i32 = arith.constant 0 : i32
    %c0_i32_0 = arith.constant 0 : i32
    return %arg0, %c0_i32 : i32, i32
  }
}

module attributes {stable_mosaic.version = 14 : i64} {
  func.func @_gat_pre_body(%arg0: i32, %arg1: memref<2000x32xf32, #tpu.memory_space<vmem>>, %arg2: memref<32x256xf32, #tpu.memory_space<vmem>>, %arg3: memref<256x8xf32, #tpu.memory_space<vmem>>, %arg4: memref<256x8xf32, #tpu.memory_space<vmem>>, %arg5: memref<2000x256xf32, #tpu.memory_space<vmem>>, %arg6: memref<2000x128xf32, #tpu.memory_space<vmem>>) attributes {dimension_semantics = [#tpu.dimension_semantics<arbitrary>], iteration_bounds = array<i64: 5>, scalar_prefetch = 0 : i64, scratch_operands = 0 : i64, tpu.core_type = #tpu.core_type<tc>, window_params = [{transform_indices = @transform_0, window_bounds = array<i64: 2000, 32>}, {pipeline_mode = #tpu.pipeline_mode<synchronous>, transform_indices = @transform_1, window_bounds = array<i64: 32, 256>}, {pipeline_mode = #tpu.pipeline_mode<synchronous>, transform_indices = @transform_2, window_bounds = array<i64: 256, 8>}, {pipeline_mode = #tpu.pipeline_mode<synchronous>, transform_indices = @transform_3, window_bounds = array<i64: 256, 8>}, {transform_indices = @transform_4, window_bounds = array<i64: 2000, 256>}, {transform_indices = @transform_5, window_bounds = array<i64: 2000, 128>}]} {
    %get3A = arith.constant 0 : index
    %get3A_0 = arith.constant 0 : index
    %get3A_1 = vector.load %arg1[%get3A, %get3A_0] : memref<2000x32xf32, #tpu.memory_space<vmem>>, vector<2000x32xf32>
    %get3A_2 = arith.constant 0 : index
    %get3A_3 = arith.constant 0 : index
    %get3A_4 = vector.load %arg2[%get3A_2, %get3A_3] : memref<32x256xf32, #tpu.memory_space<vmem>>, vector<32x256xf32>
    %dot_general3A = arith.constant dense<0.000000e+00> : vector<2000x256xf32>
    %dot_general3A_5 = tpu.matmul %get3A_1, %get3A_4, %dot_general3A {dimension_numbers = #tpu.dot_dimension_numbers<[1], [0], [0], [1], [0, 0, 1, 1], [], []>, transpose_lhs_hint = false} : vector<2000x32xf32>, vector<32x256xf32>, vector<2000x256xf32> -> vector<2000x256xf32>
    %get3A_6 = arith.constant 0 : index
    %get3A_7 = arith.constant 0 : index
    %get3A_8 = vector.load %arg3[%get3A_6, %get3A_7] : memref<256x8xf32, #tpu.memory_space<vmem>>, vector<256x8xf32>
    %dot_general3A_9 = arith.constant dense<0.000000e+00> : vector<2000x8xf32>
    %dot_general3A_10 = tpu.matmul %dot_general3A_5, %get3A_8, %dot_general3A_9 {dimension_numbers = #tpu.dot_dimension_numbers<[1], [0], [0], [1], [0, 0, 1, 1], [], []>, transpose_lhs_hint = false} : vector<2000x256xf32>, vector<256x8xf32>, vector<2000x8xf32> -> vector<2000x8xf32>
    %get3A_11 = arith.constant 0 : index
    %get3A_12 = arith.constant 0 : index
    %get3A_13 = vector.load %arg4[%get3A_11, %get3A_12] : memref<256x8xf32, #tpu.memory_space<vmem>>, vector<256x8xf32>
    %dot_general3A_14 = arith.constant dense<0.000000e+00> : vector<2000x8xf32>
    %dot_general3A_15 = tpu.matmul %dot_general3A_5, %get3A_13, %dot_general3A_14 {dimension_numbers = #tpu.dot_dimension_numbers<[1], [0], [0], [1], [0, 0, 1, 1], [], []>, transpose_lhs_hint = false} : vector<2000x256xf32>, vector<256x8xf32>, vector<2000x8xf32> -> vector<2000x8xf32>
    %add3A = arith.addf %dot_general3A_10, %dot_general3A_15 : vector<2000x8xf32>
    %ge3A = arith.constant 0.000000e+00 : f32
    %ge3A_16 = vector.broadcast %ge3A : f32 to vector<2000x8xf32>
    %ge3A_17 = arith.cmpf oge, %add3A, %ge3A_16 : vector<2000x8xf32>
    %mul3A = arith.constant 2.000000e-01 : f32
    %mul3A_18 = vector.broadcast %mul3A : f32 to vector<2000x8xf32>
    %mul3A_19 = arith.mulf %mul3A_18, %add3A : vector<2000x8xf32>
    %select_n3A = arith.select %ge3A_17, %add3A, %mul3A_19 : vector<2000x8xi1>, vector<2000x8xf32>
    %swap3A = arith.constant 0 : index
    %swap3A_20 = arith.constant 0 : index
    %swap3A_21 = vector.load %arg5[%swap3A, %swap3A_20] : memref<2000x256xf32, #tpu.memory_space<vmem>>, vector<2000x256xf32>
    tpu.vector_store %arg5[%swap3A, %swap3A_20], %dot_general3A_5 {strides = array<i32>} : memref<2000x256xf32, #tpu.memory_space<vmem>>, vector<2000x256xf32>,
    %broadcast_in_dim3A = arith.constant 0.000000e+00 : f32
    %broadcast_in_dim3A_22 = vector.broadcast %broadcast_in_dim3A : f32 to vector<2000x112xf32>
    %concatenate3A = tpu.concatenate %dot_general3A_15, %select_n3A, %broadcast_in_dim3A_22 in 1 : vector<2000x8xf32>, vector<2000x8xf32>, vector<2000x112xf32> -> vector<2000x128xf32>
    %swap3A_23 = arith.constant 0 : index
    %swap3A_24 = arith.constant 0 : index
    %swap3A_25 = vector.load %arg6[%swap3A_23, %swap3A_24] : memref<2000x128xf32, #tpu.memory_space<vmem>>, vector<2000x128xf32>
    tpu.vector_store %arg6[%swap3A_23, %swap3A_24], %concatenate3A {strides = array<i32>} : memref<2000x128xf32, #tpu.memory_space<vmem>>, vector<2000x128xf32>,
    return
  }
  func.func @transform_0(%arg0: i32) -> (i32, i32) {
    %c0_i32 = arith.constant 0 : i32
    %c0_i32_0 = arith.constant 0 : i32
    return %arg0, %c0_i32 : i32, i32
  }
  func.func @transform_1(%arg0: i32) -> (i32, i32) {
    %c0_i32 = arith.constant 0 : i32
    %c0_i32_0 = arith.constant 0 : i32
    %c0_i32_1 = arith.constant 0 : i32
    return %c0_i32, %c0_i32_0 : i32, i32
  }
  func.func @transform_2(%arg0: i32) -> (i32, i32) {
    %c0_i32 = arith.constant 0 : i32
    %c0_i32_0 = arith.constant 0 : i32
    %c0_i32_1 = arith.constant 0 : i32
    return %c0_i32, %c0_i32_0 : i32, i32
  }
  func.func @transform_3(%arg0: i32) -> (i32, i32) {
    %c0_i32 = arith.constant 0 : i32
    %c0_i32_0 = arith.constant 0 : i32
    %c0_i32_1 = arith.constant 0 : i32
    return %c0_i32, %c0_i32_0 : i32, i32
  }
  func.func @transform_4(%arg0: i32) -> (i32, i32) {
    %c0_i32 = arith.constant 0 : i32
    %c0_i32_0 = arith.constant 0 : i32
    return %arg0, %c0_i32 : i32, i32
  }
  func.func @transform_5(%arg0: i32) -> (i32, i32) {
    %c0_i32 = arith.constant 0 : i32
    %c0_i32_0 = arith.constant 0 : i32
    return %arg0, %c0_i32 : i32, i32
  }
}

module attributes {stable_mosaic.version = 14 : i64} {
  func.func @_mlp_body(%arg0: i32, %arg1: memref<1024x128xf32, #tpu.memory_space<vmem>>, %arg2: memref<1024x128xf32, #tpu.memory_space<vmem>>, %arg3: memref<32x32xf32, #tpu.memory_space<vmem>>, %arg4: memref<32x32xf32, #tpu.memory_space<vmem>>, %arg5: memref<1x32xf32, #tpu.memory_space<vmem>>, %arg6: memref<32x32xf32, #tpu.memory_space<vmem>>, %arg7: memref<1x32xf32, #tpu.memory_space<vmem>>, %arg8: memref<32x8xf32, #tpu.memory_space<vmem>>, %arg9: memref<1x8xf32, #tpu.memory_space<vmem>>, %arg10: memref<1024x8xf32, #tpu.memory_space<vmem>>) attributes {dimension_semantics = [#tpu.dimension_semantics<arbitrary>], iteration_bounds = array<i64: 160>, scalar_prefetch = 0 : i64, scratch_operands = 0 : i64, tpu.core_type = #tpu.core_type<tc>, window_params = [{transform_indices = @transform_0, window_bounds = array<i64: 1024, 128>}, {transform_indices = @transform_1, window_bounds = array<i64: 1024, 128>}, {pipeline_mode = #tpu.pipeline_mode<synchronous>, transform_indices = @transform_2, window_bounds = array<i64: 32, 32>}, {pipeline_mode = #tpu.pipeline_mode<synchronous>, transform_indices = @transform_3, window_bounds = array<i64: 32, 32>}, {pipeline_mode = #tpu.pipeline_mode<synchronous>, transform_indices = @transform_4, window_bounds = array<i64: 1, 32>}, {pipeline_mode = #tpu.pipeline_mode<synchronous>, transform_indices = @transform_5, window_bounds = array<i64: 32, 32>}, {pipeline_mode = #tpu.pipeline_mode<synchronous>, transform_indices = @transform_6, window_bounds = array<i64: 1, 32>}, {pipeline_mode = #tpu.pipeline_mode<synchronous>, transform_indices = @transform_7, window_bounds = array<i64: 32, 8>}, {pipeline_mode = #tpu.pipeline_mode<synchronous>, transform_indices = @transform_8, window_bounds = array<i64: 1, 8>}, {transform_indices = @transform_9, window_bounds = array<i64: 1024, 8>}]} {
    %get3A = arith.constant 0 : index
    %get3A_0 = arith.constant 0 : index
    %get3A_1 = vector.load %arg1[%get3A, %get3A_0] : memref<1024x128xf32, #tpu.memory_space<vmem>>, vector<1024x128xf32>
    %slice3A = vector.extract_strided_slice %get3A_1 {offsets = [0, 0], sizes = [1024, 32], strides = [1, 1]} : vector<1024x128xf32> to vector<1024x32xf32>
    %get3A_2 = arith.constant 0 : index
    %get3A_3 = arith.constant 0 : index
    %get3A_4 = vector.load %arg3[%get3A_2, %get3A_3] : memref<32x32xf32, #tpu.memory_space<vmem>>, vector<32x32xf32>
    %dot_general3A = arith.constant dense<0.000000e+00> : vector<1024x32xf32>
    %dot_general3A_5 = tpu.matmul %slice3A, %get3A_4, %dot_general3A {dimension_numbers = #tpu.dot_dimension_numbers<[1], [0], [0], [1], [0, 0, 1, 1], [], []>, transpose_lhs_hint = false} : vector<1024x32xf32>, vector<32x32xf32>, vector<1024x32xf32> -> vector<1024x32xf32>
    %get3A_6 = arith.constant 0 : index
    %get3A_7 = arith.constant 0 : index
    %get3A_8 = vector.load %arg2[%get3A_6, %get3A_7] : memref<1024x128xf32, #tpu.memory_space<vmem>>, vector<1024x128xf32>
    %slice3A_9 = vector.extract_strided_slice %get3A_8 {offsets = [0, 0], sizes = [1024, 32], strides = [1, 1]} : vector<1024x128xf32> to vector<1024x32xf32>
    %get3A_10 = arith.constant 0 : index
    %get3A_11 = arith.constant 0 : index
    %get3A_12 = vector.load %arg4[%get3A_10, %get3A_11] : memref<32x32xf32, #tpu.memory_space<vmem>>, vector<32x32xf32>
    %dot_general3A_13 = arith.constant dense<0.000000e+00> : vector<1024x32xf32>
    %dot_general3A_14 = tpu.matmul %slice3A_9, %get3A_12, %dot_general3A_13 {dimension_numbers = #tpu.dot_dimension_numbers<[1], [0], [0], [1], [0, 0, 1, 1], [], []>, transpose_lhs_hint = false} : vector<1024x32xf32>, vector<32x32xf32>, vector<1024x32xf32> -> vector<1024x32xf32>
    %add3A = arith.addf %dot_general3A_5, %dot_general3A_14 : vector<1024x32xf32>
    %get3A_15 = arith.constant 0 : index
    %get3A_16 = arith.constant 0 : index
    %get3A_17 = vector.load %arg5[%get3A_15, %get3A_16] : memref<1x32xf32, #tpu.memory_space<vmem>>, vector<1x32xf32>
    %add3A_18 = vector.broadcast %get3A_17 : vector<1x32xf32> to vector<1024x32xf32>
    %add3A_19 = arith.addf %add3A, %add3A_18 : vector<1024x32xf32>
    %max3A = arith.constant 0.000000e+00 : f32
    %max3A_20 = vector.broadcast %max3A : f32 to vector<1024x32xf32>
    %max3A_21 = arith.maximumf %add3A_19, %max3A_20 : vector<1024x32xf32>
    %get3A_22 = arith.constant 0 : index
    %get3A_23 = arith.constant 0 : index
    %get3A_24 = vector.load %arg6[%get3A_22, %get3A_23] : memref<32x32xf32, #tpu.memory_space<vmem>>, vector<32x32xf32>
    %dot_general3A_25 = arith.constant dense<0.000000e+00> : vector<1024x32xf32>
    %dot_general3A_26 = tpu.matmul %max3A_21, %get3A_24, %dot_general3A_25 {dimension_numbers = #tpu.dot_dimension_numbers<[1], [0], [0], [1], [0, 0, 1, 1], [], []>, transpose_lhs_hint = false} : vector<1024x32xf32>, vector<32x32xf32>, vector<1024x32xf32> -> vector<1024x32xf32>
    %get3A_27 = arith.constant 0 : index
    %get3A_28 = arith.constant 0 : index
    %get3A_29 = vector.load %arg7[%get3A_27, %get3A_28] : memref<1x32xf32, #tpu.memory_space<vmem>>, vector<1x32xf32>
    %add3A_30 = vector.broadcast %get3A_29 : vector<1x32xf32> to vector<1024x32xf32>
    %add3A_31 = arith.addf %dot_general3A_26, %add3A_30 : vector<1024x32xf32>
    %add3A_32 = arith.addf %add3A_31, %max3A_21 : vector<1024x32xf32>
    %max3A_33 = arith.constant 0.000000e+00 : f32
    %max3A_34 = vector.broadcast %max3A_33 : f32 to vector<1024x32xf32>
    %max3A_35 = arith.maximumf %add3A_32, %max3A_34 : vector<1024x32xf32>
    %get3A_36 = arith.constant 0 : index
    %get3A_37 = arith.constant 0 : index
    %get3A_38 = vector.load %arg8[%get3A_36, %get3A_37] : memref<32x8xf32, #tpu.memory_space<vmem>>, vector<32x8xf32>
    %dot_general3A_39 = arith.constant dense<0.000000e+00> : vector<1024x8xf32>
    %dot_general3A_40 = tpu.matmul %max3A_35, %get3A_38, %dot_general3A_39 {dimension_numbers = #tpu.dot_dimension_numbers<[1], [0], [0], [1], [0, 0, 1, 1], [], []>, transpose_lhs_hint = false} : vector<1024x32xf32>, vector<32x8xf32>, vector<1024x8xf32> -> vector<1024x8xf32>
    %get3A_41 = arith.constant 0 : index
    %get3A_42 = arith.constant 0 : index
    %get3A_43 = vector.load %arg9[%get3A_41, %get3A_42] : memref<1x8xf32, #tpu.memory_space<vmem>>, vector<1x8xf32>
    %add3A_44 = vector.broadcast %get3A_43 : vector<1x8xf32> to vector<1024x8xf32>
    %add3A_45 = arith.addf %dot_general3A_40, %add3A_44 : vector<1024x8xf32>
    %swap3A = arith.constant 0 : index
    %swap3A_46 = arith.constant 0 : index
    %swap3A_47 = vector.load %arg10[%swap3A, %swap3A_46] : memref<1024x8xf32, #tpu.memory_space<vmem>>, vector<1024x8xf32>
    tpu.vector_store %arg10[%swap3A, %swap3A_46], %add3A_45 {strides = array<i32>} : memref<1024x8xf32, #tpu.memory_space<vmem>>, vector<1024x8xf32>,
    return
  }
  func.func @transform_0(%arg0: i32) -> (i32, i32) {
    %c0_i32 = arith.constant 0 : i32
    %c0_i32_0 = arith.constant 0 : i32
    return %arg0, %c0_i32 : i32, i32
  }
  func.func @transform_1(%arg0: i32) -> (i32, i32) {
    %c0_i32 = arith.constant 0 : i32
    %c0_i32_0 = arith.constant 0 : i32
    return %arg0, %c0_i32 : i32, i32
  }
  func.func @transform_2(%arg0: i32) -> (i32, i32) {
    %c0_i32 = arith.constant 0 : i32
    %c0_i32_0 = arith.constant 0 : i32
    %c0_i32_1 = arith.constant 0 : i32
    return %c0_i32, %c0_i32_0 : i32, i32
  }
  func.func @transform_3(%arg0: i32) -> (i32, i32) {
    %c0_i32 = arith.constant 0 : i32
    %c0_i32_0 = arith.constant 0 : i32
    %c0_i32_1 = arith.constant 0 : i32
    return %c0_i32, %c0_i32_0 : i32, i32
  }
  func.func @transform_4(%arg0: i32) -> (i32, i32) {
    %c0_i32 = arith.constant 0 : i32
    %c0_i32_0 = arith.constant 0 : i32
    %c0_i32_1 = arith.constant 0 : i32
    return %c0_i32, %c0_i32_0 : i32, i32
  }
  func.func @transform_5(%arg0: i32) -> (i32, i32) {
    %c0_i32 = arith.constant 0 : i32
    %c0_i32_0 = arith.constant 0 : i32
    %c0_i32_1 = arith.constant 0 : i32
    return %c0_i32, %c0_i32_0 : i32, i32
  }
  func.func @transform_6(%arg0: i32) -> (i32, i32) {
    %c0_i32 = arith.constant 0 : i32
    %c0_i32_0 = arith.constant 0 : i32
    %c0_i32_1 = arith.constant 0 : i32
    return %c0_i32, %c0_i32_0 : i32, i32
  }
  func.func @transform_7(%arg0: i32) -> (i32, i32) {
    %c0_i32 = arith.constant 0 : i32
    %c0_i32_0 = arith.constant 0 : i32
    %c0_i32_1 = arith.constant 0 : i32
    return %c0_i32, %c0_i32_0 : i32, i32
  }
  func.func @transform_8(%arg0: i32) -> (i32, i32) {
    %c0_i32 = arith.constant 0 : i32
    %c0_i32_0 = arith.constant 0 : i32
    %c0_i32_1 = arith.constant 0 : i32
    return %c0_i32, %c0_i32_0 : i32, i32
  }
  func.func @transform_9(%arg0: i32) -> (i32, i32) {
    %c0_i32 = arith.constant 0 : i32
    %c0_i32_0 = arith.constant 0 : i32
    return %arg0, %c0_i32 : i32, i32
  }
}

</mosaic_0001>

<sc_bundles>
// kernel: kernel.33.cloned.1.call-start
scs
__scs_entry_jumppad:
0x0: {  	(pc) =	sbr.rel $0x88, $3  }
0x1: {  	(tag) =	ssettag $0x0;
	lr =	simm.s32 $0x1  }
0x2: {  	[smem:$0x3F82] =	sst lr;
	_ =	strace $0xD0000000  }
0x3: {  	_ = 	snop  }
0x4: {  	_ = 	snop  }
0x5: {  	_ = 	snop  }
0x6: {  	_ = 	snop  }
0x7: {  	_ = 	snop  }
__scs_overlays_trampoline_lowered:
0x8: {  	[smem:$0x3F91] =	sst s0  }
0x9: {  	[smem:$0x3F92] =	sst s1  }
0xa: {  	[smem:$0x3F93] =	sst s2  }
0xb: {  	[smem:$0x3F94] =	sst s3  }
0xc: {  	[smem:$0x3F95] =	sst s4  }
0xd: {  	[smem:$0x3F96] =	sst s5  }
0xe: {  	[smem:$0x3F97] =	sst s6  }
0xf: {  	[smem:$0x3F98] =	sst s7  }
0x10: {  	[smem:$0x3F99] =	sst s8  }
0x11: {  	[smem:$0x3F9A] =	sst s9;
	s0 =	simm.s32 @!p0 $0x0  }
0x12: {  	s1 =	sld [smem:$0x3F80];
	s0 =	simm.s32 @p0 $0x1  }
0x13: {  	[smem:$0x3F9B] =	sst s0;
	s0 =	simm.s32 @!p1 $0x0  }
0x14: {  	s2 =	sld [smem:$0x3F7F];
	s0 =	simm.s32 @p1 $0x1  }
0x15: {  	[smem:$0x3F9C] =	sst s0;
	s0 =	simm.s32 @!p2 $0x0  }
0x16: {  	s3 =	sld [smem:$0x3FDB];
	s0 =	simm.s32 @p2 $0x1  }
0x17: {  	s4 =	simm.s32 $0x1BF5;
	[smem:$0x3F9E] =	sst s0  }
0x18: {  	s0 =	sld [smem:$0x3F81];
	_ =	swait.ge [sflag:s4], $0x0  }
0x19: {  	s7 =	sld [smem:$0x3F82]  }
0x1a: {  	s8 =	sadd.s32 $0xFFFFE003, lr  }
0x1b: {  	s9 =	sadd.s32 $0xFFFFFEF7, lr;
	s5 =	simm.s32 $0xFFFFFFFF;
	p2 =	slt.u32 s8, $0xFFFFF086  }
0x1c: {  	p1 =	slt.u32 s9, $0xF7A;
	s5 =	simm.s32 @!p2 $0x0  }
0x1d: {  	s5 =	simm.s32 @p1 $0x1;
	p0 =	seq.s32 s7, s2  }
0x1e: {  	s7 =	smul.u32 @!p0 $0xF7A, s2;
	p2 =	seq.s32 @!p0 s5, $0x0  }
0x1f: {  	s9 =	smul.u32 $0xF7A, s1;
	s8 =	simm.s32 @!p0 $0x1BF5;
	p2 =	por !p2, p0  }
0x20: {  	[sflag:s8] =	ssyncset.s32 @!p0 $0xFFFFF086;
	s6 =	sadd.s32 @!p0 s3, s7;
	s7 =	simm.s32 @!p0 $0x108  }
0x21: {  	s3 =	sadd.s32 s3, s9;
	s6 =	sadd.s32 @!p0 $0x88, s6;
	s7 =	simm.s32 @p2 $0x1082  }
0x22: {  	[simem:s7], [sflag:s8] =	dma.local @!p0 [hbm:s6], $0xF7A  }
0x23: {  	s9 =	sor.u32 $0xD0000000, s2;
	s6 =	simm.s32 $0x108;
	_ =	swait.ge @!p0 [sflag:s8], $0x0  }
0x24: {  	s3 =	sadd.s32 $0x88, s3;
	s6 =	simm.s32 @!p1 $0x1082;
	[sflag:s4] =	ssyncset.s32 $0xFFFFF086  }
0x25: {  	[simem:s6], [sflag:s4] =	dma.local [hbm:s3], $0xF7A  }
0x26: {  	[smem:$0x3F82] =	sst s1;
	(tag) =	ssettag s2;
	_ =	strace s9  }
0x27: {  	s1 =	sld [smem:$0x3F92]  }
0x28: {  	s2 =	sld [smem:$0x3F93]  }
0x29: {  	s4 =	sld [smem:$0x3F95]  }
0x2a: {  	p0 =	seq.s32 s5, $0x0;
	s5 =	sld [smem:$0x3F96]  }
0x2b: {  	s6 =	sld [smem:$0x3F97]  }
0x2c: {  	s7 =	sld [smem:$0x3F98]  }
0x2d: {  	s3 =	simm.s32 $0x108;
	s8 =	sld [smem:$0x3F99]  }
0x2e: {  	s3 =	simm.s32 @!p0 $0x1082;
	s9 =	sld [smem:$0x3F9A]  }
0x2f: {  	lr =	sadd.s32 s0, s3;
	s0 =	sld [smem:$0x3F91]  }
0x30: {  	s3 =	sld [smem:$0x3F94]  }
0x31: {  	[smem:$0x3F9D] =	sst s10  }
0x32: {  	s10 =	sld [smem:$0x3F9B];
	_ =	sdelay $0x3  }
0x33: {  	p0 =	seq.s32 s10, $0x1;
	s10 =	sld [smem:$0x3F9D];
	_ =	sdelay $0x3  }
0x34: {  	[smem:$0x3F9D] =	sst s10  }
0x35: {  	s10 =	sld [smem:$0x3F9C];
	_ =	sdelay $0x3  }
0x36: {  	p1 =	seq.s32 s10, $0x1;
	s10 =	sld [smem:$0x3F9D];
	_ =	sdelay $0x3  }
0x37: {  	[smem:$0x3F9D] =	sst s10  }
0x38: {  	s10 =	sld [smem:$0x3F9E]  }
0x39: {  	_ = 	snop;
	(pc) =	sbr.ind lr, $3  }
0x3a: {  	_ = 	snop  }
0x3b: {  	_ = 	snop  }
0x3c: {  	p2 =	seq.s32 s10, $0x1;
	s10 =	sld [smem:$0x3F9D]  }
0x3d: {  	_ =	shalt  }
0x3e: {  	_ =	shalt  }
0x3f: {  	_ =	shalt  }
0x40: {  	_ =	shalt  }
0x41: {  	_ =	shalt  }
0x42: {  	_ =	shalt  }
0x43: {  	_ =	shalt  }
0x44: {  	_ =	shalt  }
0x45: {  	_ =	shalt  }
0x46: {  	_ =	shalt  }
0x47: {  	_ =	shalt  }
0x48: {  	_ =	shalt  }
0x49: {  	_ =	shalt  }
0x4a: {  	_ =	shalt  }
0x4b: {  	_ =	shalt  }
0x4c: {  	_ =	shalt  }
0x4d: {  	_ =	shalt  }
0x4e: {  	_ =	shalt  }
0x4f: {  	_ =	shalt  }
0x50: {  	_ =	shalt  }
0x51: {  	_ =	shalt  }
0x52: {  	_ =	shalt  }
0x53: {  	_ =	shalt  }
0x54: {  	_ =	shalt  }
0x55: {  	_ =	shalt  }
0x56: {  	_ =	shalt  }
0x57: {  	_ =	shalt  }
0x58: {  	_ =	shalt  }
0x59: {  	_ =	shalt  }
0x5a: {  	_ =	shalt  }
0x5b: {  	_ =	shalt  }
0x5c: {  	_ =	shalt  }
0x5d: {  	_ =	shalt  }
0x5e: {  	_ =	shalt  }
0x5f: {  	_ =	shalt  }
0x60: {  	_ =	shalt  }
0x61: {  	_ =	shalt  }
0x62: {  	_ =	shalt  }
0x63: {  	_ =	shalt  }
0x64: {  	_ =	shalt  }
0x65: {  	_ =	shalt  }
0x66: {  	_ =	shalt  }
0x67: {  	_ =	shalt  }
0x68: {  	_ =	shalt  }
0x69: {  	_ =	shalt  }
0x6a: {  	_ =	shalt  }
0x6b: {  	_ =	shalt  }
0x6c: {  	_ =	shalt  }
0x6d: {  	_ =	shalt  }
0x6e: {  	_ =	shalt  }
0x6f: {  	_ =	shalt  }
0x70: {  	_ =	shalt  }
0x71: {  	_ =	shalt  }
0x72: {  	_ =	shalt  }
0x73: {  	_ =	shalt  }
0x74: {  	_ =	shalt  }
0x75: {  	_ =	shalt  }
0x76: {  	_ =	shalt  }
0x77: {  	_ =	shalt  }
0x78: {  	_ =	shalt  }
0x79: {  	_ =	shalt  }
0x7a: {  	_ =	shalt  }
0x7b: {  	_ =	shalt  }
0x7c: {  	_ =	shalt  }
0x7d: {  	_ =	shalt  }
0x7e: {  	_ =	shalt  }
0x7f: {  	_ =	shalt  }
0x80: {  	_ =	shalt  }
0x81: {  	_ =	shalt  }
0x82: {  	_ =	shalt  }
0x83: {  	_ =	shalt  }
0x84: {  	_ =	shalt  }
0x85: {  	_ =	shalt  }
0x86: {  	_ =	shalt  }
0x87: {  	_ =	shalt  }
.Lfunc_end0:
.L_simem_size_0:
called_computation_lowered:
.L_overlay_start_0:
0x88: {  	s2 =	sld [smem:$0x3FD9]  }
0x89: {  	s3 =	sld [smem:$0x3FFE];
	_ =	sdelay $0x1  }
0x8a: {  	s1 =	srdreg.scid  }
0x8b: {  	s0 =	sand.u32 $0x1, s1  }
0x8c: {  	s16 =	sshll.u32 s0, $0xA;
	s2 =	sadd.s32 s3, s2  }
0x8d: {  	s2 =	sadd.s32 s2, s16  }
0x8e: {  	[smem:$0x3FA9] =	sst s2  }
0x8f: {  	_ = 	snop  }
0x90: {  	(tm) =	ssettm $0x1  }
0x91: {  	s17 =	sld [smem:$0x3FFB];
	_ =	sdelay $0x3  }
0x92: {  	_ =	strace s17  }
0x93: {  	s2 =	sld [smem:$0x3FFC];
	_ =	sdelay $0x3  }
0x94: {  	_ =	strace s2  }
0x95: {  	s2 =	sld [smem:$0x3FFD];
	_ =	sdelay $0x3  }
0x96: {  	_ =	strace s2  }
0x97: {  	_ =	strace $0x8FFFFFFF  }
0x98: {  	s18 =	sld [smem:$0x3FDB];
	_ =	sdelay $0x1  }
0x99: {  	s19 =	simm.s32 $_scs_section_size  }
0x9a: {  	s4 =	simm.s32 $_size__tile_overlayer_lowered;
	s5 =	simm.s32 $_tile_overlayer_lowered  }
0x9b: {  	s22 =	simm.s32 $0x1BFF;
	s21 =	sshll.u32 s5, $0x1;
	s2 =	sadd.s32 s19, s18  }
0x9c: {  	s6 =	simm.s32 $0x0;
	s20 =	sshll.u32 s4, $0x1;
	s4 =	sadd.s32 s21, s2  }
0x9d: {  	[timem:s6], [sflag:s22] =	dma.local [hbm:s4], s20  }
0x9e: {  	_ =	swait.ge [sflag:s22], s20  }
0x9f: {  	s3 =	ssub.s32 $0x0, s20;
	[sflag:s22] =	ssyncset.done $0x0  }
0xa0: {  	[sflag:s22] =	ssyncadd.s32 s3;
	_ =	sdelay $0x1  }
0xa1: {  	s23 =	simm.s32 $0x1B8B  }
0xa2: {  	_ =	swait.ge [sflag:s23], $0x1  }
0xa3: {  	[sflag:s23] =	ssyncset.done $0x0  }
0xa4: {  	s25 =	simm.s32 $0x1B8E;
	s24 =	sld [smem:$0x3FFE];
	[sflag:s23] =	ssyncadd.s32 $0xFFFFFFFF  }
0xa5: {  	s26 =	simm.s32 $execute0_lowered;
	[smem:$0x3FD2] =	sst s25  }
0xa6: {  	s4 =	sshll.u32 s26, $0x1;
	_ =	strace $0x80000046;
	[dreg:$0x1] =	wrdreg $0xFFFFFFFF  }
0xa7: {  	s28 =	simm.s32 $_size_execute0_lowered;
	s2 =	sadd.s32 s2, s4;
	[dreg:$0x0] =	wrdreg $0x0  }
0xa8: {  	s4 =	sshll.u32 s28, $0x1;
	[dreg:$0x2] =	wrdreg s2  }
0xa9: {  	[dreg:$0x3] =	wrdreg s4  }
0xaa: {  	[dreg:$0x4] =	wrdreg $0xC0  }
0xab: {  	_ =	task [dreg:s6], $0x5FFFF  }
0xac: {  	[dreg:$0x1] =	wrdreg $0xFFFFFFFF  }
0xad: {  	[dreg:$0x0] =	wrdreg $0x60  }
0xae: {  	[dreg:$0x2] =	wrdreg s24  }
0xaf: {  	[dreg:$0x3] =	wrdreg $0x9  }
0xb0: {  	_ =	task.clear_ibuf [dreg:s6], $0x4FFFF;
	_ =	strace $0x90000046  }
0xb1: {  	s29 =	simm.s32 $0x9;
	_ =	strace $0x80000048  }
0xb2: {  	_ =	swait.ge [sflag:s29], $0x1  }
0xb3: {  	[sflag:s29] =	ssyncadd.s32 $0xFFFFFFFF  }
0xb4: {  	_ =	strace $0x90000048  }
0xb5: {  	_ =	sfence  }
0xb6: {  	s30 =	sld [smem:$0x0];
	_ =	sdelay $0x2  }
0xb7: {  	s31 =	sshll.u32 s1, $0xD;
	s1 =	sshrl.u32 s1, $0x2  }
0xb8: {  	s3 =	sand.u32 $0x4000, s31;
	s1 =	sadd.s32 s1, s30  }
0xb9: {  	s0 =	sor.u32 s3, s0;
	s1 =	sshll.u32 s1, $0x11  }
0xba: {  	s0 =	sor.u32 s1, s0  }
0xbb: {  	s0 =	sadd.s32 $0x8F2B, s0  }
0xbc: {  	[sflag:s0] =	ssyncadd.remote.s32 $0x1  }
0xbd: {  	_ =	sfence.sel $0xFFFF  }
0xbe: {  	[dreg:$0x0] =	wrdreg $0xFFFFFFFF;
	(pc) =	sbr.abs _section_cstart, $3  }
0xbf: {  	[dreg:$0x1] =	wrdreg $0xFFFFFFFF  }
0xc0: {  	_ =	task.clear_ibuf [dreg:s6], $0x2FFFF;
	_ =	strace $0x9FFFFFFF  }
0xc1: {  	(tm) =	ssettm $0x7FFFFFFF  }
tec
execute0_lowered:
.L_overlay_start_1:
0x0: {  	(tag) =	ssettag $0x1  }
0x1: {  	s3 =	rddreg [dreg:$0x0]  }
0x2: {  	s0 =	rddreg [dreg:$0x1];
	s1 =	stileid.u32  }
0x3: {  	s4 =	srdreg.scid;
	s5 =	smul.u32 $0x2800, s1  }
0x4: {  	s2 =	simm.s32 $0x0;
	s4 =	sand.u32 $0x1, s4;
	s29 =	smul.u32 $0x28000, s1  }
0x5: {  	[smem:$0x7FF] =	sst s2;
	s6 =	smul.u32 $0x1400, s4  }
0x6: {  	_ =	strace $0x80000047;
	s7 =	ssub.s32 $0x2, s4;
	s9 =	smul.u32 $0x14000, s4  }
0x7: {  	s8 =	sshrl.u32 s7, $0x1;
	s30 =	sadd.s32 s29, s3;
	s5 =	sadd.s32 s6, s5  }
0x8: {  	s31 =	ssub.s32 s7, s8;
	s7 =	simm.s32 $0x2;
	s5 =	sshrl.u32 s5, $0x3  }
0x9: {  	s8 =	simm.s32 $0x80;
	s4 =	smax.u32 s31, $0x1;
	s10 =	sadd.s32 s5, s3  }
0xa: {  	s3 =	sadd.s32 $0x19400, s3;
	s5 =	sadd.s32 s9, s30;
	s9 =	simm.s32 $0x1  }
0xb: {  	s5 =	sadd.s32 $0x67800, s5;
	s6 =	sadd.s32 $0x14400, s10;
	s10 =	simm.s32 $0x0  }
.LBB2_1:
0xc: {  	s11 =	sadd.s32 $0x0, s6  }
0xd: {  	[tilespmem:s2], [sflag:$0x2] =	stream.linear.gather [hbm4b:s11+s2], $0x80, $0x38;
	[tilespmem:$0x4080] =	vst v63  }
0xe: {  	_ =	swait.ge [sflag:s7], $0x80  }
0xf: {  	[sflag:s7] =	ssyncset.done $0x0  }
0x10: {  	[sflag:s7] =	ssyncadd.s32 $0xFFFFFF80  }
0x11: {  	[tilespmem:s8], [sflag:$0x1] =	stream.indirect.gather [hbm4b:s3+s8], $0x80, s2, s8, $0xb8;
	[tilespmem:$0x4080] =	vst v63  }
0x12: {  	_ =	swait.ge [sflag:s9], $0x4000  }
0x13: {  	[sflag:s9] =	ssyncset.done $0x0  }
0x14: {  	[sflag:s9] =	ssyncadd.s32 $0xFFFFC000  }
0x15: {  	[hbm4b:s5+s2] =	stream.linear.scatter [tilespmem:s8], [sflag:$0x2], $0x4000, $0x38;
	[tilespmem:$0x4080] =	vst v63  }
0x16: {  	s12 =	simm.s32 $0x10;
	_ =	swait.ge [sflag:s7], $0x4000  }
0x17: {  	s13 =	simm.s32 $0x20;
	s11 =	sadd.s32 $0x800, s5;
	[sflag:s7] =	ssyncset.done $0x0  }
.LBB2_2:
0x18: {  	s14 =	sadd.s32 s12, s6  }
0x19: {  	[sflag:s7] =	ssyncadd.s32 $0xFFFFC000;
	s12 =	smov.u32 s13;
	s15 =	sadd.s32 $0x10, s13  }
0x1a: {  	[tilespmem:s2], [sflag:$0x2] =	stream.linear.gather [hbm4b:s14+s2], $0x80, $0x38;
	[tilespmem:$0x4080] =	vst v63  }
0x1b: {  	p0 =	sne.s32 s13, $0x270;
	_ =	swait.ge [sflag:s7], $0x80  }
0x1c: {  	[sflag:s7] =	ssyncset.done $0x0  }
0x1d: {  	[sflag:s7] =	ssyncadd.s32 $0xFFFFFF80  }
0x1e: {  	[tilespmem:s8], [sflag:$0x1] =	stream.indirect.gather [hbm4b:s3+s8], $0x80, s2, s8, $0xb8;
	[tilespmem:$0x4080] =	vst v63  }
0x1f: {  	_ =	swait.ge [sflag:s9], $0x4000  }
.Ltmp0:
0x20: {  	[sflag:s9] =	ssyncset.done $0x0;
	(pc) =	sbr.rel @p0 .LBB2_2-.Ltmp0, $4  }
0x21: {  	[sflag:s9] =	ssyncadd.s32 $0xFFFFC000  }
0x22: {  	[hbm4b:s11+s2] =	stream.linear.scatter [tilespmem:s8], [sflag:$0x2], $0x4000, $0x38;
	[tilespmem:$0x4080] =	vst v63  }
0x23: {  	_ =	swait.ge [sflag:s7], $0x4000  }
0x24: {  	s13 =	smov.u32 s15;
	s11 =	sadd.s32 $0x800, s11;
	[sflag:s7] =	ssyncset.done $0x0  }
0x25: {  	s12 =	sadd.s32 s12, s6;
	[sflag:s7] =	ssyncadd.s32 $0xFFFFC000  }
0x26: {  	[tilespmem:s2], [sflag:$0x2] =	stream.linear.gather [hbm4b:s12+s2], $0x80, $0x38;
	[tilespmem:$0x4080] =	vst v63  }
0x27: {  	_ =	swait.ge [sflag:s7], $0x80  }
0x28: {  	[sflag:s7] =	ssyncset.done $0x0  }
0x29: {  	[sflag:s7] =	ssyncadd.s32 $0xFFFFFF80  }
0x2a: {  	[tilespmem:s8], [sflag:$0x1] =	stream.indirect.gather [hbm4b:s3+s8], $0x80, s2, s8, $0xb8;
	[tilespmem:$0x4080] =	vst v63  }
0x2b: {  	s10 =	sadd.s32 $0x1, s10;
	_ =	swait.ge [sflag:s9], $0x4000  }
0x2c: {  	p0 =	sne.s32 s10, s4;
	[sflag:s9] =	ssyncset.done $0x0  }
.Ltmp1:
0x2d: {  	[sflag:s9] =	ssyncadd.s32 $0xFFFFC000;
	(pc) =	sbr.rel @p0 .LBB2_1-.Ltmp1, $4  }
0x2e: {  	[hbm4b:s11+s2] =	stream.linear.scatter [tilespmem:s8], [sflag:$0x2], $0x4000, $0x38;
	[tilespmem:$0x4080] =	vst v63  }
0x2f: {  	_ =	swait.ge [sflag:s7], $0x4000  }
0x30: {  	[sflag:s7] =	ssyncset.done $0x0  }
0x31: {  	[sflag:s7] =	ssyncadd.s32 $0xFFFFC000  }
0x32: {  	_ =	sfence.sel $0x180000  }
0x33: {  	[bflag:$0x0] =	sbarrier.arrive $0xFFFF  }
0x34: {  	p0 =	sne.s32 s1, $0x0;
	_ =	strace $0x90000047  }
0x35: {  	s0 =	sadd.s32 @!p0 $0x100000, s0;
	[bflag:$0x2] =	sbarrier.arrive $0xFFFF  }
0x36: {  	[sflag:s0] =	ssyncadd.tile.s32 @!p0 $0x1;
	_ =	shalt  }
.Lfunc_end2:
_tile_overlayer_lowered:
.L_overlay_start_2:
0x37: {  	(tag) =	ssettag $0x2  }
0x38: {  	s0 =	rddreg [dreg:$0x0];
	s2 =	stileid.u32  }
0x39: {  	s1 =	rddreg [dreg:$0x1];
	p0 =	sne.s32 s2, $0x0  }
0x3a: {  	s3 =	rddreg [dreg:$0x2];
	[bflag:$0x3] =	sbarrier.arrive $0xFFFF;
	s2 =	simm.s32 @!p0 $0x1C02  }
0x3b: {  	[timem:s3], [sflag:s2] =	dma.local @!p0 [hbm:s0], s1  }
0x3c: {  	s0 =	simm.s32 @!p0 $0x2  }
0x3d: {  	_ =	swait.ge @!p0 [sflag:s0], s1  }
0x3e: {  	s1 =	ssub.s32 @!p0 $0x0, s1;
	[sflag:s0] =	ssyncset.done @!p0 $0x0  }
0x3f: {  	[sflag:s0] =	ssyncadd.s32 @!p0 s1  }
0x40: {  	[bflag:$0x3] =	sbarrier.arrive $0xFFFF  }
0x41: {  	_ =	shalt  }

// kernel: kernel.36.cloned.1.call-start
scs
__scs_entry_jumppad:
0x0: {  	(pc) =	sbr.rel $0x88, $3  }
0x1: {  	(tag) =	ssettag $0x0;
	lr =	simm.s32 $0x1  }
0x2: {  	[smem:$0x3F82] =	sst lr;
	_ =	strace $0xD0000000  }
0x3: {  	_ = 	snop  }
0x4: {  	_ = 	snop  }
0x5: {  	_ = 	snop  }
0x6: {  	_ = 	snop  }
0x7: {  	_ = 	snop  }
__scs_overlays_trampoline_lowered:
0x8: {  	[smem:$0x3F91] =	sst s0  }
0x9: {  	[smem:$0x3F92] =	sst s1  }
0xa: {  	[smem:$0x3F93] =	sst s2  }
0xb: {  	[smem:$0x3F94] =	sst s3  }
0xc: {  	[smem:$0x3F95] =	sst s4  }
0xd: {  	[smem:$0x3F96] =	sst s5  }
0xe: {  	[smem:$0x3F97] =	sst s6  }
0xf: {  	[smem:$0x3F98] =	sst s7  }
0x10: {  	[smem:$0x3F99] =	sst s8  }
0x11: {  	[smem:$0x3F9A] =	sst s9;
	s0 =	simm.s32 @!p0 $0x0  }
0x12: {  	s1 =	sld [smem:$0x3F80];
	s0 =	simm.s32 @p0 $0x1  }
0x13: {  	[smem:$0x3F9B] =	sst s0;
	s0 =	simm.s32 @!p1 $0x0  }
0x14: {  	s2 =	sld [smem:$0x3F7F];
	s0 =	simm.s32 @p1 $0x1  }
0x15: {  	[smem:$0x3F9C] =	sst s0;
	s0 =	simm.s32 @!p2 $0x0  }
0x16: {  	s3 =	sld [smem:$0x3FDB];
	s0 =	simm.s32 @p2 $0x1  }
0x17: {  	s4 =	simm.s32 $0x1BF5;
	[smem:$0x3F9E] =	sst s0  }
0x18: {  	s0 =	sld [smem:$0x3F81];
	_ =	swait.ge [sflag:s4], $0x0  }
0x19: {  	s7 =	sld [smem:$0x3F82]  }
0x1a: {  	s8 =	sadd.s32 $0xFFFFE003, lr  }
0x1b: {  	s9 =	sadd.s32 $0xFFFFFEF7, lr;
	s5 =	simm.s32 $0xFFFFFFFF;
	p2 =	slt.u32 s8, $0xFFFFF086  }
0x1c: {  	p1 =	slt.u32 s9, $0xF7A;
	s5 =	simm.s32 @!p2 $0x0  }
0x1d: {  	s5 =	simm.s32 @p1 $0x1;
	p0 =	seq.s32 s7, s2  }
0x1e: {  	s7 =	smul.u32 @!p0 $0xF7A, s2;
	p2 =	seq.s32 @!p0 s5, $0x0  }
0x1f: {  	s9 =	smul.u32 $0xF7A, s1;
	s8 =	simm.s32 @!p0 $0x1BF5;
	p2 =	por !p2, p0  }
0x20: {  	[sflag:s8] =	ssyncset.s32 @!p0 $0xFFFFF086;
	s6 =	sadd.s32 @!p0 s3, s7;
	s7 =	simm.s32 @!p0 $0x108  }
0x21: {  	s3 =	sadd.s32 s3, s9;
	s6 =	sadd.s32 @!p0 $0x88, s6;
	s7 =	simm.s32 @p2 $0x1082  }
0x22: {  	[simem:s7], [sflag:s8] =	dma.local @!p0 [hbm:s6], $0xF7A  }
0x23: {  	s9 =	sor.u32 $0xD0000000, s2;
	s6 =	simm.s32 $0x108;
	_ =	swait.ge @!p0 [sflag:s8], $0x0  }
0x24: {  	s3 =	sadd.s32 $0x88, s3;
	s6 =	simm.s32 @!p1 $0x1082;
	[sflag:s4] =	ssyncset.s32 $0xFFFFF086  }
0x25: {  	[simem:s6], [sflag:s4] =	dma.local [hbm:s3], $0xF7A  }
0x26: {  	[smem:$0x3F82] =	sst s1;
	(tag) =	ssettag s2;
	_ =	strace s9  }
0x27: {  	s1 =	sld [smem:$0x3F92]  }
0x28: {  	s2 =	sld [smem:$0x3F93]  }
0x29: {  	s4 =	sld [smem:$0x3F95]  }
0x2a: {  	p0 =	seq.s32 s5, $0x0;
	s5 =	sld [smem:$0x3F96]  }
0x2b: {  	s6 =	sld [smem:$0x3F97]  }
0x2c: {  	s7 =	sld [smem:$0x3F98]  }
0x2d: {  	s3 =	simm.s32 $0x108;
	s8 =	sld [smem:$0x3F99]  }
0x2e: {  	s3 =	simm.s32 @!p0 $0x1082;
	s9 =	sld [smem:$0x3F9A]  }
0x2f: {  	lr =	sadd.s32 s0, s3;
	s0 =	sld [smem:$0x3F91]  }
0x30: {  	s3 =	sld [smem:$0x3F94]  }
0x31: {  	[smem:$0x3F9D] =	sst s10  }
0x32: {  	s10 =	sld [smem:$0x3F9B];
	_ =	sdelay $0x3  }
0x33: {  	p0 =	seq.s32 s10, $0x1;
	s10 =	sld [smem:$0x3F9D];
	_ =	sdelay $0x3  }
0x34: {  	[smem:$0x3F9D] =	sst s10  }
0x35: {  	s10 =	sld [smem:$0x3F9C];
	_ =	sdelay $0x3  }
0x36: {  	p1 =	seq.s32 s10, $0x1;
	s10 =	sld [smem:$0x3F9D];
	_ =	sdelay $0x3  }
0x37: {  	[smem:$0x3F9D] =	sst s10  }
0x38: {  	s10 =	sld [smem:$0x3F9E]  }
0x39: {  	_ = 	snop;
	(pc) =	sbr.ind lr, $3  }
0x3a: {  	_ = 	snop  }
0x3b: {  	_ = 	snop  }
0x3c: {  	p2 =	seq.s32 s10, $0x1;
	s10 =	sld [smem:$0x3F9D]  }
0x3d: {  	_ =	shalt  }
0x3e: {  	_ =	shalt  }
0x3f: {  	_ =	shalt  }
0x40: {  	_ =	shalt  }
0x41: {  	_ =	shalt  }
0x42: {  	_ =	shalt  }
0x43: {  	_ =	shalt  }
0x44: {  	_ =	shalt  }
0x45: {  	_ =	shalt  }
0x46: {  	_ =	shalt  }
0x47: {  	_ =	shalt  }
0x48: {  	_ =	shalt  }
0x49: {  	_ =	shalt  }
0x4a: {  	_ =	shalt  }
0x4b: {  	_ =	shalt  }
0x4c: {  	_ =	shalt  }
0x4d: {  	_ =	shalt  }
0x4e: {  	_ =	shalt  }
0x4f: {  	_ =	shalt  }
0x50: {  	_ =	shalt  }
0x51: {  	_ =	shalt  }
0x52: {  	_ =	shalt  }
0x53: {  	_ =	shalt  }
0x54: {  	_ =	shalt  }
0x55: {  	_ =	shalt  }
0x56: {  	_ =	shalt  }
0x57: {  	_ =	shalt  }
0x58: {  	_ =	shalt  }
0x59: {  	_ =	shalt  }
0x5a: {  	_ =	shalt  }
0x5b: {  	_ =	shalt  }
0x5c: {  	_ =	shalt  }
0x5d: {  	_ =	shalt  }
0x5e: {  	_ =	shalt  }
0x5f: {  	_ =	shalt  }
0x60: {  	_ =	shalt  }
0x61: {  	_ =	shalt  }
0x62: {  	_ =	shalt  }
0x63: {  	_ =	shalt  }
0x64: {  	_ =	shalt  }
0x65: {  	_ =	shalt  }
0x66: {  	_ =	shalt  }
0x67: {  	_ =	shalt  }
0x68: {  	_ =	shalt  }
0x69: {  	_ =	shalt  }
0x6a: {  	_ =	shalt  }
0x6b: {  	_ =	shalt  }
0x6c: {  	_ =	shalt  }
0x6d: {  	_ =	shalt  }
0x6e: {  	_ =	shalt  }
0x6f: {  	_ =	shalt  }
0x70: {  	_ =	shalt  }
0x71: {  	_ =	shalt  }
0x72: {  	_ =	shalt  }
0x73: {  	_ =	shalt  }
0x74: {  	_ =	shalt  }
0x75: {  	_ =	shalt  }
0x76: {  	_ =	shalt  }
0x77: {  	_ =	shalt  }
0x78: {  	_ =	shalt  }
0x79: {  	_ =	shalt  }
0x7a: {  	_ =	shalt  }
0x7b: {  	_ =	shalt  }
0x7c: {  	_ =	shalt  }
0x7d: {  	_ =	shalt  }
0x7e: {  	_ =	shalt  }
0x7f: {  	_ =	shalt  }
0x80: {  	_ =	shalt  }
0x81: {  	_ =	shalt  }
0x82: {  	_ =	shalt  }
0x83: {  	_ =	shalt  }
0x84: {  	_ =	shalt  }
0x85: {  	_ =	shalt  }
0x86: {  	_ =	shalt  }
0x87: {  	_ =	shalt  }
.Lfunc_end0:
.L_simem_size_0:
called_computation.1_lowered:
.L_overlay_start_0:
0x88: {  	s2 =	sld [smem:$0x3FD9]  }
0x89: {  	s3 =	sld [smem:$0x3FFE];
	_ =	sdelay $0x1  }
0x8a: {  	s1 =	srdreg.scid  }
0x8b: {  	s0 =	sand.u32 $0x1, s1  }
0x8c: {  	s16 =	sshll.u32 s0, $0xA;
	s2 =	sadd.s32 s3, s2  }
0x8d: {  	s2 =	sadd.s32 s2, s16  }
0x8e: {  	[smem:$0x3FA9] =	sst s2  }
0x8f: {  	_ = 	snop  }
0x90: {  	(tm) =	ssettm $0x1  }
0x91: {  	s17 =	sld [smem:$0x3FFB];
	_ =	sdelay $0x3  }
0x92: {  	_ =	strace s17  }
0x93: {  	s2 =	sld [smem:$0x3FFC];
	_ =	sdelay $0x3  }
0x94: {  	_ =	strace s2  }
0x95: {  	s2 =	sld [smem:$0x3FFD];
	_ =	sdelay $0x3  }
0x96: {  	_ =	strace s2  }
0x97: {  	_ =	strace $0x8FFFFFFF  }
0x98: {  	s18 =	sld [smem:$0x3FDB];
	_ =	sdelay $0x1  }
0x99: {  	s19 =	simm.s32 $_scs_section_size  }
0x9a: {  	s4 =	simm.s32 $_size__tile_overlayer_lowered;
	s5 =	simm.s32 $_tile_overlayer_lowered  }
0x9b: {  	s22 =	simm.s32 $0x1BFF;
	s21 =	sshll.u32 s5, $0x1;
	s2 =	sadd.s32 s19, s18  }
0x9c: {  	s6 =	simm.s32 $0x0;
	s20 =	sshll.u32 s4, $0x1;
	s4 =	sadd.s32 s21, s2  }
0x9d: {  	[timem:s6], [sflag:s22] =	dma.local [hbm:s4], s20  }
0x9e: {  	_ =	swait.ge [sflag:s22], s20  }
0x9f: {  	s3 =	ssub.s32 $0x0, s20;
	[sflag:s22] =	ssyncset.done $0x0  }
0xa0: {  	[sflag:s22] =	ssyncadd.s32 s3;
	_ =	sdelay $0x1  }
0xa1: {  	s23 =	simm.s32 $0x1B8B  }
0xa2: {  	_ =	swait.ge [sflag:s23], $0x1  }
0xa3: {  	[sflag:s23] =	ssyncset.done $0x0  }
0xa4: {  	s25 =	simm.s32 $0x1B8E;
	s24 =	sld [smem:$0x3FFE];
	[sflag:s23] =	ssyncadd.s32 $0xFFFFFFFF  }
0xa5: {  	s26 =	simm.s32 $execute0_lowered;
	[smem:$0x3FD2] =	sst s25  }
0xa6: {  	s4 =	sshll.u32 s26, $0x1;
	_ =	strace $0x80000049;
	[dreg:$0x1] =	wrdreg $0xFFFFFFFF  }
0xa7: {  	s28 =	simm.s32 $_size_execute0_lowered;
	s2 =	sadd.s32 s2, s4;
	[dreg:$0x0] =	wrdreg $0x0  }
0xa8: {  	s4 =	sshll.u32 s28, $0x1;
	[dreg:$0x2] =	wrdreg s2  }
0xa9: {  	[dreg:$0x3] =	wrdreg s4  }
0xaa: {  	[dreg:$0x4] =	wrdreg $0xC0  }
0xab: {  	_ =	task [dreg:s6], $0x5FFFF  }
0xac: {  	[dreg:$0x1] =	wrdreg $0xFFFFFFFF  }
0xad: {  	[dreg:$0x0] =	wrdreg $0x60  }
0xae: {  	[dreg:$0x2] =	wrdreg s24  }
0xaf: {  	[dreg:$0x3] =	wrdreg $0x40800  }
0xb0: {  	[dreg:$0x4] =	wrdreg $0x9  }
0xb1: {  	_ =	task.clear_ibuf [dreg:s6], $0x5FFFF;
	_ =	strace $0x90000049  }
0xb2: {  	s29 =	simm.s32 $0x9;
	_ =	strace $0x8000004B  }
0xb3: {  	_ =	swait.ge [sflag:s29], $0x1  }
0xb4: {  	[sflag:s29] =	ssyncadd.s32 $0xFFFFFFFF  }
0xb5: {  	_ =	strace $0x9000004B  }
0xb6: {  	_ =	sfence  }
0xb7: {  	s30 =	sld [smem:$0x0];
	_ =	sdelay $0x2  }
0xb8: {  	s31 =	sshll.u32 s1, $0xD;
	s1 =	sshrl.u32 s1, $0x2  }
0xb9: {  	s3 =	sand.u32 $0x4000, s31;
	s1 =	sadd.s32 s1, s30  }
0xba: {  	s0 =	sor.u32 s3, s0;
	s1 =	sshll.u32 s1, $0x11  }
0xbb: {  	s0 =	sor.u32 s1, s0  }
0xbc: {  	s0 =	sadd.s32 $0x8F2B, s0  }
0xbd: {  	[sflag:s0] =	ssyncadd.remote.s32 $0x1  }
0xbe: {  	_ =	sfence.sel $0xFFFF  }
0xbf: {  	[dreg:$0x0] =	wrdreg $0xFFFFFFFF;
	(pc) =	sbr.abs _section_cstart, $3  }
0xc0: {  	[dreg:$0x1] =	wrdreg $0xFFFFFFFF  }
0xc1: {  	_ =	task.clear_ibuf [dreg:s6], $0x2FFFF;
	_ =	strace $0x9FFFFFFF  }
0xc2: {  	(tm) =	ssettm $0x7FFFFFFF  }
0xc3: {  	_ =	shalt  }
tec
execute0_lowered:
.L_overlay_start_1:
0x0: {  	(tag) =	ssettag $0x1  }
0x1: {  	s11 =	stileid.u32  }
0x2: {  	s0 =	srdreg.scid;
	s6 =	smul.u32 $0x1400, s11  }
0x3: {  	s4 =	rddreg [dreg:$0x0];
	s8 =	smul.u32 $0x2700, s11  }
0x4: {  	s1 =	rddreg [dreg:$0x1];
	s2 =	simm.s32 $0x0;
	s29 =	smul.u32 $0x4E000, s11  }
0x5: {  	s5 =	sand.u32 $0x1, s0;
	s0 =	rddreg [dreg:$0x2];
	s10 =	smul.u32 $0x14000, s11  }
0x6: {  	s13 =	simm.s32 $0x0;
	[smem:$0x7FF] =	sst s2;
	s3 =	smul.u32 $0x14000, s5  }
0x7: {  	p0 =	sne.s32 s11, $0x0;
	s11 =	sshll.u32 s11, $0x6;
	s7 =	smul.u32 $0x140000, s5  }
0x8: {  	s28 =	smul.u32 $0x27100, s5;
	_ =	strace $0x8000004A;
	s5 =	ssub.s32 $0x2, s5  }
0x9: {  	s11 =	sor.u32 $0x1C01, s11;
	s30 =	sshrl.u32 s5, $0x1;
	s3 =	sadd.s32 s6, s3  }
0xa: {  	s7 =	sadd.s32 s7, s4;
	s6 =	sadd.s32 s8, s28;
	s8 =	sshrl.u32 s29, $0x2  }
0xb: {  	s5 =	ssub.s32 s5, s30;
	s3 =	sshrl.u32 s3, $0x3;
	s12 =	sadd.s32 s8, s1  }
0xc: {  	s5 =	smax.u32 s5, $0x1;
	s31 =	sadd.s32 s10, s7;
	s8 =	sshrl.u32 @!p0 s1, $0x3  }
0xd: {  	s10 =	simm.s32 $0x80;
	s9 =	sadd.s32 s3, s4;
	s3 =	sadd.s32 $0x19400, s4  }
0xe: {  	s4 =	sadd.s32 s6, s4;
	s6 =	sadd.s32 $0x7D8800, s31;
	s12 =	sshrl.u32 s12, $0x3  }
0xf: {  	s4 =	sadd.s32 $0x67800, s4;
	s7 =	sadd.s32 $0xF400, s9;
	s9 =	simm.s32 $0x1  }
.LBB2_1:
0x10: {  	s14 =	simm.s32 @!p0 $0x1C01  }
0x11: {  	[spmem:s8], [sflag:s14] =	dma.local @!p0 [hbm:s3], $0x27100  }
0x12: {  	s14 =	simm.s32 @!p0 $0x1  }
0x13: {  	_ =	swait.ge @!p0 [sflag:s14], $0x27100  }
0x14: {  	[sflag:s14] =	ssyncset.done @!p0 $0x0  }
0x15: {  	[sflag:s14] =	ssyncadd.s32 @!p0 $0xFFFD8F00  }
0x16: {  	s31 =	sadd.s32 $0x0, s7;
	[bflag:$0x0] =	sbarrier.arrive $0xFFFF  }
0x17: {  	[tilespmem:s2], [sflag:$0x1] =	stream.linear.gather [hbm4b:s31+s2], $0x80, $0x38;
	[tilespmem:$0x6790] =	vst v63  }
0x18: {  	_ =	swait.ge [sflag:s9], $0x80  }
0x19: {  	[sflag:s9] =	ssyncset.done $0x0  }
0x1a: {  	[sflag:s9] =	ssyncadd.s32 $0xFFFFFF80  }
0x1b: {  	[tilespmem:s10], [sflag:$0x1] =	stream.linear.gather [hbm4b:s6+s2], $0x4000, $0x38;
	[tilespmem:$0x6790] =	vst v63  }
0x1c: {  	_ =	swait.ge [sflag:s9], $0x4000  }
0x1d: {  	[sflag:s9] =	ssyncset.done $0x0  }
0x1e: {  	[sflag:s9] =	ssyncadd.s32 $0xFFFFC000  }
0x1f: {  	[spmem:s1] =	stream.indirect.scatter.add.f32 [tilespmem:s10], [sflag:$0x1], $0x10, s2, s10, $0xb8;
	[tilespmem:$0x6790] =	vst v63  }
0x20: {  	s15 =	simm.s32 $0x10;
	_ =	swait.ge [sflag:s9], $0x800  }
0x21: {  	s16 =	simm.s32 $0x20;
	s14 =	sadd.s32 $0x800, s6;
	[sflag:s9] =	ssyncset.done $0x0  }
.LBB2_2:
0x22: {  	s17 =	sadd.s32 s15, s7  }
0x23: {  	[sflag:s9] =	ssyncadd.s32 $0xFFFFF800;
	s15 =	smov.u32 s16;
	s18 =	sadd.s32 $0x10, s16  }
0x24: {  	[tilespmem:s2], [sflag:$0x1] =	stream.linear.gather [hbm4b:s17+s2], $0x80, $0x38;
	[tilespmem:$0x6790] =	vst v63  }
0x25: {  	p1 =	sne.s32 s16, $0x270;
	_ =	swait.ge [sflag:s9], $0x80  }
0x26: {  	[sflag:s9] =	ssyncset.done $0x0  }
0x27: {  	[sflag:s9] =	ssyncadd.s32 $0xFFFFFF80  }
0x28: {  	[tilespmem:s10], [sflag:$0x1] =	stream.linear.gather [hbm4b:s14+s2], $0x4000, $0x38;
	[tilespmem:$0x6790] =	vst v63  }
0x29: {  	_ =	swait.ge [sflag:s9], $0x4000  }
.Ltmp0:
0x2a: {  	[sflag:s9] =	ssyncset.done $0x0;
	(pc) =	sbr.rel @p1 .LBB2_2-.Ltmp0, $4  }
0x2b: {  	[sflag:s9] =	ssyncadd.s32 $0xFFFFC000  }
0x2c: {  	[spmem:s1] =	stream.indirect.scatter.add.f32 [tilespmem:s10], [sflag:$0x1], $0x10, s2, s10, $0xb8;
	[tilespmem:$0x6790] =	vst v63  }
0x2d: {  	_ =	swait.ge [sflag:s9], $0x800  }
0x2e: {  	s16 =	smov.u32 s18;
	s14 =	sadd.s32 $0x800, s14;
	[sflag:s9] =	ssyncset.done $0x0  }
0x2f: {  	s15 =	sadd.s32 s15, s7;
	[sflag:s9] =	ssyncadd.s32 $0xFFFFF800  }
0x30: {  	[tilespmem:s2], [sflag:$0x1] =	stream.linear.gather [hbm4b:s15+s2], $0x80, $0x38;
	[tilespmem:$0x6790] =	vst v63  }
0x31: {  	_ =	swait.ge [sflag:s9], $0x80  }
0x32: {  	[sflag:s9] =	ssyncset.done $0x0  }
0x33: {  	[sflag:s9] =	ssyncadd.s32 $0xFFFFFF80  }
0x34: {  	[tilespmem:s10], [sflag:$0x1] =	stream.linear.gather [hbm4b:s14+s2], $0x4000, $0x38;
	[tilespmem:$0x6790] =	vst v63  }
0x35: {  	_ =	swait.ge [sflag:s9], $0x4000  }
0x36: {  	[sflag:s9] =	ssyncset.done $0x0  }
0x37: {  	[sflag:s9] =	ssyncadd.s32 $0xFFFFC000  }
0x38: {  	[spmem:s1] =	stream.indirect.scatter.add.f32 [tilespmem:s10], [sflag:$0x1], $0x10, s2, s10, $0xb8;
	[tilespmem:$0x6790] =	vst v63  }
0x39: {  	_ =	swait.ge [sflag:s9], $0x800  }
0x3a: {  	s13 =	sadd.s32 $0x1, s13;
	[sflag:s9] =	ssyncset.done $0x0  }
0x3b: {  	p1 =	sne.s32 s13, s5;
	[sflag:s9] =	ssyncadd.s32 $0xFFFFF800  }
.Ltmp1:
0x3c: {  	[bflag:$0x0] =	sbarrier.arrive $0xFFFF;
	(pc) =	sbr.rel @p1 .LBB2_1-.Ltmp1, $4  }
0x3d: {  	[hbm:s4], [sflag:s11] =	dma.local [spmem:s12], $0x2800  }
0x3e: {  	_ =	swait.ge [sflag:s9], $0x2800  }
0x3f: {  	[sflag:s9] =	ssyncset.done $0x0  }
0x40: {  	[sflag:s9] =	ssyncadd.s32 $0xFFFFD800  }
0x41: {  	_ =	sfence.sel $0x180000  }
0x42: {  	[bflag:$0x0] =	sbarrier.arrive $0xFFFF  }
0x43: {  	_ =	strace $0x9000004A  }
0x44: {  	s0 =	sadd.s32 @!p0 $0x100000, s0;
	[bflag:$0x2] =	sbarrier.arrive $0xFFFF  }
0x45: {  	[sflag:s0] =	ssyncadd.tile.s32 @!p0 $0x1;
	_ =	shalt  }
.Lfunc_end2:
_tile_overlayer_lowered:
.L_overlay_start_2:
0x46: {  	(tag) =	ssettag $0x2  }
0x47: {  	s0 =	rddreg [dreg:$0x0];
	s2 =	stileid.u32  }
0x48: {  	s1 =	rddreg [dreg:$0x1];
	p0 =	sne.s32 s2, $0x0  }
0x49: {  	s3 =	rddreg [dreg:$0x2];
	[bflag:$0x3] =	sbarrier.arrive $0xFFFF;
	s2 =	simm.s32 @!p0 $0x1C01  }
0x4a: {  	[timem:s3], [sflag:s2] =	dma.local @!p0 [hbm:s0], s1  }
0x4b: {  	s0 =	simm.s32 @!p0 $0x1  }
0x4c: {  	_ =	swait.ge @!p0 [sflag:s0], s1  }
0x4d: {  	s1 =	ssub.s32 @!p0 $0x0, s1;
	[sflag:s0] =	ssyncset.done @!p0 $0x0  }
0x4e: {  	[sflag:s0] =	ssyncadd.s32 @!p0 s1  }
0x4f: {  	[bflag:$0x3] =	sbarrier.arrive $0xFFFF  }
0x50: {  	_ =	shalt  }

// kernel: kernel.39.cloned.1.call-start
scs
__scs_entry_jumppad:
0x0: {  	(pc) =	sbr.rel $0x88, $3  }
0x1: {  	(tag) =	ssettag $0x0;
	lr =	simm.s32 $0x1  }
0x2: {  	[smem:$0x3F82] =	sst lr;
	_ =	strace $0xD0000000  }
0x3: {  	_ = 	snop  }
0x4: {  	_ = 	snop  }
0x5: {  	_ = 	snop  }
0x6: {  	_ = 	snop  }
0x7: {  	_ = 	snop  }
__scs_overlays_trampoline_lowered:
0x8: {  	[smem:$0x3F91] =	sst s0  }
0x9: {  	[smem:$0x3F92] =	sst s1  }
0xa: {  	[smem:$0x3F93] =	sst s2  }
0xb: {  	[smem:$0x3F94] =	sst s3  }
0xc: {  	[smem:$0x3F95] =	sst s4  }
0xd: {  	[smem:$0x3F96] =	sst s5  }
0xe: {  	[smem:$0x3F97] =	sst s6  }
0xf: {  	[smem:$0x3F98] =	sst s7  }
0x10: {  	[smem:$0x3F99] =	sst s8  }
0x11: {  	[smem:$0x3F9A] =	sst s9;
	s0 =	simm.s32 @!p0 $0x0  }
0x12: {  	s1 =	sld [smem:$0x3F80];
	s0 =	simm.s32 @p0 $0x1  }
0x13: {  	[smem:$0x3F9B] =	sst s0;
	s0 =	simm.s32 @!p1 $0x0  }
0x14: {  	s2 =	sld [smem:$0x3F7F];
	s0 =	simm.s32 @p1 $0x1  }
0x15: {  	[smem:$0x3F9C] =	sst s0;
	s0 =	simm.s32 @!p2 $0x0  }
0x16: {  	s3 =	sld [smem:$0x3FDB];
	s0 =	simm.s32 @p2 $0x1  }
0x17: {  	s4 =	simm.s32 $0x1BF5;
	[smem:$0x3F9E] =	sst s0  }
0x18: {  	s0 =	sld [smem:$0x3F81];
	_ =	swait.ge [sflag:s4], $0x0  }
0x19: {  	s7 =	sld [smem:$0x3F82]  }
0x1a: {  	s8 =	sadd.s32 $0xFFFFE003, lr  }
0x1b: {  	s9 =	sadd.s32 $0xFFFFFEF7, lr;
	s5 =	simm.s32 $0xFFFFFFFF;
	p2 =	slt.u32 s8, $0xFFFFF086  }
0x1c: {  	p1 =	slt.u32 s9, $0xF7A;
	s5 =	simm.s32 @!p2 $0x0  }
0x1d: {  	s5 =	simm.s32 @p1 $0x1;
	p0 =	seq.s32 s7, s2  }
0x1e: {  	s7 =	smul.u32 @!p0 $0xF7A, s2;
	p2 =	seq.s32 @!p0 s5, $0x0  }
0x1f: {  	s9 =	smul.u32 $0xF7A, s1;
	s8 =	simm.s32 @!p0 $0x1BF5;
	p2 =	por !p2, p0  }
0x20: {  	[sflag:s8] =	ssyncset.s32 @!p0 $0xFFFFF086;
	s6 =	sadd.s32 @!p0 s3, s7;
	s7 =	simm.s32 @!p0 $0x108  }
0x21: {  	s3 =	sadd.s32 s3, s9;
	s6 =	sadd.s32 @!p0 $0x88, s6;
	s7 =	simm.s32 @p2 $0x1082  }
0x22: {  	[simem:s7], [sflag:s8] =	dma.local @!p0 [hbm:s6], $0xF7A  }
0x23: {  	s9 =	sor.u32 $0xD0000000, s2;
	s6 =	simm.s32 $0x108;
	_ =	swait.ge @!p0 [sflag:s8], $0x0  }
0x24: {  	s3 =	sadd.s32 $0x88, s3;
	s6 =	simm.s32 @!p1 $0x1082;
	[sflag:s4] =	ssyncset.s32 $0xFFFFF086  }
0x25: {  	[simem:s6], [sflag:s4] =	dma.local [hbm:s3], $0xF7A  }
0x26: {  	[smem:$0x3F82] =	sst s1;
	(tag) =	ssettag s2;
	_ =	strace s9  }
0x27: {  	s1 =	sld [smem:$0x3F92]  }
0x28: {  	s2 =	sld [smem:$0x3F93]  }
0x29: {  	s4 =	sld [smem:$0x3F95]  }
0x2a: {  	p0 =	seq.s32 s5, $0x0;
	s5 =	sld [smem:$0x3F96]  }
0x2b: {  	s6 =	sld [smem:$0x3F97]  }
0x2c: {  	s7 =	sld [smem:$0x3F98]  }
0x2d: {  	s3 =	simm.s32 $0x108;
	s8 =	sld [smem:$0x3F99]  }
0x2e: {  	s3 =	simm.s32 @!p0 $0x1082;
	s9 =	sld [smem:$0x3F9A]  }
0x2f: {  	lr =	sadd.s32 s0, s3;
	s0 =	sld [smem:$0x3F91]  }
0x30: {  	s3 =	sld [smem:$0x3F94]  }
0x31: {  	[smem:$0x3F9D] =	sst s10  }
0x32: {  	s10 =	sld [smem:$0x3F9B];
	_ =	sdelay $0x3  }
0x33: {  	p0 =	seq.s32 s10, $0x1;
	s10 =	sld [smem:$0x3F9D];
	_ =	sdelay $0x3  }
0x34: {  	[smem:$0x3F9D] =	sst s10  }
0x35: {  	s10 =	sld [smem:$0x3F9C];
	_ =	sdelay $0x3  }
0x36: {  	p1 =	seq.s32 s10, $0x1;
	s10 =	sld [smem:$0x3F9D];
	_ =	sdelay $0x3  }
0x37: {  	[smem:$0x3F9D] =	sst s10  }
0x38: {  	s10 =	sld [smem:$0x3F9E]  }
0x39: {  	_ = 	snop;
	(pc) =	sbr.ind lr, $3  }
0x3a: {  	_ = 	snop  }
0x3b: {  	_ = 	snop  }
0x3c: {  	p2 =	seq.s32 s10, $0x1;
	s10 =	sld [smem:$0x3F9D]  }
0x3d: {  	_ =	shalt  }
0x3e: {  	_ =	shalt  }
0x3f: {  	_ =	shalt  }
0x40: {  	_ =	shalt  }
0x41: {  	_ =	shalt  }
0x42: {  	_ =	shalt  }
0x43: {  	_ =	shalt  }
0x44: {  	_ =	shalt  }
0x45: {  	_ =	shalt  }
0x46: {  	_ =	shalt  }
0x47: {  	_ =	shalt  }
0x48: {  	_ =	shalt  }
0x49: {  	_ =	shalt  }
0x4a: {  	_ =	shalt  }
0x4b: {  	_ =	shalt  }
0x4c: {  	_ =	shalt  }
0x4d: {  	_ =	shalt  }
0x4e: {  	_ =	shalt  }
0x4f: {  	_ =	shalt  }
0x50: {  	_ =	shalt  }
0x51: {  	_ =	shalt  }
0x52: {  	_ =	shalt  }
0x53: {  	_ =	shalt  }
0x54: {  	_ =	shalt  }
0x55: {  	_ =	shalt  }
0x56: {  	_ =	shalt  }
0x57: {  	_ =	shalt  }
0x58: {  	_ =	shalt  }
0x59: {  	_ =	shalt  }
0x5a: {  	_ =	shalt  }
0x5b: {  	_ =	shalt  }
0x5c: {  	_ =	shalt  }
0x5d: {  	_ =	shalt  }
0x5e: {  	_ =	shalt  }
0x5f: {  	_ =	shalt  }
0x60: {  	_ =	shalt  }
0x61: {  	_ =	shalt  }
0x62: {  	_ =	shalt  }
0x63: {  	_ =	shalt  }
0x64: {  	_ =	shalt  }
0x65: {  	_ =	shalt  }
0x66: {  	_ =	shalt  }
0x67: {  	_ =	shalt  }
0x68: {  	_ =	shalt  }
0x69: {  	_ =	shalt  }
0x6a: {  	_ =	shalt  }
0x6b: {  	_ =	shalt  }
0x6c: {  	_ =	shalt  }
0x6d: {  	_ =	shalt  }
0x6e: {  	_ =	shalt  }
0x6f: {  	_ =	shalt  }
0x70: {  	_ =	shalt  }
0x71: {  	_ =	shalt  }
0x72: {  	_ =	shalt  }
0x73: {  	_ =	shalt  }
0x74: {  	_ =	shalt  }
0x75: {  	_ =	shalt  }
0x76: {  	_ =	shalt  }
0x77: {  	_ =	shalt  }
0x78: {  	_ =	shalt  }
0x79: {  	_ =	shalt  }
0x7a: {  	_ =	shalt  }
0x7b: {  	_ =	shalt  }
0x7c: {  	_ =	shalt  }
0x7d: {  	_ =	shalt  }
0x7e: {  	_ =	shalt  }
0x7f: {  	_ =	shalt  }
0x80: {  	_ =	shalt  }
0x81: {  	_ =	shalt  }
0x82: {  	_ =	shalt  }
0x83: {  	_ =	shalt  }
0x84: {  	_ =	shalt  }
0x85: {  	_ =	shalt  }
0x86: {  	_ =	shalt  }
0x87: {  	_ =	shalt  }
.Lfunc_end0:
.L_simem_size_0:
called_computation.2_lowered:
.L_overlay_start_0:
0x88: {  	s2 =	sld [smem:$0x3FD9]  }
0x89: {  	s3 =	sld [smem:$0x3FFE];
	_ =	sdelay $0x1  }
0x8a: {  	s1 =	srdreg.scid  }
0x8b: {  	s0 =	sand.u32 $0x1, s1  }
0x8c: {  	s16 =	sshll.u32 s0, $0xA;
	s2 =	sadd.s32 s3, s2  }
0x8d: {  	s2 =	sadd.s32 s2, s16  }
0x8e: {  	[smem:$0x3FA9] =	sst s2  }
0x8f: {  	_ = 	snop  }
0x90: {  	(tm) =	ssettm $0x1  }
0x91: {  	s17 =	sld [smem:$0x3FFB];
	_ =	sdelay $0x3  }
0x92: {  	_ =	strace s17  }
0x93: {  	s2 =	sld [smem:$0x3FFC];
	_ =	sdelay $0x3  }
0x94: {  	_ =	strace s2  }
0x95: {  	s2 =	sld [smem:$0x3FFD];
	_ =	sdelay $0x3  }
0x96: {  	_ =	strace s2  }
0x97: {  	_ =	strace $0x8FFFFFFF  }
0x98: {  	s18 =	sld [smem:$0x3FDB];
	_ =	sdelay $0x1  }
0x99: {  	s19 =	simm.s32 $_scs_section_size  }
0x9a: {  	s4 =	simm.s32 $_size__tile_overlayer_lowered;
	s5 =	simm.s32 $_tile_overlayer_lowered  }
0x9b: {  	s22 =	simm.s32 $0x1BFF;
	s21 =	sshll.u32 s5, $0x1;
	s2 =	sadd.s32 s19, s18  }
0x9c: {  	s6 =	simm.s32 $0x0;
	s20 =	sshll.u32 s4, $0x1;
	s4 =	sadd.s32 s21, s2  }
0x9d: {  	[timem:s6], [sflag:s22] =	dma.local [hbm:s4], s20  }
0x9e: {  	_ =	swait.ge [sflag:s22], s20  }
0x9f: {  	s3 =	ssub.s32 $0x0, s20;
	[sflag:s22] =	ssyncset.done $0x0  }
0xa0: {  	[sflag:s22] =	ssyncadd.s32 s3;
	_ =	sdelay $0x1  }
0xa1: {  	s23 =	simm.s32 $0x1B8B  }
0xa2: {  	_ =	swait.ge [sflag:s23], $0x1  }
0xa3: {  	[sflag:s23] =	ssyncset.done $0x0  }
0xa4: {  	s25 =	simm.s32 $0x1B8E;
	s24 =	sld [smem:$0x3FFE];
	[sflag:s23] =	ssyncadd.s32 $0xFFFFFFFF  }
0xa5: {  	s26 =	simm.s32 $execute0_lowered;
	[smem:$0x3FD2] =	sst s25  }
0xa6: {  	s4 =	sshll.u32 s26, $0x1;
	_ =	strace $0x8000004C;
	[dreg:$0x1] =	wrdreg $0xFFFFFFFF  }
0xa7: {  	s28 =	simm.s32 $_size_execute0_lowered;
	s2 =	sadd.s32 s2, s4;
	[dreg:$0x0] =	wrdreg $0x0  }
0xa8: {  	s4 =	sshll.u32 s28, $0x1;
	[dreg:$0x2] =	wrdreg s2  }
0xa9: {  	[dreg:$0x3] =	wrdreg s4  }
0xaa: {  	[dreg:$0x4] =	wrdreg $0xC0  }
0xab: {  	_ =	task [dreg:s6], $0x5FFFF  }
0xac: {  	[dreg:$0x1] =	wrdreg $0xFFFFFFFF  }
0xad: {  	[dreg:$0x0] =	wrdreg $0x60  }
0xae: {  	[dreg:$0x2] =	wrdreg s24  }
0xaf: {  	[dreg:$0x3] =	wrdreg $0x9  }
0xb0: {  	_ =	task.clear_ibuf [dreg:s6], $0x4FFFF;
	_ =	strace $0x9000004C  }
0xb1: {  	s29 =	simm.s32 $0x9;
	_ =	strace $0x8000004E  }
0xb2: {  	_ =	swait.ge [sflag:s29], $0x1  }
0xb3: {  	[sflag:s29] =	ssyncadd.s32 $0xFFFFFFFF  }
0xb4: {  	_ =	strace $0x9000004E  }
0xb5: {  	_ =	sfence  }
0xb6: {  	s30 =	sld [smem:$0x0];
	_ =	sdelay $0x2  }
0xb7: {  	s31 =	sshll.u32 s1, $0xD;
	s1 =	sshrl.u32 s1, $0x2  }
0xb8: {  	s3 =	sand.u32 $0x4000, s31;
	s1 =	sadd.s32 s1, s30  }
0xb9: {  	s0 =	sor.u32 s3, s0;
	s1 =	sshll.u32 s1, $0x11  }
0xba: {  	s0 =	sor.u32 s1, s0  }
0xbb: {  	s0 =	sadd.s32 $0x8F2B, s0  }
0xbc: {  	[sflag:s0] =	ssyncadd.remote.s32 $0x1  }
0xbd: {  	_ =	sfence.sel $0xFFFF  }
0xbe: {  	[dreg:$0x0] =	wrdreg $0xFFFFFFFF;
	(pc) =	sbr.abs _section_cstart, $3  }
0xbf: {  	[dreg:$0x1] =	wrdreg $0xFFFFFFFF  }
0xc0: {  	_ =	task.clear_ibuf [dreg:s6], $0x2FFFF;
	_ =	strace $0x9FFFFFFF  }
0xc1: {  	(tm) =	ssettm $0x7FFFFFFF  }
tec
execute0_lowered:
.L_overlay_start_1:
0x0: {  	(tag) =	ssettag $0x1  }
0x1: {  	s1 =	srdreg.scid  }
0x2: {  	s0 =	stileid.u32;
	s5 =	rddreg [dreg:$0x0];
	s2 =	simm.s32 $0x0  }
0x3: {  	s11 =	simm.s32 $0x1100;
	s12 =	simm.s32 $0x1900;
	s13 =	simm.s32 $0x2100  }
0x4: {  	s14 =	simm.s32 $0x2900;
	s15 =	simm.s32 $0x3100;
	s16 =	simm.s32 $0x3900  }
0x5: {  	s17 =	simm.s32 $0x4100;
	s18 =	simm.s32 $0x4900;
	s19 =	simm.s32 $0x5100  }
0x6: {  	s20 =	simm.s32 $0x5900;
	s21 =	simm.s32 $0x6100;
	s3 =	smul.u32 $0x2800, s0  }
0x7: {  	s28 =	simm.s32 $0x2;
	s29 =	simm.s32 $0x0;
	s22 =	smul.u32 $0x50000, s0  }
0x8: {  	s1 =	sand.u32 $0x1, s1;
	[smem:$0x7FF] =	sst s2;
	s8 =	smul.u32 $0x28000, s0  }
0x9: {  	s7 =	sadd.s32 $0x8E800, s5;
	s4 =	smul.u32 $0x1400, s1;
	_ =	strace $0x8000004D  }
0xa: {  	[dreg:$0x2] =	wrdreg s7;
	s23 =	ssub.s32 $0x2, s1;
	s9 =	smul.u32 $0x14000, s1  }
0xb: {  	s1 =	smul.u32 $0x28000, s1;
	s7 =	simm.s32 $0x3;
	s10 =	sadd.s32 s22, s5  }
0xc: {  	s24 =	sadd.s32 s8, s5;
	s25 =	sshrl.u32 s23, $0x1;
	s8 =	simm.s32 $0x80  }
0xd: {  	s22 =	simm.s32 $0x6900;
	s3 =	sadd.s32 s4, s3;
	s26 =	sadd.s32 s9, s24  }
0xe: {  	s1 =	sadd.s32 s1, s10;
	s9 =	simm.s32 $0x100;
	s3 =	sshrl.u32 s3, $0x3  }
0xf: {  	s10 =	simm.s32 $0x900;
	s24 =	simm.s32 $0x7900;
	s6 =	sadd.s32 s3, s5  }
0x10: {  	s3 =	sadd.s32 $0x40600, s5;
	s5 =	ssub.s32 s23, s25;
	s23 =	simm.s32 $0x7100  }
0x11: {  	v2 =	vlaneseq.u32;
	s25 =	simm.s32 $0x8100;
	s4 =	smax.u32 s5, $0x1;
	s30 =	sadd.s32 $0xF400, s6  }
0x12: {  	vm0 =	vmmov $0xffff;
	v1 =	vshrl.u32 v2, $0x3;
	s5 =	sadd.s32 $0x5BAA00, s26;
	s31 =	sadd.s32 $0x14400, s6;
	[dreg:$0x3] =	wrdreg s30  }
0x13: {  	v0 =	vand.u32 $0x7, v2;
	v2 =	vor.u32 $0x8, v2;
	v1 =	vmul.u32 $0x8, v1;
	s6 =	sadd.s32 $0xBAA00, s1;
	s26 =	simm.s32 $0x1;
	[dreg:$0x4] =	wrdreg s31  }
.LBB2_1:
0x14: {  	s30 =	smov.u32 s6;
	s31 =	smov.u32 s5;
	s1 =	simm.s32 $0x0  }
.LBB2_2:
0x15: {  	s0 =	rddreg [dreg:$0x4]  }
0x16: {  	s0 =	sadd.s32 s1, s0  }
0x17: {  	[tilespmem:s2], [sflag:$0x3] =	stream.linear.gather [hbm4b:s0+s2], $0x80, $0x38;
	[tilespmem:$0xC100] =	vst v63  }
0x18: {  	_ =	swait.ge [sflag:s7], $0x80  }
0x19: {  	s0 =	rddreg [dreg:$0x3];
	[sflag:s7] =	ssyncset.done $0x0  }
0x1a: {  	[sflag:s7] =	ssyncadd.s32 $0xFFFFFF80;
	s0 =	sadd.s32 s1, s0  }
0x1b: {  	[tilespmem:s8], [sflag:$0x3] =	stream.linear.gather [hbm4b:s0+s2], $0x80, $0x38;
	[tilespmem:$0xC100] =	vst v63  }
0x1c: {  	_ =	swait.ge [sflag:s7], $0x80  }
0x1d: {  	[sflag:s7] =	ssyncset.done $0x0  }
0x1e: {  	[sflag:s7] =	ssyncadd.s32 $0xFFFFFF80  }
0x1f: {  	v3 =	vld [tilespmem:$0x0];
	_ =	sdelay $0x4  }
0x20: {  	v4 =	vshll.u32 v3, $0x1  }
0x21: {  	v3 =	vand.u32 $0x7, v3;
	v4 =	vand.u32 $0xFFFFFFF0, v4  }
0x22: {  	v3 =	vor.u32 v3, v4  }
0x23: {  	v4 =	vperm.xlane v3, v0;
	_ =	sdelay $0x1  }
0x24: {  	v3 =	vperm.xlane v3, v2;
	v4 =	vadd.s32 v1, v4;
	_ =	sdelay $0x1  }
0x25: {  	v3 =	vadd.s32 v1, v3;
	_ =	sdelay $0x2  }
0x26: {  	[tilespmem:s9], [sflag:$0x1] =	stream.indirect_vreg.gather [hbm4b:s3+s2], $0x80, v4, vm0, $0xb8;
	[tilespmem:$0xC100] =	vst v63  }
0x27: {  	_ = 	snop  }
0x28: {  	[tilespmem:s10], [sflag:$0x1] =	stream.indirect_vreg.gather [hbm4b:s3+s2], $0x80, v3, vm0, $0xb8;
	[tilespmem:$0xC100] =	vst v63  }
0x29: {  	v3 =	vld [tilespmem:$0x10];
	_ =	sdelay $0x4  }
0x2a: {  	v57 =	vshll.u32 v3, $0x1  }
0x2b: {  	v3 =	vand.u32 $0x7, v3;
	v4 =	vand.u32 $0xFFFFFFF0, v57  }
0x2c: {  	v3 =	vor.u32 v3, v4  }
0x2d: {  	v4 =	vperm.xlane v3, v0;
	_ =	sdelay $0x1  }
0x2e: {  	v3 =	vperm.xlane v3, v2;
	v4 =	vadd.s32 v1, v4;
	_ =	sdelay $0x1  }
0x2f: {  	v3 =	vadd.s32 v1, v3;
	_ =	sdelay $0x2  }
0x30: {  	[tilespmem:s11], [sflag:$0x1] =	stream.indirect_vreg.gather [hbm4b:s3+s2], $0x80, v4, vm0, $0xb8;
	[tilespmem:$0xC100] =	vst v63  }
0x31: {  	_ = 	snop  }
0x32: {  	[tilespmem:s12], [sflag:$0x1] =	stream.indirect_vreg.gather [hbm4b:s3+s2], $0x80, v3, vm0, $0xb8;
	[tilespmem:$0xC100] =	vst v63  }
0x33: {  	v3 =	vld [tilespmem:$0x20];
	_ =	sdelay $0x4  }
0x34: {  	v58 =	vshll.u32 v3, $0x1  }
0x35: {  	v3 =	vand.u32 $0x7, v3;
	v4 =	vand.u32 $0xFFFFFFF0, v58  }
0x36: {  	v3 =	vor.u32 v3, v4  }
0x37: {  	v4 =	vperm.xlane v3, v0;
	_ =	sdelay $0x1  }
0x38: {  	v3 =	vperm.xlane v3, v2;
	v4 =	vadd.s32 v1, v4;
	_ =	sdelay $0x1  }
0x39: {  	v3 =	vadd.s32 v1, v3;
	_ =	sdelay $0x2  }
0x3a: {  	[tilespmem:s13], [sflag:$0x1] =	stream.indirect_vreg.gather [hbm4b:s3+s2], $0x80, v4, vm0, $0xb8;
	[tilespmem:$0xC100] =	vst v63  }
0x3b: {  	_ = 	snop  }
0x3c: {  	[tilespmem:s14], [sflag:$0x1] =	stream.indirect_vreg.gather [hbm4b:s3+s2], $0x80, v3, vm0, $0xb8;
	[tilespmem:$0xC100] =	vst v63  }
0x3d: {  	v3 =	vld [tilespmem:$0x30];
	_ =	sdelay $0x4  }
0x3e: {  	v59 =	vshll.u32 v3, $0x1  }
0x3f: {  	v3 =	vand.u32 $0x7, v3;
	v4 =	vand.u32 $0xFFFFFFF0, v59  }
0x40: {  	v3 =	vor.u32 v3, v4  }
0x41: {  	v4 =	vperm.xlane v3, v0;
	_ =	sdelay $0x1  }
0x42: {  	v3 =	vperm.xlane v3, v2;
	v4 =	vadd.s32 v1, v4;
	_ =	sdelay $0x1  }
0x43: {  	v3 =	vadd.s32 v1, v3;
	_ =	sdelay $0x2  }
0x44: {  	[tilespmem:s15], [sflag:$0x1] =	stream.indirect_vreg.gather [hbm4b:s3+s2], $0x80, v4, vm0, $0xb8;
	[tilespmem:$0xC100] =	vst v63  }
0x45: {  	_ = 	snop  }
0x46: {  	[tilespmem:s16], [sflag:$0x1] =	stream.indirect_vreg.gather [hbm4b:s3+s2], $0x80, v3, vm0, $0xb8;
	[tilespmem:$0xC100] =	vst v63  }
0x47: {  	v3 =	vld [tilespmem:$0x40];
	_ =	sdelay $0x4  }
0x48: {  	v60 =	vshll.u32 v3, $0x1  }
0x49: {  	v3 =	vand.u32 $0x7, v3;
	v4 =	vand.u32 $0xFFFFFFF0, v60  }
0x4a: {  	v3 =	vor.u32 v3, v4  }
0x4b: {  	v4 =	vperm.xlane v3, v0;
	_ =	sdelay $0x1  }
0x4c: {  	v3 =	vperm.xlane v3, v2;
	v4 =	vadd.s32 v1, v4;
	_ =	sdelay $0x1  }
0x4d: {  	v3 =	vadd.s32 v1, v3;
	_ =	sdelay $0x2  }
0x4e: {  	[tilespmem:s17], [sflag:$0x1] =	stream.indirect_vreg.gather [hbm4b:s3+s2], $0x80, v4, vm0, $0xb8;
	[tilespmem:$0xC100] =	vst v63  }
0x4f: {  	_ = 	snop  }
0x50: {  	[tilespmem:s18], [sflag:$0x1] =	stream.indirect_vreg.gather [hbm4b:s3+s2], $0x80, v3, vm0, $0xb8;
	[tilespmem:$0xC100] =	vst v63  }
0x51: {  	v3 =	vld [tilespmem:$0x50];
	_ =	sdelay $0x4  }
0x52: {  	v61 =	vshll.u32 v3, $0x1  }
0x53: {  	v3 =	vand.u32 $0x7, v3;
	v4 =	vand.u32 $0xFFFFFFF0, v61  }
0x54: {  	v3 =	vor.u32 v3, v4  }
0x55: {  	v4 =	vperm.xlane v3, v0;
	_ =	sdelay $0x1  }
0x56: {  	v3 =	vperm.xlane v3, v2;
	v4 =	vadd.s32 v1, v4;
	_ =	sdelay $0x1  }
0x57: {  	v3 =	vadd.s32 v1, v3;
	_ =	sdelay $0x2  }
0x58: {  	[tilespmem:s19], [sflag:$0x1] =	stream.indirect_vreg.gather [hbm4b:s3+s2], $0x80, v4, vm0, $0xb8;
	[tilespmem:$0xC100] =	vst v63  }
0x59: {  	_ = 	snop  }
0x5a: {  	[tilespmem:s20], [sflag:$0x1] =	stream.indirect_vreg.gather [hbm4b:s3+s2], $0x80, v3, vm0, $0xb8;
	[tilespmem:$0xC100] =	vst v63  }
0x5b: {  	v3 =	vld [tilespmem:$0x60];
	_ =	sdelay $0x4  }
0x5c: {  	v62 =	vshll.u32 v3, $0x1  }
0x5d: {  	v3 =	vand.u32 $0x7, v3;
	v4 =	vand.u32 $0xFFFFFFF0, v62  }
0x5e: {  	v3 =	vor.u32 v3, v4  }
0x5f: {  	v4 =	vperm.xlane v3, v0;
	_ =	sdelay $0x1  }
0x60: {  	v3 =	vperm.xlane v3, v2;
	v4 =	vadd.s32 v1, v4;
	_ =	sdelay $0x1  }
0x61: {  	v3 =	vadd.s32 v1, v3;
	_ =	sdelay $0x2  }
0x62: {  	[tilespmem:s21], [sflag:$0x1] =	stream.indirect_vreg.gather [hbm4b:s3+s2], $0x80, v4, vm0, $0xb8;
	[tilespmem:$0xC100] =	vst v63  }
0x63: {  	_ = 	snop  }
0x64: {  	[tilespmem:s22], [sflag:$0x1] =	stream.indirect_vreg.gather [hbm4b:s3+s2], $0x80, v3, vm0, $0xb8;
	[tilespmem:$0xC100] =	vst v63  }
0x65: {  	v3 =	vld [tilespmem:$0x70];
	_ =	sdelay $0x4  }
0x66: {  	v63 =	vshll.u32 v3, $0x1  }
0x67: {  	v3 =	vand.u32 $0x7, v3;
	v4 =	vand.u32 $0xFFFFFFF0, v63  }
0x68: {  	v3 =	vor.u32 v3, v4  }
0x69: {  	v4 =	vperm.xlane v3, v0;
	_ =	sdelay $0x1  }
0x6a: {  	v3 =	vperm.xlane v3, v2;
	v4 =	vadd.s32 v1, v4;
	_ =	sdelay $0x1  }
0x6b: {  	v3 =	vadd.s32 v1, v3;
	_ =	sdelay $0x2  }
0x6c: {  	[tilespmem:s23], [sflag:$0x1] =	stream.indirect_vreg.gather [hbm4b:s3+s2], $0x80, v4, vm0, $0xb8;
	[tilespmem:$0xC100] =	vst v63  }
0x6d: {  	_ = 	snop  }
0x6e: {  	[tilespmem:s24], [sflag:$0x1] =	stream.indirect_vreg.gather [hbm4b:s3+s2], $0x80, v3, vm0, $0xb8;
	[tilespmem:$0xC100] =	vst v63  }
0x6f: {  	s0 =	rddreg [dreg:$0x2]  }
0x70: {  	[tilespmem:s25], [sflag:$0x2] =	stream.indirect.gather [hbm4b:s0+s8], $0x80, s8, s8, $0xb8;
	[tilespmem:$0xC100] =	vst v63  }
0x71: {  	_ =	swait.ge [sflag:s26], $0x8000  }
0x72: {  	[sflag:s26] =	ssyncset.done $0x0  }
0x73: {  	[sflag:s26] =	ssyncadd.s32 $0xFFFF8000  }
0x74: {  	_ =	swait.ge [sflag:s28], $0x4000  }
0x75: {  	[sflag:s28] =	ssyncset.done $0x0  }
0x76: {  	[sflag:s28] =	ssyncadd.s32 $0xFFFFC000  }
0x77: {  	[hbm4b:s30+s2] =	stream.linear.scatter [tilespmem:s9], [sflag:$0x3], $0x8000, $0x38;
	[tilespmem:$0xC100] =	vst v63  }
0x78: {  	_ =	swait.ge [sflag:s7], $0x8000  }
0x79: {  	p0 =	sne.s32 s1, $0x270;
	[sflag:s7] =	ssyncset.done $0x0  }
.Ltmp0:
0x7a: {  	[sflag:s7] =	ssyncadd.s32 $0xFFFF8000;
	(pc) =	sbr.rel @p0 .LBB2_2-.Ltmp0, $4  }
0x7b: {  	[hbm4b:s31+s2] =	stream.linear.scatter [tilespmem:s25], [sflag:$0x3], $0x4000, $0x38;
	[tilespmem:$0xC100] =	vst v63  }
0x7c: {  	_ =	swait.ge [sflag:s7], $0x4000  }
0x7d: {  	s1 =	sadd.s32 $0x10, s1;
	[sflag:s7] =	ssyncset.done $0x0  }
0x7e: {  	s30 =	sadd.s32 $0x1000, s30;
	s31 =	sadd.s32 $0x800, s31;
	[sflag:s7] =	ssyncadd.s32 $0xFFFFC000  }
0x7f: {  	s29 =	sadd.s32 $0x1, s29  }
0x80: {  	p0 =	sne.s32 s29, s4  }
.Ltmp1:
0x81: {  	_ = 	snop;
	(pc) =	sbr.rel @p0 .LBB2_1-.Ltmp1, $1  }
0x82: {  	_ =	sdelay $0x3  }
0x83: {  	_ =	sfence.sel $0x180000  }
0x84: {  	[bflag:$0x0] =	sbarrier.arrive $0xFFFF  }
0x85: {  	_ =	strace $0x9000004D  }
0x86: {  	s0 =	stileid.u32;
	[bflag:$0x2] =	sbarrier.arrive $0xFFFF  }
0x87: {  	p0 =	sne.s32 s0, $0x0;
	s0 =	rddreg [dreg:$0x1]  }
0x88: {  	s0 =	sadd.s32 @!p0 $0x100000, s0  }
0x89: {  	[sflag:s0] =	ssyncadd.tile.s32 @!p0 $0x1;
	_ =	shalt  }
.Lfunc_end2:
_tile_overlayer_lowered:
.L_overlay_start_2:
0x8a: {  	(tag) =	ssettag $0x2  }
0x8b: {  	s0 =	rddreg [dreg:$0x0];
	s2 =	stileid.u32  }
0x8c: {  	s1 =	rddreg [dreg:$0x1];
	p0 =	sne.s32 s2, $0x0  }
0x8d: {  	s3 =	rddreg [dreg:$0x2];
	[bflag:$0x3] =	sbarrier.arrive $0xFFFF;
	s2 =	simm.s32 @!p0 $0x1C03  }
0x8e: {  	[timem:s3], [sflag:s2] =	dma.local @!p0 [hbm:s0], s1  }
0x8f: {  	s0 =	simm.s32 @!p0 $0x3  }
0x90: {  	_ =	swait.ge @!p0 [sflag:s0], s1  }
0x91: {  	s1 =	ssub.s32 @!p0 $0x0, s1;
	[sflag:s0] =	ssyncset.done @!p0 $0x0  }
0x92: {  	[sflag:s0] =	ssyncadd.s32 @!p0 s1  }
0x93: {  	[bflag:$0x3] =	sbarrier.arrive $0xFFFF  }
0x94: {  	_ =	shalt  }

// kernel: kernel.42.cloned.1.call-start
scs
__scs_entry_jumppad:
0x0: {  	(pc) =	sbr.rel $0x88, $3  }
0x1: {  	(tag) =	ssettag $0x0;
	lr =	simm.s32 $0x1  }
0x2: {  	[smem:$0x3F82] =	sst lr;
	_ =	strace $0xD0000000  }
0x3: {  	_ = 	snop  }
0x4: {  	_ = 	snop  }
0x5: {  	_ = 	snop  }
0x6: {  	_ = 	snop  }
0x7: {  	_ = 	snop  }
__scs_overlays_trampoline_lowered:
0x8: {  	[smem:$0x3F91] =	sst s0  }
0x9: {  	[smem:$0x3F92] =	sst s1  }
0xa: {  	[smem:$0x3F93] =	sst s2  }
0xb: {  	[smem:$0x3F94] =	sst s3  }
0xc: {  	[smem:$0x3F95] =	sst s4  }
0xd: {  	[smem:$0x3F96] =	sst s5  }
0xe: {  	[smem:$0x3F97] =	sst s6  }
0xf: {  	[smem:$0x3F98] =	sst s7  }
0x10: {  	[smem:$0x3F99] =	sst s8  }
0x11: {  	[smem:$0x3F9A] =	sst s9;
	s0 =	simm.s32 @!p0 $0x0  }
0x12: {  	s1 =	sld [smem:$0x3F80];
	s0 =	simm.s32 @p0 $0x1  }
0x13: {  	[smem:$0x3F9B] =	sst s0;
	s0 =	simm.s32 @!p1 $0x0  }
0x14: {  	s2 =	sld [smem:$0x3F7F];
	s0 =	simm.s32 @p1 $0x1  }
0x15: {  	[smem:$0x3F9C] =	sst s0;
	s0 =	simm.s32 @!p2 $0x0  }
0x16: {  	s3 =	sld [smem:$0x3FDB];
	s0 =	simm.s32 @p2 $0x1  }
0x17: {  	s4 =	simm.s32 $0x1BF5;
	[smem:$0x3F9E] =	sst s0  }
0x18: {  	s0 =	sld [smem:$0x3F81];
	_ =	swait.ge [sflag:s4], $0x0  }
0x19: {  	s7 =	sld [smem:$0x3F82]  }
0x1a: {  	s8 =	sadd.s32 $0xFFFFE003, lr  }
0x1b: {  	s9 =	sadd.s32 $0xFFFFFEF7, lr;
	s5 =	simm.s32 $0xFFFFFFFF;
	p2 =	slt.u32 s8, $0xFFFFF086  }
0x1c: {  	p1 =	slt.u32 s9, $0xF7A;
	s5 =	simm.s32 @!p2 $0x0  }
0x1d: {  	s5 =	simm.s32 @p1 $0x1;
	p0 =	seq.s32 s7, s2  }
0x1e: {  	s7 =	smul.u32 @!p0 $0xF7A, s2;
	p2 =	seq.s32 @!p0 s5, $0x0  }
0x1f: {  	s9 =	smul.u32 $0xF7A, s1;
	s8 =	simm.s32 @!p0 $0x1BF5;
	p2 =	por !p2, p0  }
0x20: {  	[sflag:s8] =	ssyncset.s32 @!p0 $0xFFFFF086;
	s6 =	sadd.s32 @!p0 s3, s7;
	s7 =	simm.s32 @!p0 $0x108  }
0x21: {  	s3 =	sadd.s32 s3, s9;
	s6 =	sadd.s32 @!p0 $0x88, s6;
	s7 =	simm.s32 @p2 $0x1082  }
0x22: {  	[simem:s7], [sflag:s8] =	dma.local @!p0 [hbm:s6], $0xF7A  }
0x23: {  	s9 =	sor.u32 $0xD0000000, s2;
	s6 =	simm.s32 $0x108;
	_ =	swait.ge @!p0 [sflag:s8], $0x0  }
0x24: {  	s3 =	sadd.s32 $0x88, s3;
	s6 =	simm.s32 @!p1 $0x1082;
	[sflag:s4] =	ssyncset.s32 $0xFFFFF086  }
0x25: {  	[simem:s6], [sflag:s4] =	dma.local [hbm:s3], $0xF7A  }
0x26: {  	[smem:$0x3F82] =	sst s1;
	(tag) =	ssettag s2;
	_ =	strace s9  }
0x27: {  	s1 =	sld [smem:$0x3F92]  }
0x28: {  	s2 =	sld [smem:$0x3F93]  }
0x29: {  	s4 =	sld [smem:$0x3F95]  }
0x2a: {  	p0 =	seq.s32 s5, $0x0;
	s5 =	sld [smem:$0x3F96]  }
0x2b: {  	s6 =	sld [smem:$0x3F97]  }
0x2c: {  	s7 =	sld [smem:$0x3F98]  }
0x2d: {  	s3 =	simm.s32 $0x108;
	s8 =	sld [smem:$0x3F99]  }
0x2e: {  	s3 =	simm.s32 @!p0 $0x1082;
	s9 =	sld [smem:$0x3F9A]  }
0x2f: {  	lr =	sadd.s32 s0, s3;
	s0 =	sld [smem:$0x3F91]  }
0x30: {  	s3 =	sld [smem:$0x3F94]  }
0x31: {  	[smem:$0x3F9D] =	sst s10  }
0x32: {  	s10 =	sld [smem:$0x3F9B];
	_ =	sdelay $0x3  }
0x33: {  	p0 =	seq.s32 s10, $0x1;
	s10 =	sld [smem:$0x3F9D];
	_ =	sdelay $0x3  }
0x34: {  	[smem:$0x3F9D] =	sst s10  }
0x35: {  	s10 =	sld [smem:$0x3F9C];
	_ =	sdelay $0x3  }
0x36: {  	p1 =	seq.s32 s10, $0x1;
	s10 =	sld [smem:$0x3F9D];
	_ =	sdelay $0x3  }
0x37: {  	[smem:$0x3F9D] =	sst s10  }
0x38: {  	s10 =	sld [smem:$0x3F9E]  }
0x39: {  	_ = 	snop;
	(pc) =	sbr.ind lr, $3  }
0x3a: {  	_ = 	snop  }
0x3b: {  	_ = 	snop  }
0x3c: {  	p2 =	seq.s32 s10, $0x1;
	s10 =	sld [smem:$0x3F9D]  }
0x3d: {  	_ =	shalt  }
0x3e: {  	_ =	shalt  }
0x3f: {  	_ =	shalt  }
0x40: {  	_ =	shalt  }
0x41: {  	_ =	shalt  }
0x42: {  	_ =	shalt  }
0x43: {  	_ =	shalt  }
0x44: {  	_ =	shalt  }
0x45: {  	_ =	shalt  }
0x46: {  	_ =	shalt  }
0x47: {  	_ =	shalt  }
0x48: {  	_ =	shalt  }
0x49: {  	_ =	shalt  }
0x4a: {  	_ =	shalt  }
0x4b: {  	_ =	shalt  }
0x4c: {  	_ =	shalt  }
0x4d: {  	_ =	shalt  }
0x4e: {  	_ =	shalt  }
0x4f: {  	_ =	shalt  }
0x50: {  	_ =	shalt  }
0x51: {  	_ =	shalt  }
0x52: {  	_ =	shalt  }
0x53: {  	_ =	shalt  }
0x54: {  	_ =	shalt  }
0x55: {  	_ =	shalt  }
0x56: {  	_ =	shalt  }
0x57: {  	_ =	shalt  }
0x58: {  	_ =	shalt  }
0x59: {  	_ =	shalt  }
0x5a: {  	_ =	shalt  }
0x5b: {  	_ =	shalt  }
0x5c: {  	_ =	shalt  }
0x5d: {  	_ =	shalt  }
0x5e: {  	_ =	shalt  }
0x5f: {  	_ =	shalt  }
0x60: {  	_ =	shalt  }
0x61: {  	_ =	shalt  }
0x62: {  	_ =	shalt  }
0x63: {  	_ =	shalt  }
0x64: {  	_ =	shalt  }
0x65: {  	_ =	shalt  }
0x66: {  	_ =	shalt  }
0x67: {  	_ =	shalt  }
0x68: {  	_ =	shalt  }
0x69: {  	_ =	shalt  }
0x6a: {  	_ =	shalt  }
0x6b: {  	_ =	shalt  }
0x6c: {  	_ =	shalt  }
0x6d: {  	_ =	shalt  }
0x6e: {  	_ =	shalt  }
0x6f: {  	_ =	shalt  }
0x70: {  	_ =	shalt  }
0x71: {  	_ =	shalt  }
0x72: {  	_ =	shalt  }
0x73: {  	_ =	shalt  }
0x74: {  	_ =	shalt  }
0x75: {  	_ =	shalt  }
0x76: {  	_ =	shalt  }
0x77: {  	_ =	shalt  }
0x78: {  	_ =	shalt  }
0x79: {  	_ =	shalt  }
0x7a: {  	_ =	shalt  }
0x7b: {  	_ =	shalt  }
0x7c: {  	_ =	shalt  }
0x7d: {  	_ =	shalt  }
0x7e: {  	_ =	shalt  }
0x7f: {  	_ =	shalt  }
0x80: {  	_ =	shalt  }
0x81: {  	_ =	shalt  }
0x82: {  	_ =	shalt  }
0x83: {  	_ =	shalt  }
0x84: {  	_ =	shalt  }
0x85: {  	_ =	shalt  }
0x86: {  	_ =	shalt  }
0x87: {  	_ =	shalt  }
.Lfunc_end0:
.L_simem_size_0:
called_computation.3_lowered:
.L_overlay_start_0:
0x88: {  	s2 =	sld [smem:$0x3FD9]  }
0x89: {  	s3 =	sld [smem:$0x3FFE];
	_ =	sdelay $0x1  }
0x8a: {  	s1 =	srdreg.scid  }
0x8b: {  	s0 =	sand.u32 $0x1, s1  }
0x8c: {  	s16 =	sshll.u32 s0, $0xA;
	s2 =	sadd.s32 s3, s2  }
0x8d: {  	s2 =	sadd.s32 s2, s16  }
0x8e: {  	[smem:$0x3FA9] =	sst s2  }
0x8f: {  	_ = 	snop  }
0x90: {  	(tm) =	ssettm $0x1  }
0x91: {  	s17 =	sld [smem:$0x3FFB];
	_ =	sdelay $0x3  }
0x92: {  	_ =	strace s17  }
0x93: {  	s2 =	sld [smem:$0x3FFC];
	_ =	sdelay $0x3  }
0x94: {  	_ =	strace s2  }
0x95: {  	s2 =	sld [smem:$0x3FFD];
	_ =	sdelay $0x3  }
0x96: {  	_ =	strace s2  }
0x97: {  	_ =	strace $0x8FFFFFFF  }
0x98: {  	s18 =	sld [smem:$0x3FDB];
	_ =	sdelay $0x1  }
0x99: {  	s19 =	simm.s32 $_scs_section_size  }
0x9a: {  	s4 =	simm.s32 $_size__tile_overlayer_lowered;
	s5 =	simm.s32 $_tile_overlayer_lowered  }
0x9b: {  	s22 =	simm.s32 $0x1BFF;
	s21 =	sshll.u32 s5, $0x1;
	s2 =	sadd.s32 s19, s18  }
0x9c: {  	s6 =	simm.s32 $0x0;
	s20 =	sshll.u32 s4, $0x1;
	s4 =	sadd.s32 s21, s2  }
0x9d: {  	[timem:s6], [sflag:s22] =	dma.local [hbm:s4], s20  }
0x9e: {  	_ =	swait.ge [sflag:s22], s20  }
0x9f: {  	s3 =	ssub.s32 $0x0, s20;
	[sflag:s22] =	ssyncset.done $0x0  }
0xa0: {  	[sflag:s22] =	ssyncadd.s32 s3;
	_ =	sdelay $0x1  }
0xa1: {  	s23 =	simm.s32 $0x1B8B  }
0xa2: {  	_ =	swait.ge [sflag:s23], $0x1  }
0xa3: {  	[sflag:s23] =	ssyncset.done $0x0  }
0xa4: {  	s25 =	simm.s32 $0x1B8E;
	s24 =	sld [smem:$0x3FFE];
	[sflag:s23] =	ssyncadd.s32 $0xFFFFFFFF  }
0xa5: {  	s26 =	simm.s32 $execute0_lowered;
	[smem:$0x3FD2] =	sst s25  }
0xa6: {  	s4 =	sshll.u32 s26, $0x1;
	_ =	strace $0x8000004F;
	[dreg:$0x1] =	wrdreg $0xFFFFFFFF  }
0xa7: {  	s28 =	simm.s32 $_size_execute0_lowered;
	s2 =	sadd.s32 s2, s4;
	[dreg:$0x0] =	wrdreg $0x0  }
0xa8: {  	s4 =	sshll.u32 s28, $0x1;
	[dreg:$0x2] =	wrdreg s2  }
0xa9: {  	[dreg:$0x3] =	wrdreg s4  }
0xaa: {  	[dreg:$0x4] =	wrdreg $0xC0  }
0xab: {  	_ =	task [dreg:s6], $0x5FFFF  }
0xac: {  	[dreg:$0x1] =	wrdreg $0xFFFFFFFF  }
0xad: {  	[dreg:$0x0] =	wrdreg $0x60  }
0xae: {  	[dreg:$0x2] =	wrdreg s24  }
0xaf: {  	[dreg:$0x3] =	wrdreg $0x40800  }
0xb0: {  	[dreg:$0x4] =	wrdreg $0x9  }
0xb1: {  	_ =	task.clear_ibuf [dreg:s6], $0x5FFFF;
	_ =	strace $0x9000004F  }
0xb2: {  	s29 =	simm.s32 $0x9;
	_ =	strace $0x80000051  }
0xb3: {  	_ =	swait.ge [sflag:s29], $0x1  }
0xb4: {  	[sflag:s29] =	ssyncadd.s32 $0xFFFFFFFF  }
0xb5: {  	_ =	strace $0x90000051  }
0xb6: {  	_ =	sfence  }
0xb7: {  	s30 =	sld [smem:$0x0];
	_ =	sdelay $0x2  }
0xb8: {  	s31 =	sshll.u32 s1, $0xD;
	s1 =	sshrl.u32 s1, $0x2  }
0xb9: {  	s3 =	sand.u32 $0x4000, s31;
	s1 =	sadd.s32 s1, s30  }
0xba: {  	s0 =	sor.u32 s3, s0;
	s1 =	sshll.u32 s1, $0x11  }
0xbb: {  	s0 =	sor.u32 s1, s0  }
0xbc: {  	s0 =	sadd.s32 $0x8F2B, s0  }
0xbd: {  	[sflag:s0] =	ssyncadd.remote.s32 $0x1  }
0xbe: {  	_ =	sfence.sel $0xFFFF  }
0xbf: {  	[dreg:$0x0] =	wrdreg $0xFFFFFFFF;
	(pc) =	sbr.abs _section_cstart, $3  }
0xc0: {  	[dreg:$0x1] =	wrdreg $0xFFFFFFFF  }
0xc1: {  	_ =	task.clear_ibuf [dreg:s6], $0x2FFFF;
	_ =	strace $0x9FFFFFFF  }
0xc2: {  	(tm) =	ssettm $0x7FFFFFFF  }
0xc3: {  	_ =	shalt  }
tec
execute0_lowered:
.L_overlay_start_1:
0x0: {  	(tag) =	ssettag $0x1  }
0x1: {  	s11 =	stileid.u32  }
0x2: {  	s0 =	srdreg.scid;
	s6 =	smul.u32 $0x1400, s11  }
0x3: {  	s4 =	rddreg [dreg:$0x0];
	s8 =	smul.u32 $0x2700, s11  }
0x4: {  	s1 =	rddreg [dreg:$0x1];
	s2 =	simm.s32 $0x0;
	s29 =	smul.u32 $0x4E000, s11  }
0x5: {  	s5 =	sand.u32 $0x1, s0;
	s0 =	rddreg [dreg:$0x2];
	s10 =	smul.u32 $0x14000, s11  }
0x6: {  	s13 =	simm.s32 $0x0;
	[smem:$0x7FF] =	sst s2;
	s3 =	smul.u32 $0x14000, s5  }
0x7: {  	p0 =	sne.s32 s11, $0x0;
	s11 =	sshll.u32 s11, $0x6;
	s7 =	smul.u32 $0x140000, s5  }
0x8: {  	s28 =	smul.u32 $0x27100, s5;
	_ =	strace $0x80000050;
	s5 =	ssub.s32 $0x2, s5  }
0x9: {  	s11 =	sor.u32 $0x1C01, s11;
	s30 =	sshrl.u32 s5, $0x1;
	s3 =	sadd.s32 s6, s3  }
0xa: {  	s7 =	sadd.s32 s7, s4;
	s6 =	sadd.s32 s8, s28;
	s8 =	sshrl.u32 s29, $0x2  }
0xb: {  	s5 =	ssub.s32 s5, s30;
	s3 =	sshrl.u32 s3, $0x3;
	s12 =	sadd.s32 s8, s1  }
0xc: {  	s5 =	smax.u32 s5, $0x1;
	s31 =	sadd.s32 s10, s7;
	s8 =	sshrl.u32 @!p0 s1, $0x3  }
0xd: {  	s10 =	simm.s32 $0x80;
	s9 =	sadd.s32 s3, s4;
	s3 =	sadd.s32 $0x19400, s4  }
0xe: {  	s4 =	sadd.s32 s6, s4;
	s6 =	sadd.s32 $0x83AC00, s31;
	s12 =	sshrl.u32 s12, $0x3  }
0xf: {  	s4 =	sadd.s32 $0xBAA00, s4;
	s7 =	sadd.s32 $0xF400, s9;
	s9 =	simm.s32 $0x1  }
.LBB2_1:
0x10: {  	s14 =	simm.s32 @!p0 $0x1C01  }
0x11: {  	[spmem:s8], [sflag:s14] =	dma.local @!p0 [hbm:s3], $0x27100  }
0x12: {  	s14 =	simm.s32 @!p0 $0x1  }
0x13: {  	_ =	swait.ge @!p0 [sflag:s14], $0x27100  }
0x14: {  	[sflag:s14] =	ssyncset.done @!p0 $0x0  }
0x15: {  	[sflag:s14] =	ssyncadd.s32 @!p0 $0xFFFD8F00  }
0x16: {  	s31 =	sadd.s32 $0x0, s7;
	[bflag:$0x0] =	sbarrier.arrive $0xFFFF  }
0x17: {  	[tilespmem:s2], [sflag:$0x1] =	stream.linear.gather [hbm4b:s31+s2], $0x80, $0x38;
	[tilespmem:$0x6790] =	vst v63  }
0x18: {  	_ =	swait.ge [sflag:s9], $0x80  }
0x19: {  	[sflag:s9] =	ssyncset.done $0x0  }
0x1a: {  	[sflag:s9] =	ssyncadd.s32 $0xFFFFFF80  }
0x1b: {  	[tilespmem:s10], [sflag:$0x1] =	stream.linear.gather [hbm4b:s6+s2], $0x4000, $0x38;
	[tilespmem:$0x6790] =	vst v63  }
0x1c: {  	_ =	swait.ge [sflag:s9], $0x4000  }
0x1d: {  	[sflag:s9] =	ssyncset.done $0x0  }
0x1e: {  	[sflag:s9] =	ssyncadd.s32 $0xFFFFC000  }
0x1f: {  	[spmem:s1] =	stream.indirect.scatter.add.f32 [tilespmem:s10], [sflag:$0x1], $0x10, s2, s10, $0xb8;
	[tilespmem:$0x6790] =	vst v63  }
0x20: {  	s15 =	simm.s32 $0x10;
	_ =	swait.ge [sflag:s9], $0x800  }
0x21: {  	s16 =	simm.s32 $0x20;
	s14 =	sadd.s32 $0x800, s6;
	[sflag:s9] =	ssyncset.done $0x0  }
.LBB2_2:
0x22: {  	s17 =	sadd.s32 s15, s7  }
0x23: {  	[sflag:s9] =	ssyncadd.s32 $0xFFFFF800;
	s15 =	smov.u32 s16;
	s18 =	sadd.s32 $0x10, s16  }
0x24: {  	[tilespmem:s2], [sflag:$0x1] =	stream.linear.gather [hbm4b:s17+s2], $0x80, $0x38;
	[tilespmem:$0x6790] =	vst v63  }
0x25: {  	p1 =	sne.s32 s16, $0x270;
	_ =	swait.ge [sflag:s9], $0x80  }
0x26: {  	[sflag:s9] =	ssyncset.done $0x0  }
0x27: {  	[sflag:s9] =	ssyncadd.s32 $0xFFFFFF80  }
0x28: {  	[tilespmem:s10], [sflag:$0x1] =	stream.linear.gather [hbm4b:s14+s2], $0x4000, $0x38;
	[tilespmem:$0x6790] =	vst v63  }
0x29: {  	_ =	swait.ge [sflag:s9], $0x4000  }
.Ltmp0:
0x2a: {  	[sflag:s9] =	ssyncset.done $0x0;
	(pc) =	sbr.rel @p1 .LBB2_2-.Ltmp0, $4  }
0x2b: {  	[sflag:s9] =	ssyncadd.s32 $0xFFFFC000  }
0x2c: {  	[spmem:s1] =	stream.indirect.scatter.add.f32 [tilespmem:s10], [sflag:$0x1], $0x10, s2, s10, $0xb8;
	[tilespmem:$0x6790] =	vst v63  }
0x2d: {  	_ =	swait.ge [sflag:s9], $0x800  }
0x2e: {  	s16 =	smov.u32 s18;
	s14 =	sadd.s32 $0x800, s14;
	[sflag:s9] =	ssyncset.done $0x0  }
0x2f: {  	s15 =	sadd.s32 s15, s7;
	[sflag:s9] =	ssyncadd.s32 $0xFFFFF800  }
0x30: {  	[tilespmem:s2], [sflag:$0x1] =	stream.linear.gather [hbm4b:s15+s2], $0x80, $0x38;
	[tilespmem:$0x6790] =	vst v63  }
0x31: {  	_ =	swait.ge [sflag:s9], $0x80  }
0x32: {  	[sflag:s9] =	ssyncset.done $0x0  }
0x33: {  	[sflag:s9] =	ssyncadd.s32 $0xFFFFFF80  }
0x34: {  	[tilespmem:s10], [sflag:$0x1] =	stream.linear.gather [hbm4b:s14+s2], $0x4000, $0x38;
	[tilespmem:$0x6790] =	vst v63  }
0x35: {  	_ =	swait.ge [sflag:s9], $0x4000  }
0x36: {  	[sflag:s9] =	ssyncset.done $0x0  }
0x37: {  	[sflag:s9] =	ssyncadd.s32 $0xFFFFC000  }
0x38: {  	[spmem:s1] =	stream.indirect.scatter.add.f32 [tilespmem:s10], [sflag:$0x1], $0x10, s2, s10, $0xb8;
	[tilespmem:$0x6790] =	vst v63  }
0x39: {  	_ =	swait.ge [sflag:s9], $0x800  }
0x3a: {  	s13 =	sadd.s32 $0x1, s13;
	[sflag:s9] =	ssyncset.done $0x0  }
0x3b: {  	p1 =	sne.s32 s13, s5;
	[sflag:s9] =	ssyncadd.s32 $0xFFFFF800  }
.Ltmp1:
0x3c: {  	[bflag:$0x0] =	sbarrier.arrive $0xFFFF;
	(pc) =	sbr.rel @p1 .LBB2_1-.Ltmp1, $4  }
0x3d: {  	[hbm:s4], [sflag:s11] =	dma.local [spmem:s12], $0x2800  }
0x3e: {  	_ =	swait.ge [sflag:s9], $0x2800  }
0x3f: {  	[sflag:s9] =	ssyncset.done $0x0  }
0x40: {  	[sflag:s9] =	ssyncadd.s32 $0xFFFFD800  }
0x41: {  	_ =	sfence.sel $0x180000  }
0x42: {  	[bflag:$0x0] =	sbarrier.arrive $0xFFFF  }
0x43: {  	_ =	strace $0x90000050  }
0x44: {  	s0 =	sadd.s32 @!p0 $0x100000, s0;
	[bflag:$0x2] =	sbarrier.arrive $0xFFFF  }
0x45: {  	[sflag:s0] =	ssyncadd.tile.s32 @!p0 $0x1;
	_ =	shalt  }
.Lfunc_end2:
_tile_overlayer_lowered:
.L_overlay_start_2:
0x46: {  	(tag) =	ssettag $0x2  }
0x47: {  	s0 =	rddreg [dreg:$0x0];
	s2 =	stileid.u32  }
0x48: {  	s1 =	rddreg [dreg:$0x1];
	p0 =	sne.s32 s2, $0x0  }
0x49: {  	s3 =	rddreg [dreg:$0x2];
	[bflag:$0x3] =	sbarrier.arrive $0xFFFF;
	s2 =	simm.s32 @!p0 $0x1C01  }
0x4a: {  	[timem:s3], [sflag:s2] =	dma.local @!p0 [hbm:s0], s1  }
0x4b: {  	s0 =	simm.s32 @!p0 $0x1  }
0x4c: {  	_ =	swait.ge @!p0 [sflag:s0], s1  }
0x4d: {  	s1 =	ssub.s32 @!p0 $0x0, s1;
	[sflag:s0] =	ssyncset.done @!p0 $0x0  }
0x4e: {  	[sflag:s0] =	ssyncadd.s32 @!p0 s1  }
0x4f: {  	[bflag:$0x3] =	sbarrier.arrive $0xFFFF  }
0x50: {  	_ =	shalt  }

// kernel: kernel.45.cloned.1.call-start
scs
__scs_entry_jumppad:
0x0: {  	(pc) =	sbr.rel $0x88, $3  }
0x1: {  	(tag) =	ssettag $0x0;
	lr =	simm.s32 $0x1  }
0x2: {  	[smem:$0x3F82] =	sst lr;
	_ =	strace $0xD0000000  }
0x3: {  	_ = 	snop  }
0x4: {  	_ = 	snop  }
0x5: {  	_ = 	snop  }
0x6: {  	_ = 	snop  }
0x7: {  	_ = 	snop  }
__scs_overlays_trampoline_lowered:
0x8: {  	[smem:$0x3F91] =	sst s0  }
0x9: {  	[smem:$0x3F92] =	sst s1  }
0xa: {  	[smem:$0x3F93] =	sst s2  }
0xb: {  	[smem:$0x3F94] =	sst s3  }
0xc: {  	[smem:$0x3F95] =	sst s4  }
0xd: {  	[smem:$0x3F96] =	sst s5  }
0xe: {  	[smem:$0x3F97] =	sst s6  }
0xf: {  	[smem:$0x3F98] =	sst s7  }
0x10: {  	[smem:$0x3F99] =	sst s8  }
0x11: {  	[smem:$0x3F9A] =	sst s9;
	s0 =	simm.s32 @!p0 $0x0  }
0x12: {  	s1 =	sld [smem:$0x3F80];
	s0 =	simm.s32 @p0 $0x1  }
0x13: {  	[smem:$0x3F9B] =	sst s0;
	s0 =	simm.s32 @!p1 $0x0  }
0x14: {  	s2 =	sld [smem:$0x3F7F];
	s0 =	simm.s32 @p1 $0x1  }
0x15: {  	[smem:$0x3F9C] =	sst s0;
	s0 =	simm.s32 @!p2 $0x0  }
0x16: {  	s3 =	sld [smem:$0x3FDB];
	s0 =	simm.s32 @p2 $0x1  }
0x17: {  	s4 =	simm.s32 $0x1BF5;
	[smem:$0x3F9E] =	sst s0  }
0x18: {  	s0 =	sld [smem:$0x3F81];
	_ =	swait.ge [sflag:s4], $0x0  }
0x19: {  	s7 =	sld [smem:$0x3F82]  }
0x1a: {  	s8 =	sadd.s32 $0xFFFFE003, lr  }
0x1b: {  	s9 =	sadd.s32 $0xFFFFFEF7, lr;
	s5 =	simm.s32 $0xFFFFFFFF;
	p2 =	slt.u32 s8, $0xFFFFF086  }
0x1c: {  	p1 =	slt.u32 s9, $0xF7A;
	s5 =	simm.s32 @!p2 $0x0  }
0x1d: {  	s5 =	simm.s32 @p1 $0x1;
	p0 =	seq.s32 s7, s2  }
0x1e: {  	s7 =	smul.u32 @!p0 $0xF7A, s2;
	p2 =	seq.s32 @!p0 s5, $0x0  }
0x1f: {  	s9 =	smul.u32 $0xF7A, s1;
	s8 =	simm.s32 @!p0 $0x1BF5;
	p2 =	por !p2, p0  }
0x20: {  	[sflag:s8] =	ssyncset.s32 @!p0 $0xFFFFF086;
	s6 =	sadd.s32 @!p0 s3, s7;
	s7 =	simm.s32 @!p0 $0x108  }
0x21: {  	s3 =	sadd.s32 s3, s9;
	s6 =	sadd.s32 @!p0 $0x88, s6;
	s7 =	simm.s32 @p2 $0x1082  }
0x22: {  	[simem:s7], [sflag:s8] =	dma.local @!p0 [hbm:s6], $0xF7A  }
0x23: {  	s9 =	sor.u32 $0xD0000000, s2;
	s6 =	simm.s32 $0x108;
	_ =	swait.ge @!p0 [sflag:s8], $0x0  }
0x24: {  	s3 =	sadd.s32 $0x88, s3;
	s6 =	simm.s32 @!p1 $0x1082;
	[sflag:s4] =	ssyncset.s32 $0xFFFFF086  }
0x25: {  	[simem:s6], [sflag:s4] =	dma.local [hbm:s3], $0xF7A  }
0x26: {  	[smem:$0x3F82] =	sst s1;
	(tag) =	ssettag s2;
	_ =	strace s9  }
0x27: {  	s1 =	sld [smem:$0x3F92]  }
0x28: {  	s2 =	sld [smem:$0x3F93]  }
0x29: {  	s4 =	sld [smem:$0x3F95]  }
0x2a: {  	p0 =	seq.s32 s5, $0x0;
	s5 =	sld [smem:$0x3F96]  }
0x2b: {  	s6 =	sld [smem:$0x3F97]  }
0x2c: {  	s7 =	sld [smem:$0x3F98]  }
0x2d: {  	s3 =	simm.s32 $0x108;
	s8 =	sld [smem:$0x3F99]  }
0x2e: {  	s3 =	simm.s32 @!p0 $0x1082;
	s9 =	sld [smem:$0x3F9A]  }
0x2f: {  	lr =	sadd.s32 s0, s3;
	s0 =	sld [smem:$0x3F91]  }
0x30: {  	s3 =	sld [smem:$0x3F94]  }
0x31: {  	[smem:$0x3F9D] =	sst s10  }
0x32: {  	s10 =	sld [smem:$0x3F9B];
	_ =	sdelay $0x3  }
0x33: {  	p0 =	seq.s32 s10, $0x1;
	s10 =	sld [smem:$0x3F9D];
	_ =	sdelay $0x3  }
0x34: {  	[smem:$0x3F9D] =	sst s10  }
0x35: {  	s10 =	sld [smem:$0x3F9C];
	_ =	sdelay $0x3  }
0x36: {  	p1 =	seq.s32 s10, $0x1;
	s10 =	sld [smem:$0x3F9D];
	_ =	sdelay $0x3  }
0x37: {  	[smem:$0x3F9D] =	sst s10  }
0x38: {  	s10 =	sld [smem:$0x3F9E]  }
0x39: {  	_ = 	snop;
	(pc) =	sbr.ind lr, $3  }
0x3a: {  	_ = 	snop  }
0x3b: {  	_ = 	snop  }
0x3c: {  	p2 =	seq.s32 s10, $0x1;
	s10 =	sld [smem:$0x3F9D]  }
0x3d: {  	_ =	shalt  }
0x3e: {  	_ =	shalt  }
0x3f: {  	_ =	shalt  }
0x40: {  	_ =	shalt  }
0x41: {  	_ =	shalt  }
0x42: {  	_ =	shalt  }
0x43: {  	_ =	shalt  }
0x44: {  	_ =	shalt  }
0x45: {  	_ =	shalt  }
0x46: {  	_ =	shalt  }
0x47: {  	_ =	shalt  }
0x48: {  	_ =	shalt  }
0x49: {  	_ =	shalt  }
0x4a: {  	_ =	shalt  }
0x4b: {  	_ =	shalt  }
0x4c: {  	_ =	shalt  }
0x4d: {  	_ =	shalt  }
0x4e: {  	_ =	shalt  }
0x4f: {  	_ =	shalt  }
0x50: {  	_ =	shalt  }
0x51: {  	_ =	shalt  }
0x52: {  	_ =	shalt  }
0x53: {  	_ =	shalt  }
0x54: {  	_ =	shalt  }
0x55: {  	_ =	shalt  }
0x56: {  	_ =	shalt  }
0x57: {  	_ =	shalt  }
0x58: {  	_ =	shalt  }
0x59: {  	_ =	shalt  }
0x5a: {  	_ =	shalt  }
0x5b: {  	_ =	shalt  }
0x5c: {  	_ =	shalt  }
0x5d: {  	_ =	shalt  }
0x5e: {  	_ =	shalt  }
0x5f: {  	_ =	shalt  }
0x60: {  	_ =	shalt  }
0x61: {  	_ =	shalt  }
0x62: {  	_ =	shalt  }
0x63: {  	_ =	shalt  }
0x64: {  	_ =	shalt  }
0x65: {  	_ =	shalt  }
0x66: {  	_ =	shalt  }
0x67: {  	_ =	shalt  }
0x68: {  	_ =	shalt  }
0x69: {  	_ =	shalt  }
0x6a: {  	_ =	shalt  }
0x6b: {  	_ =	shalt  }
0x6c: {  	_ =	shalt  }
0x6d: {  	_ =	shalt  }
0x6e: {  	_ =	shalt  }
0x6f: {  	_ =	shalt  }
0x70: {  	_ =	shalt  }
0x71: {  	_ =	shalt  }
0x72: {  	_ =	shalt  }
0x73: {  	_ =	shalt  }
0x74: {  	_ =	shalt  }
0x75: {  	_ =	shalt  }
0x76: {  	_ =	shalt  }
0x77: {  	_ =	shalt  }
0x78: {  	_ =	shalt  }
0x79: {  	_ =	shalt  }
0x7a: {  	_ =	shalt  }
0x7b: {  	_ =	shalt  }
0x7c: {  	_ =	shalt  }
0x7d: {  	_ =	shalt  }
0x7e: {  	_ =	shalt  }
0x7f: {  	_ =	shalt  }
0x80: {  	_ =	shalt  }
0x81: {  	_ =	shalt  }
0x82: {  	_ =	shalt  }
0x83: {  	_ =	shalt  }
0x84: {  	_ =	shalt  }
0x85: {  	_ =	shalt  }
0x86: {  	_ =	shalt  }
0x87: {  	_ =	shalt  }
.Lfunc_end0:
.L_simem_size_0:
called_computation.4_lowered:
.L_overlay_start_0:
0x88: {  	s2 =	sld [smem:$0x3FD9]  }
0x89: {  	s3 =	sld [smem:$0x3FFE];
	_ =	sdelay $0x1  }
0x8a: {  	s1 =	srdreg.scid  }
0x8b: {  	s0 =	sand.u32 $0x1, s1  }
0x8c: {  	s17 =	sshll.u32 s0, $0xA;
	s2 =	sadd.s32 s3, s2  }
0x8d: {  	s2 =	sadd.s32 s2, s17  }
0x8e: {  	[smem:$0x3FA9] =	sst s2  }
0x8f: {  	_ = 	snop  }
0x90: {  	(tm) =	ssettm $0x1  }
0x91: {  	s18 =	sld [smem:$0x3FFB];
	_ =	sdelay $0x3  }
0x92: {  	_ =	strace s18  }
0x93: {  	s2 =	sld [smem:$0x3FFC];
	_ =	sdelay $0x3  }
0x94: {  	_ =	strace s2  }
0x95: {  	s2 =	sld [smem:$0x3FFD];
	_ =	sdelay $0x3  }
0x96: {  	_ =	strace s2  }
0x97: {  	_ =	strace $0x8FFFFFFF  }
0x98: {  	s19 =	sld [smem:$0x3FDB];
	_ =	sdelay $0x1  }
0x99: {  	s20 =	simm.s32 $_scs_section_size  }
0x9a: {  	s4 =	simm.s32 $_size__tile_overlayer_lowered;
	s5 =	simm.s32 $_tile_overlayer_lowered  }
0x9b: {  	s6 =	simm.s32 $0x1BFF;
	s21 =	sshll.u32 s5, $0x1;
	s3 =	sadd.s32 s20, s19  }
0x9c: {  	s22 =	simm.s32 $0x0;
	s4 =	sshll.u32 s4, $0x1;
	s5 =	sadd.s32 s21, s3  }
0x9d: {  	[timem:s22], [sflag:s6] =	dma.local [hbm:s5], s4  }
0x9e: {  	_ =	swait.ge [sflag:s6], s4  }
0x9f: {  	s4 =	ssub.s32 $0x0, s4;
	[sflag:s6] =	ssyncset.done $0x0  }
0xa0: {  	[sflag:s6] =	ssyncadd.s32 s4;
	_ =	sdelay $0x1  }
0xa1: {  	s23 =	simm.s32 $0x1B8B  }
0xa2: {  	_ =	swait.ge [sflag:s23], $0x1  }
0xa3: {  	[sflag:s23] =	ssyncset.done $0x0  }
0xa4: {  	[sflag:s23] =	ssyncadd.s32 $0xFFFFFFFF  }
0xa5: {  	s4 =	sld [smem:$0x0]  }
0xa6: {  	s5 =	sand.u32 $0xFFFFFFFE, s1  }
0xa7: {  	p0 =	sne.s32 s1, s5  }
0xa8: {  	s5 =	sshll.u32 @p0 s5, $0xE  }
0xa9: {  	s5 =	sadd.s32 @p0 $0x11B8D, s5;
	s6 =	sshll.u32 @p0 s4, $0x11  }
0xaa: {  	s5 =	sor.u32 @p0 s6, s5  }
0xab: {  	[sflag:s5] =	ssyncadd.remote.s32 @p0 $0x1;
	_ =	sdelay $0x1  }
0xac: {  	s5 =	simm.s32 @p0 $0x1B8D  }
0xad: {  	_ =	swait.eq @p0 [sflag:s5], $0x1  }
0xae: {  	[sflag:s5] =	ssyncadd.s32 @p0 $0xFFFFFFFF  }
0xaf: {  	s6 =	sshll.u32 @!p0 s1, $0xE  }
0xb0: {  	s6 =	sor.u32 @!p0 $0x4000, s6;
	s5 =	simm.s32 @!p0 $0x1B8D  }
0xb1: {  	s4 =	sshll.u32 @!p0 s4, $0x11;
	s6 =	sadd.s32 @!p0 $0x11B8D, s6;
	_ =	swait.eq @!p0 [sflag:s5], $0x1  }
0xb2: {  	s4 =	sor.u32 @!p0 s4, s6;
	[sflag:s5] =	ssyncadd.s32 @!p0 $0xFFFFFFFF  }
0xb3: {  	s25 =	simm.s32 $0x1B8E;
	s24 =	sld [smem:$0x3FFE];
	[sflag:s4] =	ssyncadd.remote.s32 @!p0 $0x1  }
0xb4: {  	s26 =	simm.s32 $execute0_lowered;
	[smem:$0x3FD2] =	sst s25  }
0xb5: {  	s5 =	sshll.u32 s26, $0x1;
	_ =	strace $0x80000052;
	[dreg:$0x1] =	wrdreg $0xFFFFFFFF  }
0xb6: {  	s28 =	simm.s32 $_size_execute0_lowered;
	s3 =	sadd.s32 s3, s5;
	[dreg:$0x0] =	wrdreg $0x0  }
0xb7: {  	s5 =	sshll.u32 s28, $0x1;
	[dreg:$0x2] =	wrdreg s3  }
0xb8: {  	[dreg:$0x3] =	wrdreg s5  }
0xb9: {  	[dreg:$0x4] =	wrdreg $0xC0  }
0xba: {  	_ =	task [dreg:s22], $0x5FFFF  }
0xbb: {  	[dreg:$0x1] =	wrdreg $0xFFFFFFFF  }
0xbc: {  	[dreg:$0x0] =	wrdreg $0x60  }
0xbd: {  	[dreg:$0x2] =	wrdreg s24  }
0xbe: {  	[dreg:$0x3] =	wrdreg $0x40800  }
0xbf: {  	[dreg:$0x4] =	wrdreg $0xA  }
0xc0: {  	_ =	task.clear_ibuf [dreg:s22], $0x5FFFF;
	_ =	strace $0x90000052  }
0xc1: {  	s29 =	simm.s32 $0xA;
	_ =	strace $0x80000054  }
0xc2: {  	_ =	swait.ge [sflag:s29], $0x1  }
0xc3: {  	[sflag:s29] =	ssyncadd.s32 $0xFFFFFFFF  }
0xc4: {  	_ =	strace $0x90000054  }
0xc5: {  	_ =	sfence  }
0xc6: {  	s30 =	sld [smem:$0x0];
	_ =	sdelay $0x2  }
0xc7: {  	s31 =	sshll.u32 s1, $0xD;
	s1 =	sshrl.u32 s1, $0x2  }
0xc8: {  	s4 =	sand.u32 $0x4000, s31;
	s1 =	sadd.s32 s1, s30  }
0xc9: {  	s0 =	sor.u32 s4, s0;
	s1 =	sshll.u32 s1, $0x11  }
0xca: {  	s0 =	sor.u32 s1, s0  }
0xcb: {  	s0 =	sadd.s32 $0x8F2B, s0  }
0xcc: {  	[sflag:s0] =	ssyncadd.remote.s32 $0x1  }
0xcd: {  	_ =	sfence.sel $0xFFFF  }
0xce: {  	[dreg:$0x0] =	wrdreg $0xFFFFFFFF;
	(pc) =	sbr.abs _section_cstart, $3  }
0xcf: {  	[dreg:$0x1] =	wrdreg $0xFFFFFFFF  }
0xd0: {  	_ =	task.clear_ibuf [dreg:s22], $0x2FFFF;
	_ =	strace $0x9FFFFFFF  }
0xd1: {  	(tm) =	ssettm $0x7FFFFFFF  }
tec
execute0_lowered:
.L_overlay_start_1:
0x0: {  	(tag) =	ssettag $0x1  }
0x1: {  	s4 =	rddreg [dreg:$0x0]  }
0x2: {  	s1 =	rddreg [dreg:$0x1]  }
0x3: {  	s12 =	stileid.u32;
	s0 =	rddreg [dreg:$0x2]  }
0x4: {  	s2 =	simm.s32 $0x0;
	s6 =	srdreg.scid;
	s3 =	smul.u32 $0x500, s12  }
0x5: {  	s11 =	simm.s32 $0x800;
	s15 =	simm.s32 $0x8;
	s5 =	smul.u32 $0x50000, s12  }
0x6: {  	s16 =	simm.s32 $0x100;
	s17 =	simm.s32 $0x0;
	s7 =	smul.u32 $0x27000, s12  }
0x7: {  	[smem:$0x7FF] =	sst s2;
	s6 =	sand.u32 $0x1, s6;
	s10 =	smul.u32 $0x4E000, s12  }
0x8: {  	p0 =	sne.s32 s12, $0x0;
	s13 =	sshll.u32 s12, $0x6;
	s12 =	simm.s32 $0x80  }
0x9: {  	_ =	strace $0x80000053;
	s8 =	sshll.u32 s6, $0xA;
	s29 =	ssub.s32 $0x2, s6  }
0xa: {  	s6 =	sshll.u32 s6, $0x7;
	s13 =	sor.u32 $0x1C01, s13;
	s9 =	sadd.s32 s3, s4  }
0xb: {  	s5 =	sadd.s32 s5, s4;
	s28 =	sor.u32 s8, s7;
	s3 =	sadd.s32 $0x8E800, s4  }
0xc: {  	s30 =	sshrl.u32 s29, $0x1;
	s31 =	sshrl.u32 s10, $0x2;
	s8 =	sshrl.u32 @!p0 s1, $0x3  }
0xd: {  	s10 =	simm.s32 $0x400;
	s7 =	sshrl.u32 s28, $0x3;
	s14 =	sadd.s32 s31, s1  }
0xe: {  	s6 =	sadd.s32 s6, s5;
	s4 =	sadd.s32 s7, s4;
	s7 =	ssub.s32 s29, s30  }
0xf: {  	s6 =	sadd.s32 $0xABAC00, s6;
	s14 =	sshrl.u32 s14, $0x3;
	s4 =	sadd.s32 $0x108C00, s4  }
0x10: {  	s5 =	smax.u32 s7, $0x1;
	s7 =	sadd.s32 $0xF400, s9;
	s9 =	simm.s32 $0x1  }
.LBB2_1:
0x11: {  	s18 =	simm.s32 @!p0 $0x1C01  }
0x12: {  	[spmem:s8], [sflag:s18] =	dma.local @!p0 [hbm:s3], $0x27100  }
0x13: {  	s18 =	simm.s32 @!p0 $0x1  }
0x14: {  	_ =	swait.ge @!p0 [sflag:s18], $0x27100  }
0x15: {  	[sflag:s18] =	ssyncset.done @!p0 $0x0  }
0x16: {  	[sflag:s18] =	ssyncadd.s32 @!p0 $0xFFFD8F00  }
0x17: {  	s31 =	sadd.s32 $0x0, s7;
	[bflag:$0x0] =	sbarrier.arrive $0xFFFF  }
0x18: {  	[tilespmem:s2], [sflag:$0x1] =	stream.linear.gather [hbm4b:s31+s2], $0x80, $0x38;
	[tilespmem:$0x17900] =	vst v63  }
0x19: {  	_ =	swait.ge [sflag:s9], $0x80  }
0x1a: {  	[sflag:s9] =	ssyncset.done $0x0  }
0x1b: {  	[sflag:s9] =	ssyncadd.s32 $0xFFFFFF80  }
0x1c: {  	[tilespmem:s12], [sflag:$0x1] =	stream.strided.gather [hbm4b:s6+s10], $0x4000, s11, s10, $0x38;
	[tilespmem:$0x17900] =	vst v63  }
0x1d: {  	_ =	swait.ge [sflag:s9], $0x4000  }
0x1e: {  	[sflag:s9] =	ssyncset.done $0x0  }
0x1f: {  	[sflag:s9] =	ssyncadd.s32 $0xFFFFC000  }
0x20: {  	[spmem:s1] =	stream.indirect.scatter.add.f32 [tilespmem:s12], [sflag:$0x1], $0x80, s2, s12, $0xb8;
	[tilespmem:$0x17900] =	vst v63  }
0x21: {  	s19 =	simm.s32 $0x10;
	_ =	swait.ge [sflag:s9], $0x4000  }
0x22: {  	s20 =	simm.s32 $0x20;
	s18 =	sadd.s32 $0x1000, s6;
	[sflag:s9] =	ssyncset.done $0x0  }
.LBB2_2:
0x23: {  	s21 =	sadd.s32 s19, s7  }
0x24: {  	[sflag:s9] =	ssyncadd.s32 $0xFFFFC000;
	s19 =	smov.u32 s20;
	s22 =	sadd.s32 $0x10, s20  }
0x25: {  	[tilespmem:s2], [sflag:$0x1] =	stream.linear.gather [hbm4b:s21+s2], $0x80, $0x38;
	[tilespmem:$0x17900] =	vst v63  }
0x26: {  	p1 =	sne.s32 s20, $0x4F0;
	_ =	swait.ge [sflag:s9], $0x80  }
0x27: {  	[sflag:s9] =	ssyncset.done $0x0  }
0x28: {  	[sflag:s9] =	ssyncadd.s32 $0xFFFFFF80  }
0x29: {  	[tilespmem:s12], [sflag:$0x1] =	stream.strided.gather [hbm4b:s18+s10], $0x4000, s11, s10, $0x38;
	[tilespmem:$0x17900] =	vst v63  }
0x2a: {  	_ =	swait.ge [sflag:s9], $0x4000  }
.Ltmp0:
0x2b: {  	[sflag:s9] =	ssyncset.done $0x0;
	(pc) =	sbr.rel @p1 .LBB2_2-.Ltmp0, $4  }
0x2c: {  	[sflag:s9] =	ssyncadd.s32 $0xFFFFC000  }
0x2d: {  	[spmem:s1] =	stream.indirect.scatter.add.f32 [tilespmem:s12], [sflag:$0x1], $0x80, s2, s12, $0xb8;
	[tilespmem:$0x17900] =	vst v63  }
0x2e: {  	_ =	swait.ge [sflag:s9], $0x4000  }
0x2f: {  	s20 =	smov.u32 s22;
	s18 =	sadd.s32 $0x1000, s18;
	[sflag:s9] =	ssyncset.done $0x0  }
0x30: {  	s19 =	sadd.s32 s19, s7;
	[sflag:s9] =	ssyncadd.s32 $0xFFFFC000  }
0x31: {  	[tilespmem:s2], [sflag:$0x1] =	stream.linear.gather [hbm4b:s19+s2], $0x80, $0x38;
	[tilespmem:$0x17900] =	vst v63  }
0x32: {  	_ =	swait.ge [sflag:s9], $0x80  }
0x33: {  	[sflag:s9] =	ssyncset.done $0x0  }
0x34: {  	[sflag:s9] =	ssyncadd.s32 $0xFFFFFF80  }
0x35: {  	[tilespmem:s12], [sflag:$0x1] =	stream.strided.gather [hbm4b:s18+s10], $0x4000, s11, s10, $0x38;
	[tilespmem:$0x17900] =	vst v63  }
0x36: {  	_ =	swait.ge [sflag:s9], $0x4000  }
0x37: {  	[sflag:s9] =	ssyncset.done $0x0  }
0x38: {  	[sflag:s9] =	ssyncadd.s32 $0xFFFFC000  }
0x39: {  	[spmem:s1] =	stream.indirect.scatter.add.f32 [tilespmem:s12], [sflag:$0x1], $0x80, s2, s12, $0xb8;
	[tilespmem:$0x17900] =	vst v63  }
0x3a: {  	_ =	swait.ge [sflag:s9], $0x4000  }
0x3b: {  	s17 =	sadd.s32 $0x1, s17;
	[sflag:s9] =	ssyncset.done $0x0  }
0x3c: {  	p1 =	sne.s32 s17, s5;
	[sflag:s9] =	ssyncadd.s32 $0xFFFFC000  }
.Ltmp1:
0x3d: {  	[bflag:$0x0] =	sbarrier.arrive $0xFFFF;
	(pc) =	sbr.rel @p1 .LBB2_1-.Ltmp1, $4  }
0x3e: {  	[hbm:s4@s16], [sflag:s13] =	dma.strided [spmem:s14@s12], $0x2800, s15, $0x10   }
0x3f: {  	_ =	swait.ge [sflag:s9], $0x2800  }
0x40: {  	[sflag:s9] =	ssyncset.done $0x0  }
0x41: {  	[sflag:s9] =	ssyncadd.s32 $0xFFFFD800  }
0x42: {  	_ =	sfence.sel $0x180000  }
0x43: {  	[bflag:$0x0] =	sbarrier.arrive $0xFFFF  }
0x44: {  	_ =	strace $0x90000053  }
0x45: {  	s0 =	sadd.s32 @!p0 $0x100000, s0;
	[bflag:$0x2] =	sbarrier.arrive $0xFFFF  }
0x46: {  	[sflag:s0] =	ssyncadd.tile.s32 @!p0 $0x1;
	_ =	shalt  }
.Lfunc_end2:
_tile_overlayer_lowered:
.L_overlay_start_2:
0x47: {  	(tag) =	ssettag $0x2  }
0x48: {  	s0 =	rddreg [dreg:$0x0];
	s2 =	stileid.u32  }
0x49: {  	s1 =	rddreg [dreg:$0x1];
	p0 =	sne.s32 s2, $0x0  }
0x4a: {  	s3 =	rddreg [dreg:$0x2];
	[bflag:$0x3] =	sbarrier.arrive $0xFFFF;
	s2 =	simm.s32 @!p0 $0x1C01  }
0x4b: {  	[timem:s3], [sflag:s2] =	dma.local @!p0 [hbm:s0], s1  }
0x4c: {  	s0 =	simm.s32 @!p0 $0x1  }
0x4d: {  	_ =	swait.ge @!p0 [sflag:s0], s1  }
0x4e: {  	s1 =	ssub.s32 @!p0 $0x0, s1;
	[sflag:s0] =	ssyncset.done @!p0 $0x0  }
0x4f: {  	[sflag:s0] =	ssyncadd.s32 @!p0 s1  }
0x50: {  	[bflag:$0x3] =	sbarrier.arrive $0xFFFF  }
0x51: {  	_ =	shalt  }

// kernel: kernel.48.cloned.1.call-start
scs
__scs_entry_jumppad:
0x0: {  	(pc) =	sbr.rel $0x88, $3  }
0x1: {  	(tag) =	ssettag $0x0;
	lr =	simm.s32 $0x1  }
0x2: {  	[smem:$0x3F82] =	sst lr;
	_ =	strace $0xD0000000  }
0x3: {  	_ = 	snop  }
0x4: {  	_ = 	snop  }
0x5: {  	_ = 	snop  }
0x6: {  	_ = 	snop  }
0x7: {  	_ = 	snop  }
__scs_overlays_trampoline_lowered:
0x8: {  	[smem:$0x3F91] =	sst s0  }
0x9: {  	[smem:$0x3F92] =	sst s1  }
0xa: {  	[smem:$0x3F93] =	sst s2  }
0xb: {  	[smem:$0x3F94] =	sst s3  }
0xc: {  	[smem:$0x3F95] =	sst s4  }
0xd: {  	[smem:$0x3F96] =	sst s5  }
0xe: {  	[smem:$0x3F97] =	sst s6  }
0xf: {  	[smem:$0x3F98] =	sst s7  }
0x10: {  	[smem:$0x3F99] =	sst s8  }
0x11: {  	[smem:$0x3F9A] =	sst s9;
	s0 =	simm.s32 @!p0 $0x0  }
0x12: {  	s1 =	sld [smem:$0x3F80];
	s0 =	simm.s32 @p0 $0x1  }
0x13: {  	[smem:$0x3F9B] =	sst s0;
	s0 =	simm.s32 @!p1 $0x0  }
0x14: {  	s2 =	sld [smem:$0x3F7F];
	s0 =	simm.s32 @p1 $0x1  }
0x15: {  	[smem:$0x3F9C] =	sst s0;
	s0 =	simm.s32 @!p2 $0x0  }
0x16: {  	s3 =	sld [smem:$0x3FDB];
	s0 =	simm.s32 @p2 $0x1  }
0x17: {  	s4 =	simm.s32 $0x1BF5;
	[smem:$0x3F9E] =	sst s0  }
0x18: {  	s0 =	sld [smem:$0x3F81];
	_ =	swait.ge [sflag:s4], $0x0  }
0x19: {  	s7 =	sld [smem:$0x3F82]  }
0x1a: {  	s8 =	sadd.s32 $0xFFFFE003, lr  }
0x1b: {  	s9 =	sadd.s32 $0xFFFFFEF7, lr;
	s5 =	simm.s32 $0xFFFFFFFF;
	p2 =	slt.u32 s8, $0xFFFFF086  }
0x1c: {  	p1 =	slt.u32 s9, $0xF7A;
	s5 =	simm.s32 @!p2 $0x0  }
0x1d: {  	s5 =	simm.s32 @p1 $0x1;
	p0 =	seq.s32 s7, s2  }
0x1e: {  	s7 =	smul.u32 @!p0 $0xF7A, s2;
	p2 =	seq.s32 @!p0 s5, $0x0  }
0x1f: {  	s9 =	smul.u32 $0xF7A, s1;
	s8 =	simm.s32 @!p0 $0x1BF5;
	p2 =	por !p2, p0  }
0x20: {  	[sflag:s8] =	ssyncset.s32 @!p0 $0xFFFFF086;
	s6 =	sadd.s32 @!p0 s3, s7;
	s7 =	simm.s32 @!p0 $0x108  }
0x21: {  	s3 =	sadd.s32 s3, s9;
	s6 =	sadd.s32 @!p0 $0x88, s6;
	s7 =	simm.s32 @p2 $0x1082  }
0x22: {  	[simem:s7], [sflag:s8] =	dma.local @!p0 [hbm:s6], $0xF7A  }
0x23: {  	s9 =	sor.u32 $0xD0000000, s2;
	s6 =	simm.s32 $0x108;
	_ =	swait.ge @!p0 [sflag:s8], $0x0  }
0x24: {  	s3 =	sadd.s32 $0x88, s3;
	s6 =	simm.s32 @!p1 $0x1082;
	[sflag:s4] =	ssyncset.s32 $0xFFFFF086  }
0x25: {  	[simem:s6], [sflag:s4] =	dma.local [hbm:s3], $0xF7A  }
0x26: {  	[smem:$0x3F82] =	sst s1;
	(tag) =	ssettag s2;
	_ =	strace s9  }
0x27: {  	s1 =	sld [smem:$0x3F92]  }
0x28: {  	s2 =	sld [smem:$0x3F93]  }
0x29: {  	s4 =	sld [smem:$0x3F95]  }
0x2a: {  	p0 =	seq.s32 s5, $0x0;
	s5 =	sld [smem:$0x3F96]  }
0x2b: {  	s6 =	sld [smem:$0x3F97]  }
0x2c: {  	s7 =	sld [smem:$0x3F98]  }
0x2d: {  	s3 =	simm.s32 $0x108;
	s8 =	sld [smem:$0x3F99]  }
0x2e: {  	s3 =	simm.s32 @!p0 $0x1082;
	s9 =	sld [smem:$0x3F9A]  }
0x2f: {  	lr =	sadd.s32 s0, s3;
	s0 =	sld [smem:$0x3F91]  }
0x30: {  	s3 =	sld [smem:$0x3F94]  }
0x31: {  	[smem:$0x3F9D] =	sst s10  }
0x32: {  	s10 =	sld [smem:$0x3F9B];
	_ =	sdelay $0x3  }
0x33: {  	p0 =	seq.s32 s10, $0x1;
	s10 =	sld [smem:$0x3F9D];
	_ =	sdelay $0x3  }
0x34: {  	[smem:$0x3F9D] =	sst s10  }
0x35: {  	s10 =	sld [smem:$0x3F9C];
	_ =	sdelay $0x3  }
0x36: {  	p1 =	seq.s32 s10, $0x1;
	s10 =	sld [smem:$0x3F9D];
	_ =	sdelay $0x3  }
0x37: {  	[smem:$0x3F9D] =	sst s10  }
0x38: {  	s10 =	sld [smem:$0x3F9E]  }
0x39: {  	_ = 	snop;
	(pc) =	sbr.ind lr, $3  }
0x3a: {  	_ = 	snop  }
0x3b: {  	_ = 	snop  }
0x3c: {  	p2 =	seq.s32 s10, $0x1;
	s10 =	sld [smem:$0x3F9D]  }
0x3d: {  	_ =	shalt  }
0x3e: {  	_ =	shalt  }
0x3f: {  	_ =	shalt  }
0x40: {  	_ =	shalt  }
0x41: {  	_ =	shalt  }
0x42: {  	_ =	shalt  }
0x43: {  	_ =	shalt  }
0x44: {  	_ =	shalt  }
0x45: {  	_ =	shalt  }
0x46: {  	_ =	shalt  }
0x47: {  	_ =	shalt  }
0x48: {  	_ =	shalt  }
0x49: {  	_ =	shalt  }
0x4a: {  	_ =	shalt  }
0x4b: {  	_ =	shalt  }
0x4c: {  	_ =	shalt  }
0x4d: {  	_ =	shalt  }
0x4e: {  	_ =	shalt  }
0x4f: {  	_ =	shalt  }
0x50: {  	_ =	shalt  }
0x51: {  	_ =	shalt  }
0x52: {  	_ =	shalt  }
0x53: {  	_ =	shalt  }
0x54: {  	_ =	shalt  }
0x55: {  	_ =	shalt  }
0x56: {  	_ =	shalt  }
0x57: {  	_ =	shalt  }
0x58: {  	_ =	shalt  }
0x59: {  	_ =	shalt  }
0x5a: {  	_ =	shalt  }
0x5b: {  	_ =	shalt  }
0x5c: {  	_ =	shalt  }
0x5d: {  	_ =	shalt  }
0x5e: {  	_ =	shalt  }
0x5f: {  	_ =	shalt  }
0x60: {  	_ =	shalt  }
0x61: {  	_ =	shalt  }
0x62: {  	_ =	shalt  }
0x63: {  	_ =	shalt  }
0x64: {  	_ =	shalt  }
0x65: {  	_ =	shalt  }
0x66: {  	_ =	shalt  }
0x67: {  	_ =	shalt  }
0x68: {  	_ =	shalt  }
0x69: {  	_ =	shalt  }
0x6a: {  	_ =	shalt  }
0x6b: {  	_ =	shalt  }
0x6c: {  	_ =	shalt  }
0x6d: {  	_ =	shalt  }
0x6e: {  	_ =	shalt  }
0x6f: {  	_ =	shalt  }
0x70: {  	_ =	shalt  }
0x71: {  	_ =	shalt  }
0x72: {  	_ =	shalt  }
0x73: {  	_ =	shalt  }
0x74: {  	_ =	shalt  }
0x75: {  	_ =	shalt  }
0x76: {  	_ =	shalt  }
0x77: {  	_ =	shalt  }
0x78: {  	_ =	shalt  }
0x79: {  	_ =	shalt  }
0x7a: {  	_ =	shalt  }
0x7b: {  	_ =	shalt  }
0x7c: {  	_ =	shalt  }
0x7d: {  	_ =	shalt  }
0x7e: {  	_ =	shalt  }
0x7f: {  	_ =	shalt  }
0x80: {  	_ =	shalt  }
0x81: {  	_ =	shalt  }
0x82: {  	_ =	shalt  }
0x83: {  	_ =	shalt  }
0x84: {  	_ =	shalt  }
0x85: {  	_ =	shalt  }
0x86: {  	_ =	shalt  }
0x87: {  	_ =	shalt  }
.Lfunc_end0:
.L_simem_size_0:
called_computation.5_lowered:
.L_overlay_start_0:
0x88: {  	s2 =	sld [smem:$0x3FD9]  }
0x89: {  	s3 =	sld [smem:$0x3FFE];
	_ =	sdelay $0x1  }
0x8a: {  	s1 =	srdreg.scid  }
0x8b: {  	s0 =	sand.u32 $0x1, s1  }
0x8c: {  	s16 =	sshll.u32 s0, $0xA;
	s2 =	sadd.s32 s3, s2  }
0x8d: {  	s2 =	sadd.s32 s2, s16  }
0x8e: {  	[smem:$0x3FA9] =	sst s2  }
0x8f: {  	_ = 	snop  }
0x90: {  	(tm) =	ssettm $0x1  }
0x91: {  	s17 =	sld [smem:$0x3FFB];
	_ =	sdelay $0x3  }
0x92: {  	_ =	strace s17  }
0x93: {  	s2 =	sld [smem:$0x3FFC];
	_ =	sdelay $0x3  }
0x94: {  	_ =	strace s2  }
0x95: {  	s2 =	sld [smem:$0x3FFD];
	_ =	sdelay $0x3  }
0x96: {  	_ =	strace s2  }
0x97: {  	_ =	strace $0x8FFFFFFF  }
0x98: {  	s18 =	sld [smem:$0x3FDB];
	_ =	sdelay $0x1  }
0x99: {  	s19 =	simm.s32 $_scs_section_size  }
0x9a: {  	s4 =	simm.s32 $_size__tile_overlayer_lowered;
	s5 =	simm.s32 $_tile_overlayer_lowered  }
0x9b: {  	s22 =	simm.s32 $0x1BFF;
	s21 =	sshll.u32 s5, $0x1;
	s2 =	sadd.s32 s19, s18  }
0x9c: {  	s6 =	simm.s32 $0x0;
	s20 =	sshll.u32 s4, $0x1;
	s4 =	sadd.s32 s21, s2  }
0x9d: {  	[timem:s6], [sflag:s22] =	dma.local [hbm:s4], s20  }
0x9e: {  	_ =	swait.ge [sflag:s22], s20  }
0x9f: {  	s3 =	ssub.s32 $0x0, s20;
	[sflag:s22] =	ssyncset.done $0x0  }
0xa0: {  	[sflag:s22] =	ssyncadd.s32 s3;
	_ =	sdelay $0x1  }
0xa1: {  	s23 =	simm.s32 $0x1B8B  }
0xa2: {  	_ =	swait.ge [sflag:s23], $0x1  }
0xa3: {  	[sflag:s23] =	ssyncset.done $0x0  }
0xa4: {  	s25 =	simm.s32 $0x1B8E;
	s24 =	sld [smem:$0x3FFE];
	[sflag:s23] =	ssyncadd.s32 $0xFFFFFFFF  }
0xa5: {  	s26 =	simm.s32 $execute0_lowered;
	[smem:$0x3FD2] =	sst s25  }
0xa6: {  	s4 =	sshll.u32 s26, $0x1;
	_ =	strace $0x80000055;
	[dreg:$0x1] =	wrdreg $0xFFFFFFFF  }
0xa7: {  	s28 =	simm.s32 $_size_execute0_lowered;
	s2 =	sadd.s32 s2, s4;
	[dreg:$0x0] =	wrdreg $0x0  }
0xa8: {  	s4 =	sshll.u32 s28, $0x1;
	[dreg:$0x2] =	wrdreg s2  }
0xa9: {  	[dreg:$0x3] =	wrdreg s4  }
0xaa: {  	[dreg:$0x4] =	wrdreg $0xC0  }
0xab: {  	_ =	task [dreg:s6], $0x5FFFF  }
0xac: {  	[dreg:$0x1] =	wrdreg $0xFFFFFFFF  }
0xad: {  	[dreg:$0x0] =	wrdreg $0x60  }
0xae: {  	[dreg:$0x2] =	wrdreg s24  }
0xaf: {  	[dreg:$0x3] =	wrdreg $0x9  }
0xb0: {  	_ =	task.clear_ibuf [dreg:s6], $0x4FFFF;
	_ =	strace $0x90000055  }
0xb1: {  	s29 =	simm.s32 $0x9;
	_ =	strace $0x80000057  }
0xb2: {  	_ =	swait.ge [sflag:s29], $0x1  }
0xb3: {  	[sflag:s29] =	ssyncadd.s32 $0xFFFFFFFF  }
0xb4: {  	_ =	strace $0x90000057  }
0xb5: {  	_ =	sfence  }
0xb6: {  	s30 =	sld [smem:$0x0];
	_ =	sdelay $0x2  }
0xb7: {  	s31 =	sshll.u32 s1, $0xD;
	s1 =	sshrl.u32 s1, $0x2  }
0xb8: {  	s3 =	sand.u32 $0x4000, s31;
	s1 =	sadd.s32 s1, s30  }
0xb9: {  	s0 =	sor.u32 s3, s0;
	s1 =	sshll.u32 s1, $0x11  }
0xba: {  	s0 =	sor.u32 s1, s0  }
0xbb: {  	s0 =	sadd.s32 $0x8F2B, s0  }
0xbc: {  	[sflag:s0] =	ssyncadd.remote.s32 $0x1  }
0xbd: {  	_ =	sfence.sel $0xFFFF  }
0xbe: {  	[dreg:$0x0] =	wrdreg $0xFFFFFFFF;
	(pc) =	sbr.abs _section_cstart, $3  }
0xbf: {  	[dreg:$0x1] =	wrdreg $0xFFFFFFFF  }
0xc0: {  	_ =	task.clear_ibuf [dreg:s6], $0x2FFFF;
	_ =	strace $0x9FFFFFFF  }
0xc1: {  	(tm) =	ssettm $0x7FFFFFFF  }
tec
execute0_lowered:
.L_overlay_start_1:
0x0: {  	(tag) =	ssettag $0x1  }
0x1: {  	s1 =	srdreg.scid  }
0x2: {  	s0 =	stileid.u32;
	s5 =	rddreg [dreg:$0x0];
	s2 =	simm.s32 $0x0  }
0x3: {  	s11 =	simm.s32 $0x1100;
	s12 =	simm.s32 $0x1900;
	s13 =	simm.s32 $0x2100  }
0x4: {  	s14 =	simm.s32 $0x2900;
	s15 =	simm.s32 $0x3100;
	s16 =	simm.s32 $0x3900  }
0x5: {  	s17 =	simm.s32 $0x4100;
	s18 =	simm.s32 $0x4900;
	s19 =	simm.s32 $0x5100  }
0x6: {  	s20 =	simm.s32 $0x5900;
	s21 =	simm.s32 $0x6100;
	s3 =	smul.u32 $0x2800, s0  }
0x7: {  	s28 =	simm.s32 $0x2;
	s1 =	sand.u32 $0x1, s1;
	s22 =	smul.u32 $0x50000, s0  }
0x8: {  	[smem:$0x7FF] =	sst s2;
	s7 =	sadd.s32 $0x109C00, s5;
	s8 =	smul.u32 $0x28000, s0  }
0x9: {  	s29 =	simm.s32 $0x0;
	s4 =	smul.u32 $0x1400, s1;
	_ =	strace $0x80000056  }
0xa: {  	[dreg:$0x2] =	wrdreg s7;
	s23 =	ssub.s32 $0x2, s1;
	s9 =	smul.u32 $0x14000, s1  }
0xb: {  	s1 =	smul.u32 $0x28000, s1;
	s7 =	simm.s32 $0x3;
	s10 =	sadd.s32 s22, s5  }
0xc: {  	s24 =	sadd.s32 s8, s5;
	s25 =	sshrl.u32 s23, $0x1;
	s8 =	simm.s32 $0x80  }
0xd: {  	s22 =	simm.s32 $0x6900;
	s3 =	sadd.s32 s4, s3;
	s26 =	sadd.s32 s9, s24  }
0xe: {  	s1 =	sadd.s32 s1, s10;
	s9 =	simm.s32 $0x100;
	s3 =	sshrl.u32 s3, $0x3  }
0xf: {  	s10 =	simm.s32 $0x900;
	s24 =	simm.s32 $0x7900;
	s6 =	sadd.s32 s3, s5  }
0x10: {  	s3 =	sadd.s32 $0xBBA00, s5;
	s5 =	ssub.s32 s23, s25;
	s23 =	simm.s32 $0x7100  }
0x11: {  	v2 =	vlaneseq.u32;
	s25 =	simm.s32 $0x8100;
	s4 =	smax.u32 s5, $0x1;
	s30 =	sadd.s32 $0xF400, s6  }
0x12: {  	vm0 =	vmmov $0xffff;
	v1 =	vshrl.u32 v2, $0x3;
	s5 =	sadd.s32 $0x83AC00, s26;
	s31 =	sadd.s32 $0x14400, s6;
	[dreg:$0x3] =	wrdreg s30  }
0x13: {  	v0 =	vand.u32 $0x7, v2;
	v2 =	vor.u32 $0x8, v2;
	v1 =	vmul.u32 $0x8, v1;
	s6 =	sadd.s32 $0x130E00, s1;
	s26 =	simm.s32 $0x1;
	[dreg:$0x4] =	wrdreg s31  }
.LBB2_1:
0x14: {  	s30 =	smov.u32 s6;
	s31 =	smov.u32 s5;
	s1 =	simm.s32 $0x0  }
.LBB2_2:
0x15: {  	s0 =	rddreg [dreg:$0x4]  }
0x16: {  	s0 =	sadd.s32 s1, s0  }
0x17: {  	[tilespmem:s2], [sflag:$0x3] =	stream.linear.gather [hbm4b:s0+s2], $0x80, $0x38;
	[tilespmem:$0xC100] =	vst v63  }
0x18: {  	_ =	swait.ge [sflag:s7], $0x80  }
0x19: {  	s0 =	rddreg [dreg:$0x3];
	[sflag:s7] =	ssyncset.done $0x0  }
0x1a: {  	[sflag:s7] =	ssyncadd.s32 $0xFFFFFF80;
	s0 =	sadd.s32 s1, s0  }
0x1b: {  	[tilespmem:s8], [sflag:$0x3] =	stream.linear.gather [hbm4b:s0+s2], $0x80, $0x38;
	[tilespmem:$0xC100] =	vst v63  }
0x1c: {  	_ =	swait.ge [sflag:s7], $0x80  }
0x1d: {  	[sflag:s7] =	ssyncset.done $0x0  }
0x1e: {  	[sflag:s7] =	ssyncadd.s32 $0xFFFFFF80  }
0x1f: {  	v3 =	vld [tilespmem:$0x0];
	_ =	sdelay $0x4  }
0x20: {  	v4 =	vshll.u32 v3, $0x1  }
0x21: {  	v3 =	vand.u32 $0x7, v3;
	v4 =	vand.u32 $0xFFFFFFF0, v4  }
0x22: {  	v3 =	vor.u32 v3, v4  }
0x23: {  	v4 =	vperm.xlane v3, v0;
	_ =	sdelay $0x1  }
0x24: {  	v3 =	vperm.xlane v3, v2;
	v4 =	vadd.s32 v1, v4;
	_ =	sdelay $0x1  }
0x25: {  	v3 =	vadd.s32 v1, v3;
	_ =	sdelay $0x2  }
0x26: {  	[tilespmem:s9], [sflag:$0x1] =	stream.indirect_vreg.gather [hbm4b:s3+s2], $0x80, v4, vm0, $0xb8;
	[tilespmem:$0xC100] =	vst v63  }
0x27: {  	_ = 	snop  }
0x28: {  	[tilespmem:s10], [sflag:$0x1] =	stream.indirect_vreg.gather [hbm4b:s3+s2], $0x80, v3, vm0, $0xb8;
	[tilespmem:$0xC100] =	vst v63  }
0x29: {  	v3 =	vld [tilespmem:$0x10];
	_ =	sdelay $0x4  }
0x2a: {  	v57 =	vshll.u32 v3, $0x1  }
0x2b: {  	v3 =	vand.u32 $0x7, v3;
	v4 =	vand.u32 $0xFFFFFFF0, v57  }
0x2c: {  	v3 =	vor.u32 v3, v4  }
0x2d: {  	v4 =	vperm.xlane v3, v0;
	_ =	sdelay $0x1  }
0x2e: {  	v3 =	vperm.xlane v3, v2;
	v4 =	vadd.s32 v1, v4;
	_ =	sdelay $0x1  }
0x2f: {  	v3 =	vadd.s32 v1, v3;
	_ =	sdelay $0x2  }
0x30: {  	[tilespmem:s11], [sflag:$0x1] =	stream.indirect_vreg.gather [hbm4b:s3+s2], $0x80, v4, vm0, $0xb8;
	[tilespmem:$0xC100] =	vst v63  }
0x31: {  	_ = 	snop  }
0x32: {  	[tilespmem:s12], [sflag:$0x1] =	stream.indirect_vreg.gather [hbm4b:s3+s2], $0x80, v3, vm0, $0xb8;
	[tilespmem:$0xC100] =	vst v63  }
0x33: {  	v3 =	vld [tilespmem:$0x20];
	_ =	sdelay $0x4  }
0x34: {  	v58 =	vshll.u32 v3, $0x1  }
0x35: {  	v3 =	vand.u32 $0x7, v3;
	v4 =	vand.u32 $0xFFFFFFF0, v58  }
0x36: {  	v3 =	vor.u32 v3, v4  }
0x37: {  	v4 =	vperm.xlane v3, v0;
	_ =	sdelay $0x1  }
0x38: {  	v3 =	vperm.xlane v3, v2;
	v4 =	vadd.s32 v1, v4;
	_ =	sdelay $0x1  }
0x39: {  	v3 =	vadd.s32 v1, v3;
	_ =	sdelay $0x2  }
0x3a: {  	[tilespmem:s13], [sflag:$0x1] =	stream.indirect_vreg.gather [hbm4b:s3+s2], $0x80, v4, vm0, $0xb8;
	[tilespmem:$0xC100] =	vst v63  }
0x3b: {  	_ = 	snop  }
0x3c: {  	[tilespmem:s14], [sflag:$0x1] =	stream.indirect_vreg.gather [hbm4b:s3+s2], $0x80, v3, vm0, $0xb8;
	[tilespmem:$0xC100] =	vst v63  }
0x3d: {  	v3 =	vld [tilespmem:$0x30];
	_ =	sdelay $0x4  }
0x3e: {  	v59 =	vshll.u32 v3, $0x1  }
0x3f: {  	v3 =	vand.u32 $0x7, v3;
	v4 =	vand.u32 $0xFFFFFFF0, v59  }
0x40: {  	v3 =	vor.u32 v3, v4  }
0x41: {  	v4 =	vperm.xlane v3, v0;
	_ =	sdelay $0x1  }
0x42: {  	v3 =	vperm.xlane v3, v2;
	v4 =	vadd.s32 v1, v4;
	_ =	sdelay $0x1  }
0x43: {  	v3 =	vadd.s32 v1, v3;
	_ =	sdelay $0x2  }
0x44: {  	[tilespmem:s15], [sflag:$0x1] =	stream.indirect_vreg.gather [hbm4b:s3+s2], $0x80, v4, vm0, $0xb8;
	[tilespmem:$0xC100] =	vst v63  }
0x45: {  	_ = 	snop  }
0x46: {  	[tilespmem:s16], [sflag:$0x1] =	stream.indirect_vreg.gather [hbm4b:s3+s2], $0x80, v3, vm0, $0xb8;
	[tilespmem:$0xC100] =	vst v63  }
0x47: {  	v3 =	vld [tilespmem:$0x40];
	_ =	sdelay $0x4  }
0x48: {  	v60 =	vshll.u32 v3, $0x1  }
0x49: {  	v3 =	vand.u32 $0x7, v3;
	v4 =	vand.u32 $0xFFFFFFF0, v60  }
0x4a: {  	v3 =	vor.u32 v3, v4  }
0x4b: {  	v4 =	vperm.xlane v3, v0;
	_ =	sdelay $0x1  }
0x4c: {  	v3 =	vperm.xlane v3, v2;
	v4 =	vadd.s32 v1, v4;
	_ =	sdelay $0x1  }
0x4d: {  	v3 =	vadd.s32 v1, v3;
	_ =	sdelay $0x2  }
0x4e: {  	[tilespmem:s17], [sflag:$0x1] =	stream.indirect_vreg.gather [hbm4b:s3+s2], $0x80, v4, vm0, $0xb8;
	[tilespmem:$0xC100] =	vst v63  }
0x4f: {  	_ = 	snop  }
0x50: {  	[tilespmem:s18], [sflag:$0x1] =	stream.indirect_vreg.gather [hbm4b:s3+s2], $0x80, v3, vm0, $0xb8;
	[tilespmem:$0xC100] =	vst v63  }
0x51: {  	v3 =	vld [tilespmem:$0x50];
	_ =	sdelay $0x4  }
0x52: {  	v61 =	vshll.u32 v3, $0x1  }
0x53: {  	v3 =	vand.u32 $0x7, v3;
	v4 =	vand.u32 $0xFFFFFFF0, v61  }
0x54: {  	v3 =	vor.u32 v3, v4  }
0x55: {  	v4 =	vperm.xlane v3, v0;
	_ =	sdelay $0x1  }
0x56: {  	v3 =	vperm.xlane v3, v2;
	v4 =	vadd.s32 v1, v4;
	_ =	sdelay $0x1  }
0x57: {  	v3 =	vadd.s32 v1, v3;
	_ =	sdelay $0x2  }
0x58: {  	[tilespmem:s19], [sflag:$0x1] =	stream.indirect_vreg.gather [hbm4b:s3+s2], $0x80, v4, vm0, $0xb8;
	[tilespmem:$0xC100] =	vst v63  }
0x59: {  	_ = 	snop  }
0x5a: {  	[tilespmem:s20], [sflag:$0x1] =	stream.indirect_vreg.gather [hbm4b:s3+s2], $0x80, v3, vm0, $0xb8;
	[tilespmem:$0xC100] =	vst v63  }
0x5b: {  	v3 =	vld [tilespmem:$0x60];
	_ =	sdelay $0x4  }
0x5c: {  	v62 =	vshll.u32 v3, $0x1  }
0x5d: {  	v3 =	vand.u32 $0x7, v3;
	v4 =	vand.u32 $0xFFFFFFF0, v62  }
0x5e: {  	v3 =	vor.u32 v3, v4  }
0x5f: {  	v4 =	vperm.xlane v3, v0;
	_ =	sdelay $0x1  }
0x60: {  	v3 =	vperm.xlane v3, v2;
	v4 =	vadd.s32 v1, v4;
	_ =	sdelay $0x1  }
0x61: {  	v3 =	vadd.s32 v1, v3;
	_ =	sdelay $0x2  }
0x62: {  	[tilespmem:s21], [sflag:$0x1] =	stream.indirect_vreg.gather [hbm4b:s3+s2], $0x80, v4, vm0, $0xb8;
	[tilespmem:$0xC100] =	vst v63  }
0x63: {  	_ = 	snop  }
0x64: {  	[tilespmem:s22], [sflag:$0x1] =	stream.indirect_vreg.gather [hbm4b:s3+s2], $0x80, v3, vm0, $0xb8;
	[tilespmem:$0xC100] =	vst v63  }
0x65: {  	v3 =	vld [tilespmem:$0x70];
	_ =	sdelay $0x4  }
0x66: {  	v63 =	vshll.u32 v3, $0x1  }
0x67: {  	v3 =	vand.u32 $0x7, v3;
	v4 =	vand.u32 $0xFFFFFFF0, v63  }
0x68: {  	v3 =	vor.u32 v3, v4  }
0x69: {  	v4 =	vperm.xlane v3, v0;
	_ =	sdelay $0x1  }
0x6a: {  	v3 =	vperm.xlane v3, v2;
	v4 =	vadd.s32 v1, v4;
	_ =	sdelay $0x1  }
0x6b: {  	v3 =	vadd.s32 v1, v3;
	_ =	sdelay $0x2  }
0x6c: {  	[tilespmem:s23], [sflag:$0x1] =	stream.indirect_vreg.gather [hbm4b:s3+s2], $0x80, v4, vm0, $0xb8;
	[tilespmem:$0xC100] =	vst v63  }
0x6d: {  	_ = 	snop  }
0x6e: {  	[tilespmem:s24], [sflag:$0x1] =	stream.indirect_vreg.gather [hbm4b:s3+s2], $0x80, v3, vm0, $0xb8;
	[tilespmem:$0xC100] =	vst v63  }
0x6f: {  	s0 =	rddreg [dreg:$0x2]  }
0x70: {  	[tilespmem:s25], [sflag:$0x2] =	stream.indirect.gather [hbm4b:s0+s8], $0x80, s8, s8, $0xb8;
	[tilespmem:$0xC100] =	vst v63  }
0x71: {  	_ =	swait.ge [sflag:s26], $0x8000  }
0x72: {  	[sflag:s26] =	ssyncset.done $0x0  }
0x73: {  	[sflag:s26] =	ssyncadd.s32 $0xFFFF8000  }
0x74: {  	_ =	swait.ge [sflag:s28], $0x4000  }
0x75: {  	[sflag:s28] =	ssyncset.done $0x0  }
0x76: {  	[sflag:s28] =	ssyncadd.s32 $0xFFFFC000  }
0x77: {  	[hbm4b:s30+s2] =	stream.linear.scatter [tilespmem:s9], [sflag:$0x3], $0x8000, $0x38;
	[tilespmem:$0xC100] =	vst v63  }
0x78: {  	_ =	swait.ge [sflag:s7], $0x8000  }
0x79: {  	p0 =	sne.s32 s1, $0x270;
	[sflag:s7] =	ssyncset.done $0x0  }
.Ltmp0:
0x7a: {  	[sflag:s7] =	ssyncadd.s32 $0xFFFF8000;
	(pc) =	sbr.rel @p0 .LBB2_2-.Ltmp0, $4  }
0x7b: {  	[hbm4b:s31+s2] =	stream.linear.scatter [tilespmem:s25], [sflag:$0x3], $0x4000, $0x38;
	[tilespmem:$0xC100] =	vst v63  }
0x7c: {  	_ =	swait.ge [sflag:s7], $0x4000  }
0x7d: {  	s1 =	sadd.s32 $0x10, s1;
	[sflag:s7] =	ssyncset.done $0x0  }
0x7e: {  	s30 =	sadd.s32 $0x1000, s30;
	s31 =	sadd.s32 $0x800, s31;
	[sflag:s7] =	ssyncadd.s32 $0xFFFFC000  }
0x7f: {  	s29 =	sadd.s32 $0x1, s29  }
0x80: {  	p0 =	sne.s32 s29, s4  }
.Ltmp1:
0x81: {  	_ = 	snop;
	(pc) =	sbr.rel @p0 .LBB2_1-.Ltmp1, $1  }
0x82: {  	_ =	sdelay $0x3  }
0x83: {  	_ =	sfence.sel $0x180000  }
0x84: {  	[bflag:$0x0] =	sbarrier.arrive $0xFFFF  }
0x85: {  	_ =	strace $0x90000056  }
0x86: {  	s0 =	stileid.u32;
	[bflag:$0x2] =	sbarrier.arrive $0xFFFF  }
0x87: {  	p0 =	sne.s32 s0, $0x0;
	s0 =	rddreg [dreg:$0x1]  }
0x88: {  	s0 =	sadd.s32 @!p0 $0x100000, s0  }
0x89: {  	[sflag:s0] =	ssyncadd.tile.s32 @!p0 $0x1;
	_ =	shalt  }
.Lfunc_end2:
_tile_overlayer_lowered:
.L_overlay_start_2:
0x8a: {  	(tag) =	ssettag $0x2  }
0x8b: {  	s0 =	rddreg [dreg:$0x0];
	s2 =	stileid.u32  }
0x8c: {  	s1 =	rddreg [dreg:$0x1];
	p0 =	sne.s32 s2, $0x0  }
0x8d: {  	s3 =	rddreg [dreg:$0x2];
	[bflag:$0x3] =	sbarrier.arrive $0xFFFF;
	s2 =	simm.s32 @!p0 $0x1C03  }
0x8e: {  	[timem:s3], [sflag:s2] =	dma.local @!p0 [hbm:s0], s1  }
0x8f: {  	s0 =	simm.s32 @!p0 $0x3  }
0x90: {  	_ =	swait.ge @!p0 [sflag:s0], s1  }
0x91: {  	s1 =	ssub.s32 @!p0 $0x0, s1;
	[sflag:s0] =	ssyncset.done @!p0 $0x0  }
0x92: {  	[sflag:s0] =	ssyncadd.s32 @!p0 s1  }
0x93: {  	[bflag:$0x3] =	sbarrier.arrive $0xFFFF  }
0x94: {  	_ =	shalt  }

// kernel: kernel.51.cloned.1.call-start
scs
__scs_entry_jumppad:
0x0: {  	(pc) =	sbr.rel $0x88, $3  }
0x1: {  	(tag) =	ssettag $0x0;
	lr =	simm.s32 $0x1  }
0x2: {  	[smem:$0x3F82] =	sst lr;
	_ =	strace $0xD0000000  }
0x3: {  	_ = 	snop  }
0x4: {  	_ = 	snop  }
0x5: {  	_ = 	snop  }
0x6: {  	_ = 	snop  }
0x7: {  	_ = 	snop  }
__scs_overlays_trampoline_lowered:
0x8: {  	[smem:$0x3F91] =	sst s0  }
0x9: {  	[smem:$0x3F92] =	sst s1  }
0xa: {  	[smem:$0x3F93] =	sst s2  }
0xb: {  	[smem:$0x3F94] =	sst s3  }
0xc: {  	[smem:$0x3F95] =	sst s4  }
0xd: {  	[smem:$0x3F96] =	sst s5  }
0xe: {  	[smem:$0x3F97] =	sst s6  }
0xf: {  	[smem:$0x3F98] =	sst s7  }
0x10: {  	[smem:$0x3F99] =	sst s8  }
0x11: {  	[smem:$0x3F9A] =	sst s9;
	s0 =	simm.s32 @!p0 $0x0  }
0x12: {  	s1 =	sld [smem:$0x3F80];
	s0 =	simm.s32 @p0 $0x1  }
0x13: {  	[smem:$0x3F9B] =	sst s0;
	s0 =	simm.s32 @!p1 $0x0  }
0x14: {  	s2 =	sld [smem:$0x3F7F];
	s0 =	simm.s32 @p1 $0x1  }
0x15: {  	[smem:$0x3F9C] =	sst s0;
	s0 =	simm.s32 @!p2 $0x0  }
0x16: {  	s3 =	sld [smem:$0x3FDB];
	s0 =	simm.s32 @p2 $0x1  }
0x17: {  	s4 =	simm.s32 $0x1BF5;
	[smem:$0x3F9E] =	sst s0  }
0x18: {  	s0 =	sld [smem:$0x3F81];
	_ =	swait.ge [sflag:s4], $0x0  }
0x19: {  	s7 =	sld [smem:$0x3F82]  }
0x1a: {  	s8 =	sadd.s32 $0xFFFFE003, lr  }
0x1b: {  	s9 =	sadd.s32 $0xFFFFFEF7, lr;
	s5 =	simm.s32 $0xFFFFFFFF;
	p2 =	slt.u32 s8, $0xFFFFF086  }
0x1c: {  	p1 =	slt.u32 s9, $0xF7A;
	s5 =	simm.s32 @!p2 $0x0  }
0x1d: {  	s5 =	simm.s32 @p1 $0x1;
	p0 =	seq.s32 s7, s2  }
0x1e: {  	s7 =	smul.u32 @!p0 $0xF7A, s2;
	p2 =	seq.s32 @!p0 s5, $0x0  }
0x1f: {  	s9 =	smul.u32 $0xF7A, s1;
	s8 =	simm.s32 @!p0 $0x1BF5;
	p2 =	por !p2, p0  }
0x20: {  	[sflag:s8] =	ssyncset.s32 @!p0 $0xFFFFF086;
	s6 =	sadd.s32 @!p0 s3, s7;
	s7 =	simm.s32 @!p0 $0x108  }
0x21: {  	s3 =	sadd.s32 s3, s9;
	s6 =	sadd.s32 @!p0 $0x88, s6;
	s7 =	simm.s32 @p2 $0x1082  }
0x22: {  	[simem:s7], [sflag:s8] =	dma.local @!p0 [hbm:s6], $0xF7A  }
0x23: {  	s9 =	sor.u32 $0xD0000000, s2;
	s6 =	simm.s32 $0x108;
	_ =	swait.ge @!p0 [sflag:s8], $0x0  }
0x24: {  	s3 =	sadd.s32 $0x88, s3;
	s6 =	simm.s32 @!p1 $0x1082;
	[sflag:s4] =	ssyncset.s32 $0xFFFFF086  }
0x25: {  	[simem:s6], [sflag:s4] =	dma.local [hbm:s3], $0xF7A  }
0x26: {  	[smem:$0x3F82] =	sst s1;
	(tag) =	ssettag s2;
	_ =	strace s9  }
0x27: {  	s1 =	sld [smem:$0x3F92]  }
0x28: {  	s2 =	sld [smem:$0x3F93]  }
0x29: {  	s4 =	sld [smem:$0x3F95]  }
0x2a: {  	p0 =	seq.s32 s5, $0x0;
	s5 =	sld [smem:$0x3F96]  }
0x2b: {  	s6 =	sld [smem:$0x3F97]  }
0x2c: {  	s7 =	sld [smem:$0x3F98]  }
0x2d: {  	s3 =	simm.s32 $0x108;
	s8 =	sld [smem:$0x3F99]  }
0x2e: {  	s3 =	simm.s32 @!p0 $0x1082;
	s9 =	sld [smem:$0x3F9A]  }
0x2f: {  	lr =	sadd.s32 s0, s3;
	s0 =	sld [smem:$0x3F91]  }
0x30: {  	s3 =	sld [smem:$0x3F94]  }
0x31: {  	[smem:$0x3F9D] =	sst s10  }
0x32: {  	s10 =	sld [smem:$0x3F9B];
	_ =	sdelay $0x3  }
0x33: {  	p0 =	seq.s32 s10, $0x1;
	s10 =	sld [smem:$0x3F9D];
	_ =	sdelay $0x3  }
0x34: {  	[smem:$0x3F9D] =	sst s10  }
0x35: {  	s10 =	sld [smem:$0x3F9C];
	_ =	sdelay $0x3  }
0x36: {  	p1 =	seq.s32 s10, $0x1;
	s10 =	sld [smem:$0x3F9D];
	_ =	sdelay $0x3  }
0x37: {  	[smem:$0x3F9D] =	sst s10  }
0x38: {  	s10 =	sld [smem:$0x3F9E]  }
0x39: {  	_ = 	snop;
	(pc) =	sbr.ind lr, $3  }
0x3a: {  	_ = 	snop  }
0x3b: {  	_ = 	snop  }
0x3c: {  	p2 =	seq.s32 s10, $0x1;
	s10 =	sld [smem:$0x3F9D]  }
0x3d: {  	_ =	shalt  }
0x3e: {  	_ =	shalt  }
0x3f: {  	_ =	shalt  }
0x40: {  	_ =	shalt  }
0x41: {  	_ =	shalt  }
0x42: {  	_ =	shalt  }
0x43: {  	_ =	shalt  }
0x44: {  	_ =	shalt  }
0x45: {  	_ =	shalt  }
0x46: {  	_ =	shalt  }
0x47: {  	_ =	shalt  }
0x48: {  	_ =	shalt  }
0x49: {  	_ =	shalt  }
0x4a: {  	_ =	shalt  }
0x4b: {  	_ =	shalt  }
0x4c: {  	_ =	shalt  }
0x4d: {  	_ =	shalt  }
0x4e: {  	_ =	shalt  }
0x4f: {  	_ =	shalt  }
0x50: {  	_ =	shalt  }
0x51: {  	_ =	shalt  }
0x52: {  	_ =	shalt  }
0x53: {  	_ =	shalt  }
0x54: {  	_ =	shalt  }
0x55: {  	_ =	shalt  }
0x56: {  	_ =	shalt  }
0x57: {  	_ =	shalt  }
0x58: {  	_ =	shalt  }
0x59: {  	_ =	shalt  }
0x5a: {  	_ =	shalt  }
0x5b: {  	_ =	shalt  }
0x5c: {  	_ =	shalt  }
0x5d: {  	_ =	shalt  }
0x5e: {  	_ =	shalt  }
0x5f: {  	_ =	shalt  }
0x60: {  	_ =	shalt  }
0x61: {  	_ =	shalt  }
0x62: {  	_ =	shalt  }
0x63: {  	_ =	shalt  }
0x64: {  	_ =	shalt  }
0x65: {  	_ =	shalt  }
0x66: {  	_ =	shalt  }
0x67: {  	_ =	shalt  }
0x68: {  	_ =	shalt  }
0x69: {  	_ =	shalt  }
0x6a: {  	_ =	shalt  }
0x6b: {  	_ =	shalt  }
0x6c: {  	_ =	shalt  }
0x6d: {  	_ =	shalt  }
0x6e: {  	_ =	shalt  }
0x6f: {  	_ =	shalt  }
0x70: {  	_ =	shalt  }
0x71: {  	_ =	shalt  }
0x72: {  	_ =	shalt  }
0x73: {  	_ =	shalt  }
0x74: {  	_ =	shalt  }
0x75: {  	_ =	shalt  }
0x76: {  	_ =	shalt  }
0x77: {  	_ =	shalt  }
0x78: {  	_ =	shalt  }
0x79: {  	_ =	shalt  }
0x7a: {  	_ =	shalt  }
0x7b: {  	_ =	shalt  }
0x7c: {  	_ =	shalt  }
0x7d: {  	_ =	shalt  }
0x7e: {  	_ =	shalt  }
0x7f: {  	_ =	shalt  }
0x80: {  	_ =	shalt  }
0x81: {  	_ =	shalt  }
0x82: {  	_ =	shalt  }
0x83: {  	_ =	shalt  }
0x84: {  	_ =	shalt  }
0x85: {  	_ =	shalt  }
0x86: {  	_ =	shalt  }
0x87: {  	_ =	shalt  }
.Lfunc_end0:
.L_simem_size_0:
called_computation.6_lowered:
.L_overlay_start_0:
0x88: {  	s2 =	sld [smem:$0x3FD9]  }
0x89: {  	s3 =	sld [smem:$0x3FFE];
	_ =	sdelay $0x1  }
0x8a: {  	s1 =	srdreg.scid  }
0x8b: {  	s0 =	sand.u32 $0x1, s1  }
0x8c: {  	s16 =	sshll.u32 s0, $0xA;
	s2 =	sadd.s32 s3, s2  }
0x8d: {  	s2 =	sadd.s32 s2, s16  }
0x8e: {  	[smem:$0x3FA9] =	sst s2  }
0x8f: {  	_ = 	snop  }
0x90: {  	(tm) =	ssettm $0x1  }
0x91: {  	s17 =	sld [smem:$0x3FFB];
	_ =	sdelay $0x3  }
0x92: {  	_ =	strace s17  }
0x93: {  	s2 =	sld [smem:$0x3FFC];
	_ =	sdelay $0x3  }
0x94: {  	_ =	strace s2  }
0x95: {  	s2 =	sld [smem:$0x3FFD];
	_ =	sdelay $0x3  }
0x96: {  	_ =	strace s2  }
0x97: {  	_ =	strace $0x8FFFFFFF  }
0x98: {  	s18 =	sld [smem:$0x3FDB];
	_ =	sdelay $0x1  }
0x99: {  	s19 =	simm.s32 $_scs_section_size  }
0x9a: {  	s4 =	simm.s32 $_size__tile_overlayer_lowered;
	s5 =	simm.s32 $_tile_overlayer_lowered  }
0x9b: {  	s22 =	simm.s32 $0x1BFF;
	s21 =	sshll.u32 s5, $0x1;
	s2 =	sadd.s32 s19, s18  }
0x9c: {  	s6 =	simm.s32 $0x0;
	s20 =	sshll.u32 s4, $0x1;
	s4 =	sadd.s32 s21, s2  }
0x9d: {  	[timem:s6], [sflag:s22] =	dma.local [hbm:s4], s20  }
0x9e: {  	_ =	swait.ge [sflag:s22], s20  }
0x9f: {  	s3 =	ssub.s32 $0x0, s20;
	[sflag:s22] =	ssyncset.done $0x0  }
0xa0: {  	[sflag:s22] =	ssyncadd.s32 s3;
	_ =	sdelay $0x1  }
0xa1: {  	s23 =	simm.s32 $0x1B8B  }
0xa2: {  	_ =	swait.ge [sflag:s23], $0x1  }
0xa3: {  	[sflag:s23] =	ssyncset.done $0x0  }
0xa4: {  	s25 =	simm.s32 $0x1B8E;
	s24 =	sld [smem:$0x3FFE];
	[sflag:s23] =	ssyncadd.s32 $0xFFFFFFFF  }
0xa5: {  	s26 =	simm.s32 $execute0_lowered;
	[smem:$0x3FD2] =	sst s25  }
0xa6: {  	s4 =	sshll.u32 s26, $0x1;
	_ =	strace $0x80000058;
	[dreg:$0x1] =	wrdreg $0xFFFFFFFF  }
0xa7: {  	s28 =	simm.s32 $_size_execute0_lowered;
	s2 =	sadd.s32 s2, s4;
	[dreg:$0x0] =	wrdreg $0x0  }
0xa8: {  	s4 =	sshll.u32 s28, $0x1;
	[dreg:$0x2] =	wrdreg s2  }
0xa9: {  	[dreg:$0x3] =	wrdreg s4  }
0xaa: {  	[dreg:$0x4] =	wrdreg $0xC0  }
0xab: {  	_ =	task [dreg:s6], $0x5FFFF  }
0xac: {  	[dreg:$0x1] =	wrdreg $0xFFFFFFFF  }
0xad: {  	[dreg:$0x0] =	wrdreg $0x60  }
0xae: {  	[dreg:$0x2] =	wrdreg s24  }
0xaf: {  	[dreg:$0x3] =	wrdreg $0x40800  }
0xb0: {  	[dreg:$0x4] =	wrdreg $0x9  }
0xb1: {  	_ =	task.clear_ibuf [dreg:s6], $0x5FFFF;
	_ =	strace $0x90000058  }
0xb2: {  	s29 =	simm.s32 $0x9;
	_ =	strace $0x8000005A  }
0xb3: {  	_ =	swait.ge [sflag:s29], $0x1  }
0xb4: {  	[sflag:s29] =	ssyncadd.s32 $0xFFFFFFFF  }
0xb5: {  	_ =	strace $0x9000005A  }
0xb6: {  	_ =	sfence  }
0xb7: {  	s30 =	sld [smem:$0x0];
	_ =	sdelay $0x2  }
0xb8: {  	s31 =	sshll.u32 s1, $0xD;
	s1 =	sshrl.u32 s1, $0x2  }
0xb9: {  	s3 =	sand.u32 $0x4000, s31;
	s1 =	sadd.s32 s1, s30  }
0xba: {  	s0 =	sor.u32 s3, s0;
	s1 =	sshll.u32 s1, $0x11  }
0xbb: {  	s0 =	sor.u32 s1, s0  }
0xbc: {  	s0 =	sadd.s32 $0x8F2B, s0  }
0xbd: {  	[sflag:s0] =	ssyncadd.remote.s32 $0x1  }
0xbe: {  	_ =	sfence.sel $0xFFFF  }
0xbf: {  	[dreg:$0x0] =	wrdreg $0xFFFFFFFF;
	(pc) =	sbr.abs _section_cstart, $3  }
0xc0: {  	[dreg:$0x1] =	wrdreg $0xFFFFFFFF  }
0xc1: {  	_ =	task.clear_ibuf [dreg:s6], $0x2FFFF;
	_ =	strace $0x9FFFFFFF  }
0xc2: {  	(tm) =	ssettm $0x7FFFFFFF  }
0xc3: {  	_ =	shalt  }
tec
execute0_lowered:
.L_overlay_start_1:
0x0: {  	(tag) =	ssettag $0x1  }
0x1: {  	s11 =	stileid.u32  }
0x2: {  	s0 =	srdreg.scid;
	s6 =	smul.u32 $0x1400, s11  }
0x3: {  	s4 =	rddreg [dreg:$0x0];
	s8 =	smul.u32 $0x2700, s11  }
0x4: {  	s1 =	rddreg [dreg:$0x1];
	s2 =	simm.s32 $0x0;
	s29 =	smul.u32 $0x4E000, s11  }
0x5: {  	s5 =	sand.u32 $0x1, s0;
	s0 =	rddreg [dreg:$0x2];
	s10 =	smul.u32 $0x14000, s11  }
0x6: {  	s13 =	simm.s32 $0x0;
	[smem:$0x7FF] =	sst s2;
	s3 =	smul.u32 $0x14000, s5  }
0x7: {  	p0 =	sne.s32 s11, $0x0;
	s11 =	sshll.u32 s11, $0x6;
	s7 =	smul.u32 $0x140000, s5  }
0x8: {  	s28 =	smul.u32 $0x27100, s5;
	_ =	strace $0x80000059;
	s5 =	ssub.s32 $0x2, s5  }
0x9: {  	s11 =	sor.u32 $0x1C01, s11;
	s30 =	sshrl.u32 s5, $0x1;
	s3 =	sadd.s32 s6, s3  }
0xa: {  	s7 =	sadd.s32 s7, s4;
	s6 =	sadd.s32 s8, s28;
	s8 =	sshrl.u32 s29, $0x2  }
0xb: {  	s5 =	ssub.s32 s5, s30;
	s3 =	sshrl.u32 s3, $0x3;
	s12 =	sadd.s32 s8, s1  }
0xc: {  	s5 =	smax.u32 s5, $0x1;
	s31 =	sadd.s32 s10, s7;
	s8 =	sshrl.u32 @!p0 s1, $0x3  }
0xd: {  	s10 =	simm.s32 $0x80;
	s9 =	sadd.s32 s3, s4;
	s3 =	sadd.s32 $0x19400, s4  }
0xe: {  	s4 =	sadd.s32 s6, s4;
	s6 =	sadd.s32 $0xABAC00, s31;
	s12 =	sshrl.u32 s12, $0x3  }
0xf: {  	s4 =	sadd.s32 $0x83AC00, s4;
	s7 =	sadd.s32 $0xF400, s9;
	s9 =	simm.s32 $0x1  }
.LBB2_1:
0x10: {  	s14 =	simm.s32 @!p0 $0x1C01  }
0x11: {  	[spmem:s8], [sflag:s14] =	dma.local @!p0 [hbm:s3], $0x27100  }
0x12: {  	s14 =	simm.s32 @!p0 $0x1  }
0x13: {  	_ =	swait.ge @!p0 [sflag:s14], $0x27100  }
0x14: {  	[sflag:s14] =	ssyncset.done @!p0 $0x0  }
0x15: {  	[sflag:s14] =	ssyncadd.s32 @!p0 $0xFFFD8F00  }
0x16: {  	s31 =	sadd.s32 $0x0, s7;
	[bflag:$0x0] =	sbarrier.arrive $0xFFFF  }
0x17: {  	[tilespmem:s2], [sflag:$0x1] =	stream.linear.gather [hbm4b:s31+s2], $0x80, $0x38;
	[tilespmem:$0x6790] =	vst v63  }
0x18: {  	_ =	swait.ge [sflag:s9], $0x80  }
0x19: {  	[sflag:s9] =	ssyncset.done $0x0  }
0x1a: {  	[sflag:s9] =	ssyncadd.s32 $0xFFFFFF80  }
0x1b: {  	[tilespmem:s10], [sflag:$0x1] =	stream.linear.gather [hbm4b:s6+s2], $0x4000, $0x38;
	[tilespmem:$0x6790] =	vst v63  }
0x1c: {  	_ =	swait.ge [sflag:s9], $0x4000  }
0x1d: {  	[sflag:s9] =	ssyncset.done $0x0  }
0x1e: {  	[sflag:s9] =	ssyncadd.s32 $0xFFFFC000  }
0x1f: {  	[spmem:s1] =	stream.indirect.scatter.add.f32 [tilespmem:s10], [sflag:$0x1], $0x10, s2, s10, $0xb8;
	[tilespmem:$0x6790] =	vst v63  }
0x20: {  	s15 =	simm.s32 $0x10;
	_ =	swait.ge [sflag:s9], $0x800  }
0x21: {  	s16 =	simm.s32 $0x20;
	s14 =	sadd.s32 $0x800, s6;
	[sflag:s9] =	ssyncset.done $0x0  }
.LBB2_2:
0x22: {  	s17 =	sadd.s32 s15, s7  }
0x23: {  	[sflag:s9] =	ssyncadd.s32 $0xFFFFF800;
	s15 =	smov.u32 s16;
	s18 =	sadd.s32 $0x10, s16  }
0x24: {  	[tilespmem:s2], [sflag:$0x1] =	stream.linear.gather [hbm4b:s17+s2], $0x80, $0x38;
	[tilespmem:$0x6790] =	vst v63  }
0x25: {  	p1 =	sne.s32 s16, $0x270;
	_ =	swait.ge [sflag:s9], $0x80  }
0x26: {  	[sflag:s9] =	ssyncset.done $0x0  }
0x27: {  	[sflag:s9] =	ssyncadd.s32 $0xFFFFFF80  }
0x28: {  	[tilespmem:s10], [sflag:$0x1] =	stream.linear.gather [hbm4b:s14+s2], $0x4000, $0x38;
	[tilespmem:$0x6790] =	vst v63  }
0x29: {  	_ =	swait.ge [sflag:s9], $0x4000  }
.Ltmp0:
0x2a: {  	[sflag:s9] =	ssyncset.done $0x0;
	(pc) =	sbr.rel @p1 .LBB2_2-.Ltmp0, $4  }
0x2b: {  	[sflag:s9] =	ssyncadd.s32 $0xFFFFC000  }
0x2c: {  	[spmem:s1] =	stream.indirect.scatter.add.f32 [tilespmem:s10], [sflag:$0x1], $0x10, s2, s10, $0xb8;
	[tilespmem:$0x6790] =	vst v63  }
0x2d: {  	_ =	swait.ge [sflag:s9], $0x800  }
0x2e: {  	s16 =	smov.u32 s18;
	s14 =	sadd.s32 $0x800, s14;
	[sflag:s9] =	ssyncset.done $0x0  }
0x2f: {  	s15 =	sadd.s32 s15, s7;
	[sflag:s9] =	ssyncadd.s32 $0xFFFFF800  }
0x30: {  	[tilespmem:s2], [sflag:$0x1] =	stream.linear.gather [hbm4b:s15+s2], $0x80, $0x38;
	[tilespmem:$0x6790] =	vst v63  }
0x31: {  	_ =	swait.ge [sflag:s9], $0x80  }
0x32: {  	[sflag:s9] =	ssyncset.done $0x0  }
0x33: {  	[sflag:s9] =	ssyncadd.s32 $0xFFFFFF80  }
0x34: {  	[tilespmem:s10], [sflag:$0x1] =	stream.linear.gather [hbm4b:s14+s2], $0x4000, $0x38;
	[tilespmem:$0x6790] =	vst v63  }
0x35: {  	_ =	swait.ge [sflag:s9], $0x4000  }
0x36: {  	[sflag:s9] =	ssyncset.done $0x0  }
0x37: {  	[sflag:s9] =	ssyncadd.s32 $0xFFFFC000  }
0x38: {  	[spmem:s1] =	stream.indirect.scatter.add.f32 [tilespmem:s10], [sflag:$0x1], $0x10, s2, s10, $0xb8;
	[tilespmem:$0x6790] =	vst v63  }
0x39: {  	_ =	swait.ge [sflag:s9], $0x800  }
0x3a: {  	s13 =	sadd.s32 $0x1, s13;
	[sflag:s9] =	ssyncset.done $0x0  }
0x3b: {  	p1 =	sne.s32 s13, s5;
	[sflag:s9] =	ssyncadd.s32 $0xFFFFF800  }
.Ltmp1:
0x3c: {  	[bflag:$0x0] =	sbarrier.arrive $0xFFFF;
	(pc) =	sbr.rel @p1 .LBB2_1-.Ltmp1, $4  }
0x3d: {  	[hbm:s4], [sflag:s11] =	dma.local [spmem:s12], $0x2800  }
0x3e: {  	_ =	swait.ge [sflag:s9], $0x2800  }
0x3f: {  	[sflag:s9] =	ssyncset.done $0x0  }
0x40: {  	[sflag:s9] =	ssyncadd.s32 $0xFFFFD800  }
0x41: {  	_ =	sfence.sel $0x180000  }
0x42: {  	[bflag:$0x0] =	sbarrier.arrive $0xFFFF  }
0x43: {  	_ =	strace $0x90000059  }
0x44: {  	s0 =	sadd.s32 @!p0 $0x100000, s0;
	[bflag:$0x2] =	sbarrier.arrive $0xFFFF  }
0x45: {  	[sflag:s0] =	ssyncadd.tile.s32 @!p0 $0x1;
	_ =	shalt  }
.Lfunc_end2:
_tile_overlayer_lowered:
.L_overlay_start_2:
0x46: {  	(tag) =	ssettag $0x2  }
0x47: {  	s0 =	rddreg [dreg:$0x0];
	s2 =	stileid.u32  }
0x48: {  	s1 =	rddreg [dreg:$0x1];
	p0 =	sne.s32 s2, $0x0  }
0x49: {  	s3 =	rddreg [dreg:$0x2];
	[bflag:$0x3] =	sbarrier.arrive $0xFFFF;
	s2 =	simm.s32 @!p0 $0x1C01  }
0x4a: {  	[timem:s3], [sflag:s2] =	dma.local @!p0 [hbm:s0], s1  }
0x4b: {  	s0 =	simm.s32 @!p0 $0x1  }
0x4c: {  	_ =	swait.ge @!p0 [sflag:s0], s1  }
0x4d: {  	s1 =	ssub.s32 @!p0 $0x0, s1;
	[sflag:s0] =	ssyncset.done @!p0 $0x0  }
0x4e: {  	[sflag:s0] =	ssyncadd.s32 @!p0 s1  }
0x4f: {  	[bflag:$0x3] =	sbarrier.arrive $0xFFFF  }
0x50: {  	_ =	shalt  }

// kernel: kernel.54.cloned.1.call-start
scs
__scs_entry_jumppad:
0x0: {  	(pc) =	sbr.rel $0x88, $3  }
0x1: {  	(tag) =	ssettag $0x0;
	lr =	simm.s32 $0x1  }
0x2: {  	[smem:$0x3F82] =	sst lr;
	_ =	strace $0xD0000000  }
0x3: {  	_ = 	snop  }
0x4: {  	_ = 	snop  }
0x5: {  	_ = 	snop  }
0x6: {  	_ = 	snop  }
0x7: {  	_ = 	snop  }
__scs_overlays_trampoline_lowered:
0x8: {  	[smem:$0x3F91] =	sst s0  }
0x9: {  	[smem:$0x3F92] =	sst s1  }
0xa: {  	[smem:$0x3F93] =	sst s2  }
0xb: {  	[smem:$0x3F94] =	sst s3  }
0xc: {  	[smem:$0x3F95] =	sst s4  }
0xd: {  	[smem:$0x3F96] =	sst s5  }
0xe: {  	[smem:$0x3F97] =	sst s6  }
0xf: {  	[smem:$0x3F98] =	sst s7  }
0x10: {  	[smem:$0x3F99] =	sst s8  }
0x11: {  	[smem:$0x3F9A] =	sst s9;
	s0 =	simm.s32 @!p0 $0x0  }
0x12: {  	s1 =	sld [smem:$0x3F80];
	s0 =	simm.s32 @p0 $0x1  }
0x13: {  	[smem:$0x3F9B] =	sst s0;
	s0 =	simm.s32 @!p1 $0x0  }
0x14: {  	s2 =	sld [smem:$0x3F7F];
	s0 =	simm.s32 @p1 $0x1  }
0x15: {  	[smem:$0x3F9C] =	sst s0;
	s0 =	simm.s32 @!p2 $0x0  }
0x16: {  	s3 =	sld [smem:$0x3FDB];
	s0 =	simm.s32 @p2 $0x1  }
0x17: {  	s4 =	simm.s32 $0x1BF5;
	[smem:$0x3F9E] =	sst s0  }
0x18: {  	s0 =	sld [smem:$0x3F81];
	_ =	swait.ge [sflag:s4], $0x0  }
0x19: {  	s7 =	sld [smem:$0x3F82]  }
0x1a: {  	s8 =	sadd.s32 $0xFFFFE003, lr  }
0x1b: {  	s9 =	sadd.s32 $0xFFFFFEF7, lr;
	s5 =	simm.s32 $0xFFFFFFFF;
	p2 =	slt.u32 s8, $0xFFFFF086  }
0x1c: {  	p1 =	slt.u32 s9, $0xF7A;
	s5 =	simm.s32 @!p2 $0x0  }
0x1d: {  	s5 =	simm.s32 @p1 $0x1;
	p0 =	seq.s32 s7, s2  }
0x1e: {  	s7 =	smul.u32 @!p0 $0xF7A, s2;
	p2 =	seq.s32 @!p0 s5, $0x0  }
0x1f: {  	s9 =	smul.u32 $0xF7A, s1;
	s8 =	simm.s32 @!p0 $0x1BF5;
	p2 =	por !p2, p0  }
0x20: {  	[sflag:s8] =	ssyncset.s32 @!p0 $0xFFFFF086;
	s6 =	sadd.s32 @!p0 s3, s7;
	s7 =	simm.s32 @!p0 $0x108  }
0x21: {  	s3 =	sadd.s32 s3, s9;
	s6 =	sadd.s32 @!p0 $0x88, s6;
	s7 =	simm.s32 @p2 $0x1082  }
0x22: {  	[simem:s7], [sflag:s8] =	dma.local @!p0 [hbm:s6], $0xF7A  }
0x23: {  	s9 =	sor.u32 $0xD0000000, s2;
	s6 =	simm.s32 $0x108;
	_ =	swait.ge @!p0 [sflag:s8], $0x0  }
0x24: {  	s3 =	sadd.s32 $0x88, s3;
	s6 =	simm.s32 @!p1 $0x1082;
	[sflag:s4] =	ssyncset.s32 $0xFFFFF086  }
0x25: {  	[simem:s6], [sflag:s4] =	dma.local [hbm:s3], $0xF7A  }
0x26: {  	[smem:$0x3F82] =	sst s1;
	(tag) =	ssettag s2;
	_ =	strace s9  }
0x27: {  	s1 =	sld [smem:$0x3F92]  }
0x28: {  	s2 =	sld [smem:$0x3F93]  }
0x29: {  	s4 =	sld [smem:$0x3F95]  }
0x2a: {  	p0 =	seq.s32 s5, $0x0;
	s5 =	sld [smem:$0x3F96]  }
0x2b: {  	s6 =	sld [smem:$0x3F97]  }
0x2c: {  	s7 =	sld [smem:$0x3F98]  }
0x2d: {  	s3 =	simm.s32 $0x108;
	s8 =	sld [smem:$0x3F99]  }
0x2e: {  	s3 =	simm.s32 @!p0 $0x1082;
	s9 =	sld [smem:$0x3F9A]  }
0x2f: {  	lr =	sadd.s32 s0, s3;
	s0 =	sld [smem:$0x3F91]  }
0x30: {  	s3 =	sld [smem:$0x3F94]  }
0x31: {  	[smem:$0x3F9D] =	sst s10  }
0x32: {  	s10 =	sld [smem:$0x3F9B];
	_ =	sdelay $0x3  }
0x33: {  	p0 =	seq.s32 s10, $0x1;
	s10 =	sld [smem:$0x3F9D];
	_ =	sdelay $0x3  }
0x34: {  	[smem:$0x3F9D] =	sst s10  }
0x35: {  	s10 =	sld [smem:$0x3F9C];
	_ =	sdelay $0x3  }
0x36: {  	p1 =	seq.s32 s10, $0x1;
	s10 =	sld [smem:$0x3F9D];
	_ =	sdelay $0x3  }
0x37: {  	[smem:$0x3F9D] =	sst s10  }
0x38: {  	s10 =	sld [smem:$0x3F9E]  }
0x39: {  	_ = 	snop;
	(pc) =	sbr.ind lr, $3  }
0x3a: {  	_ = 	snop  }
0x3b: {  	_ = 	snop  }
0x3c: {  	p2 =	seq.s32 s10, $0x1;
	s10 =	sld [smem:$0x3F9D]  }
0x3d: {  	_ =	shalt  }
0x3e: {  	_ =	shalt  }
0x3f: {  	_ =	shalt  }
0x40: {  	_ =	shalt  }
0x41: {  	_ =	shalt  }
0x42: {  	_ =	shalt  }
0x43: {  	_ =	shalt  }
0x44: {  	_ =	shalt  }
0x45: {  	_ =	shalt  }
0x46: {  	_ =	shalt  }
0x47: {  	_ =	shalt  }
0x48: {  	_ =	shalt  }
0x49: {  	_ =	shalt  }
0x4a: {  	_ =	shalt  }
0x4b: {  	_ =	shalt  }
0x4c: {  	_ =	shalt  }
0x4d: {  	_ =	shalt  }
0x4e: {  	_ =	shalt  }
0x4f: {  	_ =	shalt  }
0x50: {  	_ =	shalt  }
0x51: {  	_ =	shalt  }
0x52: {  	_ =	shalt  }
0x53: {  	_ =	shalt  }
0x54: {  	_ =	shalt  }
0x55: {  	_ =	shalt  }
0x56: {  	_ =	shalt  }
0x57: {  	_ =	shalt  }
0x58: {  	_ =	shalt  }
0x59: {  	_ =	shalt  }
0x5a: {  	_ =	shalt  }
0x5b: {  	_ =	shalt  }
0x5c: {  	_ =	shalt  }
0x5d: {  	_ =	shalt  }
0x5e: {  	_ =	shalt  }
0x5f: {  	_ =	shalt  }
0x60: {  	_ =	shalt  }
0x61: {  	_ =	shalt  }
0x62: {  	_ =	shalt  }
0x63: {  	_ =	shalt  }
0x64: {  	_ =	shalt  }
0x65: {  	_ =	shalt  }
0x66: {  	_ =	shalt  }
0x67: {  	_ =	shalt  }
0x68: {  	_ =	shalt  }
0x69: {  	_ =	shalt  }
0x6a: {  	_ =	shalt  }
0x6b: {  	_ =	shalt  }
0x6c: {  	_ =	shalt  }
0x6d: {  	_ =	shalt  }
0x6e: {  	_ =	shalt  }
0x6f: {  	_ =	shalt  }
0x70: {  	_ =	shalt  }
0x71: {  	_ =	shalt  }
0x72: {  	_ =	shalt  }
0x73: {  	_ =	shalt  }
0x74: {  	_ =	shalt  }
0x75: {  	_ =	shalt  }
0x76: {  	_ =	shalt  }
0x77: {  	_ =	shalt  }
0x78: {  	_ =	shalt  }
0x79: {  	_ =	shalt  }
0x7a: {  	_ =	shalt  }
0x7b: {  	_ =	shalt  }
0x7c: {  	_ =	shalt  }
0x7d: {  	_ =	shalt  }
0x7e: {  	_ =	shalt  }
0x7f: {  	_ =	shalt  }
0x80: {  	_ =	shalt  }
0x81: {  	_ =	shalt  }
0x82: {  	_ =	shalt  }
0x83: {  	_ =	shalt  }
0x84: {  	_ =	shalt  }
0x85: {  	_ =	shalt  }
0x86: {  	_ =	shalt  }
0x87: {  	_ =	shalt  }
.Lfunc_end0:
.L_simem_size_0:
called_computation.7_lowered:
.L_overlay_start_0:
0x88: {  	s2 =	sld [smem:$0x3FD9]  }
0x89: {  	s3 =	sld [smem:$0x3FFE];
	_ =	sdelay $0x1  }
0x8a: {  	s1 =	srdreg.scid  }
0x8b: {  	s0 =	sand.u32 $0x1, s1  }
0x8c: {  	s17 =	sshll.u32 s0, $0xA;
	s2 =	sadd.s32 s3, s2  }
0x8d: {  	s2 =	sadd.s32 s2, s17  }
0x8e: {  	[smem:$0x3FA9] =	sst s2  }
0x8f: {  	_ = 	snop  }
0x90: {  	(tm) =	ssettm $0x1  }
0x91: {  	s18 =	sld [smem:$0x3FFB];
	_ =	sdelay $0x3  }
0x92: {  	_ =	strace s18  }
0x93: {  	s2 =	sld [smem:$0x3FFC];
	_ =	sdelay $0x3  }
0x94: {  	_ =	strace s2  }
0x95: {  	s2 =	sld [smem:$0x3FFD];
	_ =	sdelay $0x3  }
0x96: {  	_ =	strace s2  }
0x97: {  	_ =	strace $0x8FFFFFFF  }
0x98: {  	s19 =	sld [smem:$0x3FDB];
	_ =	sdelay $0x1  }
0x99: {  	s20 =	simm.s32 $_scs_section_size  }
0x9a: {  	s4 =	simm.s32 $_size__tile_overlayer_lowered;
	s5 =	simm.s32 $_tile_overlayer_lowered  }
0x9b: {  	s6 =	simm.s32 $0x1BFF;
	s21 =	sshll.u32 s5, $0x1;
	s3 =	sadd.s32 s20, s19  }
0x9c: {  	s22 =	simm.s32 $0x0;
	s4 =	sshll.u32 s4, $0x1;
	s5 =	sadd.s32 s21, s3  }
0x9d: {  	[timem:s22], [sflag:s6] =	dma.local [hbm:s5], s4  }
0x9e: {  	_ =	swait.ge [sflag:s6], s4  }
0x9f: {  	s4 =	ssub.s32 $0x0, s4;
	[sflag:s6] =	ssyncset.done $0x0  }
0xa0: {  	[sflag:s6] =	ssyncadd.s32 s4;
	_ =	sdelay $0x1  }
0xa1: {  	s23 =	simm.s32 $0x1B8B  }
0xa2: {  	_ =	swait.ge [sflag:s23], $0x1  }
0xa3: {  	[sflag:s23] =	ssyncset.done $0x0  }
0xa4: {  	[sflag:s23] =	ssyncadd.s32 $0xFFFFFFFF  }
0xa5: {  	s4 =	sld [smem:$0x0]  }
0xa6: {  	s5 =	sand.u32 $0xFFFFFFFE, s1  }
0xa7: {  	p0 =	sne.s32 s1, s5  }
0xa8: {  	s5 =	sshll.u32 @p0 s5, $0xE  }
0xa9: {  	s5 =	sadd.s32 @p0 $0x11B8D, s5;
	s6 =	sshll.u32 @p0 s4, $0x11  }
0xaa: {  	s5 =	sor.u32 @p0 s6, s5  }
0xab: {  	[sflag:s5] =	ssyncadd.remote.s32 @p0 $0x1;
	_ =	sdelay $0x1  }
0xac: {  	s5 =	simm.s32 @p0 $0x1B8D  }
0xad: {  	_ =	swait.eq @p0 [sflag:s5], $0x1  }
0xae: {  	[sflag:s5] =	ssyncadd.s32 @p0 $0xFFFFFFFF  }
0xaf: {  	s6 =	sshll.u32 @!p0 s1, $0xE  }
0xb0: {  	s6 =	sor.u32 @!p0 $0x4000, s6;
	s5 =	simm.s32 @!p0 $0x1B8D  }
0xb1: {  	s4 =	sshll.u32 @!p0 s4, $0x11;
	s6 =	sadd.s32 @!p0 $0x11B8D, s6;
	_ =	swait.eq @!p0 [sflag:s5], $0x1  }
0xb2: {  	s4 =	sor.u32 @!p0 s4, s6;
	[sflag:s5] =	ssyncadd.s32 @!p0 $0xFFFFFFFF  }
0xb3: {  	s25 =	simm.s32 $0x1B8E;
	s24 =	sld [smem:$0x3FFE];
	[sflag:s4] =	ssyncadd.remote.s32 @!p0 $0x1  }
0xb4: {  	s26 =	simm.s32 $execute0_lowered;
	[smem:$0x3FD2] =	sst s25  }
0xb5: {  	s5 =	sshll.u32 s26, $0x1;
	_ =	strace $0x8000005B;
	[dreg:$0x1] =	wrdreg $0xFFFFFFFF  }
0xb6: {  	s28 =	simm.s32 $_size_execute0_lowered;
	s3 =	sadd.s32 s3, s5;
	[dreg:$0x0] =	wrdreg $0x0  }
0xb7: {  	s5 =	sshll.u32 s28, $0x1;
	[dreg:$0x2] =	wrdreg s3  }
0xb8: {  	[dreg:$0x3] =	wrdreg s5  }
0xb9: {  	[dreg:$0x4] =	wrdreg $0xC0  }
0xba: {  	_ =	task [dreg:s22], $0x5FFFF  }
0xbb: {  	[dreg:$0x1] =	wrdreg $0xFFFFFFFF  }
0xbc: {  	[dreg:$0x0] =	wrdreg $0x60  }
0xbd: {  	[dreg:$0x2] =	wrdreg s24  }
0xbe: {  	[dreg:$0x3] =	wrdreg $0x40800  }
0xbf: {  	[dreg:$0x4] =	wrdreg $0xA  }
0xc0: {  	_ =	task.clear_ibuf [dreg:s22], $0x5FFFF;
	_ =	strace $0x9000005B  }
0xc1: {  	s29 =	simm.s32 $0xA;
	_ =	strace $0x8000005D  }
0xc2: {  	_ =	swait.ge [sflag:s29], $0x1  }
0xc3: {  	[sflag:s29] =	ssyncadd.s32 $0xFFFFFFFF  }
0xc4: {  	_ =	strace $0x9000005D  }
0xc5: {  	_ =	sfence  }
0xc6: {  	s30 =	sld [smem:$0x0];
	_ =	sdelay $0x2  }
0xc7: {  	s31 =	sshll.u32 s1, $0xD;
	s1 =	sshrl.u32 s1, $0x2  }
0xc8: {  	s4 =	sand.u32 $0x4000, s31;
	s1 =	sadd.s32 s1, s30  }
0xc9: {  	s0 =	sor.u32 s4, s0;
	s1 =	sshll.u32 s1, $0x11  }
0xca: {  	s0 =	sor.u32 s1, s0  }
0xcb: {  	s0 =	sadd.s32 $0x8F2B, s0  }
0xcc: {  	[sflag:s0] =	ssyncadd.remote.s32 $0x1  }
0xcd: {  	_ =	sfence.sel $0xFFFF  }
0xce: {  	[dreg:$0x0] =	wrdreg $0xFFFFFFFF;
	(pc) =	sbr.abs _section_cstart, $3  }
0xcf: {  	[dreg:$0x1] =	wrdreg $0xFFFFFFFF  }
0xd0: {  	_ =	task.clear_ibuf [dreg:s22], $0x2FFFF;
	_ =	strace $0x9FFFFFFF  }
0xd1: {  	(tm) =	ssettm $0x7FFFFFFF  }
tec
execute0_lowered:
.L_overlay_start_1:
0x0: {  	(tag) =	ssettag $0x1  }
0x1: {  	s4 =	rddreg [dreg:$0x0]  }
0x2: {  	s1 =	rddreg [dreg:$0x1]  }
0x3: {  	s12 =	stileid.u32;
	s0 =	rddreg [dreg:$0x2]  }
0x4: {  	s2 =	simm.s32 $0x0;
	s6 =	srdreg.scid;
	s3 =	smul.u32 $0x500, s12  }
0x5: {  	s11 =	simm.s32 $0x800;
	s15 =	simm.s32 $0x8;
	s5 =	smul.u32 $0x50000, s12  }
0x6: {  	s16 =	simm.s32 $0x100;
	s17 =	simm.s32 $0x0;
	s7 =	smul.u32 $0x27000, s12  }
0x7: {  	[smem:$0x7FF] =	sst s2;
	s6 =	sand.u32 $0x1, s6;
	s10 =	smul.u32 $0x4E000, s12  }
0x8: {  	p0 =	sne.s32 s12, $0x0;
	s13 =	sshll.u32 s12, $0x6;
	s12 =	simm.s32 $0x80  }
0x9: {  	_ =	strace $0x8000005C;
	s8 =	sshll.u32 s6, $0xA;
	s29 =	ssub.s32 $0x2, s6  }
0xa: {  	s6 =	sshll.u32 s6, $0x7;
	s13 =	sor.u32 $0x1C01, s13;
	s9 =	sadd.s32 s3, s4  }
0xb: {  	s5 =	sadd.s32 s5, s4;
	s28 =	sor.u32 s8, s7;
	s3 =	sadd.s32 $0x8E800, s4  }
0xc: {  	s30 =	sshrl.u32 s29, $0x1;
	s31 =	sshrl.u32 s10, $0x2;
	s8 =	sshrl.u32 @!p0 s1, $0x3  }
0xd: {  	s10 =	simm.s32 $0x400;
	s7 =	sshrl.u32 s28, $0x3;
	s14 =	sadd.s32 s31, s1  }
0xe: {  	s6 =	sadd.s32 s6, s5;
	s4 =	sadd.s32 s7, s4;
	s7 =	ssub.s32 s29, s30  }
0xf: {  	s6 =	sadd.s32 $0xD3AC00, s6;
	s14 =	sshrl.u32 s14, $0x3;
	s4 =	sadd.s32 $0x888E00, s4  }
0x10: {  	s5 =	smax.u32 s7, $0x1;
	s7 =	sadd.s32 $0xF400, s9;
	s9 =	simm.s32 $0x1  }
.LBB2_1:
0x11: {  	s18 =	simm.s32 @!p0 $0x1C01  }
0x12: {  	[spmem:s8], [sflag:s18] =	dma.local @!p0 [hbm:s3], $0x27100  }
0x13: {  	s18 =	simm.s32 @!p0 $0x1  }
0x14: {  	_ =	swait.ge @!p0 [sflag:s18], $0x27100  }
0x15: {  	[sflag:s18] =	ssyncset.done @!p0 $0x0  }
0x16: {  	[sflag:s18] =	ssyncadd.s32 @!p0 $0xFFFD8F00  }
0x17: {  	s31 =	sadd.s32 $0x0, s7;
	[bflag:$0x0] =	sbarrier.arrive $0xFFFF  }
0x18: {  	[tilespmem:s2], [sflag:$0x1] =	stream.linear.gather [hbm4b:s31+s2], $0x80, $0x38;
	[tilespmem:$0x17900] =	vst v63  }
0x19: {  	_ =	swait.ge [sflag:s9], $0x80  }
0x1a: {  	[sflag:s9] =	ssyncset.done $0x0  }
0x1b: {  	[sflag:s9] =	ssyncadd.s32 $0xFFFFFF80  }
0x1c: {  	[tilespmem:s12], [sflag:$0x1] =	stream.strided.gather [hbm4b:s6+s10], $0x4000, s11, s10, $0x38;
	[tilespmem:$0x17900] =	vst v63  }
0x1d: {  	_ =	swait.ge [sflag:s9], $0x4000  }
0x1e: {  	[sflag:s9] =	ssyncset.done $0x0  }
0x1f: {  	[sflag:s9] =	ssyncadd.s32 $0xFFFFC000  }
0x20: {  	[spmem:s1] =	stream.indirect.scatter.add.f32 [tilespmem:s12], [sflag:$0x1], $0x80, s2, s12, $0xb8;
	[tilespmem:$0x17900] =	vst v63  }
0x21: {  	s19 =	simm.s32 $0x10;
	_ =	swait.ge [sflag:s9], $0x4000  }
0x22: {  	s20 =	simm.s32 $0x20;
	s18 =	sadd.s32 $0x1000, s6;
	[sflag:s9] =	ssyncset.done $0x0  }
.LBB2_2:
0x23: {  	s21 =	sadd.s32 s19, s7  }
0x24: {  	[sflag:s9] =	ssyncadd.s32 $0xFFFFC000;
	s19 =	smov.u32 s20;
	s22 =	sadd.s32 $0x10, s20  }
0x25: {  	[tilespmem:s2], [sflag:$0x1] =	stream.linear.gather [hbm4b:s21+s2], $0x80, $0x38;
	[tilespmem:$0x17900] =	vst v63  }
0x26: {  	p1 =	sne.s32 s20, $0x4F0;
	_ =	swait.ge [sflag:s9], $0x80  }
0x27: {  	[sflag:s9] =	ssyncset.done $0x0  }
0x28: {  	[sflag:s9] =	ssyncadd.s32 $0xFFFFFF80  }
0x29: {  	[tilespmem:s12], [sflag:$0x1] =	stream.strided.gather [hbm4b:s18+s10], $0x4000, s11, s10, $0x38;
	[tilespmem:$0x17900] =	vst v63  }
0x2a: {  	_ =	swait.ge [sflag:s9], $0x4000  }
.Ltmp0:
0x2b: {  	[sflag:s9] =	ssyncset.done $0x0;
	(pc) =	sbr.rel @p1 .LBB2_2-.Ltmp0, $4  }
0x2c: {  	[sflag:s9] =	ssyncadd.s32 $0xFFFFC000  }
0x2d: {  	[spmem:s1] =	stream.indirect.scatter.add.f32 [tilespmem:s12], [sflag:$0x1], $0x80, s2, s12, $0xb8;
	[tilespmem:$0x17900] =	vst v63  }
0x2e: {  	_ =	swait.ge [sflag:s9], $0x4000  }
0x2f: {  	s20 =	smov.u32 s22;
	s18 =	sadd.s32 $0x1000, s18;
	[sflag:s9] =	ssyncset.done $0x0  }
0x30: {  	s19 =	sadd.s32 s19, s7;
	[sflag:s9] =	ssyncadd.s32 $0xFFFFC000  }
0x31: {  	[tilespmem:s2], [sflag:$0x1] =	stream.linear.gather [hbm4b:s19+s2], $0x80, $0x38;
	[tilespmem:$0x17900] =	vst v63  }
0x32: {  	_ =	swait.ge [sflag:s9], $0x80  }
0x33: {  	[sflag:s9] =	ssyncset.done $0x0  }
0x34: {  	[sflag:s9] =	ssyncadd.s32 $0xFFFFFF80  }
0x35: {  	[tilespmem:s12], [sflag:$0x1] =	stream.strided.gather [hbm4b:s18+s10], $0x4000, s11, s10, $0x38;
	[tilespmem:$0x17900] =	vst v63  }
0x36: {  	_ =	swait.ge [sflag:s9], $0x4000  }
0x37: {  	[sflag:s9] =	ssyncset.done $0x0  }
0x38: {  	[sflag:s9] =	ssyncadd.s32 $0xFFFFC000  }
0x39: {  	[spmem:s1] =	stream.indirect.scatter.add.f32 [tilespmem:s12], [sflag:$0x1], $0x80, s2, s12, $0xb8;
	[tilespmem:$0x17900] =	vst v63  }
0x3a: {  	_ =	swait.ge [sflag:s9], $0x4000  }
0x3b: {  	s17 =	sadd.s32 $0x1, s17;
	[sflag:s9] =	ssyncset.done $0x0  }
0x3c: {  	p1 =	sne.s32 s17, s5;
	[sflag:s9] =	ssyncadd.s32 $0xFFFFC000  }
.Ltmp1:
0x3d: {  	[bflag:$0x0] =	sbarrier.arrive $0xFFFF;
	(pc) =	sbr.rel @p1 .LBB2_1-.Ltmp1, $4  }
0x3e: {  	[hbm:s4@s16], [sflag:s13] =	dma.strided [spmem:s14@s12], $0x2800, s15, $0x10   }
0x3f: {  	_ =	swait.ge [sflag:s9], $0x2800  }
0x40: {  	[sflag:s9] =	ssyncset.done $0x0  }
0x41: {  	[sflag:s9] =	ssyncadd.s32 $0xFFFFD800  }
0x42: {  	_ =	sfence.sel $0x180000  }
0x43: {  	[bflag:$0x0] =	sbarrier.arrive $0xFFFF  }
0x44: {  	_ =	strace $0x9000005C  }
0x45: {  	s0 =	sadd.s32 @!p0 $0x100000, s0;
	[bflag:$0x2] =	sbarrier.arrive $0xFFFF  }
0x46: {  	[sflag:s0] =	ssyncadd.tile.s32 @!p0 $0x1;
	_ =	shalt  }
.Lfunc_end2:
_tile_overlayer_lowered:
.L_overlay_start_2:
0x47: {  	(tag) =	ssettag $0x2  }
0x48: {  	s0 =	rddreg [dreg:$0x0];
	s2 =	stileid.u32  }
0x49: {  	s1 =	rddreg [dreg:$0x1];
	p0 =	sne.s32 s2, $0x0  }
0x4a: {  	s3 =	rddreg [dreg:$0x2];
	[bflag:$0x3] =	sbarrier.arrive $0xFFFF;
	s2 =	simm.s32 @!p0 $0x1C01  }
0x4b: {  	[timem:s3], [sflag:s2] =	dma.local @!p0 [hbm:s0], s1  }
0x4c: {  	s0 =	simm.s32 @!p0 $0x1  }
0x4d: {  	_ =	swait.ge @!p0 [sflag:s0], s1  }
0x4e: {  	s1 =	ssub.s32 @!p0 $0x0, s1;
	[sflag:s0] =	ssyncset.done @!p0 $0x0  }
0x4f: {  	[sflag:s0] =	ssyncadd.s32 @!p0 s1  }
0x50: {  	[bflag:$0x3] =	sbarrier.arrive $0xFFFF  }
0x51: {  	_ =	shalt  }

// kernel: kernel.57.cloned.1.call-start
scs
__scs_entry_jumppad:
0x0: {  	(pc) =	sbr.rel $0x88, $3  }
0x1: {  	(tag) =	ssettag $0x0;
	lr =	simm.s32 $0x1  }
0x2: {  	[smem:$0x3F82] =	sst lr;
	_ =	strace $0xD0000000  }
0x3: {  	_ = 	snop  }
0x4: {  	_ = 	snop  }
0x5: {  	_ = 	snop  }
0x6: {  	_ = 	snop  }
0x7: {  	_ = 	snop  }
__scs_overlays_trampoline_lowered:
0x8: {  	[smem:$0x3F91] =	sst s0  }
0x9: {  	[smem:$0x3F92] =	sst s1  }
0xa: {  	[smem:$0x3F93] =	sst s2  }
0xb: {  	[smem:$0x3F94] =	sst s3  }
0xc: {  	[smem:$0x3F95] =	sst s4  }
0xd: {  	[smem:$0x3F96] =	sst s5  }
0xe: {  	[smem:$0x3F97] =	sst s6  }
0xf: {  	[smem:$0x3F98] =	sst s7  }
0x10: {  	[smem:$0x3F99] =	sst s8  }
0x11: {  	[smem:$0x3F9A] =	sst s9;
	s0 =	simm.s32 @!p0 $0x0  }
0x12: {  	s1 =	sld [smem:$0x3F80];
	s0 =	simm.s32 @p0 $0x1  }
0x13: {  	[smem:$0x3F9B] =	sst s0;
	s0 =	simm.s32 @!p1 $0x0  }
0x14: {  	s2 =	sld [smem:$0x3F7F];
	s0 =	simm.s32 @p1 $0x1  }
0x15: {  	[smem:$0x3F9C] =	sst s0;
	s0 =	simm.s32 @!p2 $0x0  }
0x16: {  	s3 =	sld [smem:$0x3FDB];
	s0 =	simm.s32 @p2 $0x1  }
0x17: {  	s4 =	simm.s32 $0x1BF5;
	[smem:$0x3F9E] =	sst s0  }
0x18: {  	s0 =	sld [smem:$0x3F81];
	_ =	swait.ge [sflag:s4], $0x0  }
0x19: {  	s7 =	sld [smem:$0x3F82]  }
0x1a: {  	s8 =	sadd.s32 $0xFFFFE003, lr  }
0x1b: {  	s9 =	sadd.s32 $0xFFFFFEF7, lr;
	s5 =	simm.s32 $0xFFFFFFFF;
	p2 =	slt.u32 s8, $0xFFFFF086  }
0x1c: {  	p1 =	slt.u32 s9, $0xF7A;
	s5 =	simm.s32 @!p2 $0x0  }
0x1d: {  	s5 =	simm.s32 @p1 $0x1;
	p0 =	seq.s32 s7, s2  }
0x1e: {  	s7 =	smul.u32 @!p0 $0xF7A, s2;
	p2 =	seq.s32 @!p0 s5, $0x0  }
0x1f: {  	s9 =	smul.u32 $0xF7A, s1;
	s8 =	simm.s32 @!p0 $0x1BF5;
	p2 =	por !p2, p0  }
0x20: {  	[sflag:s8] =	ssyncset.s32 @!p0 $0xFFFFF086;
	s6 =	sadd.s32 @!p0 s3, s7;
	s7 =	simm.s32 @!p0 $0x108  }
0x21: {  	s3 =	sadd.s32 s3, s9;
	s6 =	sadd.s32 @!p0 $0x88, s6;
	s7 =	simm.s32 @p2 $0x1082  }
0x22: {  	[simem:s7], [sflag:s8] =	dma.local @!p0 [hbm:s6], $0xF7A  }
0x23: {  	s9 =	sor.u32 $0xD0000000, s2;
	s6 =	simm.s32 $0x108;
	_ =	swait.ge @!p0 [sflag:s8], $0x0  }
0x24: {  	s3 =	sadd.s32 $0x88, s3;
	s6 =	simm.s32 @!p1 $0x1082;
	[sflag:s4] =	ssyncset.s32 $0xFFFFF086  }
0x25: {  	[simem:s6], [sflag:s4] =	dma.local [hbm:s3], $0xF7A  }
0x26: {  	[smem:$0x3F82] =	sst s1;
	(tag) =	ssettag s2;
	_ =	strace s9  }
0x27: {  	s1 =	sld [smem:$0x3F92]  }
0x28: {  	s2 =	sld [smem:$0x3F93]  }
0x29: {  	s4 =	sld [smem:$0x3F95]  }
0x2a: {  	p0 =	seq.s32 s5, $0x0;
	s5 =	sld [smem:$0x3F96]  }
0x2b: {  	s6 =	sld [smem:$0x3F97]  }
0x2c: {  	s7 =	sld [smem:$0x3F98]  }
0x2d: {  	s3 =	simm.s32 $0x108;
	s8 =	sld [smem:$0x3F99]  }
0x2e: {  	s3 =	simm.s32 @!p0 $0x1082;
	s9 =	sld [smem:$0x3F9A]  }
0x2f: {  	lr =	sadd.s32 s0, s3;
	s0 =	sld [smem:$0x3F91]  }
0x30: {  	s3 =	sld [smem:$0x3F94]  }
0x31: {  	[smem:$0x3F9D] =	sst s10  }
0x32: {  	s10 =	sld [smem:$0x3F9B];
	_ =	sdelay $0x3  }
0x33: {  	p0 =	seq.s32 s10, $0x1;
	s10 =	sld [smem:$0x3F9D];
	_ =	sdelay $0x3  }
0x34: {  	[smem:$0x3F9D] =	sst s10  }
0x35: {  	s10 =	sld [smem:$0x3F9C];
	_ =	sdelay $0x3  }
0x36: {  	p1 =	seq.s32 s10, $0x1;
	s10 =	sld [smem:$0x3F9D];
	_ =	sdelay $0x3  }
0x37: {  	[smem:$0x3F9D] =	sst s10  }
0x38: {  	s10 =	sld [smem:$0x3F9E]  }
0x39: {  	_ = 	snop;
	(pc) =	sbr.ind lr, $3  }
0x3a: {  	_ = 	snop  }
0x3b: {  	_ = 	snop  }
0x3c: {  	p2 =	seq.s32 s10, $0x1;
	s10 =	sld [smem:$0x3F9D]  }
0x3d: {  	_ =	shalt  }
0x3e: {  	_ =	shalt  }
0x3f: {  	_ =	shalt  }
0x40: {  	_ =	shalt  }
0x41: {  	_ =	shalt  }
0x42: {  	_ =	shalt  }
0x43: {  	_ =	shalt  }
0x44: {  	_ =	shalt  }
0x45: {  	_ =	shalt  }
0x46: {  	_ =	shalt  }
0x47: {  	_ =	shalt  }
0x48: {  	_ =	shalt  }
0x49: {  	_ =	shalt  }
0x4a: {  	_ =	shalt  }
0x4b: {  	_ =	shalt  }
0x4c: {  	_ =	shalt  }
0x4d: {  	_ =	shalt  }
0x4e: {  	_ =	shalt  }
0x4f: {  	_ =	shalt  }
0x50: {  	_ =	shalt  }
0x51: {  	_ =	shalt  }
0x52: {  	_ =	shalt  }
0x53: {  	_ =	shalt  }
0x54: {  	_ =	shalt  }
0x55: {  	_ =	shalt  }
0x56: {  	_ =	shalt  }
0x57: {  	_ =	shalt  }
0x58: {  	_ =	shalt  }
0x59: {  	_ =	shalt  }
0x5a: {  	_ =	shalt  }
0x5b: {  	_ =	shalt  }
0x5c: {  	_ =	shalt  }
0x5d: {  	_ =	shalt  }
0x5e: {  	_ =	shalt  }
0x5f: {  	_ =	shalt  }
0x60: {  	_ =	shalt  }
0x61: {  	_ =	shalt  }
0x62: {  	_ =	shalt  }
0x63: {  	_ =	shalt  }
0x64: {  	_ =	shalt  }
0x65: {  	_ =	shalt  }
0x66: {  	_ =	shalt  }
0x67: {  	_ =	shalt  }
0x68: {  	_ =	shalt  }
0x69: {  	_ =	shalt  }
0x6a: {  	_ =	shalt  }
0x6b: {  	_ =	shalt  }
0x6c: {  	_ =	shalt  }
0x6d: {  	_ =	shalt  }
0x6e: {  	_ =	shalt  }
0x6f: {  	_ =	shalt  }
0x70: {  	_ =	shalt  }
0x71: {  	_ =	shalt  }
0x72: {  	_ =	shalt  }
0x73: {  	_ =	shalt  }
0x74: {  	_ =	shalt  }
0x75: {  	_ =	shalt  }
0x76: {  	_ =	shalt  }
0x77: {  	_ =	shalt  }
0x78: {  	_ =	shalt  }
0x79: {  	_ =	shalt  }
0x7a: {  	_ =	shalt  }
0x7b: {  	_ =	shalt  }
0x7c: {  	_ =	shalt  }
0x7d: {  	_ =	shalt  }
0x7e: {  	_ =	shalt  }
0x7f: {  	_ =	shalt  }
0x80: {  	_ =	shalt  }
0x81: {  	_ =	shalt  }
0x82: {  	_ =	shalt  }
0x83: {  	_ =	shalt  }
0x84: {  	_ =	shalt  }
0x85: {  	_ =	shalt  }
0x86: {  	_ =	shalt  }
0x87: {  	_ =	shalt  }
.Lfunc_end0:
.L_simem_size_0:
called_computation.8_lowered:
.L_overlay_start_0:
0x88: {  	s2 =	sld [smem:$0x3FD9]  }
0x89: {  	s3 =	sld [smem:$0x3FFE];
	_ =	sdelay $0x1  }
0x8a: {  	s1 =	srdreg.scid  }
0x8b: {  	s0 =	sand.u32 $0x1, s1  }
0x8c: {  	s16 =	sshll.u32 s0, $0xA;
	s2 =	sadd.s32 s3, s2  }
0x8d: {  	s2 =	sadd.s32 s2, s16  }
0x8e: {  	[smem:$0x3FA9] =	sst s2  }
0x8f: {  	_ = 	snop  }
0x90: {  	(tm) =	ssettm $0x1  }
0x91: {  	s17 =	sld [smem:$0x3FFB];
	_ =	sdelay $0x3  }
0x92: {  	_ =	strace s17  }
0x93: {  	s2 =	sld [smem:$0x3FFC];
	_ =	sdelay $0x3  }
0x94: {  	_ =	strace s2  }
0x95: {  	s2 =	sld [smem:$0x3FFD];
	_ =	sdelay $0x3  }
0x96: {  	_ =	strace s2  }
0x97: {  	_ =	strace $0x8FFFFFFF  }
0x98: {  	s18 =	sld [smem:$0x3FDB];
	_ =	sdelay $0x1  }
0x99: {  	s19 =	simm.s32 $_scs_section_size  }
0x9a: {  	s4 =	simm.s32 $_size__tile_overlayer_lowered;
	s5 =	simm.s32 $_tile_overlayer_lowered  }
0x9b: {  	s22 =	simm.s32 $0x1BFF;
	s21 =	sshll.u32 s5, $0x1;
	s2 =	sadd.s32 s19, s18  }
0x9c: {  	s6 =	simm.s32 $0x0;
	s20 =	sshll.u32 s4, $0x1;
	s4 =	sadd.s32 s21, s2  }
0x9d: {  	[timem:s6], [sflag:s22] =	dma.local [hbm:s4], s20  }
0x9e: {  	_ =	swait.ge [sflag:s22], s20  }
0x9f: {  	s3 =	ssub.s32 $0x0, s20;
	[sflag:s22] =	ssyncset.done $0x0  }
0xa0: {  	[sflag:s22] =	ssyncadd.s32 s3;
	_ =	sdelay $0x1  }
0xa1: {  	s23 =	simm.s32 $0x1B8B  }
0xa2: {  	_ =	swait.ge [sflag:s23], $0x1  }
0xa3: {  	[sflag:s23] =	ssyncset.done $0x0  }
0xa4: {  	s25 =	simm.s32 $0x1B8E;
	s24 =	sld [smem:$0x3FFE];
	[sflag:s23] =	ssyncadd.s32 $0xFFFFFFFF  }
0xa5: {  	s26 =	simm.s32 $execute0_lowered;
	[smem:$0x3FD2] =	sst s25  }
0xa6: {  	s4 =	sshll.u32 s26, $0x1;
	_ =	strace $0x8000005E;
	[dreg:$0x1] =	wrdreg $0xFFFFFFFF  }
0xa7: {  	s28 =	simm.s32 $_size_execute0_lowered;
	s2 =	sadd.s32 s2, s4;
	[dreg:$0x0] =	wrdreg $0x0  }
0xa8: {  	s4 =	sshll.u32 s28, $0x1;
	[dreg:$0x2] =	wrdreg s2  }
0xa9: {  	[dreg:$0x3] =	wrdreg s4  }
0xaa: {  	[dreg:$0x4] =	wrdreg $0xC0  }
0xab: {  	_ =	task [dreg:s6], $0x5FFFF  }
0xac: {  	[dreg:$0x1] =	wrdreg $0xFFFFFFFF  }
0xad: {  	[dreg:$0x0] =	wrdreg $0x60  }
0xae: {  	[dreg:$0x2] =	wrdreg s24  }
0xaf: {  	[dreg:$0x3] =	wrdreg $0x9  }
0xb0: {  	_ =	task.clear_ibuf [dreg:s6], $0x4FFFF;
	_ =	strace $0x9000005E  }
0xb1: {  	s29 =	simm.s32 $0x9;
	_ =	strace $0x80000060  }
0xb2: {  	_ =	swait.ge [sflag:s29], $0x1  }
0xb3: {  	[sflag:s29] =	ssyncadd.s32 $0xFFFFFFFF  }
0xb4: {  	_ =	strace $0x90000060  }
0xb5: {  	_ =	sfence  }
0xb6: {  	s30 =	sld [smem:$0x0];
	_ =	sdelay $0x2  }
0xb7: {  	s31 =	sshll.u32 s1, $0xD;
	s1 =	sshrl.u32 s1, $0x2  }
0xb8: {  	s3 =	sand.u32 $0x4000, s31;
	s1 =	sadd.s32 s1, s30  }
0xb9: {  	s0 =	sor.u32 s3, s0;
	s1 =	sshll.u32 s1, $0x11  }
0xba: {  	s0 =	sor.u32 s1, s0  }
0xbb: {  	s0 =	sadd.s32 $0x8F2B, s0  }
0xbc: {  	[sflag:s0] =	ssyncadd.remote.s32 $0x1  }
0xbd: {  	_ =	sfence.sel $0xFFFF  }
0xbe: {  	[dreg:$0x0] =	wrdreg $0xFFFFFFFF;
	(pc) =	sbr.abs _section_cstart, $3  }
0xbf: {  	[dreg:$0x1] =	wrdreg $0xFFFFFFFF  }
0xc0: {  	_ =	task.clear_ibuf [dreg:s6], $0x2FFFF;
	_ =	strace $0x9FFFFFFF  }
0xc1: {  	(tm) =	ssettm $0x7FFFFFFF  }
tec
execute0_lowered:
.L_overlay_start_1:
0x0: {  	(tag) =	ssettag $0x1  }
0x1: {  	s1 =	srdreg.scid  }
0x2: {  	s0 =	stileid.u32;
	s5 =	rddreg [dreg:$0x0];
	s2 =	simm.s32 $0x0  }
0x3: {  	s11 =	simm.s32 $0x1100;
	s12 =	simm.s32 $0x1900;
	s13 =	simm.s32 $0x2100  }
0x4: {  	s14 =	simm.s32 $0x2900;
	s15 =	simm.s32 $0x3100;
	s16 =	simm.s32 $0x3900  }
0x5: {  	s17 =	simm.s32 $0x4100;
	s18 =	simm.s32 $0x4900;
	s19 =	simm.s32 $0x5100  }
0x6: {  	s20 =	simm.s32 $0x5900;
	s21 =	simm.s32 $0x6100;
	s3 =	smul.u32 $0x2800, s0  }
0x7: {  	s28 =	simm.s32 $0x2;
	s1 =	sand.u32 $0x1, s1;
	s22 =	smul.u32 $0x50000, s0  }
0x8: {  	[smem:$0x7FF] =	sst s2;
	s7 =	sadd.s32 $0x109C00, s5;
	s8 =	smul.u32 $0x28000, s0  }
0x9: {  	s29 =	simm.s32 $0x0;
	s4 =	smul.u32 $0x1400, s1;
	_ =	strace $0x8000005F  }
0xa: {  	[dreg:$0x2] =	wrdreg s7;
	s23 =	ssub.s32 $0x2, s1;
	s9 =	smul.u32 $0x14000, s1  }
0xb: {  	s1 =	smul.u32 $0x28000, s1;
	s7 =	simm.s32 $0x3;
	s10 =	sadd.s32 s22, s5  }
0xc: {  	s24 =	sadd.s32 s8, s5;
	s25 =	sshrl.u32 s23, $0x1;
	s8 =	simm.s32 $0x80  }
0xd: {  	s22 =	simm.s32 $0x6900;
	s3 =	sadd.s32 s4, s3;
	s26 =	sadd.s32 s9, s24  }
0xe: {  	s1 =	sadd.s32 s1, s10;
	s9 =	simm.s32 $0x100;
	s3 =	sshrl.u32 s3, $0x3  }
0xf: {  	s10 =	simm.s32 $0x900;
	s24 =	simm.s32 $0x7900;
	s6 =	sadd.s32 s3, s5  }
0x10: {  	s3 =	sadd.s32 $0xBBA00, s5;
	s5 =	ssub.s32 s23, s25;
	s23 =	simm.s32 $0x7100  }
0x11: {  	v2 =	vlaneseq.u32;
	s25 =	simm.s32 $0x8100;
	s4 =	smax.u32 s5, $0x1;
	s30 =	sadd.s32 $0xF400, s6  }
0x12: {  	vm0 =	vmmov $0xffff;
	v1 =	vshrl.u32 v2, $0x3;
	s5 =	sadd.s32 $0x83AC00, s26;
	s31 =	sadd.s32 $0x14400, s6;
	[dreg:$0x3] =	wrdreg s30  }
0x13: {  	v0 =	vand.u32 $0x7, v2;
	v2 =	vor.u32 $0x8, v2;
	v1 =	vmul.u32 $0x8, v1;
	s6 =	sadd.s32 $0x130E00, s1;
	s26 =	simm.s32 $0x1;
	[dreg:$0x4] =	wrdreg s31  }
.LBB2_1:
0x14: {  	s30 =	smov.u32 s6;
	s31 =	smov.u32 s5;
	s1 =	simm.s32 $0x0  }
.LBB2_2:
0x15: {  	s0 =	rddreg [dreg:$0x4]  }
0x16: {  	s0 =	sadd.s32 s1, s0  }
0x17: {  	[tilespmem:s2], [sflag:$0x3] =	stream.linear.gather [hbm4b:s0+s2], $0x80, $0x38;
	[tilespmem:$0xC100] =	vst v63  }
0x18: {  	_ =	swait.ge [sflag:s7], $0x80  }
0x19: {  	s0 =	rddreg [dreg:$0x3];
	[sflag:s7] =	ssyncset.done $0x0  }
0x1a: {  	[sflag:s7] =	ssyncadd.s32 $0xFFFFFF80;
	s0 =	sadd.s32 s1, s0  }
0x1b: {  	[tilespmem:s8], [sflag:$0x3] =	stream.linear.gather [hbm4b:s0+s2], $0x80, $0x38;
	[tilespmem:$0xC100] =	vst v63  }
0x1c: {  	_ =	swait.ge [sflag:s7], $0x80  }
0x1d: {  	[sflag:s7] =	ssyncset.done $0x0  }
0x1e: {  	[sflag:s7] =	ssyncadd.s32 $0xFFFFFF80  }
0x1f: {  	v3 =	vld [tilespmem:$0x0];
	_ =	sdelay $0x4  }
0x20: {  	v4 =	vshll.u32 v3, $0x1  }
0x21: {  	v3 =	vand.u32 $0x7, v3;
	v4 =	vand.u32 $0xFFFFFFF0, v4  }
0x22: {  	v3 =	vor.u32 v3, v4  }
0x23: {  	v4 =	vperm.xlane v3, v0;
	_ =	sdelay $0x1  }
0x24: {  	v3 =	vperm.xlane v3, v2;
	v4 =	vadd.s32 v1, v4;
	_ =	sdelay $0x1  }
0x25: {  	v3 =	vadd.s32 v1, v3;
	_ =	sdelay $0x2  }
0x26: {  	[tilespmem:s9], [sflag:$0x1] =	stream.indirect_vreg.gather [hbm4b:s3+s2], $0x80, v4, vm0, $0xb8;
	[tilespmem:$0xC100] =	vst v63  }
0x27: {  	_ = 	snop  }
0x28: {  	[tilespmem:s10], [sflag:$0x1] =	stream.indirect_vreg.gather [hbm4b:s3+s2], $0x80, v3, vm0, $0xb8;
	[tilespmem:$0xC100] =	vst v63  }
0x29: {  	v3 =	vld [tilespmem:$0x10];
	_ =	sdelay $0x4  }
0x2a: {  	v57 =	vshll.u32 v3, $0x1  }
0x2b: {  	v3 =	vand.u32 $0x7, v3;
	v4 =	vand.u32 $0xFFFFFFF0, v57  }
0x2c: {  	v3 =	vor.u32 v3, v4  }
0x2d: {  	v4 =	vperm.xlane v3, v0;
	_ =	sdelay $0x1  }
0x2e: {  	v3 =	vperm.xlane v3, v2;
	v4 =	vadd.s32 v1, v4;
	_ =	sdelay $0x1  }
0x2f: {  	v3 =	vadd.s32 v1, v3;
	_ =	sdelay $0x2  }
0x30: {  	[tilespmem:s11], [sflag:$0x1] =	stream.indirect_vreg.gather [hbm4b:s3+s2], $0x80, v4, vm0, $0xb8;
	[tilespmem:$0xC100] =	vst v63  }
0x31: {  	_ = 	snop  }
0x32: {  	[tilespmem:s12], [sflag:$0x1] =	stream.indirect_vreg.gather [hbm4b:s3+s2], $0x80, v3, vm0, $0xb8;
	[tilespmem:$0xC100] =	vst v63  }
0x33: {  	v3 =	vld [tilespmem:$0x20];
	_ =	sdelay $0x4  }
0x34: {  	v58 =	vshll.u32 v3, $0x1  }
0x35: {  	v3 =	vand.u32 $0x7, v3;
	v4 =	vand.u32 $0xFFFFFFF0, v58  }
0x36: {  	v3 =	vor.u32 v3, v4  }
0x37: {  	v4 =	vperm.xlane v3, v0;
	_ =	sdelay $0x1  }
0x38: {  	v3 =	vperm.xlane v3, v2;
	v4 =	vadd.s32 v1, v4;
	_ =	sdelay $0x1  }
0x39: {  	v3 =	vadd.s32 v1, v3;
	_ =	sdelay $0x2  }
0x3a: {  	[tilespmem:s13], [sflag:$0x1] =	stream.indirect_vreg.gather [hbm4b:s3+s2], $0x80, v4, vm0, $0xb8;
	[tilespmem:$0xC100] =	vst v63  }
0x3b: {  	_ = 	snop  }
0x3c: {  	[tilespmem:s14], [sflag:$0x1] =	stream.indirect_vreg.gather [hbm4b:s3+s2], $0x80, v3, vm0, $0xb8;
	[tilespmem:$0xC100] =	vst v63  }
0x3d: {  	v3 =	vld [tilespmem:$0x30];
	_ =	sdelay $0x4  }
0x3e: {  	v59 =	vshll.u32 v3, $0x1  }
0x3f: {  	v3 =	vand.u32 $0x7, v3;
	v4 =	vand.u32 $0xFFFFFFF0, v59  }
0x40: {  	v3 =	vor.u32 v3, v4  }
0x41: {  	v4 =	vperm.xlane v3, v0;
	_ =	sdelay $0x1  }
0x42: {  	v3 =	vperm.xlane v3, v2;
	v4 =	vadd.s32 v1, v4;
	_ =	sdelay $0x1  }
0x43: {  	v3 =	vadd.s32 v1, v3;
	_ =	sdelay $0x2  }
0x44: {  	[tilespmem:s15], [sflag:$0x1] =	stream.indirect_vreg.gather [hbm4b:s3+s2], $0x80, v4, vm0, $0xb8;
	[tilespmem:$0xC100] =	vst v63  }
0x45: {  	_ = 	snop  }
0x46: {  	[tilespmem:s16], [sflag:$0x1] =	stream.indirect_vreg.gather [hbm4b:s3+s2], $0x80, v3, vm0, $0xb8;
	[tilespmem:$0xC100] =	vst v63  }
0x47: {  	v3 =	vld [tilespmem:$0x40];
	_ =	sdelay $0x4  }
0x48: {  	v60 =	vshll.u32 v3, $0x1  }
0x49: {  	v3 =	vand.u32 $0x7, v3;
	v4 =	vand.u32 $0xFFFFFFF0, v60  }
0x4a: {  	v3 =	vor.u32 v3, v4  }
0x4b: {  	v4 =	vperm.xlane v3, v0;
	_ =	sdelay $0x1  }
0x4c: {  	v3 =	vperm.xlane v3, v2;
	v4 =	vadd.s32 v1, v4;
	_ =	sdelay $0x1  }
0x4d: {  	v3 =	vadd.s32 v1, v3;
	_ =	sdelay $0x2  }
0x4e: {  	[tilespmem:s17], [sflag:$0x1] =	stream.indirect_vreg.gather [hbm4b:s3+s2], $0x80, v4, vm0, $0xb8;
	[tilespmem:$0xC100] =	vst v63  }
0x4f: {  	_ = 	snop  }
0x50: {  	[tilespmem:s18], [sflag:$0x1] =	stream.indirect_vreg.gather [hbm4b:s3+s2], $0x80, v3, vm0, $0xb8;
	[tilespmem:$0xC100] =	vst v63  }
0x51: {  	v3 =	vld [tilespmem:$0x50];
	_ =	sdelay $0x4  }
0x52: {  	v61 =	vshll.u32 v3, $0x1  }
0x53: {  	v3 =	vand.u32 $0x7, v3;
	v4 =	vand.u32 $0xFFFFFFF0, v61  }
0x54: {  	v3 =	vor.u32 v3, v4  }
0x55: {  	v4 =	vperm.xlane v3, v0;
	_ =	sdelay $0x1  }
0x56: {  	v3 =	vperm.xlane v3, v2;
	v4 =	vadd.s32 v1, v4;
	_ =	sdelay $0x1  }
0x57: {  	v3 =	vadd.s32 v1, v3;
	_ =	sdelay $0x2  }
0x58: {  	[tilespmem:s19], [sflag:$0x1] =	stream.indirect_vreg.gather [hbm4b:s3+s2], $0x80, v4, vm0, $0xb8;
	[tilespmem:$0xC100] =	vst v63  }
0x59: {  	_ = 	snop  }
0x5a: {  	[tilespmem:s20], [sflag:$0x1] =	stream.indirect_vreg.gather [hbm4b:s3+s2], $0x80, v3, vm0, $0xb8;
	[tilespmem:$0xC100] =	vst v63  }
0x5b: {  	v3 =	vld [tilespmem:$0x60];
	_ =	sdelay $0x4  }
0x5c: {  	v62 =	vshll.u32 v3, $0x1  }
0x5d: {  	v3 =	vand.u32 $0x7, v3;
	v4 =	vand.u32 $0xFFFFFFF0, v62  }
0x5e: {  	v3 =	vor.u32 v3, v4  }
0x5f: {  	v4 =	vperm.xlane v3, v0;
	_ =	sdelay $0x1  }
0x60: {  	v3 =	vperm.xlane v3, v2;
	v4 =	vadd.s32 v1, v4;
	_ =	sdelay $0x1  }
0x61: {  	v3 =	vadd.s32 v1, v3;
	_ =	sdelay $0x2  }
0x62: {  	[tilespmem:s21], [sflag:$0x1] =	stream.indirect_vreg.gather [hbm4b:s3+s2], $0x80, v4, vm0, $0xb8;
	[tilespmem:$0xC100] =	vst v63  }
0x63: {  	_ = 	snop  }
0x64: {  	[tilespmem:s22], [sflag:$0x1] =	stream.indirect_vreg.gather [hbm4b:s3+s2], $0x80, v3, vm0, $0xb8;
	[tilespmem:$0xC100] =	vst v63  }
0x65: {  	v3 =	vld [tilespmem:$0x70];
	_ =	sdelay $0x4  }
0x66: {  	v63 =	vshll.u32 v3, $0x1  }
0x67: {  	v3 =	vand.u32 $0x7, v3;
	v4 =	vand.u32 $0xFFFFFFF0, v63  }
0x68: {  	v3 =	vor.u32 v3, v4  }
0x69: {  	v4 =	vperm.xlane v3, v0;
	_ =	sdelay $0x1  }
0x6a: {  	v3 =	vperm.xlane v3, v2;
	v4 =	vadd.s32 v1, v4;
	_ =	sdelay $0x1  }
0x6b: {  	v3 =	vadd.s32 v1, v3;
	_ =	sdelay $0x2  }
0x6c: {  	[tilespmem:s23], [sflag:$0x1] =	stream.indirect_vreg.gather [hbm4b:s3+s2], $0x80, v4, vm0, $0xb8;
	[tilespmem:$0xC100] =	vst v63  }
0x6d: {  	_ = 	snop  }
0x6e: {  	[tilespmem:s24], [sflag:$0x1] =	stream.indirect_vreg.gather [hbm4b:s3+s2], $0x80, v3, vm0, $0xb8;
	[tilespmem:$0xC100] =	vst v63  }
0x6f: {  	s0 =	rddreg [dreg:$0x2]  }
0x70: {  	[tilespmem:s25], [sflag:$0x2] =	stream.indirect.gather [hbm4b:s0+s8], $0x80, s8, s8, $0xb8;
	[tilespmem:$0xC100] =	vst v63  }
0x71: {  	_ =	swait.ge [sflag:s26], $0x8000  }
0x72: {  	[sflag:s26] =	ssyncset.done $0x0  }
0x73: {  	[sflag:s26] =	ssyncadd.s32 $0xFFFF8000  }
0x74: {  	_ =	swait.ge [sflag:s28], $0x4000  }
0x75: {  	[sflag:s28] =	ssyncset.done $0x0  }
0x76: {  	[sflag:s28] =	ssyncadd.s32 $0xFFFFC000  }
0x77: {  	[hbm4b:s30+s2] =	stream.linear.scatter [tilespmem:s9], [sflag:$0x3], $0x8000, $0x38;
	[tilespmem:$0xC100] =	vst v63  }
0x78: {  	_ =	swait.ge [sflag:s7], $0x8000  }
0x79: {  	p0 =	sne.s32 s1, $0x270;
	[sflag:s7] =	ssyncset.done $0x0  }
.Ltmp0:
0x7a: {  	[sflag:s7] =	ssyncadd.s32 $0xFFFF8000;
	(pc) =	sbr.rel @p0 .LBB2_2-.Ltmp0, $4  }
0x7b: {  	[hbm4b:s31+s2] =	stream.linear.scatter [tilespmem:s25], [sflag:$0x3], $0x4000, $0x38;
	[tilespmem:$0xC100] =	vst v63  }
0x7c: {  	_ =	swait.ge [sflag:s7], $0x4000  }
0x7d: {  	s1 =	sadd.s32 $0x10, s1;
	[sflag:s7] =	ssyncset.done $0x0  }
0x7e: {  	s30 =	sadd.s32 $0x1000, s30;
	s31 =	sadd.s32 $0x800, s31;
	[sflag:s7] =	ssyncadd.s32 $0xFFFFC000  }
0x7f: {  	s29 =	sadd.s32 $0x1, s29  }
0x80: {  	p0 =	sne.s32 s29, s4  }
.Ltmp1:
0x81: {  	_ = 	snop;
	(pc) =	sbr.rel @p0 .LBB2_1-.Ltmp1, $1  }
0x82: {  	_ =	sdelay $0x3  }
0x83: {  	_ =	sfence.sel $0x180000  }
0x84: {  	[bflag:$0x0] =	sbarrier.arrive $0xFFFF  }
0x85: {  	_ =	strace $0x9000005F  }
0x86: {  	s0 =	stileid.u32;
	[bflag:$0x2] =	sbarrier.arrive $0xFFFF  }
0x87: {  	p0 =	sne.s32 s0, $0x0;
	s0 =	rddreg [dreg:$0x1]  }
0x88: {  	s0 =	sadd.s32 @!p0 $0x100000, s0  }
0x89: {  	[sflag:s0] =	ssyncadd.tile.s32 @!p0 $0x1;
	_ =	shalt  }
.Lfunc_end2:
_tile_overlayer_lowered:
.L_overlay_start_2:
0x8a: {  	(tag) =	ssettag $0x2  }
0x8b: {  	s0 =	rddreg [dreg:$0x0];
	s2 =	stileid.u32  }
0x8c: {  	s1 =	rddreg [dreg:$0x1];
	p0 =	sne.s32 s2, $0x0  }
0x8d: {  	s3 =	rddreg [dreg:$0x2];
	[bflag:$0x3] =	sbarrier.arrive $0xFFFF;
	s2 =	simm.s32 @!p0 $0x1C03  }
0x8e: {  	[timem:s3], [sflag:s2] =	dma.local @!p0 [hbm:s0], s1  }
0x8f: {  	s0 =	simm.s32 @!p0 $0x3  }
0x90: {  	_ =	swait.ge @!p0 [sflag:s0], s1  }
0x91: {  	s1 =	ssub.s32 @!p0 $0x0, s1;
	[sflag:s0] =	ssyncset.done @!p0 $0x0  }
0x92: {  	[sflag:s0] =	ssyncadd.s32 @!p0 s1  }
0x93: {  	[bflag:$0x3] =	sbarrier.arrive $0xFFFF  }
0x94: {  	_ =	shalt  }

// kernel: kernel.60.cloned.1.call-start
scs
__scs_entry_jumppad:
0x0: {  	(pc) =	sbr.rel $0x88, $3  }
0x1: {  	(tag) =	ssettag $0x0;
	lr =	simm.s32 $0x1  }
0x2: {  	[smem:$0x3F82] =	sst lr;
	_ =	strace $0xD0000000  }
0x3: {  	_ = 	snop  }
0x4: {  	_ = 	snop  }
0x5: {  	_ = 	snop  }
0x6: {  	_ = 	snop  }
0x7: {  	_ = 	snop  }
__scs_overlays_trampoline_lowered:
0x8: {  	[smem:$0x3F91] =	sst s0  }
0x9: {  	[smem:$0x3F92] =	sst s1  }
0xa: {  	[smem:$0x3F93] =	sst s2  }
0xb: {  	[smem:$0x3F94] =	sst s3  }
0xc: {  	[smem:$0x3F95] =	sst s4  }
0xd: {  	[smem:$0x3F96] =	sst s5  }
0xe: {  	[smem:$0x3F97] =	sst s6  }
0xf: {  	[smem:$0x3F98] =	sst s7  }
0x10: {  	[smem:$0x3F99] =	sst s8  }
0x11: {  	[smem:$0x3F9A] =	sst s9;
	s0 =	simm.s32 @!p0 $0x0  }
0x12: {  	s1 =	sld [smem:$0x3F80];
	s0 =	simm.s32 @p0 $0x1  }
0x13: {  	[smem:$0x3F9B] =	sst s0;
	s0 =	simm.s32 @!p1 $0x0  }
0x14: {  	s2 =	sld [smem:$0x3F7F];
	s0 =	simm.s32 @p1 $0x1  }
0x15: {  	[smem:$0x3F9C] =	sst s0;
	s0 =	simm.s32 @!p2 $0x0  }
0x16: {  	s3 =	sld [smem:$0x3FDB];
	s0 =	simm.s32 @p2 $0x1  }
0x17: {  	s4 =	simm.s32 $0x1BF5;
	[smem:$0x3F9E] =	sst s0  }
0x18: {  	s0 =	sld [smem:$0x3F81];
	_ =	swait.ge [sflag:s4], $0x0  }
0x19: {  	s7 =	sld [smem:$0x3F82]  }
0x1a: {  	s8 =	sadd.s32 $0xFFFFE003, lr  }
0x1b: {  	s9 =	sadd.s32 $0xFFFFFEF7, lr;
	s5 =	simm.s32 $0xFFFFFFFF;
	p2 =	slt.u32 s8, $0xFFFFF086  }
0x1c: {  	p1 =	slt.u32 s9, $0xF7A;
	s5 =	simm.s32 @!p2 $0x0  }
0x1d: {  	s5 =	simm.s32 @p1 $0x1;
	p0 =	seq.s32 s7, s2  }
0x1e: {  	s7 =	smul.u32 @!p0 $0xF7A, s2;
	p2 =	seq.s32 @!p0 s5, $0x0  }
0x1f: {  	s9 =	smul.u32 $0xF7A, s1;
	s8 =	simm.s32 @!p0 $0x1BF5;
	p2 =	por !p2, p0  }
0x20: {  	[sflag:s8] =	ssyncset.s32 @!p0 $0xFFFFF086;
	s6 =	sadd.s32 @!p0 s3, s7;
	s7 =	simm.s32 @!p0 $0x108  }
0x21: {  	s3 =	sadd.s32 s3, s9;
	s6 =	sadd.s32 @!p0 $0x88, s6;
	s7 =	simm.s32 @p2 $0x1082  }
0x22: {  	[simem:s7], [sflag:s8] =	dma.local @!p0 [hbm:s6], $0xF7A  }
0x23: {  	s9 =	sor.u32 $0xD0000000, s2;
	s6 =	simm.s32 $0x108;
	_ =	swait.ge @!p0 [sflag:s8], $0x0  }
0x24: {  	s3 =	sadd.s32 $0x88, s3;
	s6 =	simm.s32 @!p1 $0x1082;
	[sflag:s4] =	ssyncset.s32 $0xFFFFF086  }
0x25: {  	[simem:s6], [sflag:s4] =	dma.local [hbm:s3], $0xF7A  }
0x26: {  	[smem:$0x3F82] =	sst s1;
	(tag) =	ssettag s2;
	_ =	strace s9  }
0x27: {  	s1 =	sld [smem:$0x3F92]  }
0x28: {  	s2 =	sld [smem:$0x3F93]  }
0x29: {  	s4 =	sld [smem:$0x3F95]  }
0x2a: {  	p0 =	seq.s32 s5, $0x0;
	s5 =	sld [smem:$0x3F96]  }
0x2b: {  	s6 =	sld [smem:$0x3F97]  }
0x2c: {  	s7 =	sld [smem:$0x3F98]  }
0x2d: {  	s3 =	simm.s32 $0x108;
	s8 =	sld [smem:$0x3F99]  }
0x2e: {  	s3 =	simm.s32 @!p0 $0x1082;
	s9 =	sld [smem:$0x3F9A]  }
0x2f: {  	lr =	sadd.s32 s0, s3;
	s0 =	sld [smem:$0x3F91]  }
0x30: {  	s3 =	sld [smem:$0x3F94]  }
0x31: {  	[smem:$0x3F9D] =	sst s10  }
0x32: {  	s10 =	sld [smem:$0x3F9B];
	_ =	sdelay $0x3  }
0x33: {  	p0 =	seq.s32 s10, $0x1;
	s10 =	sld [smem:$0x3F9D];
	_ =	sdelay $0x3  }
0x34: {  	[smem:$0x3F9D] =	sst s10  }
0x35: {  	s10 =	sld [smem:$0x3F9C];
	_ =	sdelay $0x3  }
0x36: {  	p1 =	seq.s32 s10, $0x1;
	s10 =	sld [smem:$0x3F9D];
	_ =	sdelay $0x3  }
0x37: {  	[smem:$0x3F9D] =	sst s10  }
0x38: {  	s10 =	sld [smem:$0x3F9E]  }
0x39: {  	_ = 	snop;
	(pc) =	sbr.ind lr, $3  }
0x3a: {  	_ = 	snop  }
0x3b: {  	_ = 	snop  }
0x3c: {  	p2 =	seq.s32 s10, $0x1;
	s10 =	sld [smem:$0x3F9D]  }
0x3d: {  	_ =	shalt  }
0x3e: {  	_ =	shalt  }
0x3f: {  	_ =	shalt  }
0x40: {  	_ =	shalt  }
0x41: {  	_ =	shalt  }
0x42: {  	_ =	shalt  }
0x43: {  	_ =	shalt  }
0x44: {  	_ =	shalt  }
0x45: {  	_ =	shalt  }
0x46: {  	_ =	shalt  }
0x47: {  	_ =	shalt  }
0x48: {  	_ =	shalt  }
0x49: {  	_ =	shalt  }
0x4a: {  	_ =	shalt  }
0x4b: {  	_ =	shalt  }
0x4c: {  	_ =	shalt  }
0x4d: {  	_ =	shalt  }
0x4e: {  	_ =	shalt  }
0x4f: {  	_ =	shalt  }
0x50: {  	_ =	shalt  }
0x51: {  	_ =	shalt  }
0x52: {  	_ =	shalt  }
0x53: {  	_ =	shalt  }
0x54: {  	_ =	shalt  }
0x55: {  	_ =	shalt  }
0x56: {  	_ =	shalt  }
0x57: {  	_ =	shalt  }
0x58: {  	_ =	shalt  }
0x59: {  	_ =	shalt  }
0x5a: {  	_ =	shalt  }
0x5b: {  	_ =	shalt  }
0x5c: {  	_ =	shalt  }
0x5d: {  	_ =	shalt  }
0x5e: {  	_ =	shalt  }
0x5f: {  	_ =	shalt  }
0x60: {  	_ =	shalt  }
0x61: {  	_ =	shalt  }
0x62: {  	_ =	shalt  }
0x63: {  	_ =	shalt  }
0x64: {  	_ =	shalt  }
0x65: {  	_ =	shalt  }
0x66: {  	_ =	shalt  }
0x67: {  	_ =	shalt  }
0x68: {  	_ =	shalt  }
0x69: {  	_ =	shalt  }
0x6a: {  	_ =	shalt  }
0x6b: {  	_ =	shalt  }
0x6c: {  	_ =	shalt  }
0x6d: {  	_ =	shalt  }
0x6e: {  	_ =	shalt  }
0x6f: {  	_ =	shalt  }
0x70: {  	_ =	shalt  }
0x71: {  	_ =	shalt  }
0x72: {  	_ =	shalt  }
0x73: {  	_ =	shalt  }
0x74: {  	_ =	shalt  }
0x75: {  	_ =	shalt  }
0x76: {  	_ =	shalt  }
0x77: {  	_ =	shalt  }
0x78: {  	_ =	shalt  }
0x79: {  	_ =	shalt  }
0x7a: {  	_ =	shalt  }
0x7b: {  	_ =	shalt  }
0x7c: {  	_ =	shalt  }
0x7d: {  	_ =	shalt  }
0x7e: {  	_ =	shalt  }
0x7f: {  	_ =	shalt  }
0x80: {  	_ =	shalt  }
0x81: {  	_ =	shalt  }
0x82: {  	_ =	shalt  }
0x83: {  	_ =	shalt  }
0x84: {  	_ =	shalt  }
0x85: {  	_ =	shalt  }
0x86: {  	_ =	shalt  }
0x87: {  	_ =	shalt  }
.Lfunc_end0:
.L_simem_size_0:
called_computation.9_lowered:
.L_overlay_start_0:
0x88: {  	s2 =	sld [smem:$0x3FD9]  }
0x89: {  	s3 =	sld [smem:$0x3FFE];
	_ =	sdelay $0x1  }
0x8a: {  	s1 =	srdreg.scid  }
0x8b: {  	s0 =	sand.u32 $0x1, s1  }
0x8c: {  	s16 =	sshll.u32 s0, $0xA;
	s2 =	sadd.s32 s3, s2  }
0x8d: {  	s2 =	sadd.s32 s2, s16  }
0x8e: {  	[smem:$0x3FA9] =	sst s2  }
0x8f: {  	_ = 	snop  }
0x90: {  	(tm) =	ssettm $0x1  }
0x91: {  	s17 =	sld [smem:$0x3FFB];
	_ =	sdelay $0x3  }
0x92: {  	_ =	strace s17  }
0x93: {  	s2 =	sld [smem:$0x3FFC];
	_ =	sdelay $0x3  }
0x94: {  	_ =	strace s2  }
0x95: {  	s2 =	sld [smem:$0x3FFD];
	_ =	sdelay $0x3  }
0x96: {  	_ =	strace s2  }
0x97: {  	_ =	strace $0x8FFFFFFF  }
0x98: {  	s18 =	sld [smem:$0x3FDB];
	_ =	sdelay $0x1  }
0x99: {  	s19 =	simm.s32 $_scs_section_size  }
0x9a: {  	s4 =	simm.s32 $_size__tile_overlayer_lowered;
	s5 =	simm.s32 $_tile_overlayer_lowered  }
0x9b: {  	s22 =	simm.s32 $0x1BFF;
	s21 =	sshll.u32 s5, $0x1;
	s2 =	sadd.s32 s19, s18  }
0x9c: {  	s6 =	simm.s32 $0x0;
	s20 =	sshll.u32 s4, $0x1;
	s4 =	sadd.s32 s21, s2  }
0x9d: {  	[timem:s6], [sflag:s22] =	dma.local [hbm:s4], s20  }
0x9e: {  	_ =	swait.ge [sflag:s22], s20  }
0x9f: {  	s3 =	ssub.s32 $0x0, s20;
	[sflag:s22] =	ssyncset.done $0x0  }
0xa0: {  	[sflag:s22] =	ssyncadd.s32 s3;
	_ =	sdelay $0x1  }
0xa1: {  	s23 =	simm.s32 $0x1B8B  }
0xa2: {  	_ =	swait.ge [sflag:s23], $0x1  }
0xa3: {  	[sflag:s23] =	ssyncset.done $0x0  }
0xa4: {  	s25 =	simm.s32 $0x1B8E;
	s24 =	sld [smem:$0x3FFE];
	[sflag:s23] =	ssyncadd.s32 $0xFFFFFFFF  }
0xa5: {  	s26 =	simm.s32 $execute0_lowered;
	[smem:$0x3FD2] =	sst s25  }
0xa6: {  	s4 =	sshll.u32 s26, $0x1;
	_ =	strace $0x80000061;
	[dreg:$0x1] =	wrdreg $0xFFFFFFFF  }
0xa7: {  	s28 =	simm.s32 $_size_execute0_lowered;
	s2 =	sadd.s32 s2, s4;
	[dreg:$0x0] =	wrdreg $0x0  }
0xa8: {  	s4 =	sshll.u32 s28, $0x1;
	[dreg:$0x2] =	wrdreg s2  }
0xa9: {  	[dreg:$0x3] =	wrdreg s4  }
0xaa: {  	[dreg:$0x4] =	wrdreg $0xC0  }
0xab: {  	_ =	task [dreg:s6], $0x5FFFF  }
0xac: {  	[dreg:$0x1] =	wrdreg $0xFFFFFFFF  }
0xad: {  	[dreg:$0x0] =	wrdreg $0x60  }
0xae: {  	[dreg:$0x2] =	wrdreg s24  }
0xaf: {  	[dreg:$0x3] =	wrdreg $0x40800  }
0xb0: {  	[dreg:$0x4] =	wrdreg $0x9  }
0xb1: {  	_ =	task.clear_ibuf [dreg:s6], $0x5FFFF;
	_ =	strace $0x90000061  }
0xb2: {  	s29 =	simm.s32 $0x9;
	_ =	strace $0x80000063  }
0xb3: {  	_ =	swait.ge [sflag:s29], $0x1  }
0xb4: {  	[sflag:s29] =	ssyncadd.s32 $0xFFFFFFFF  }
0xb5: {  	_ =	strace $0x90000063  }
0xb6: {  	_ =	sfence  }
0xb7: {  	s30 =	sld [smem:$0x0];
	_ =	sdelay $0x2  }
0xb8: {  	s31 =	sshll.u32 s1, $0xD;
	s1 =	sshrl.u32 s1, $0x2  }
0xb9: {  	s3 =	sand.u32 $0x4000, s31;
	s1 =	sadd.s32 s1, s30  }
0xba: {  	s0 =	sor.u32 s3, s0;
	s1 =	sshll.u32 s1, $0x11  }
0xbb: {  	s0 =	sor.u32 s1, s0  }
0xbc: {  	s0 =	sadd.s32 $0x8F2B, s0  }
0xbd: {  	[sflag:s0] =	ssyncadd.remote.s32 $0x1  }
0xbe: {  	_ =	sfence.sel $0xFFFF  }
0xbf: {  	[dreg:$0x0] =	wrdreg $0xFFFFFFFF;
	(pc) =	sbr.abs _section_cstart, $3  }
0xc0: {  	[dreg:$0x1] =	wrdreg $0xFFFFFFFF  }
0xc1: {  	_ =	task.clear_ibuf [dreg:s6], $0x2FFFF;
	_ =	strace $0x9FFFFFFF  }
0xc2: {  	(tm) =	ssettm $0x7FFFFFFF  }
0xc3: {  	_ =	shalt  }
tec
execute0_lowered:
.L_overlay_start_1:
0x0: {  	(tag) =	ssettag $0x1  }
0x1: {  	s11 =	stileid.u32  }
0x2: {  	s0 =	srdreg.scid;
	s6 =	smul.u32 $0x1400, s11  }
0x3: {  	s4 =	rddreg [dreg:$0x0];
	s8 =	smul.u32 $0x2700, s11  }
0x4: {  	s1 =	rddreg [dreg:$0x1];
	s2 =	simm.s32 $0x0;
	s29 =	smul.u32 $0x4E000, s11  }
0x5: {  	s5 =	sand.u32 $0x1, s0;
	s0 =	rddreg [dreg:$0x2];
	s10 =	smul.u32 $0x14000, s11  }
0x6: {  	s13 =	simm.s32 $0x0;
	[smem:$0x7FF] =	sst s2;
	s3 =	smul.u32 $0x14000, s5  }
0x7: {  	p0 =	sne.s32 s11, $0x0;
	s11 =	sshll.u32 s11, $0x6;
	s7 =	smul.u32 $0x140000, s5  }
0x8: {  	s28 =	smul.u32 $0x27100, s5;
	_ =	strace $0x80000062;
	s5 =	ssub.s32 $0x2, s5  }
0x9: {  	s11 =	sor.u32 $0x1C01, s11;
	s30 =	sshrl.u32 s5, $0x1;
	s3 =	sadd.s32 s6, s3  }
0xa: {  	s7 =	sadd.s32 s7, s4;
	s6 =	sadd.s32 s8, s28;
	s8 =	sshrl.u32 s29, $0x2  }
0xb: {  	s5 =	ssub.s32 s5, s30;
	s3 =	sshrl.u32 s3, $0x3;
	s12 =	sadd.s32 s8, s1  }
0xc: {  	s5 =	smax.u32 s5, $0x1;
	s31 =	sadd.s32 s10, s7;
	s8 =	sshrl.u32 @!p0 s1, $0x3  }
0xd: {  	s10 =	simm.s32 $0x80;
	s9 =	sadd.s32 s3, s4;
	s3 =	sadd.s32 $0x19400, s4  }
0xe: {  	s4 =	sadd.s32 s6, s4;
	s6 =	sadd.s32 $0xABAC00, s31;
	s12 =	sshrl.u32 s12, $0x3  }
0xf: {  	s4 =	sadd.s32 $0x83AC00, s4;
	s7 =	sadd.s32 $0xF400, s9;
	s9 =	simm.s32 $0x1  }
.LBB2_1:
0x10: {  	s14 =	simm.s32 @!p0 $0x1C01  }
0x11: {  	[spmem:s8], [sflag:s14] =	dma.local @!p0 [hbm:s3], $0x27100  }
0x12: {  	s14 =	simm.s32 @!p0 $0x1  }
0x13: {  	_ =	swait.ge @!p0 [sflag:s14], $0x27100  }
0x14: {  	[sflag:s14] =	ssyncset.done @!p0 $0x0  }
0x15: {  	[sflag:s14] =	ssyncadd.s32 @!p0 $0xFFFD8F00  }
0x16: {  	s31 =	sadd.s32 $0x0, s7;
	[bflag:$0x0] =	sbarrier.arrive $0xFFFF  }
0x17: {  	[tilespmem:s2], [sflag:$0x1] =	stream.linear.gather [hbm4b:s31+s2], $0x80, $0x38;
	[tilespmem:$0x6790] =	vst v63  }
0x18: {  	_ =	swait.ge [sflag:s9], $0x80  }
0x19: {  	[sflag:s9] =	ssyncset.done $0x0  }
0x1a: {  	[sflag:s9] =	ssyncadd.s32 $0xFFFFFF80  }
0x1b: {  	[tilespmem:s10], [sflag:$0x1] =	stream.linear.gather [hbm4b:s6+s2], $0x4000, $0x38;
	[tilespmem:$0x6790] =	vst v63  }
0x1c: {  	_ =	swait.ge [sflag:s9], $0x4000  }
0x1d: {  	[sflag:s9] =	ssyncset.done $0x0  }
0x1e: {  	[sflag:s9] =	ssyncadd.s32 $0xFFFFC000  }
0x1f: {  	[spmem:s1] =	stream.indirect.scatter.add.f32 [tilespmem:s10], [sflag:$0x1], $0x10, s2, s10, $0xb8;
	[tilespmem:$0x6790] =	vst v63  }
0x20: {  	s15 =	simm.s32 $0x10;
	_ =	swait.ge [sflag:s9], $0x800  }
0x21: {  	s16 =	simm.s32 $0x20;
	s14 =	sadd.s32 $0x800, s6;
	[sflag:s9] =	ssyncset.done $0x0  }
.LBB2_2:
0x22: {  	s17 =	sadd.s32 s15, s7  }
0x23: {  	[sflag:s9] =	ssyncadd.s32 $0xFFFFF800;
	s15 =	smov.u32 s16;
	s18 =	sadd.s32 $0x10, s16  }
0x24: {  	[tilespmem:s2], [sflag:$0x1] =	stream.linear.gather [hbm4b:s17+s2], $0x80, $0x38;
	[tilespmem:$0x6790] =	vst v63  }
0x25: {  	p1 =	sne.s32 s16, $0x270;
	_ =	swait.ge [sflag:s9], $0x80  }
0x26: {  	[sflag:s9] =	ssyncset.done $0x0  }
0x27: {  	[sflag:s9] =	ssyncadd.s32 $0xFFFFFF80  }
0x28: {  	[tilespmem:s10], [sflag:$0x1] =	stream.linear.gather [hbm4b:s14+s2], $0x4000, $0x38;
	[tilespmem:$0x6790] =	vst v63  }
0x29: {  	_ =	swait.ge [sflag:s9], $0x4000  }
.Ltmp0:
0x2a: {  	[sflag:s9] =	ssyncset.done $0x0;
	(pc) =	sbr.rel @p1 .LBB2_2-.Ltmp0, $4  }
0x2b: {  	[sflag:s9] =	ssyncadd.s32 $0xFFFFC000  }
0x2c: {  	[spmem:s1] =	stream.indirect.scatter.add.f32 [tilespmem:s10], [sflag:$0x1], $0x10, s2, s10, $0xb8;
	[tilespmem:$0x6790] =	vst v63  }
0x2d: {  	_ =	swait.ge [sflag:s9], $0x800  }
0x2e: {  	s16 =	smov.u32 s18;
	s14 =	sadd.s32 $0x800, s14;
	[sflag:s9] =	ssyncset.done $0x0  }
0x2f: {  	s15 =	sadd.s32 s15, s7;
	[sflag:s9] =	ssyncadd.s32 $0xFFFFF800  }
0x30: {  	[tilespmem:s2], [sflag:$0x1] =	stream.linear.gather [hbm4b:s15+s2], $0x80, $0x38;
	[tilespmem:$0x6790] =	vst v63  }
0x31: {  	_ =	swait.ge [sflag:s9], $0x80  }
0x32: {  	[sflag:s9] =	ssyncset.done $0x0  }
0x33: {  	[sflag:s9] =	ssyncadd.s32 $0xFFFFFF80  }
0x34: {  	[tilespmem:s10], [sflag:$0x1] =	stream.linear.gather [hbm4b:s14+s2], $0x4000, $0x38;
	[tilespmem:$0x6790] =	vst v63  }
0x35: {  	_ =	swait.ge [sflag:s9], $0x4000  }
0x36: {  	[sflag:s9] =	ssyncset.done $0x0  }
0x37: {  	[sflag:s9] =	ssyncadd.s32 $0xFFFFC000  }
0x38: {  	[spmem:s1] =	stream.indirect.scatter.add.f32 [tilespmem:s10], [sflag:$0x1], $0x10, s2, s10, $0xb8;
	[tilespmem:$0x6790] =	vst v63  }
0x39: {  	_ =	swait.ge [sflag:s9], $0x800  }
0x3a: {  	s13 =	sadd.s32 $0x1, s13;
	[sflag:s9] =	ssyncset.done $0x0  }
0x3b: {  	p1 =	sne.s32 s13, s5;
	[sflag:s9] =	ssyncadd.s32 $0xFFFFF800  }
.Ltmp1:
0x3c: {  	[bflag:$0x0] =	sbarrier.arrive $0xFFFF;
	(pc) =	sbr.rel @p1 .LBB2_1-.Ltmp1, $4  }
0x3d: {  	[hbm:s4], [sflag:s11] =	dma.local [spmem:s12], $0x2800  }
0x3e: {  	_ =	swait.ge [sflag:s9], $0x2800  }
0x3f: {  	[sflag:s9] =	ssyncset.done $0x0  }
0x40: {  	[sflag:s9] =	ssyncadd.s32 $0xFFFFD800  }
0x41: {  	_ =	sfence.sel $0x180000  }
0x42: {  	[bflag:$0x0] =	sbarrier.arrive $0xFFFF  }
0x43: {  	_ =	strace $0x90000062  }
0x44: {  	s0 =	sadd.s32 @!p0 $0x100000, s0;
	[bflag:$0x2] =	sbarrier.arrive $0xFFFF  }
0x45: {  	[sflag:s0] =	ssyncadd.tile.s32 @!p0 $0x1;
	_ =	shalt  }
.Lfunc_end2:
_tile_overlayer_lowered:
.L_overlay_start_2:
0x46: {  	(tag) =	ssettag $0x2  }
0x47: {  	s0 =	rddreg [dreg:$0x0];
	s2 =	stileid.u32  }
0x48: {  	s1 =	rddreg [dreg:$0x1];
	p0 =	sne.s32 s2, $0x0  }
0x49: {  	s3 =	rddreg [dreg:$0x2];
	[bflag:$0x3] =	sbarrier.arrive $0xFFFF;
	s2 =	simm.s32 @!p0 $0x1C01  }
0x4a: {  	[timem:s3], [sflag:s2] =	dma.local @!p0 [hbm:s0], s1  }
0x4b: {  	s0 =	simm.s32 @!p0 $0x1  }
0x4c: {  	_ =	swait.ge @!p0 [sflag:s0], s1  }
0x4d: {  	s1 =	ssub.s32 @!p0 $0x0, s1;
	[sflag:s0] =	ssyncset.done @!p0 $0x0  }
0x4e: {  	[sflag:s0] =	ssyncadd.s32 @!p0 s1  }
0x4f: {  	[bflag:$0x3] =	sbarrier.arrive $0xFFFF  }
0x50: {  	_ =	shalt  }

// kernel: kernel.63.cloned.1.call-start
scs
__scs_entry_jumppad:
0x0: {  	(pc) =	sbr.rel $0x88, $3  }
0x1: {  	(tag) =	ssettag $0x0;
	lr =	simm.s32 $0x1  }
0x2: {  	[smem:$0x3F82] =	sst lr;
	_ =	strace $0xD0000000  }
0x3: {  	_ = 	snop  }
0x4: {  	_ = 	snop  }
0x5: {  	_ = 	snop  }
0x6: {  	_ = 	snop  }
0x7: {  	_ = 	snop  }
__scs_overlays_trampoline_lowered:
0x8: {  	[smem:$0x3F91] =	sst s0  }
0x9: {  	[smem:$0x3F92] =	sst s1  }
0xa: {  	[smem:$0x3F93] =	sst s2  }
0xb: {  	[smem:$0x3F94] =	sst s3  }
0xc: {  	[smem:$0x3F95] =	sst s4  }
0xd: {  	[smem:$0x3F96] =	sst s5  }
0xe: {  	[smem:$0x3F97] =	sst s6  }
0xf: {  	[smem:$0x3F98] =	sst s7  }
0x10: {  	[smem:$0x3F99] =	sst s8  }
0x11: {  	[smem:$0x3F9A] =	sst s9;
	s0 =	simm.s32 @!p0 $0x0  }
0x12: {  	s1 =	sld [smem:$0x3F80];
	s0 =	simm.s32 @p0 $0x1  }
0x13: {  	[smem:$0x3F9B] =	sst s0;
	s0 =	simm.s32 @!p1 $0x0  }
0x14: {  	s2 =	sld [smem:$0x3F7F];
	s0 =	simm.s32 @p1 $0x1  }
0x15: {  	[smem:$0x3F9C] =	sst s0;
	s0 =	simm.s32 @!p2 $0x0  }
0x16: {  	s3 =	sld [smem:$0x3FDB];
	s0 =	simm.s32 @p2 $0x1  }
0x17: {  	s4 =	simm.s32 $0x1BF5;
	[smem:$0x3F9E] =	sst s0  }
0x18: {  	s0 =	sld [smem:$0x3F81];
	_ =	swait.ge [sflag:s4], $0x0  }
0x19: {  	s7 =	sld [smem:$0x3F82]  }
0x1a: {  	s8 =	sadd.s32 $0xFFFFE003, lr  }
0x1b: {  	s9 =	sadd.s32 $0xFFFFFEF7, lr;
	s5 =	simm.s32 $0xFFFFFFFF;
	p2 =	slt.u32 s8, $0xFFFFF086  }
0x1c: {  	p1 =	slt.u32 s9, $0xF7A;
	s5 =	simm.s32 @!p2 $0x0  }
0x1d: {  	s5 =	simm.s32 @p1 $0x1;
	p0 =	seq.s32 s7, s2  }
0x1e: {  	s7 =	smul.u32 @!p0 $0xF7A, s2;
	p2 =	seq.s32 @!p0 s5, $0x0  }
0x1f: {  	s9 =	smul.u32 $0xF7A, s1;
	s8 =	simm.s32 @!p0 $0x1BF5;
	p2 =	por !p2, p0  }
0x20: {  	[sflag:s8] =	ssyncset.s32 @!p0 $0xFFFFF086;
	s6 =	sadd.s32 @!p0 s3, s7;
	s7 =	simm.s32 @!p0 $0x108  }
0x21: {  	s3 =	sadd.s32 s3, s9;
	s6 =	sadd.s32 @!p0 $0x88, s6;
	s7 =	simm.s32 @p2 $0x1082  }
0x22: {  	[simem:s7], [sflag:s8] =	dma.local @!p0 [hbm:s6], $0xF7A  }
0x23: {  	s9 =	sor.u32 $0xD0000000, s2;
	s6 =	simm.s32 $0x108;
	_ =	swait.ge @!p0 [sflag:s8], $0x0  }
0x24: {  	s3 =	sadd.s32 $0x88, s3;
	s6 =	simm.s32 @!p1 $0x1082;
	[sflag:s4] =	ssyncset.s32 $0xFFFFF086  }
0x25: {  	[simem:s6], [sflag:s4] =	dma.local [hbm:s3], $0xF7A  }
0x26: {  	[smem:$0x3F82] =	sst s1;
	(tag) =	ssettag s2;
	_ =	strace s9  }
0x27: {  	s1 =	sld [smem:$0x3F92]  }
0x28: {  	s2 =	sld [smem:$0x3F93]  }
0x29: {  	s4 =	sld [smem:$0x3F95]  }
0x2a: {  	p0 =	seq.s32 s5, $0x0;
	s5 =	sld [smem:$0x3F96]  }
0x2b: {  	s6 =	sld [smem:$0x3F97]  }
0x2c: {  	s7 =	sld [smem:$0x3F98]  }
0x2d: {  	s3 =	simm.s32 $0x108;
	s8 =	sld [smem:$0x3F99]  }
0x2e: {  	s3 =	simm.s32 @!p0 $0x1082;
	s9 =	sld [smem:$0x3F9A]  }
0x2f: {  	lr =	sadd.s32 s0, s3;
	s0 =	sld [smem:$0x3F91]  }
0x30: {  	s3 =	sld [smem:$0x3F94]  }
0x31: {  	[smem:$0x3F9D] =	sst s10  }
0x32: {  	s10 =	sld [smem:$0x3F9B];
	_ =	sdelay $0x3  }
0x33: {  	p0 =	seq.s32 s10, $0x1;
	s10 =	sld [smem:$0x3F9D];
	_ =	sdelay $0x3  }
0x34: {  	[smem:$0x3F9D] =	sst s10  }
0x35: {  	s10 =	sld [smem:$0x3F9C];
	_ =	sdelay $0x3  }
0x36: {  	p1 =	seq.s32 s10, $0x1;
	s10 =	sld [smem:$0x3F9D];
	_ =	sdelay $0x3  }
0x37: {  	[smem:$0x3F9D] =	sst s10  }
0x38: {  	s10 =	sld [smem:$0x3F9E]  }
0x39: {  	_ = 	snop;
	(pc) =	sbr.ind lr, $3  }
0x3a: {  	_ = 	snop  }
0x3b: {  	_ = 	snop  }
0x3c: {  	p2 =	seq.s32 s10, $0x1;
	s10 =	sld [smem:$0x3F9D]  }
0x3d: {  	_ =	shalt  }
0x3e: {  	_ =	shalt  }
0x3f: {  	_ =	shalt  }
0x40: {  	_ =	shalt  }
0x41: {  	_ =	shalt  }
0x42: {  	_ =	shalt  }
0x43: {  	_ =	shalt  }
0x44: {  	_ =	shalt  }
0x45: {  	_ =	shalt  }
0x46: {  	_ =	shalt  }
0x47: {  	_ =	shalt  }
0x48: {  	_ =	shalt  }
0x49: {  	_ =	shalt  }
0x4a: {  	_ =	shalt  }
0x4b: {  	_ =	shalt  }
0x4c: {  	_ =	shalt  }
0x4d: {  	_ =	shalt  }
0x4e: {  	_ =	shalt  }
0x4f: {  	_ =	shalt  }
0x50: {  	_ =	shalt  }
0x51: {  	_ =	shalt  }
0x52: {  	_ =	shalt  }
0x53: {  	_ =	shalt  }
0x54: {  	_ =	shalt  }
0x55: {  	_ =	shalt  }
0x56: {  	_ =	shalt  }
0x57: {  	_ =	shalt  }
0x58: {  	_ =	shalt  }
0x59: {  	_ =	shalt  }
0x5a: {  	_ =	shalt  }
0x5b: {  	_ =	shalt  }
0x5c: {  	_ =	shalt  }
0x5d: {  	_ =	shalt  }
0x5e: {  	_ =	shalt  }
0x5f: {  	_ =	shalt  }
0x60: {  	_ =	shalt  }
0x61: {  	_ =	shalt  }
0x62: {  	_ =	shalt  }
0x63: {  	_ =	shalt  }
0x64: {  	_ =	shalt  }
0x65: {  	_ =	shalt  }
0x66: {  	_ =	shalt  }
0x67: {  	_ =	shalt  }
0x68: {  	_ =	shalt  }
0x69: {  	_ =	shalt  }
0x6a: {  	_ =	shalt  }
0x6b: {  	_ =	shalt  }
0x6c: {  	_ =	shalt  }
0x6d: {  	_ =	shalt  }
0x6e: {  	_ =	shalt  }
0x6f: {  	_ =	shalt  }
0x70: {  	_ =	shalt  }
0x71: {  	_ =	shalt  }
0x72: {  	_ =	shalt  }
0x73: {  	_ =	shalt  }
0x74: {  	_ =	shalt  }
0x75: {  	_ =	shalt  }
0x76: {  	_ =	shalt  }
0x77: {  	_ =	shalt  }
0x78: {  	_ =	shalt  }
0x79: {  	_ =	shalt  }
0x7a: {  	_ =	shalt  }
0x7b: {  	_ =	shalt  }
0x7c: {  	_ =	shalt  }
0x7d: {  	_ =	shalt  }
0x7e: {  	_ =	shalt  }
0x7f: {  	_ =	shalt  }
0x80: {  	_ =	shalt  }
0x81: {  	_ =	shalt  }
0x82: {  	_ =	shalt  }
0x83: {  	_ =	shalt  }
0x84: {  	_ =	shalt  }
0x85: {  	_ =	shalt  }
0x86: {  	_ =	shalt  }
0x87: {  	_ =	shalt  }
.Lfunc_end0:
.L_simem_size_0:
called_computation.10_lowered:
.L_overlay_start_0:
0x88: {  	s2 =	sld [smem:$0x3FD9]  }
0x89: {  	s3 =	sld [smem:$0x3FFE];
	_ =	sdelay $0x1  }
0x8a: {  	s1 =	srdreg.scid  }
0x8b: {  	s0 =	sand.u32 $0x1, s1  }
0x8c: {  	s17 =	sshll.u32 s0, $0xA;
	s2 =	sadd.s32 s3, s2  }
0x8d: {  	s2 =	sadd.s32 s2, s17  }
0x8e: {  	[smem:$0x3FA9] =	sst s2  }
0x8f: {  	_ = 	snop  }
0x90: {  	(tm) =	ssettm $0x1  }
0x91: {  	s18 =	sld [smem:$0x3FFB];
	_ =	sdelay $0x3  }
0x92: {  	_ =	strace s18  }
0x93: {  	s2 =	sld [smem:$0x3FFC];
	_ =	sdelay $0x3  }
0x94: {  	_ =	strace s2  }
0x95: {  	s2 =	sld [smem:$0x3FFD];
	_ =	sdelay $0x3  }
0x96: {  	_ =	strace s2  }
0x97: {  	_ =	strace $0x8FFFFFFF  }
0x98: {  	s19 =	sld [smem:$0x3FDB];
	_ =	sdelay $0x1  }
0x99: {  	s20 =	simm.s32 $_scs_section_size  }
0x9a: {  	s4 =	simm.s32 $_size__tile_overlayer_lowered;
	s5 =	simm.s32 $_tile_overlayer_lowered  }
0x9b: {  	s6 =	simm.s32 $0x1BFF;
	s21 =	sshll.u32 s5, $0x1;
	s3 =	sadd.s32 s20, s19  }
0x9c: {  	s22 =	simm.s32 $0x0;
	s4 =	sshll.u32 s4, $0x1;
	s5 =	sadd.s32 s21, s3  }
0x9d: {  	[timem:s22], [sflag:s6] =	dma.local [hbm:s5], s4  }
0x9e: {  	_ =	swait.ge [sflag:s6], s4  }
0x9f: {  	s4 =	ssub.s32 $0x0, s4;
	[sflag:s6] =	ssyncset.done $0x0  }
0xa0: {  	[sflag:s6] =	ssyncadd.s32 s4;
	_ =	sdelay $0x1  }
0xa1: {  	s23 =	simm.s32 $0x1B8B  }
0xa2: {  	_ =	swait.ge [sflag:s23], $0x1  }
0xa3: {  	[sflag:s23] =	ssyncset.done $0x0  }
0xa4: {  	[sflag:s23] =	ssyncadd.s32 $0xFFFFFFFF  }
0xa5: {  	s4 =	sld [smem:$0x0]  }
0xa6: {  	s5 =	sand.u32 $0xFFFFFFFE, s1  }
0xa7: {  	p0 =	sne.s32 s1, s5  }
0xa8: {  	s5 =	sshll.u32 @p0 s5, $0xE  }
0xa9: {  	s5 =	sadd.s32 @p0 $0x11B8D, s5;
	s6 =	sshll.u32 @p0 s4, $0x11  }
0xaa: {  	s5 =	sor.u32 @p0 s6, s5  }
0xab: {  	[sflag:s5] =	ssyncadd.remote.s32 @p0 $0x1;
	_ =	sdelay $0x1  }
0xac: {  	s5 =	simm.s32 @p0 $0x1B8D  }
0xad: {  	_ =	swait.eq @p0 [sflag:s5], $0x1  }
0xae: {  	[sflag:s5] =	ssyncadd.s32 @p0 $0xFFFFFFFF  }
0xaf: {  	s6 =	sshll.u32 @!p0 s1, $0xE  }
0xb0: {  	s6 =	sor.u32 @!p0 $0x4000, s6;
	s5 =	simm.s32 @!p0 $0x1B8D  }
0xb1: {  	s4 =	sshll.u32 @!p0 s4, $0x11;
	s6 =	sadd.s32 @!p0 $0x11B8D, s6;
	_ =	swait.eq @!p0 [sflag:s5], $0x1  }
0xb2: {  	s4 =	sor.u32 @!p0 s4, s6;
	[sflag:s5] =	ssyncadd.s32 @!p0 $0xFFFFFFFF  }
0xb3: {  	s25 =	simm.s32 $0x1B8E;
	s24 =	sld [smem:$0x3FFE];
	[sflag:s4] =	ssyncadd.remote.s32 @!p0 $0x1  }
0xb4: {  	s26 =	simm.s32 $execute0_lowered;
	[smem:$0x3FD2] =	sst s25  }
0xb5: {  	s5 =	sshll.u32 s26, $0x1;
	_ =	strace $0x80000064;
	[dreg:$0x1] =	wrdreg $0xFFFFFFFF  }
0xb6: {  	s28 =	simm.s32 $_size_execute0_lowered;
	s3 =	sadd.s32 s3, s5;
	[dreg:$0x0] =	wrdreg $0x0  }
0xb7: {  	s5 =	sshll.u32 s28, $0x1;
	[dreg:$0x2] =	wrdreg s3  }
0xb8: {  	[dreg:$0x3] =	wrdreg s5  }
0xb9: {  	[dreg:$0x4] =	wrdreg $0xC0  }
0xba: {  	_ =	task [dreg:s22], $0x5FFFF  }
0xbb: {  	[dreg:$0x1] =	wrdreg $0xFFFFFFFF  }
0xbc: {  	[dreg:$0x0] =	wrdreg $0x60  }
0xbd: {  	[dreg:$0x2] =	wrdreg s24  }
0xbe: {  	[dreg:$0x3] =	wrdreg $0x40800  }
0xbf: {  	[dreg:$0x4] =	wrdreg $0xA  }
0xc0: {  	_ =	task.clear_ibuf [dreg:s22], $0x5FFFF;
	_ =	strace $0x90000064  }
0xc1: {  	s29 =	simm.s32 $0xA;
	_ =	strace $0x80000066  }
0xc2: {  	_ =	swait.ge [sflag:s29], $0x1  }
0xc3: {  	[sflag:s29] =	ssyncadd.s32 $0xFFFFFFFF  }
0xc4: {  	_ =	strace $0x90000066  }
0xc5: {  	_ =	sfence  }
0xc6: {  	s30 =	sld [smem:$0x0];
	_ =	sdelay $0x2  }
0xc7: {  	s31 =	sshll.u32 s1, $0xD;
	s1 =	sshrl.u32 s1, $0x2  }
0xc8: {  	s4 =	sand.u32 $0x4000, s31;
	s1 =	sadd.s32 s1, s30  }
0xc9: {  	s0 =	sor.u32 s4, s0;
	s1 =	sshll.u32 s1, $0x11  }
0xca: {  	s0 =	sor.u32 s1, s0  }
0xcb: {  	s0 =	sadd.s32 $0x8F2B, s0  }
0xcc: {  	[sflag:s0] =	ssyncadd.remote.s32 $0x1  }
0xcd: {  	_ =	sfence.sel $0xFFFF  }
0xce: {  	[dreg:$0x0] =	wrdreg $0xFFFFFFFF;
	(pc) =	sbr.abs _section_cstart, $3  }
0xcf: {  	[dreg:$0x1] =	wrdreg $0xFFFFFFFF  }
0xd0: {  	_ =	task.clear_ibuf [dreg:s22], $0x2FFFF;
	_ =	strace $0x9FFFFFFF  }
0xd1: {  	(tm) =	ssettm $0x7FFFFFFF  }
tec
execute0_lowered:
.L_overlay_start_1:
0x0: {  	(tag) =	ssettag $0x1  }
0x1: {  	s4 =	rddreg [dreg:$0x0]  }
0x2: {  	s1 =	rddreg [dreg:$0x1]  }
0x3: {  	s12 =	stileid.u32;
	s0 =	rddreg [dreg:$0x2]  }
0x4: {  	s2 =	simm.s32 $0x0;
	s6 =	srdreg.scid;
	s3 =	smul.u32 $0x500, s12  }
0x5: {  	s11 =	simm.s32 $0x800;
	s15 =	simm.s32 $0x8;
	s5 =	smul.u32 $0x50000, s12  }
0x6: {  	s16 =	simm.s32 $0x100;
	s17 =	simm.s32 $0x0;
	s7 =	smul.u32 $0x27000, s12  }
0x7: {  	[smem:$0x7FF] =	sst s2;
	s6 =	sand.u32 $0x1, s6;
	s10 =	smul.u32 $0x4E000, s12  }
0x8: {  	p0 =	sne.s32 s12, $0x0;
	s13 =	sshll.u32 s12, $0x6;
	s12 =	simm.s32 $0x80  }
0x9: {  	_ =	strace $0x80000065;
	s8 =	sshll.u32 s6, $0xA;
	s29 =	ssub.s32 $0x2, s6  }
0xa: {  	s6 =	sshll.u32 s6, $0x7;
	s13 =	sor.u32 $0x1C01, s13;
	s9 =	sadd.s32 s3, s4  }
0xb: {  	s5 =	sadd.s32 s5, s4;
	s28 =	sor.u32 s8, s7;
	s3 =	sadd.s32 $0x8E800, s4  }
0xc: {  	s30 =	sshrl.u32 s29, $0x1;
	s31 =	sshrl.u32 s10, $0x2;
	s8 =	sshrl.u32 @!p0 s1, $0x3  }
0xd: {  	s10 =	simm.s32 $0x400;
	s7 =	sshrl.u32 s28, $0x3;
	s14 =	sadd.s32 s31, s1  }
0xe: {  	s6 =	sadd.s32 s6, s5;
	s4 =	sadd.s32 s7, s4;
	s7 =	ssub.s32 s29, s30  }
0xf: {  	s6 =	sadd.s32 $0xD3AC00, s6;
	s14 =	sshrl.u32 s14, $0x3;
	s4 =	sadd.s32 $0x888E00, s4  }
0x10: {  	s5 =	smax.u32 s7, $0x1;
	s7 =	sadd.s32 $0xF400, s9;
	s9 =	simm.s32 $0x1  }
.LBB2_1:
0x11: {  	s18 =	simm.s32 @!p0 $0x1C01  }
0x12: {  	[spmem:s8], [sflag:s18] =	dma.local @!p0 [hbm:s3], $0x27100  }
0x13: {  	s18 =	simm.s32 @!p0 $0x1  }
0x14: {  	_ =	swait.ge @!p0 [sflag:s18], $0x27100  }
0x15: {  	[sflag:s18] =	ssyncset.done @!p0 $0x0  }
0x16: {  	[sflag:s18] =	ssyncadd.s32 @!p0 $0xFFFD8F00  }
0x17: {  	s31 =	sadd.s32 $0x0, s7;
	[bflag:$0x0] =	sbarrier.arrive $0xFFFF  }
0x18: {  	[tilespmem:s2], [sflag:$0x1] =	stream.linear.gather [hbm4b:s31+s2], $0x80, $0x38;
	[tilespmem:$0x17900] =	vst v63  }
0x19: {  	_ =	swait.ge [sflag:s9], $0x80  }
0x1a: {  	[sflag:s9] =	ssyncset.done $0x0  }
0x1b: {  	[sflag:s9] =	ssyncadd.s32 $0xFFFFFF80  }
0x1c: {  	[tilespmem:s12], [sflag:$0x1] =	stream.strided.gather [hbm4b:s6+s10], $0x4000, s11, s10, $0x38;
	[tilespmem:$0x17900] =	vst v63  }
0x1d: {  	_ =	swait.ge [sflag:s9], $0x4000  }
0x1e: {  	[sflag:s9] =	ssyncset.done $0x0  }
0x1f: {  	[sflag:s9] =	ssyncadd.s32 $0xFFFFC000  }
0x20: {  	[spmem:s1] =	stream.indirect.scatter.add.f32 [tilespmem:s12], [sflag:$0x1], $0x80, s2, s12, $0xb8;
	[tilespmem:$0x17900] =	vst v63  }
0x21: {  	s19 =	simm.s32 $0x10;
	_ =	swait.ge [sflag:s9], $0x4000  }
0x22: {  	s20 =	simm.s32 $0x20;
	s18 =	sadd.s32 $0x1000, s6;
	[sflag:s9] =	ssyncset.done $0x0  }
.LBB2_2:
0x23: {  	s21 =	sadd.s32 s19, s7  }
0x24: {  	[sflag:s9] =	ssyncadd.s32 $0xFFFFC000;
	s19 =	smov.u32 s20;
	s22 =	sadd.s32 $0x10, s20  }
0x25: {  	[tilespmem:s2], [sflag:$0x1] =	stream.linear.gather [hbm4b:s21+s2], $0x80, $0x38;
	[tilespmem:$0x17900] =	vst v63  }
0x26: {  	p1 =	sne.s32 s20, $0x4F0;
	_ =	swait.ge [sflag:s9], $0x80  }
0x27: {  	[sflag:s9] =	ssyncset.done $0x0  }
0x28: {  	[sflag:s9] =	ssyncadd.s32 $0xFFFFFF80  }
0x29: {  	[tilespmem:s12], [sflag:$0x1] =	stream.strided.gather [hbm4b:s18+s10], $0x4000, s11, s10, $0x38;
	[tilespmem:$0x17900] =	vst v63  }
0x2a: {  	_ =	swait.ge [sflag:s9], $0x4000  }
.Ltmp0:
0x2b: {  	[sflag:s9] =	ssyncset.done $0x0;
	(pc) =	sbr.rel @p1 .LBB2_2-.Ltmp0, $4  }
0x2c: {  	[sflag:s9] =	ssyncadd.s32 $0xFFFFC000  }
0x2d: {  	[spmem:s1] =	stream.indirect.scatter.add.f32 [tilespmem:s12], [sflag:$0x1], $0x80, s2, s12, $0xb8;
	[tilespmem:$0x17900] =	vst v63  }
0x2e: {  	_ =	swait.ge [sflag:s9], $0x4000  }
0x2f: {  	s20 =	smov.u32 s22;
	s18 =	sadd.s32 $0x1000, s18;
	[sflag:s9] =	ssyncset.done $0x0  }
0x30: {  	s19 =	sadd.s32 s19, s7;
	[sflag:s9] =	ssyncadd.s32 $0xFFFFC000  }
0x31: {  	[tilespmem:s2], [sflag:$0x1] =	stream.linear.gather [hbm4b:s19+s2], $0x80, $0x38;
	[tilespmem:$0x17900] =	vst v63  }
0x32: {  	_ =	swait.ge [sflag:s9], $0x80  }
0x33: {  	[sflag:s9] =	ssyncset.done $0x0  }
0x34: {  	[sflag:s9] =	ssyncadd.s32 $0xFFFFFF80  }
0x35: {  	[tilespmem:s12], [sflag:$0x1] =	stream.strided.gather [hbm4b:s18+s10], $0x4000, s11, s10, $0x38;
	[tilespmem:$0x17900] =	vst v63  }
0x36: {  	_ =	swait.ge [sflag:s9], $0x4000  }
0x37: {  	[sflag:s9] =	ssyncset.done $0x0  }
0x38: {  	[sflag:s9] =	ssyncadd.s32 $0xFFFFC000  }
0x39: {  	[spmem:s1] =	stream.indirect.scatter.add.f32 [tilespmem:s12], [sflag:$0x1], $0x80, s2, s12, $0xb8;
	[tilespmem:$0x17900] =	vst v63  }
0x3a: {  	_ =	swait.ge [sflag:s9], $0x4000  }
0x3b: {  	s17 =	sadd.s32 $0x1, s17;
	[sflag:s9] =	ssyncset.done $0x0  }
0x3c: {  	p1 =	sne.s32 s17, s5;
	[sflag:s9] =	ssyncadd.s32 $0xFFFFC000  }
.Ltmp1:
0x3d: {  	[bflag:$0x0] =	sbarrier.arrive $0xFFFF;
	(pc) =	sbr.rel @p1 .LBB2_1-.Ltmp1, $4  }
0x3e: {  	[hbm:s4@s16], [sflag:s13] =	dma.strided [spmem:s14@s12], $0x2800, s15, $0x10   }
0x3f: {  	_ =	swait.ge [sflag:s9], $0x2800  }
0x40: {  	[sflag:s9] =	ssyncset.done $0x0  }
0x41: {  	[sflag:s9] =	ssyncadd.s32 $0xFFFFD800  }
0x42: {  	_ =	sfence.sel $0x180000  }
0x43: {  	[bflag:$0x0] =	sbarrier.arrive $0xFFFF  }
0x44: {  	_ =	strace $0x90000065  }
0x45: {  	s0 =	sadd.s32 @!p0 $0x100000, s0;
	[bflag:$0x2] =	sbarrier.arrive $0xFFFF  }
0x46: {  	[sflag:s0] =	ssyncadd.tile.s32 @!p0 $0x1;
	_ =	shalt  }
.Lfunc_end2:
_tile_overlayer_lowered:
.L_overlay_start_2:
0x47: {  	(tag) =	ssettag $0x2  }
0x48: {  	s0 =	rddreg [dreg:$0x0];
	s2 =	stileid.u32  }
0x49: {  	s1 =	rddreg [dreg:$0x1];
	p0 =	sne.s32 s2, $0x0  }
0x4a: {  	s3 =	rddreg [dreg:$0x2];
	[bflag:$0x3] =	sbarrier.arrive $0xFFFF;
	s2 =	simm.s32 @!p0 $0x1C01  }
0x4b: {  	[timem:s3], [sflag:s2] =	dma.local @!p0 [hbm:s0], s1  }
0x4c: {  	s0 =	simm.s32 @!p0 $0x1  }
0x4d: {  	_ =	swait.ge @!p0 [sflag:s0], s1  }
0x4e: {  	s1 =	ssub.s32 @!p0 $0x0, s1;
	[sflag:s0] =	ssyncset.done @!p0 $0x0  }
0x4f: {  	[sflag:s0] =	ssyncadd.s32 @!p0 s1  }
0x50: {  	[bflag:$0x3] =	sbarrier.arrive $0xFFFF  }
0x51: {  	_ =	shalt  }

// kernel: kernel.66.cloned.1.call-start
scs
__scs_entry_jumppad:
0x0: {  	(pc) =	sbr.rel $0x88, $3  }
0x1: {  	(tag) =	ssettag $0x0;
	lr =	simm.s32 $0x1  }
0x2: {  	[smem:$0x3F82] =	sst lr;
	_ =	strace $0xD0000000  }
0x3: {  	_ = 	snop  }
0x4: {  	_ = 	snop  }
0x5: {  	_ = 	snop  }
0x6: {  	_ = 	snop  }
0x7: {  	_ = 	snop  }
__scs_overlays_trampoline_lowered:
0x8: {  	[smem:$0x3F91] =	sst s0  }
0x9: {  	[smem:$0x3F92] =	sst s1  }
0xa: {  	[smem:$0x3F93] =	sst s2  }
0xb: {  	[smem:$0x3F94] =	sst s3  }
0xc: {  	[smem:$0x3F95] =	sst s4  }
0xd: {  	[smem:$0x3F96] =	sst s5  }
0xe: {  	[smem:$0x3F97] =	sst s6  }
0xf: {  	[smem:$0x3F98] =	sst s7  }
0x10: {  	[smem:$0x3F99] =	sst s8  }
0x11: {  	[smem:$0x3F9A] =	sst s9;
	s0 =	simm.s32 @!p0 $0x0  }
0x12: {  	s1 =	sld [smem:$0x3F80];
	s0 =	simm.s32 @p0 $0x1  }
0x13: {  	[smem:$0x3F9B] =	sst s0;
	s0 =	simm.s32 @!p1 $0x0  }
0x14: {  	s2 =	sld [smem:$0x3F7F];
	s0 =	simm.s32 @p1 $0x1  }
0x15: {  	[smem:$0x3F9C] =	sst s0;
	s0 =	simm.s32 @!p2 $0x0  }
0x16: {  	s3 =	sld [smem:$0x3FDB];
	s0 =	simm.s32 @p2 $0x1  }
0x17: {  	s4 =	simm.s32 $0x1BF5;
	[smem:$0x3F9E] =	sst s0  }
0x18: {  	s0 =	sld [smem:$0x3F81];
	_ =	swait.ge [sflag:s4], $0x0  }
0x19: {  	s7 =	sld [smem:$0x3F82]  }
0x1a: {  	s8 =	sadd.s32 $0xFFFFE003, lr  }
0x1b: {  	s9 =	sadd.s32 $0xFFFFFEF7, lr;
	s5 =	simm.s32 $0xFFFFFFFF;
	p2 =	slt.u32 s8, $0xFFFFF086  }
0x1c: {  	p1 =	slt.u32 s9, $0xF7A;
	s5 =	simm.s32 @!p2 $0x0  }
0x1d: {  	s5 =	simm.s32 @p1 $0x1;
	p0 =	seq.s32 s7, s2  }
0x1e: {  	s7 =	smul.u32 @!p0 $0xF7A, s2;
	p2 =	seq.s32 @!p0 s5, $0x0  }
0x1f: {  	s9 =	smul.u32 $0xF7A, s1;
	s8 =	simm.s32 @!p0 $0x1BF5;
	p2 =	por !p2, p0  }
0x20: {  	[sflag:s8] =	ssyncset.s32 @!p0 $0xFFFFF086;
	s6 =	sadd.s32 @!p0 s3, s7;
	s7 =	simm.s32 @!p0 $0x108  }
0x21: {  	s3 =	sadd.s32 s3, s9;
	s6 =	sadd.s32 @!p0 $0x88, s6;
	s7 =	simm.s32 @p2 $0x1082  }
0x22: {  	[simem:s7], [sflag:s8] =	dma.local @!p0 [hbm:s6], $0xF7A  }
0x23: {  	s9 =	sor.u32 $0xD0000000, s2;
	s6 =	simm.s32 $0x108;
	_ =	swait.ge @!p0 [sflag:s8], $0x0  }
0x24: {  	s3 =	sadd.s32 $0x88, s3;
	s6 =	simm.s32 @!p1 $0x1082;
	[sflag:s4] =	ssyncset.s32 $0xFFFFF086  }
0x25: {  	[simem:s6], [sflag:s4] =	dma.local [hbm:s3], $0xF7A  }
0x26: {  	[smem:$0x3F82] =	sst s1;
	(tag) =	ssettag s2;
	_ =	strace s9  }
0x27: {  	s1 =	sld [smem:$0x3F92]  }
0x28: {  	s2 =	sld [smem:$0x3F93]  }
0x29: {  	s4 =	sld [smem:$0x3F95]  }
0x2a: {  	p0 =	seq.s32 s5, $0x0;
	s5 =	sld [smem:$0x3F96]  }
0x2b: {  	s6 =	sld [smem:$0x3F97]  }
0x2c: {  	s7 =	sld [smem:$0x3F98]  }
0x2d: {  	s3 =	simm.s32 $0x108;
	s8 =	sld [smem:$0x3F99]  }
0x2e: {  	s3 =	simm.s32 @!p0 $0x1082;
	s9 =	sld [smem:$0x3F9A]  }
0x2f: {  	lr =	sadd.s32 s0, s3;
	s0 =	sld [smem:$0x3F91]  }
0x30: {  	s3 =	sld [smem:$0x3F94]  }
0x31: {  	[smem:$0x3F9D] =	sst s10  }
0x32: {  	s10 =	sld [smem:$0x3F9B];
	_ =	sdelay $0x3  }
0x33: {  	p0 =	seq.s32 s10, $0x1;
	s10 =	sld [smem:$0x3F9D];
	_ =	sdelay $0x3  }
0x34: {  	[smem:$0x3F9D] =	sst s10  }
0x35: {  	s10 =	sld [smem:$0x3F9C];
	_ =	sdelay $0x3  }
0x36: {  	p1 =	seq.s32 s10, $0x1;
	s10 =	sld [smem:$0x3F9D];
	_ =	sdelay $0x3  }
0x37: {  	[smem:$0x3F9D] =	sst s10  }
0x38: {  	s10 =	sld [smem:$0x3F9E]  }
0x39: {  	_ = 	snop;
	(pc) =	sbr.ind lr, $3  }
0x3a: {  	_ = 	snop  }
0x3b: {  	_ = 	snop  }
0x3c: {  	p2 =	seq.s32 s10, $0x1;
	s10 =	sld [smem:$0x3F9D]  }
0x3d: {  	_ =	shalt  }
0x3e: {  	_ =	shalt  }
0x3f: {  	_ =	shalt  }
0x40: {  	_ =	shalt  }
0x41: {  	_ =	shalt  }
0x42: {  	_ =	shalt  }
0x43: {  	_ =	shalt  }
0x44: {  	_ =	shalt  }
0x45: {  	_ =	shalt  }
0x46: {  	_ =	shalt  }
0x47: {  	_ =	shalt  }
0x48: {  	_ =	shalt  }
0x49: {  	_ =	shalt  }
0x4a: {  	_ =	shalt  }
0x4b: {  	_ =	shalt  }
0x4c: {  	_ =	shalt  }
0x4d: {  	_ =	shalt  }
0x4e: {  	_ =	shalt  }
0x4f: {  	_ =	shalt  }
0x50: {  	_ =	shalt  }
0x51: {  	_ =	shalt  }
0x52: {  	_ =	shalt  }
0x53: {  	_ =	shalt  }
0x54: {  	_ =	shalt  }
0x55: {  	_ =	shalt  }
0x56: {  	_ =	shalt  }
0x57: {  	_ =	shalt  }
0x58: {  	_ =	shalt  }
0x59: {  	_ =	shalt  }
0x5a: {  	_ =	shalt  }
0x5b: {  	_ =	shalt  }
0x5c: {  	_ =	shalt  }
0x5d: {  	_ =	shalt  }
0x5e: {  	_ =	shalt  }
0x5f: {  	_ =	shalt  }
0x60: {  	_ =	shalt  }
0x61: {  	_ =	shalt  }
0x62: {  	_ =	shalt  }
0x63: {  	_ =	shalt  }
0x64: {  	_ =	shalt  }
0x65: {  	_ =	shalt  }
0x66: {  	_ =	shalt  }
0x67: {  	_ =	shalt  }
0x68: {  	_ =	shalt  }
0x69: {  	_ =	shalt  }
0x6a: {  	_ =	shalt  }
0x6b: {  	_ =	shalt  }
0x6c: {  	_ =	shalt  }
0x6d: {  	_ =	shalt  }
0x6e: {  	_ =	shalt  }
0x6f: {  	_ =	shalt  }
0x70: {  	_ =	shalt  }
0x71: {  	_ =	shalt  }
0x72: {  	_ =	shalt  }
0x73: {  	_ =	shalt  }
0x74: {  	_ =	shalt  }
0x75: {  	_ =	shalt  }
0x76: {  	_ =	shalt  }
0x77: {  	_ =	shalt  }
0x78: {  	_ =	shalt  }
0x79: {  	_ =	shalt  }
0x7a: {  	_ =	shalt  }
0x7b: {  	_ =	shalt  }
0x7c: {  	_ =	shalt  }
0x7d: {  	_ =	shalt  }
0x7e: {  	_ =	shalt  }
0x7f: {  	_ =	shalt  }
0x80: {  	_ =	shalt  }
0x81: {  	_ =	shalt  }
0x82: {  	_ =	shalt  }
0x83: {  	_ =	shalt  }
0x84: {  	_ =	shalt  }
0x85: {  	_ =	shalt  }
0x86: {  	_ =	shalt  }
0x87: {  	_ =	shalt  }
.Lfunc_end0:
.L_simem_size_0:
called_computation.11_lowered:
.L_overlay_start_0:
0x88: {  	s2 =	sld [smem:$0x3FD9]  }
0x89: {  	s3 =	sld [smem:$0x3FFE];
	_ =	sdelay $0x1  }
0x8a: {  	s1 =	srdreg.scid  }
0x8b: {  	s0 =	sand.u32 $0x1, s1  }
0x8c: {  	s16 =	sshll.u32 s0, $0xA;
	s2 =	sadd.s32 s3, s2  }
0x8d: {  	s2 =	sadd.s32 s2, s16  }
0x8e: {  	[smem:$0x3FA9] =	sst s2  }
0x8f: {  	_ = 	snop  }
0x90: {  	(tm) =	ssettm $0x1  }
0x91: {  	s17 =	sld [smem:$0x3FFB];
	_ =	sdelay $0x3  }
0x92: {  	_ =	strace s17  }
0x93: {  	s2 =	sld [smem:$0x3FFC];
	_ =	sdelay $0x3  }
0x94: {  	_ =	strace s2  }
0x95: {  	s2 =	sld [smem:$0x3FFD];
	_ =	sdelay $0x3  }
0x96: {  	_ =	strace s2  }
0x97: {  	_ =	strace $0x8FFFFFFF  }
0x98: {  	s18 =	sld [smem:$0x3FDB];
	_ =	sdelay $0x1  }
0x99: {  	s19 =	simm.s32 $_scs_section_size  }
0x9a: {  	s4 =	simm.s32 $_size__tile_overlayer_lowered;
	s5 =	simm.s32 $_tile_overlayer_lowered  }
0x9b: {  	s22 =	simm.s32 $0x1BFF;
	s21 =	sshll.u32 s5, $0x1;
	s2 =	sadd.s32 s19, s18  }
0x9c: {  	s6 =	simm.s32 $0x0;
	s20 =	sshll.u32 s4, $0x1;
	s4 =	sadd.s32 s21, s2  }
0x9d: {  	[timem:s6], [sflag:s22] =	dma.local [hbm:s4], s20  }
0x9e: {  	_ =	swait.ge [sflag:s22], s20  }
0x9f: {  	s3 =	ssub.s32 $0x0, s20;
	[sflag:s22] =	ssyncset.done $0x0  }
0xa0: {  	[sflag:s22] =	ssyncadd.s32 s3;
	_ =	sdelay $0x1  }
0xa1: {  	s23 =	simm.s32 $0x1B8B  }
0xa2: {  	_ =	swait.ge [sflag:s23], $0x1  }
0xa3: {  	[sflag:s23] =	ssyncset.done $0x0  }
0xa4: {  	s25 =	simm.s32 $0x1B8E;
	s24 =	sld [smem:$0x3FFE];
	[sflag:s23] =	ssyncadd.s32 $0xFFFFFFFF  }
0xa5: {  	s26 =	simm.s32 $execute0_lowered;
	[smem:$0x3FD2] =	sst s25  }
0xa6: {  	s4 =	sshll.u32 s26, $0x1;
	_ =	strace $0x80000067;
	[dreg:$0x1] =	wrdreg $0xFFFFFFFF  }
0xa7: {  	s28 =	simm.s32 $_size_execute0_lowered;
	s2 =	sadd.s32 s2, s4;
	[dreg:$0x0] =	wrdreg $0x0  }
0xa8: {  	s4 =	sshll.u32 s28, $0x1;
	[dreg:$0x2] =	wrdreg s2  }
0xa9: {  	[dreg:$0x3] =	wrdreg s4  }
0xaa: {  	[dreg:$0x4] =	wrdreg $0xC0  }
0xab: {  	_ =	task [dreg:s6], $0x5FFFF  }
0xac: {  	[dreg:$0x1] =	wrdreg $0xFFFFFFFF  }
0xad: {  	[dreg:$0x0] =	wrdreg $0x60  }
0xae: {  	[dreg:$0x2] =	wrdreg s24  }
0xaf: {  	[dreg:$0x3] =	wrdreg $0x9  }
0xb0: {  	_ =	task.clear_ibuf [dreg:s6], $0x4FFFF;
	_ =	strace $0x90000067  }
0xb1: {  	s29 =	simm.s32 $0x9;
	_ =	strace $0x80000069  }
0xb2: {  	_ =	swait.ge [sflag:s29], $0x1  }
0xb3: {  	[sflag:s29] =	ssyncadd.s32 $0xFFFFFFFF  }
0xb4: {  	_ =	strace $0x90000069  }
0xb5: {  	_ =	sfence  }
0xb6: {  	s30 =	sld [smem:$0x0];
	_ =	sdelay $0x2  }
0xb7: {  	s31 =	sshll.u32 s1, $0xD;
	s1 =	sshrl.u32 s1, $0x2  }
0xb8: {  	s3 =	sand.u32 $0x4000, s31;
	s1 =	sadd.s32 s1, s30  }
0xb9: {  	s0 =	sor.u32 s3, s0;
	s1 =	sshll.u32 s1, $0x11  }
0xba: {  	s0 =	sor.u32 s1, s0  }
0xbb: {  	s0 =	sadd.s32 $0x8F2B, s0  }
0xbc: {  	[sflag:s0] =	ssyncadd.remote.s32 $0x1  }
0xbd: {  	_ =	sfence.sel $0xFFFF  }
0xbe: {  	[dreg:$0x0] =	wrdreg $0xFFFFFFFF;
	(pc) =	sbr.abs _section_cstart, $3  }
0xbf: {  	[dreg:$0x1] =	wrdreg $0xFFFFFFFF  }
0xc0: {  	_ =	task.clear_ibuf [dreg:s6], $0x2FFFF;
	_ =	strace $0x9FFFFFFF  }
0xc1: {  	(tm) =	ssettm $0x7FFFFFFF  }
tec
execute0_lowered:
.L_overlay_start_1:
0x0: {  	(tag) =	ssettag $0x1  }
0x1: {  	s1 =	srdreg.scid  }
0x2: {  	s0 =	stileid.u32;
	s5 =	rddreg [dreg:$0x0];
	s2 =	simm.s32 $0x0  }
0x3: {  	s11 =	simm.s32 $0x1100;
	s12 =	simm.s32 $0x1900;
	s13 =	simm.s32 $0x2100  }
0x4: {  	s14 =	simm.s32 $0x2900;
	s15 =	simm.s32 $0x3100;
	s16 =	simm.s32 $0x3900  }
0x5: {  	s17 =	simm.s32 $0x4100;
	s18 =	simm.s32 $0x4900;
	s19 =	simm.s32 $0x5100  }
0x6: {  	s20 =	simm.s32 $0x5900;
	s21 =	simm.s32 $0x6100;
	s3 =	smul.u32 $0x2800, s0  }
0x7: {  	s28 =	simm.s32 $0x2;
	s1 =	sand.u32 $0x1, s1;
	s22 =	smul.u32 $0x50000, s0  }
0x8: {  	[smem:$0x7FF] =	sst s2;
	s7 =	sadd.s32 $0x109C00, s5;
	s8 =	smul.u32 $0x28000, s0  }
0x9: {  	s29 =	simm.s32 $0x0;
	s4 =	smul.u32 $0x1400, s1;
	_ =	strace $0x80000068  }
0xa: {  	[dreg:$0x2] =	wrdreg s7;
	s23 =	ssub.s32 $0x2, s1;
	s9 =	smul.u32 $0x14000, s1  }
0xb: {  	s1 =	smul.u32 $0x28000, s1;
	s7 =	simm.s32 $0x3;
	s10 =	sadd.s32 s22, s5  }
0xc: {  	s24 =	sadd.s32 s8, s5;
	s25 =	sshrl.u32 s23, $0x1;
	s8 =	simm.s32 $0x80  }
0xd: {  	s22 =	simm.s32 $0x6900;
	s3 =	sadd.s32 s4, s3;
	s26 =	sadd.s32 s9, s24  }
0xe: {  	s1 =	sadd.s32 s1, s10;
	s9 =	simm.s32 $0x100;
	s3 =	sshrl.u32 s3, $0x3  }
0xf: {  	s10 =	simm.s32 $0x900;
	s24 =	simm.s32 $0x7900;
	s6 =	sadd.s32 s3, s5  }
0x10: {  	s3 =	sadd.s32 $0xBBA00, s5;
	s5 =	ssub.s32 s23, s25;
	s23 =	simm.s32 $0x7100  }
0x11: {  	v2 =	vlaneseq.u32;
	s25 =	simm.s32 $0x8100;
	s4 =	smax.u32 s5, $0x1;
	s30 =	sadd.s32 $0xF400, s6  }
0x12: {  	vm0 =	vmmov $0xffff;
	v1 =	vshrl.u32 v2, $0x3;
	s5 =	sadd.s32 $0x83AC00, s26;
	s31 =	sadd.s32 $0x14400, s6;
	[dreg:$0x3] =	wrdreg s30  }
0x13: {  	v0 =	vand.u32 $0x7, v2;
	v2 =	vor.u32 $0x8, v2;
	v1 =	vmul.u32 $0x8, v1;
	s6 =	sadd.s32 $0x130E00, s1;
	s26 =	simm.s32 $0x1;
	[dreg:$0x4] =	wrdreg s31  }
.LBB2_1:
0x14: {  	s30 =	smov.u32 s6;
	s31 =	smov.u32 s5;
	s1 =	simm.s32 $0x0  }
.LBB2_2:
0x15: {  	s0 =	rddreg [dreg:$0x4]  }
0x16: {  	s0 =	sadd.s32 s1, s0  }
0x17: {  	[tilespmem:s2], [sflag:$0x3] =	stream.linear.gather [hbm4b:s0+s2], $0x80, $0x38;
	[tilespmem:$0xC100] =	vst v63  }
0x18: {  	_ =	swait.ge [sflag:s7], $0x80  }
0x19: {  	s0 =	rddreg [dreg:$0x3];
	[sflag:s7] =	ssyncset.done $0x0  }
0x1a: {  	[sflag:s7] =	ssyncadd.s32 $0xFFFFFF80;
	s0 =	sadd.s32 s1, s0  }
0x1b: {  	[tilespmem:s8], [sflag:$0x3] =	stream.linear.gather [hbm4b:s0+s2], $0x80, $0x38;
	[tilespmem:$0xC100] =	vst v63  }
0x1c: {  	_ =	swait.ge [sflag:s7], $0x80  }
0x1d: {  	[sflag:s7] =	ssyncset.done $0x0  }
0x1e: {  	[sflag:s7] =	ssyncadd.s32 $0xFFFFFF80  }
0x1f: {  	v3 =	vld [tilespmem:$0x0];
	_ =	sdelay $0x4  }
0x20: {  	v4 =	vshll.u32 v3, $0x1  }
0x21: {  	v3 =	vand.u32 $0x7, v3;
	v4 =	vand.u32 $0xFFFFFFF0, v4  }
0x22: {  	v3 =	vor.u32 v3, v4  }
0x23: {  	v4 =	vperm.xlane v3, v0;
	_ =	sdelay $0x1  }
0x24: {  	v3 =	vperm.xlane v3, v2;
	v4 =	vadd.s32 v1, v4;
	_ =	sdelay $0x1  }
0x25: {  	v3 =	vadd.s32 v1, v3;
	_ =	sdelay $0x2  }
0x26: {  	[tilespmem:s9], [sflag:$0x1] =	stream.indirect_vreg.gather [hbm4b:s3+s2], $0x80, v4, vm0, $0xb8;
	[tilespmem:$0xC100] =	vst v63  }
0x27: {  	_ = 	snop  }
0x28: {  	[tilespmem:s10], [sflag:$0x1] =	stream.indirect_vreg.gather [hbm4b:s3+s2], $0x80, v3, vm0, $0xb8;
	[tilespmem:$0xC100] =	vst v63  }
0x29: {  	v3 =	vld [tilespmem:$0x10];
	_ =	sdelay $0x4  }
0x2a: {  	v57 =	vshll.u32 v3, $0x1  }
0x2b: {  	v3 =	vand.u32 $0x7, v3;
	v4 =	vand.u32 $0xFFFFFFF0, v57  }
0x2c: {  	v3 =	vor.u32 v3, v4  }
0x2d: {  	v4 =	vperm.xlane v3, v0;
	_ =	sdelay $0x1  }
0x2e: {  	v3 =	vperm.xlane v3, v2;
	v4 =	vadd.s32 v1, v4;
	_ =	sdelay $0x1  }
0x2f: {  	v3 =	vadd.s32 v1, v3;
	_ =	sdelay $0x2  }
0x30: {  	[tilespmem:s11], [sflag:$0x1] =	stream.indirect_vreg.gather [hbm4b:s3+s2], $0x80, v4, vm0, $0xb8;
	[tilespmem:$0xC100] =	vst v63  }
0x31: {  	_ = 	snop  }
0x32: {  	[tilespmem:s12], [sflag:$0x1] =	stream.indirect_vreg.gather [hbm4b:s3+s2], $0x80, v3, vm0, $0xb8;
	[tilespmem:$0xC100] =	vst v63  }
0x33: {  	v3 =	vld [tilespmem:$0x20];
	_ =	sdelay $0x4  }
0x34: {  	v58 =	vshll.u32 v3, $0x1  }
0x35: {  	v3 =	vand.u32 $0x7, v3;
	v4 =	vand.u32 $0xFFFFFFF0, v58  }
0x36: {  	v3 =	vor.u32 v3, v4  }
0x37: {  	v4 =	vperm.xlane v3, v0;
	_ =	sdelay $0x1  }
0x38: {  	v3 =	vperm.xlane v3, v2;
	v4 =	vadd.s32 v1, v4;
	_ =	sdelay $0x1  }
0x39: {  	v3 =	vadd.s32 v1, v3;
	_ =	sdelay $0x2  }
0x3a: {  	[tilespmem:s13], [sflag:$0x1] =	stream.indirect_vreg.gather [hbm4b:s3+s2], $0x80, v4, vm0, $0xb8;
	[tilespmem:$0xC100] =	vst v63  }
0x3b: {  	_ = 	snop  }
0x3c: {  	[tilespmem:s14], [sflag:$0x1] =	stream.indirect_vreg.gather [hbm4b:s3+s2], $0x80, v3, vm0, $0xb8;
	[tilespmem:$0xC100] =	vst v63  }
0x3d: {  	v3 =	vld [tilespmem:$0x30];
	_ =	sdelay $0x4  }
0x3e: {  	v59 =	vshll.u32 v3, $0x1  }
0x3f: {  	v3 =	vand.u32 $0x7, v3;
	v4 =	vand.u32 $0xFFFFFFF0, v59  }
0x40: {  	v3 =	vor.u32 v3, v4  }
0x41: {  	v4 =	vperm.xlane v3, v0;
	_ =	sdelay $0x1  }
0x42: {  	v3 =	vperm.xlane v3, v2;
	v4 =	vadd.s32 v1, v4;
	_ =	sdelay $0x1  }
0x43: {  	v3 =	vadd.s32 v1, v3;
	_ =	sdelay $0x2  }
0x44: {  	[tilespmem:s15], [sflag:$0x1] =	stream.indirect_vreg.gather [hbm4b:s3+s2], $0x80, v4, vm0, $0xb8;
	[tilespmem:$0xC100] =	vst v63  }
0x45: {  	_ = 	snop  }
0x46: {  	[tilespmem:s16], [sflag:$0x1] =	stream.indirect_vreg.gather [hbm4b:s3+s2], $0x80, v3, vm0, $0xb8;
	[tilespmem:$0xC100] =	vst v63  }
0x47: {  	v3 =	vld [tilespmem:$0x40];
	_ =	sdelay $0x4  }
0x48: {  	v60 =	vshll.u32 v3, $0x1  }
0x49: {  	v3 =	vand.u32 $0x7, v3;
	v4 =	vand.u32 $0xFFFFFFF0, v60  }
0x4a: {  	v3 =	vor.u32 v3, v4  }
0x4b: {  	v4 =	vperm.xlane v3, v0;
	_ =	sdelay $0x1  }
0x4c: {  	v3 =	vperm.xlane v3, v2;
	v4 =	vadd.s32 v1, v4;
	_ =	sdelay $0x1  }
0x4d: {  	v3 =	vadd.s32 v1, v3;
	_ =	sdelay $0x2  }
0x4e: {  	[tilespmem:s17], [sflag:$0x1] =	stream.indirect_vreg.gather [hbm4b:s3+s2], $0x80, v4, vm0, $0xb8;
	[tilespmem:$0xC100] =	vst v63  }
0x4f: {  	_ = 	snop  }
0x50: {  	[tilespmem:s18], [sflag:$0x1] =	stream.indirect_vreg.gather [hbm4b:s3+s2], $0x80, v3, vm0, $0xb8;
	[tilespmem:$0xC100] =	vst v63  }
0x51: {  	v3 =	vld [tilespmem:$0x50];
	_ =	sdelay $0x4  }
0x52: {  	v61 =	vshll.u32 v3, $0x1  }
0x53: {  	v3 =	vand.u32 $0x7, v3;
	v4 =	vand.u32 $0xFFFFFFF0, v61  }
0x54: {  	v3 =	vor.u32 v3, v4  }
0x55: {  	v4 =	vperm.xlane v3, v0;
	_ =	sdelay $0x1  }
0x56: {  	v3 =	vperm.xlane v3, v2;
	v4 =	vadd.s32 v1, v4;
	_ =	sdelay $0x1  }
0x57: {  	v3 =	vadd.s32 v1, v3;
	_ =	sdelay $0x2  }
0x58: {  	[tilespmem:s19], [sflag:$0x1] =	stream.indirect_vreg.gather [hbm4b:s3+s2], $0x80, v4, vm0, $0xb8;
	[tilespmem:$0xC100] =	vst v63  }
0x59: {  	_ = 	snop  }
0x5a: {  	[tilespmem:s20], [sflag:$0x1] =	stream.indirect_vreg.gather [hbm4b:s3+s2], $0x80, v3, vm0, $0xb8;
	[tilespmem:$0xC100] =	vst v63  }
0x5b: {  	v3 =	vld [tilespmem:$0x60];
	_ =	sdelay $0x4  }
0x5c: {  	v62 =	vshll.u32 v3, $0x1  }
0x5d: {  	v3 =	vand.u32 $0x7, v3;
	v4 =	vand.u32 $0xFFFFFFF0, v62  }
0x5e: {  	v3 =	vor.u32 v3, v4  }
0x5f: {  	v4 =	vperm.xlane v3, v0;
	_ =	sdelay $0x1  }
0x60: {  	v3 =	vperm.xlane v3, v2;
	v4 =	vadd.s32 v1, v4;
	_ =	sdelay $0x1  }
0x61: {  	v3 =	vadd.s32 v1, v3;
	_ =	sdelay $0x2  }
0x62: {  	[tilespmem:s21], [sflag:$0x1] =	stream.indirect_vreg.gather [hbm4b:s3+s2], $0x80, v4, vm0, $0xb8;
	[tilespmem:$0xC100] =	vst v63  }
0x63: {  	_ = 	snop  }
0x64: {  	[tilespmem:s22], [sflag:$0x1] =	stream.indirect_vreg.gather [hbm4b:s3+s2], $0x80, v3, vm0, $0xb8;
	[tilespmem:$0xC100] =	vst v63  }
0x65: {  	v3 =	vld [tilespmem:$0x70];
	_ =	sdelay $0x4  }
0x66: {  	v63 =	vshll.u32 v3, $0x1  }
0x67: {  	v3 =	vand.u32 $0x7, v3;
	v4 =	vand.u32 $0xFFFFFFF0, v63  }
0x68: {  	v3 =	vor.u32 v3, v4  }
0x69: {  	v4 =	vperm.xlane v3, v0;
	_ =	sdelay $0x1  }
0x6a: {  	v3 =	vperm.xlane v3, v2;
	v4 =	vadd.s32 v1, v4;
	_ =	sdelay $0x1  }
0x6b: {  	v3 =	vadd.s32 v1, v3;
	_ =	sdelay $0x2  }
0x6c: {  	[tilespmem:s23], [sflag:$0x1] =	stream.indirect_vreg.gather [hbm4b:s3+s2], $0x80, v4, vm0, $0xb8;
	[tilespmem:$0xC100] =	vst v63  }
0x6d: {  	_ = 	snop  }
0x6e: {  	[tilespmem:s24], [sflag:$0x1] =	stream.indirect_vreg.gather [hbm4b:s3+s2], $0x80, v3, vm0, $0xb8;
	[tilespmem:$0xC100] =	vst v63  }
0x6f: {  	s0 =	rddreg [dreg:$0x2]  }
0x70: {  	[tilespmem:s25], [sflag:$0x2] =	stream.indirect.gather [hbm4b:s0+s8], $0x80, s8, s8, $0xb8;
	[tilespmem:$0xC100] =	vst v63  }
0x71: {  	_ =	swait.ge [sflag:s26], $0x8000  }
0x72: {  	[sflag:s26] =	ssyncset.done $0x0  }
0x73: {  	[sflag:s26] =	ssyncadd.s32 $0xFFFF8000  }
0x74: {  	_ =	swait.ge [sflag:s28], $0x4000  }
0x75: {  	[sflag:s28] =	ssyncset.done $0x0  }
0x76: {  	[sflag:s28] =	ssyncadd.s32 $0xFFFFC000  }
0x77: {  	[hbm4b:s30+s2] =	stream.linear.scatter [tilespmem:s9], [sflag:$0x3], $0x8000, $0x38;
	[tilespmem:$0xC100] =	vst v63  }
0x78: {  	_ =	swait.ge [sflag:s7], $0x8000  }
0x79: {  	p0 =	sne.s32 s1, $0x270;
	[sflag:s7] =	ssyncset.done $0x0  }
.Ltmp0:
0x7a: {  	[sflag:s7] =	ssyncadd.s32 $0xFFFF8000;
	(pc) =	sbr.rel @p0 .LBB2_2-.Ltmp0, $4  }
0x7b: {  	[hbm4b:s31+s2] =	stream.linear.scatter [tilespmem:s25], [sflag:$0x3], $0x4000, $0x38;
	[tilespmem:$0xC100] =	vst v63  }
0x7c: {  	_ =	swait.ge [sflag:s7], $0x4000  }
0x7d: {  	s1 =	sadd.s32 $0x10, s1;
	[sflag:s7] =	ssyncset.done $0x0  }
0x7e: {  	s30 =	sadd.s32 $0x1000, s30;
	s31 =	sadd.s32 $0x800, s31;
	[sflag:s7] =	ssyncadd.s32 $0xFFFFC000  }
0x7f: {  	s29 =	sadd.s32 $0x1, s29  }
0x80: {  	p0 =	sne.s32 s29, s4  }
.Ltmp1:
0x81: {  	_ = 	snop;
	(pc) =	sbr.rel @p0 .LBB2_1-.Ltmp1, $1  }
0x82: {  	_ =	sdelay $0x3  }
0x83: {  	_ =	sfence.sel $0x180000  }
0x84: {  	[bflag:$0x0] =	sbarrier.arrive $0xFFFF  }
0x85: {  	_ =	strace $0x90000068  }
0x86: {  	s0 =	stileid.u32;
	[bflag:$0x2] =	sbarrier.arrive $0xFFFF  }
0x87: {  	p0 =	sne.s32 s0, $0x0;
	s0 =	rddreg [dreg:$0x1]  }
0x88: {  	s0 =	sadd.s32 @!p0 $0x100000, s0  }
0x89: {  	[sflag:s0] =	ssyncadd.tile.s32 @!p0 $0x1;
	_ =	shalt  }
.Lfunc_end2:
_tile_overlayer_lowered:
.L_overlay_start_2:
0x8a: {  	(tag) =	ssettag $0x2  }
0x8b: {  	s0 =	rddreg [dreg:$0x0];
	s2 =	stileid.u32  }
0x8c: {  	s1 =	rddreg [dreg:$0x1];
	p0 =	sne.s32 s2, $0x0  }
0x8d: {  	s3 =	rddreg [dreg:$0x2];
	[bflag:$0x3] =	sbarrier.arrive $0xFFFF;
	s2 =	simm.s32 @!p0 $0x1C03  }
0x8e: {  	[timem:s3], [sflag:s2] =	dma.local @!p0 [hbm:s0], s1  }
0x8f: {  	s0 =	simm.s32 @!p0 $0x3  }
0x90: {  	_ =	swait.ge @!p0 [sflag:s0], s1  }
0x91: {  	s1 =	ssub.s32 @!p0 $0x0, s1;
	[sflag:s0] =	ssyncset.done @!p0 $0x0  }
0x92: {  	[sflag:s0] =	ssyncadd.s32 @!p0 s1  }
0x93: {  	[bflag:$0x3] =	sbarrier.arrive $0xFFFF  }
0x94: {  	_ =	shalt  }

// kernel: kernel.69.cloned.1.call-start
scs
__scs_entry_jumppad:
0x0: {  	(pc) =	sbr.rel $0x88, $3  }
0x1: {  	(tag) =	ssettag $0x0;
	lr =	simm.s32 $0x1  }
0x2: {  	[smem:$0x3F82] =	sst lr;
	_ =	strace $0xD0000000  }
0x3: {  	_ = 	snop  }
0x4: {  	_ = 	snop  }
0x5: {  	_ = 	snop  }
0x6: {  	_ = 	snop  }
0x7: {  	_ = 	snop  }
__scs_overlays_trampoline_lowered:
0x8: {  	[smem:$0x3F91] =	sst s0  }
0x9: {  	[smem:$0x3F92] =	sst s1  }
0xa: {  	[smem:$0x3F93] =	sst s2  }
0xb: {  	[smem:$0x3F94] =	sst s3  }
0xc: {  	[smem:$0x3F95] =	sst s4  }
0xd: {  	[smem:$0x3F96] =	sst s5  }
0xe: {  	[smem:$0x3F97] =	sst s6  }
0xf: {  	[smem:$0x3F98] =	sst s7  }
0x10: {  	[smem:$0x3F99] =	sst s8  }
0x11: {  	[smem:$0x3F9A] =	sst s9;
	s0 =	simm.s32 @!p0 $0x0  }
0x12: {  	s1 =	sld [smem:$0x3F80];
	s0 =	simm.s32 @p0 $0x1  }
0x13: {  	[smem:$0x3F9B] =	sst s0;
	s0 =	simm.s32 @!p1 $0x0  }
0x14: {  	s2 =	sld [smem:$0x3F7F];
	s0 =	simm.s32 @p1 $0x1  }
0x15: {  	[smem:$0x3F9C] =	sst s0;
	s0 =	simm.s32 @!p2 $0x0  }
0x16: {  	s3 =	sld [smem:$0x3FDB];
	s0 =	simm.s32 @p2 $0x1  }
0x17: {  	s4 =	simm.s32 $0x1BF5;
	[smem:$0x3F9E] =	sst s0  }
0x18: {  	s0 =	sld [smem:$0x3F81];
	_ =	swait.ge [sflag:s4], $0x0  }
0x19: {  	s7 =	sld [smem:$0x3F82]  }
0x1a: {  	s8 =	sadd.s32 $0xFFFFE003, lr  }
0x1b: {  	s9 =	sadd.s32 $0xFFFFFEF7, lr;
	s5 =	simm.s32 $0xFFFFFFFF;
	p2 =	slt.u32 s8, $0xFFFFF086  }
0x1c: {  	p1 =	slt.u32 s9, $0xF7A;
	s5 =	simm.s32 @!p2 $0x0  }
0x1d: {  	s5 =	simm.s32 @p1 $0x1;
	p0 =	seq.s32 s7, s2  }
0x1e: {  	s7 =	smul.u32 @!p0 $0xF7A, s2;
	p2 =	seq.s32 @!p0 s5, $0x0  }
0x1f: {  	s9 =	smul.u32 $0xF7A, s1;
	s8 =	simm.s32 @!p0 $0x1BF5;
	p2 =	por !p2, p0  }
0x20: {  	[sflag:s8] =	ssyncset.s32 @!p0 $0xFFFFF086;
	s6 =	sadd.s32 @!p0 s3, s7;
	s7 =	simm.s32 @!p0 $0x108  }
0x21: {  	s3 =	sadd.s32 s3, s9;
	s6 =	sadd.s32 @!p0 $0x88, s6;
	s7 =	simm.s32 @p2 $0x1082  }
0x22: {  	[simem:s7], [sflag:s8] =	dma.local @!p0 [hbm:s6], $0xF7A  }
0x23: {  	s9 =	sor.u32 $0xD0000000, s2;
	s6 =	simm.s32 $0x108;
	_ =	swait.ge @!p0 [sflag:s8], $0x0  }
0x24: {  	s3 =	sadd.s32 $0x88, s3;
	s6 =	simm.s32 @!p1 $0x1082;
	[sflag:s4] =	ssyncset.s32 $0xFFFFF086  }
0x25: {  	[simem:s6], [sflag:s4] =	dma.local [hbm:s3], $0xF7A  }
0x26: {  	[smem:$0x3F82] =	sst s1;
	(tag) =	ssettag s2;
	_ =	strace s9  }
0x27: {  	s1 =	sld [smem:$0x3F92]  }
0x28: {  	s2 =	sld [smem:$0x3F93]  }
0x29: {  	s4 =	sld [smem:$0x3F95]  }
0x2a: {  	p0 =	seq.s32 s5, $0x0;
	s5 =	sld [smem:$0x3F96]  }
0x2b: {  	s6 =	sld [smem:$0x3F97]  }
0x2c: {  	s7 =	sld [smem:$0x3F98]  }
0x2d: {  	s3 =	simm.s32 $0x108;
	s8 =	sld [smem:$0x3F99]  }
0x2e: {  	s3 =	simm.s32 @!p0 $0x1082;
	s9 =	sld [smem:$0x3F9A]  }
0x2f: {  	lr =	sadd.s32 s0, s3;
	s0 =	sld [smem:$0x3F91]  }
0x30: {  	s3 =	sld [smem:$0x3F94]  }
0x31: {  	[smem:$0x3F9D] =	sst s10  }
0x32: {  	s10 =	sld [smem:$0x3F9B];
	_ =	sdelay $0x3  }
0x33: {  	p0 =	seq.s32 s10, $0x1;
	s10 =	sld [smem:$0x3F9D];
	_ =	sdelay $0x3  }
0x34: {  	[smem:$0x3F9D] =	sst s10  }
0x35: {  	s10 =	sld [smem:$0x3F9C];
	_ =	sdelay $0x3  }
0x36: {  	p1 =	seq.s32 s10, $0x1;
	s10 =	sld [smem:$0x3F9D];
	_ =	sdelay $0x3  }
0x37: {  	[smem:$0x3F9D] =	sst s10  }
0x38: {  	s10 =	sld [smem:$0x3F9E]  }
0x39: {  	_ = 	snop;
	(pc) =	sbr.ind lr, $3  }
0x3a: {  	_ = 	snop  }
0x3b: {  	_ = 	snop  }
0x3c: {  	p2 =	seq.s32 s10, $0x1;
	s10 =	sld [smem:$0x3F9D]  }
0x3d: {  	_ =	shalt  }
0x3e: {  	_ =	shalt  }
0x3f: {  	_ =	shalt  }
0x40: {  	_ =	shalt  }
0x41: {  	_ =	shalt  }
0x42: {  	_ =	shalt  }
0x43: {  	_ =	shalt  }
0x44: {  	_ =	shalt  }
0x45: {  	_ =	shalt  }
0x46: {  	_ =	shalt  }
0x47: {  	_ =	shalt  }
0x48: {  	_ =	shalt  }
0x49: {  	_ =	shalt  }
0x4a: {  	_ =	shalt  }
0x4b: {  	_ =	shalt  }
0x4c: {  	_ =	shalt  }
0x4d: {  	_ =	shalt  }
0x4e: {  	_ =	shalt  }
0x4f: {  	_ =	shalt  }
0x50: {  	_ =	shalt  }
0x51: {  	_ =	shalt  }
0x52: {  	_ =	shalt  }
0x53: {  	_ =	shalt  }
0x54: {  	_ =	shalt  }
0x55: {  	_ =	shalt  }
0x56: {  	_ =	shalt  }
0x57: {  	_ =	shalt  }
0x58: {  	_ =	shalt  }
0x59: {  	_ =	shalt  }
0x5a: {  	_ =	shalt  }
0x5b: {  	_ =	shalt  }
0x5c: {  	_ =	shalt  }
0x5d: {  	_ =	shalt  }
0x5e: {  	_ =	shalt  }
0x5f: {  	_ =	shalt  }
0x60: {  	_ =	shalt  }
0x61: {  	_ =	shalt  }
0x62: {  	_ =	shalt  }
0x63: {  	_ =	shalt  }
0x64: {  	_ =	shalt  }
0x65: {  	_ =	shalt  }
0x66: {  	_ =	shalt  }
0x67: {  	_ =	shalt  }
0x68: {  	_ =	shalt  }
0x69: {  	_ =	shalt  }
0x6a: {  	_ =	shalt  }
0x6b: {  	_ =	shalt  }
0x6c: {  	_ =	shalt  }
0x6d: {  	_ =	shalt  }
0x6e: {  	_ =	shalt  }
0x6f: {  	_ =	shalt  }
0x70: {  	_ =	shalt  }
0x71: {  	_ =	shalt  }
0x72: {  	_ =	shalt  }
0x73: {  	_ =	shalt  }
0x74: {  	_ =	shalt  }
0x75: {  	_ =	shalt  }
0x76: {  	_ =	shalt  }
0x77: {  	_ =	shalt  }
0x78: {  	_ =	shalt  }
0x79: {  	_ =	shalt  }
0x7a: {  	_ =	shalt  }
0x7b: {  	_ =	shalt  }
0x7c: {  	_ =	shalt  }
0x7d: {  	_ =	shalt  }
0x7e: {  	_ =	shalt  }
0x7f: {  	_ =	shalt  }
0x80: {  	_ =	shalt  }
0x81: {  	_ =	shalt  }
0x82: {  	_ =	shalt  }
0x83: {  	_ =	shalt  }
0x84: {  	_ =	shalt  }
0x85: {  	_ =	shalt  }
0x86: {  	_ =	shalt  }
0x87: {  	_ =	shalt  }
.Lfunc_end0:
.L_simem_size_0:
called_computation.12_lowered:
.L_overlay_start_0:
0x88: {  	s2 =	sld [smem:$0x3FD9]  }
0x89: {  	s3 =	sld [smem:$0x3FFE];
	_ =	sdelay $0x1  }
0x8a: {  	s1 =	srdreg.scid  }
0x8b: {  	s0 =	sand.u32 $0x1, s1  }
0x8c: {  	s16 =	sshll.u32 s0, $0xA;
	s2 =	sadd.s32 s3, s2  }
0x8d: {  	s2 =	sadd.s32 s2, s16  }
0x8e: {  	[smem:$0x3FA9] =	sst s2  }
0x8f: {  	_ = 	snop  }
0x90: {  	(tm) =	ssettm $0x1  }
0x91: {  	s17 =	sld [smem:$0x3FFB];
	_ =	sdelay $0x3  }
0x92: {  	_ =	strace s17  }
0x93: {  	s2 =	sld [smem:$0x3FFC];
	_ =	sdelay $0x3  }
0x94: {  	_ =	strace s2  }
0x95: {  	s2 =	sld [smem:$0x3FFD];
	_ =	sdelay $0x3  }
0x96: {  	_ =	strace s2  }
0x97: {  	_ =	strace $0x8FFFFFFF  }
0x98: {  	s18 =	sld [smem:$0x3FDB];
	_ =	sdelay $0x1  }
0x99: {  	s19 =	simm.s32 $_scs_section_size  }
0x9a: {  	s4 =	simm.s32 $_size__tile_overlayer_lowered;
	s5 =	simm.s32 $_tile_overlayer_lowered  }
0x9b: {  	s22 =	simm.s32 $0x1BFF;
	s21 =	sshll.u32 s5, $0x1;
	s2 =	sadd.s32 s19, s18  }
0x9c: {  	s6 =	simm.s32 $0x0;
	s20 =	sshll.u32 s4, $0x1;
	s4 =	sadd.s32 s21, s2  }
0x9d: {  	[timem:s6], [sflag:s22] =	dma.local [hbm:s4], s20  }
0x9e: {  	_ =	swait.ge [sflag:s22], s20  }
0x9f: {  	s3 =	ssub.s32 $0x0, s20;
	[sflag:s22] =	ssyncset.done $0x0  }
0xa0: {  	[sflag:s22] =	ssyncadd.s32 s3;
	_ =	sdelay $0x1  }
0xa1: {  	s23 =	simm.s32 $0x1B8B  }
0xa2: {  	_ =	swait.ge [sflag:s23], $0x1  }
0xa3: {  	[sflag:s23] =	ssyncset.done $0x0  }
0xa4: {  	s25 =	simm.s32 $0x1B8E;
	s24 =	sld [smem:$0x3FFE];
	[sflag:s23] =	ssyncadd.s32 $0xFFFFFFFF  }
0xa5: {  	s26 =	simm.s32 $execute0_lowered;
	[smem:$0x3FD2] =	sst s25  }
0xa6: {  	s4 =	sshll.u32 s26, $0x1;
	_ =	strace $0x8000006A;
	[dreg:$0x1] =	wrdreg $0xFFFFFFFF  }
0xa7: {  	s28 =	simm.s32 $_size_execute0_lowered;
	s2 =	sadd.s32 s2, s4;
	[dreg:$0x0] =	wrdreg $0x0  }
0xa8: {  	s4 =	sshll.u32 s28, $0x1;
	[dreg:$0x2] =	wrdreg s2  }
0xa9: {  	[dreg:$0x3] =	wrdreg s4  }
0xaa: {  	[dreg:$0x4] =	wrdreg $0xC0  }
0xab: {  	_ =	task [dreg:s6], $0x5FFFF  }
0xac: {  	[dreg:$0x1] =	wrdreg $0xFFFFFFFF  }
0xad: {  	[dreg:$0x0] =	wrdreg $0x60  }
0xae: {  	[dreg:$0x2] =	wrdreg s24  }
0xaf: {  	[dreg:$0x3] =	wrdreg $0x40800  }
0xb0: {  	[dreg:$0x4] =	wrdreg $0x9  }
0xb1: {  	_ =	task.clear_ibuf [dreg:s6], $0x5FFFF;
	_ =	strace $0x9000006A  }
0xb2: {  	s29 =	simm.s32 $0x9;
	_ =	strace $0x8000006C  }
0xb3: {  	_ =	swait.ge [sflag:s29], $0x1  }
0xb4: {  	[sflag:s29] =	ssyncadd.s32 $0xFFFFFFFF  }
0xb5: {  	_ =	strace $0x9000006C  }
0xb6: {  	_ =	sfence  }
0xb7: {  	s30 =	sld [smem:$0x0];
	_ =	sdelay $0x2  }
0xb8: {  	s31 =	sshll.u32 s1, $0xD;
	s1 =	sshrl.u32 s1, $0x2  }
0xb9: {  	s3 =	sand.u32 $0x4000, s31;
	s1 =	sadd.s32 s1, s30  }
0xba: {  	s0 =	sor.u32 s3, s0;
	s1 =	sshll.u32 s1, $0x11  }
0xbb: {  	s0 =	sor.u32 s1, s0  }
0xbc: {  	s0 =	sadd.s32 $0x8F2B, s0  }
0xbd: {  	[sflag:s0] =	ssyncadd.remote.s32 $0x1  }
0xbe: {  	_ =	sfence.sel $0xFFFF  }
0xbf: {  	[dreg:$0x0] =	wrdreg $0xFFFFFFFF;
	(pc) =	sbr.abs _section_cstart, $3  }
0xc0: {  	[dreg:$0x1] =	wrdreg $0xFFFFFFFF  }
0xc1: {  	_ =	task.clear_ibuf [dreg:s6], $0x2FFFF;
	_ =	strace $0x9FFFFFFF  }
0xc2: {  	(tm) =	ssettm $0x7FFFFFFF  }
0xc3: {  	_ =	shalt  }
tec
execute0_lowered:
.L_overlay_start_1:
0x0: {  	(tag) =	ssettag $0x1  }
0x1: {  	s11 =	stileid.u32  }
0x2: {  	s0 =	srdreg.scid;
	s6 =	smul.u32 $0x1400, s11  }
0x3: {  	s4 =	rddreg [dreg:$0x0];
	s8 =	smul.u32 $0x2700, s11  }
0x4: {  	s1 =	rddreg [dreg:$0x1];
	s2 =	simm.s32 $0x0;
	s29 =	smul.u32 $0x4E000, s11  }
0x5: {  	s5 =	sand.u32 $0x1, s0;
	s0 =	rddreg [dreg:$0x2];
	s10 =	smul.u32 $0x14000, s11  }
0x6: {  	s13 =	simm.s32 $0x0;
	[smem:$0x7FF] =	sst s2;
	s3 =	smul.u32 $0x14000, s5  }
0x7: {  	p0 =	sne.s32 s11, $0x0;
	s11 =	sshll.u32 s11, $0x6;
	s7 =	smul.u32 $0x140000, s5  }
0x8: {  	s28 =	smul.u32 $0x27100, s5;
	_ =	strace $0x8000006B;
	s5 =	ssub.s32 $0x2, s5  }
0x9: {  	s11 =	sor.u32 $0x1C01, s11;
	s30 =	sshrl.u32 s5, $0x1;
	s3 =	sadd.s32 s6, s3  }
0xa: {  	s7 =	sadd.s32 s7, s4;
	s6 =	sadd.s32 s8, s28;
	s8 =	sshrl.u32 s29, $0x2  }
0xb: {  	s5 =	ssub.s32 s5, s30;
	s3 =	sshrl.u32 s3, $0x3;
	s12 =	sadd.s32 s8, s1  }
0xc: {  	s5 =	smax.u32 s5, $0x1;
	s31 =	sadd.s32 s10, s7;
	s8 =	sshrl.u32 @!p0 s1, $0x3  }
0xd: {  	s10 =	simm.s32 $0x80;
	s9 =	sadd.s32 s3, s4;
	s3 =	sadd.s32 $0x19400, s4  }
0xe: {  	s4 =	sadd.s32 s6, s4;
	s6 =	sadd.s32 $0xABAC00, s31;
	s12 =	sshrl.u32 s12, $0x3  }
0xf: {  	s4 =	sadd.s32 $0x83AC00, s4;
	s7 =	sadd.s32 $0xF400, s9;
	s9 =	simm.s32 $0x1  }
.LBB2_1:
0x10: {  	s14 =	simm.s32 @!p0 $0x1C01  }
0x11: {  	[spmem:s8], [sflag:s14] =	dma.local @!p0 [hbm:s3], $0x27100  }
0x12: {  	s14 =	simm.s32 @!p0 $0x1  }
0x13: {  	_ =	swait.ge @!p0 [sflag:s14], $0x27100  }
0x14: {  	[sflag:s14] =	ssyncset.done @!p0 $0x0  }
0x15: {  	[sflag:s14] =	ssyncadd.s32 @!p0 $0xFFFD8F00  }
0x16: {  	s31 =	sadd.s32 $0x0, s7;
	[bflag:$0x0] =	sbarrier.arrive $0xFFFF  }
0x17: {  	[tilespmem:s2], [sflag:$0x1] =	stream.linear.gather [hbm4b:s31+s2], $0x80, $0x38;
	[tilespmem:$0x6790] =	vst v63  }
0x18: {  	_ =	swait.ge [sflag:s9], $0x80  }
0x19: {  	[sflag:s9] =	ssyncset.done $0x0  }
0x1a: {  	[sflag:s9] =	ssyncadd.s32 $0xFFFFFF80  }
0x1b: {  	[tilespmem:s10], [sflag:$0x1] =	stream.linear.gather [hbm4b:s6+s2], $0x4000, $0x38;
	[tilespmem:$0x6790] =	vst v63  }
0x1c: {  	_ =	swait.ge [sflag:s9], $0x4000  }
0x1d: {  	[sflag:s9] =	ssyncset.done $0x0  }
0x1e: {  	[sflag:s9] =	ssyncadd.s32 $0xFFFFC000  }
0x1f: {  	[spmem:s1] =	stream.indirect.scatter.add.f32 [tilespmem:s10], [sflag:$0x1], $0x10, s2, s10, $0xb8;
	[tilespmem:$0x6790] =	vst v63  }
0x20: {  	s15 =	simm.s32 $0x10;
	_ =	swait.ge [sflag:s9], $0x800  }
0x21: {  	s16 =	simm.s32 $0x20;
	s14 =	sadd.s32 $0x800, s6;
	[sflag:s9] =	ssyncset.done $0x0  }
.LBB2_2:
0x22: {  	s17 =	sadd.s32 s15, s7  }
0x23: {  	[sflag:s9] =	ssyncadd.s32 $0xFFFFF800;
	s15 =	smov.u32 s16;
	s18 =	sadd.s32 $0x10, s16  }
0x24: {  	[tilespmem:s2], [sflag:$0x1] =	stream.linear.gather [hbm4b:s17+s2], $0x80, $0x38;
	[tilespmem:$0x6790] =	vst v63  }
0x25: {  	p1 =	sne.s32 s16, $0x270;
	_ =	swait.ge [sflag:s9], $0x80  }
0x26: {  	[sflag:s9] =	ssyncset.done $0x0  }
0x27: {  	[sflag:s9] =	ssyncadd.s32 $0xFFFFFF80  }
0x28: {  	[tilespmem:s10], [sflag:$0x1] =	stream.linear.gather [hbm4b:s14+s2], $0x4000, $0x38;
	[tilespmem:$0x6790] =	vst v63  }
0x29: {  	_ =	swait.ge [sflag:s9], $0x4000  }
.Ltmp0:
0x2a: {  	[sflag:s9] =	ssyncset.done $0x0;
	(pc) =	sbr.rel @p1 .LBB2_2-.Ltmp0, $4  }
0x2b: {  	[sflag:s9] =	ssyncadd.s32 $0xFFFFC000  }
0x2c: {  	[spmem:s1] =	stream.indirect.scatter.add.f32 [tilespmem:s10], [sflag:$0x1], $0x10, s2, s10, $0xb8;
	[tilespmem:$0x6790] =	vst v63  }
0x2d: {  	_ =	swait.ge [sflag:s9], $0x800  }
0x2e: {  	s16 =	smov.u32 s18;
	s14 =	sadd.s32 $0x800, s14;
	[sflag:s9] =	ssyncset.done $0x0  }
0x2f: {  	s15 =	sadd.s32 s15, s7;
	[sflag:s9] =	ssyncadd.s32 $0xFFFFF800  }
0x30: {  	[tilespmem:s2], [sflag:$0x1] =	stream.linear.gather [hbm4b:s15+s2], $0x80, $0x38;
	[tilespmem:$0x6790] =	vst v63  }
0x31: {  	_ =	swait.ge [sflag:s9], $0x80  }
0x32: {  	[sflag:s9] =	ssyncset.done $0x0  }
0x33: {  	[sflag:s9] =	ssyncadd.s32 $0xFFFFFF80  }
0x34: {  	[tilespmem:s10], [sflag:$0x1] =	stream.linear.gather [hbm4b:s14+s2], $0x4000, $0x38;
	[tilespmem:$0x6790] =	vst v63  }
0x35: {  	_ =	swait.ge [sflag:s9], $0x4000  }
0x36: {  	[sflag:s9] =	ssyncset.done $0x0  }
0x37: {  	[sflag:s9] =	ssyncadd.s32 $0xFFFFC000  }
0x38: {  	[spmem:s1] =	stream.indirect.scatter.add.f32 [tilespmem:s10], [sflag:$0x1], $0x10, s2, s10, $0xb8;
	[tilespmem:$0x6790] =	vst v63  }
0x39: {  	_ =	swait.ge [sflag:s9], $0x800  }
0x3a: {  	s13 =	sadd.s32 $0x1, s13;
	[sflag:s9] =	ssyncset.done $0x0  }
0x3b: {  	p1 =	sne.s32 s13, s5;
	[sflag:s9] =	ssyncadd.s32 $0xFFFFF800  }
.Ltmp1:
0x3c: {  	[bflag:$0x0] =	sbarrier.arrive $0xFFFF;
	(pc) =	sbr.rel @p1 .LBB2_1-.Ltmp1, $4  }
0x3d: {  	[hbm:s4], [sflag:s11] =	dma.local [spmem:s12], $0x2800  }
0x3e: {  	_ =	swait.ge [sflag:s9], $0x2800  }
0x3f: {  	[sflag:s9] =	ssyncset.done $0x0  }
0x40: {  	[sflag:s9] =	ssyncadd.s32 $0xFFFFD800  }
0x41: {  	_ =	sfence.sel $0x180000  }
0x42: {  	[bflag:$0x0] =	sbarrier.arrive $0xFFFF  }
0x43: {  	_ =	strace $0x9000006B  }
0x44: {  	s0 =	sadd.s32 @!p0 $0x100000, s0;
	[bflag:$0x2] =	sbarrier.arrive $0xFFFF  }
0x45: {  	[sflag:s0] =	ssyncadd.tile.s32 @!p0 $0x1;
	_ =	shalt  }
.Lfunc_end2:
_tile_overlayer_lowered:
.L_overlay_start_2:
0x46: {  	(tag) =	ssettag $0x2  }
0x47: {  	s0 =	rddreg [dreg:$0x0];
	s2 =	stileid.u32  }
0x48: {  	s1 =	rddreg [dreg:$0x1];
	p0 =	sne.s32 s2, $0x0  }
0x49: {  	s3 =	rddreg [dreg:$0x2];
	[bflag:$0x3] =	sbarrier.arrive $0xFFFF;
	s2 =	simm.s32 @!p0 $0x1C01  }
0x4a: {  	[timem:s3], [sflag:s2] =	dma.local @!p0 [hbm:s0], s1  }
0x4b: {  	s0 =	simm.s32 @!p0 $0x1  }
0x4c: {  	_ =	swait.ge @!p0 [sflag:s0], s1  }
0x4d: {  	s1 =	ssub.s32 @!p0 $0x0, s1;
	[sflag:s0] =	ssyncset.done @!p0 $0x0  }
0x4e: {  	[sflag:s0] =	ssyncadd.s32 @!p0 s1  }
0x4f: {  	[bflag:$0x3] =	sbarrier.arrive $0xFFFF  }
0x50: {  	_ =	shalt  }

// kernel: kernel.72.cloned.1.call-start
scs
__scs_entry_jumppad:
0x0: {  	(pc) =	sbr.rel $0x88, $3  }
0x1: {  	(tag) =	ssettag $0x0;
	lr =	simm.s32 $0x1  }
0x2: {  	[smem:$0x3F82] =	sst lr;
	_ =	strace $0xD0000000  }
0x3: {  	_ = 	snop  }
0x4: {  	_ = 	snop  }
0x5: {  	_ = 	snop  }
0x6: {  	_ = 	snop  }
0x7: {  	_ = 	snop  }
__scs_overlays_trampoline_lowered:
0x8: {  	[smem:$0x3F91] =	sst s0  }
0x9: {  	[smem:$0x3F92] =	sst s1  }
0xa: {  	[smem:$0x3F93] =	sst s2  }
0xb: {  	[smem:$0x3F94] =	sst s3  }
0xc: {  	[smem:$0x3F95] =	sst s4  }
0xd: {  	[smem:$0x3F96] =	sst s5  }
0xe: {  	[smem:$0x3F97] =	sst s6  }
0xf: {  	[smem:$0x3F98] =	sst s7  }
0x10: {  	[smem:$0x3F99] =	sst s8  }
0x11: {  	[smem:$0x3F9A] =	sst s9;
	s0 =	simm.s32 @!p0 $0x0  }
0x12: {  	s1 =	sld [smem:$0x3F80];
	s0 =	simm.s32 @p0 $0x1  }
0x13: {  	[smem:$0x3F9B] =	sst s0;
	s0 =	simm.s32 @!p1 $0x0  }
0x14: {  	s2 =	sld [smem:$0x3F7F];
	s0 =	simm.s32 @p1 $0x1  }
0x15: {  	[smem:$0x3F9C] =	sst s0;
	s0 =	simm.s32 @!p2 $0x0  }
0x16: {  	s3 =	sld [smem:$0x3FDB];
	s0 =	simm.s32 @p2 $0x1  }
0x17: {  	s4 =	simm.s32 $0x1BF5;
	[smem:$0x3F9E] =	sst s0  }
0x18: {  	s0 =	sld [smem:$0x3F81];
	_ =	swait.ge [sflag:s4], $0x0  }
0x19: {  	s7 =	sld [smem:$0x3F82]  }
0x1a: {  	s8 =	sadd.s32 $0xFFFFE003, lr  }
0x1b: {  	s9 =	sadd.s32 $0xFFFFFEF7, lr;
	s5 =	simm.s32 $0xFFFFFFFF;
	p2 =	slt.u32 s8, $0xFFFFF086  }
0x1c: {  	p1 =	slt.u32 s9, $0xF7A;
	s5 =	simm.s32 @!p2 $0x0  }
0x1d: {  	s5 =	simm.s32 @p1 $0x1;
	p0 =	seq.s32 s7, s2  }
0x1e: {  	s7 =	smul.u32 @!p0 $0xF7A, s2;
	p2 =	seq.s32 @!p0 s5, $0x0  }
0x1f: {  	s9 =	smul.u32 $0xF7A, s1;
	s8 =	simm.s32 @!p0 $0x1BF5;
	p2 =	por !p2, p0  }
0x20: {  	[sflag:s8] =	ssyncset.s32 @!p0 $0xFFFFF086;
	s6 =	sadd.s32 @!p0 s3, s7;
	s7 =	simm.s32 @!p0 $0x108  }
0x21: {  	s3 =	sadd.s32 s3, s9;
	s6 =	sadd.s32 @!p0 $0x88, s6;
	s7 =	simm.s32 @p2 $0x1082  }
0x22: {  	[simem:s7], [sflag:s8] =	dma.local @!p0 [hbm:s6], $0xF7A  }
0x23: {  	s9 =	sor.u32 $0xD0000000, s2;
	s6 =	simm.s32 $0x108;
	_ =	swait.ge @!p0 [sflag:s8], $0x0  }
0x24: {  	s3 =	sadd.s32 $0x88, s3;
	s6 =	simm.s32 @!p1 $0x1082;
	[sflag:s4] =	ssyncset.s32 $0xFFFFF086  }
0x25: {  	[simem:s6], [sflag:s4] =	dma.local [hbm:s3], $0xF7A  }
0x26: {  	[smem:$0x3F82] =	sst s1;
	(tag) =	ssettag s2;
	_ =	strace s9  }
0x27: {  	s1 =	sld [smem:$0x3F92]  }
0x28: {  	s2 =	sld [smem:$0x3F93]  }
0x29: {  	s4 =	sld [smem:$0x3F95]  }
0x2a: {  	p0 =	seq.s32 s5, $0x0;
	s5 =	sld [smem:$0x3F96]  }
0x2b: {  	s6 =	sld [smem:$0x3F97]  }
0x2c: {  	s7 =	sld [smem:$0x3F98]  }
0x2d: {  	s3 =	simm.s32 $0x108;
	s8 =	sld [smem:$0x3F99]  }
0x2e: {  	s3 =	simm.s32 @!p0 $0x1082;
	s9 =	sld [smem:$0x3F9A]  }
0x2f: {  	lr =	sadd.s32 s0, s3;
	s0 =	sld [smem:$0x3F91]  }
0x30: {  	s3 =	sld [smem:$0x3F94]  }
0x31: {  	[smem:$0x3F9D] =	sst s10  }
0x32: {  	s10 =	sld [smem:$0x3F9B];
	_ =	sdelay $0x3  }
0x33: {  	p0 =	seq.s32 s10, $0x1;
	s10 =	sld [smem:$0x3F9D];
	_ =	sdelay $0x3  }
0x34: {  	[smem:$0x3F9D] =	sst s10  }
0x35: {  	s10 =	sld [smem:$0x3F9C];
	_ =	sdelay $0x3  }
0x36: {  	p1 =	seq.s32 s10, $0x1;
	s10 =	sld [smem:$0x3F9D];
	_ =	sdelay $0x3  }
0x37: {  	[smem:$0x3F9D] =	sst s10  }
0x38: {  	s10 =	sld [smem:$0x3F9E]  }
0x39: {  	_ = 	snop;
	(pc) =	sbr.ind lr, $3  }
0x3a: {  	_ = 	snop  }
0x3b: {  	_ = 	snop  }
0x3c: {  	p2 =	seq.s32 s10, $0x1;
	s10 =	sld [smem:$0x3F9D]  }
0x3d: {  	_ =	shalt  }
0x3e: {  	_ =	shalt  }
0x3f: {  	_ =	shalt  }
0x40: {  	_ =	shalt  }
0x41: {  	_ =	shalt  }
0x42: {  	_ =	shalt  }
0x43: {  	_ =	shalt  }
0x44: {  	_ =	shalt  }
0x45: {  	_ =	shalt  }
0x46: {  	_ =	shalt  }
0x47: {  	_ =	shalt  }
0x48: {  	_ =	shalt  }
0x49: {  	_ =	shalt  }
0x4a: {  	_ =	shalt  }
0x4b: {  	_ =	shalt  }
0x4c: {  	_ =	shalt  }
0x4d: {  	_ =	shalt  }
0x4e: {  	_ =	shalt  }
0x4f: {  	_ =	shalt  }
0x50: {  	_ =	shalt  }
0x51: {  	_ =	shalt  }
0x52: {  	_ =	shalt  }
0x53: {  	_ =	shalt  }
0x54: {  	_ =	shalt  }
0x55: {  	_ =	shalt  }
0x56: {  	_ =	shalt  }
0x57: {  	_ =	shalt  }
0x58: {  	_ =	shalt  }
0x59: {  	_ =	shalt  }
0x5a: {  	_ =	shalt  }
0x5b: {  	_ =	shalt  }
0x5c: {  	_ =	shalt  }
0x5d: {  	_ =	shalt  }
0x5e: {  	_ =	shalt  }
0x5f: {  	_ =	shalt  }
0x60: {  	_ =	shalt  }
0x61: {  	_ =	shalt  }
0x62: {  	_ =	shalt  }
0x63: {  	_ =	shalt  }
0x64: {  	_ =	shalt  }
0x65: {  	_ =	shalt  }
0x66: {  	_ =	shalt  }
0x67: {  	_ =	shalt  }
0x68: {  	_ =	shalt  }
0x69: {  	_ =	shalt  }
0x6a: {  	_ =	shalt  }
0x6b: {  	_ =	shalt  }
0x6c: {  	_ =	shalt  }
0x6d: {  	_ =	shalt  }
0x6e: {  	_ =	shalt  }
0x6f: {  	_ =	shalt  }
0x70: {  	_ =	shalt  }
0x71: {  	_ =	shalt  }
0x72: {  	_ =	shalt  }
0x73: {  	_ =	shalt  }
0x74: {  	_ =	shalt  }
0x75: {  	_ =	shalt  }
0x76: {  	_ =	shalt  }
0x77: {  	_ =	shalt  }
0x78: {  	_ =	shalt  }
0x79: {  	_ =	shalt  }
0x7a: {  	_ =	shalt  }
0x7b: {  	_ =	shalt  }
0x7c: {  	_ =	shalt  }
0x7d: {  	_ =	shalt  }
0x7e: {  	_ =	shalt  }
0x7f: {  	_ =	shalt  }
0x80: {  	_ =	shalt  }
0x81: {  	_ =	shalt  }
0x82: {  	_ =	shalt  }
0x83: {  	_ =	shalt  }
0x84: {  	_ =	shalt  }
0x85: {  	_ =	shalt  }
0x86: {  	_ =	shalt  }
0x87: {  	_ =	shalt  }
.Lfunc_end0:
.L_simem_size_0:
called_computation.13_lowered:
.L_overlay_start_0:
0x88: {  	s2 =	sld [smem:$0x3FD9]  }
0x89: {  	s3 =	sld [smem:$0x3FFE];
	_ =	sdelay $0x1  }
0x8a: {  	s1 =	srdreg.scid  }
0x8b: {  	s0 =	sand.u32 $0x1, s1  }
0x8c: {  	s17 =	sshll.u32 s0, $0xA;
	s2 =	sadd.s32 s3, s2  }
0x8d: {  	s2 =	sadd.s32 s2, s17  }
0x8e: {  	[smem:$0x3FA9] =	sst s2  }
0x8f: {  	_ = 	snop  }
0x90: {  	(tm) =	ssettm $0x1  }
0x91: {  	s18 =	sld [smem:$0x3FFB];
	_ =	sdelay $0x3  }
0x92: {  	_ =	strace s18  }
0x93: {  	s2 =	sld [smem:$0x3FFC];
	_ =	sdelay $0x3  }
0x94: {  	_ =	strace s2  }
0x95: {  	s2 =	sld [smem:$0x3FFD];
	_ =	sdelay $0x3  }
0x96: {  	_ =	strace s2  }
0x97: {  	_ =	strace $0x8FFFFFFF  }
0x98: {  	s19 =	sld [smem:$0x3FDB];
	_ =	sdelay $0x1  }
0x99: {  	s20 =	simm.s32 $_scs_section_size  }
0x9a: {  	s4 =	simm.s32 $_size__tile_overlayer_lowered;
	s5 =	simm.s32 $_tile_overlayer_lowered  }
0x9b: {  	s6 =	simm.s32 $0x1BFF;
	s21 =	sshll.u32 s5, $0x1;
	s3 =	sadd.s32 s20, s19  }
0x9c: {  	s22 =	simm.s32 $0x0;
	s4 =	sshll.u32 s4, $0x1;
	s5 =	sadd.s32 s21, s3  }
0x9d: {  	[timem:s22], [sflag:s6] =	dma.local [hbm:s5], s4  }
0x9e: {  	_ =	swait.ge [sflag:s6], s4  }
0x9f: {  	s4 =	ssub.s32 $0x0, s4;
	[sflag:s6] =	ssyncset.done $0x0  }
0xa0: {  	[sflag:s6] =	ssyncadd.s32 s4;
	_ =	sdelay $0x1  }
0xa1: {  	s23 =	simm.s32 $0x1B8B  }
0xa2: {  	_ =	swait.ge [sflag:s23], $0x1  }
0xa3: {  	[sflag:s23] =	ssyncset.done $0x0  }
0xa4: {  	[sflag:s23] =	ssyncadd.s32 $0xFFFFFFFF  }
0xa5: {  	s4 =	sld [smem:$0x0]  }
0xa6: {  	s5 =	sand.u32 $0xFFFFFFFE, s1  }
0xa7: {  	p0 =	sne.s32 s1, s5  }
0xa8: {  	s5 =	sshll.u32 @p0 s5, $0xE  }
0xa9: {  	s5 =	sadd.s32 @p0 $0x11B8D, s5;
	s6 =	sshll.u32 @p0 s4, $0x11  }
0xaa: {  	s5 =	sor.u32 @p0 s6, s5  }
0xab: {  	[sflag:s5] =	ssyncadd.remote.s32 @p0 $0x1;
	_ =	sdelay $0x1  }
0xac: {  	s5 =	simm.s32 @p0 $0x1B8D  }
0xad: {  	_ =	swait.eq @p0 [sflag:s5], $0x1  }
0xae: {  	[sflag:s5] =	ssyncadd.s32 @p0 $0xFFFFFFFF  }
0xaf: {  	s6 =	sshll.u32 @!p0 s1, $0xE  }
0xb0: {  	s6 =	sor.u32 @!p0 $0x4000, s6;
	s5 =	simm.s32 @!p0 $0x1B8D  }
0xb1: {  	s4 =	sshll.u32 @!p0 s4, $0x11;
	s6 =	sadd.s32 @!p0 $0x11B8D, s6;
	_ =	swait.eq @!p0 [sflag:s5], $0x1  }
0xb2: {  	s4 =	sor.u32 @!p0 s4, s6;
	[sflag:s5] =	ssyncadd.s32 @!p0 $0xFFFFFFFF  }
0xb3: {  	s25 =	simm.s32 $0x1B8E;
	s24 =	sld [smem:$0x3FFE];
	[sflag:s4] =	ssyncadd.remote.s32 @!p0 $0x1  }
0xb4: {  	s26 =	simm.s32 $execute0_lowered;
	[smem:$0x3FD2] =	sst s25  }
0xb5: {  	s5 =	sshll.u32 s26, $0x1;
	_ =	strace $0x8000006D;
	[dreg:$0x1] =	wrdreg $0xFFFFFFFF  }
0xb6: {  	s28 =	simm.s32 $_size_execute0_lowered;
	s3 =	sadd.s32 s3, s5;
	[dreg:$0x0] =	wrdreg $0x0  }
0xb7: {  	s5 =	sshll.u32 s28, $0x1;
	[dreg:$0x2] =	wrdreg s3  }
0xb8: {  	[dreg:$0x3] =	wrdreg s5  }
0xb9: {  	[dreg:$0x4] =	wrdreg $0xC0  }
0xba: {  	_ =	task [dreg:s22], $0x5FFFF  }
0xbb: {  	[dreg:$0x1] =	wrdreg $0xFFFFFFFF  }
0xbc: {  	[dreg:$0x0] =	wrdreg $0x60  }
0xbd: {  	[dreg:$0x2] =	wrdreg s24  }
0xbe: {  	[dreg:$0x3] =	wrdreg $0x40800  }
0xbf: {  	[dreg:$0x4] =	wrdreg $0xA  }
0xc0: {  	_ =	task.clear_ibuf [dreg:s22], $0x5FFFF;
	_ =	strace $0x9000006D  }
0xc1: {  	s29 =	simm.s32 $0xA;
	_ =	strace $0x8000006F  }
0xc2: {  	_ =	swait.ge [sflag:s29], $0x1  }
0xc3: {  	[sflag:s29] =	ssyncadd.s32 $0xFFFFFFFF  }
0xc4: {  	_ =	strace $0x9000006F  }
0xc5: {  	_ =	sfence  }
0xc6: {  	s30 =	sld [smem:$0x0];
	_ =	sdelay $0x2  }
0xc7: {  	s31 =	sshll.u32 s1, $0xD;
	s1 =	sshrl.u32 s1, $0x2  }
0xc8: {  	s4 =	sand.u32 $0x4000, s31;
	s1 =	sadd.s32 s1, s30  }
0xc9: {  	s0 =	sor.u32 s4, s0;
	s1 =	sshll.u32 s1, $0x11  }
0xca: {  	s0 =	sor.u32 s1, s0  }
0xcb: {  	s0 =	sadd.s32 $0x8F2B, s0  }
0xcc: {  	[sflag:s0] =	ssyncadd.remote.s32 $0x1  }
0xcd: {  	_ =	sfence.sel $0xFFFF  }
0xce: {  	[dreg:$0x0] =	wrdreg $0xFFFFFFFF;
	(pc) =	sbr.abs _section_cstart, $3  }
0xcf: {  	[dreg:$0x1] =	wrdreg $0xFFFFFFFF  }
0xd0: {  	_ =	task.clear_ibuf [dreg:s22], $0x2FFFF;
	_ =	strace $0x9FFFFFFF  }
0xd1: {  	(tm) =	ssettm $0x7FFFFFFF  }
tec
execute0_lowered:
.L_overlay_start_1:
0x0: {  	(tag) =	ssettag $0x1  }
0x1: {  	s4 =	rddreg [dreg:$0x0]  }
0x2: {  	s1 =	rddreg [dreg:$0x1]  }
0x3: {  	s12 =	stileid.u32;
	s0 =	rddreg [dreg:$0x2]  }
0x4: {  	s2 =	simm.s32 $0x0;
	s6 =	srdreg.scid;
	s3 =	smul.u32 $0x500, s12  }
0x5: {  	s11 =	simm.s32 $0x800;
	s15 =	simm.s32 $0x8;
	s5 =	smul.u32 $0x50000, s12  }
0x6: {  	s16 =	simm.s32 $0x100;
	s17 =	simm.s32 $0x0;
	s7 =	smul.u32 $0x27000, s12  }
0x7: {  	[smem:$0x7FF] =	sst s2;
	s6 =	sand.u32 $0x1, s6;
	s10 =	smul.u32 $0x4E000, s12  }
0x8: {  	p0 =	sne.s32 s12, $0x0;
	s13 =	sshll.u32 s12, $0x6;
	s12 =	simm.s32 $0x80  }
0x9: {  	_ =	strace $0x8000006E;
	s8 =	sshll.u32 s6, $0xA;
	s29 =	ssub.s32 $0x2, s6  }
0xa: {  	s6 =	sshll.u32 s6, $0x7;
	s13 =	sor.u32 $0x1C01, s13;
	s9 =	sadd.s32 s3, s4  }
0xb: {  	s5 =	sadd.s32 s5, s4;
	s28 =	sor.u32 s8, s7;
	s3 =	sadd.s32 $0x8E800, s4  }
0xc: {  	s30 =	sshrl.u32 s29, $0x1;
	s31 =	sshrl.u32 s10, $0x2;
	s8 =	sshrl.u32 @!p0 s1, $0x3  }
0xd: {  	s10 =	simm.s32 $0x400;
	s7 =	sshrl.u32 s28, $0x3;
	s14 =	sadd.s32 s31, s1  }
0xe: {  	s6 =	sadd.s32 s6, s5;
	s4 =	sadd.s32 s7, s4;
	s7 =	ssub.s32 s29, s30  }
0xf: {  	s6 =	sadd.s32 $0xD3AC00, s6;
	s14 =	sshrl.u32 s14, $0x3;
	s4 =	sadd.s32 $0x888E00, s4  }
0x10: {  	s5 =	smax.u32 s7, $0x1;
	s7 =	sadd.s32 $0xF400, s9;
	s9 =	simm.s32 $0x1  }
.LBB2_1:
0x11: {  	s18 =	simm.s32 @!p0 $0x1C01  }
0x12: {  	[spmem:s8], [sflag:s18] =	dma.local @!p0 [hbm:s3], $0x27100  }
0x13: {  	s18 =	simm.s32 @!p0 $0x1  }
0x14: {  	_ =	swait.ge @!p0 [sflag:s18], $0x27100  }
0x15: {  	[sflag:s18] =	ssyncset.done @!p0 $0x0  }
0x16: {  	[sflag:s18] =	ssyncadd.s32 @!p0 $0xFFFD8F00  }
0x17: {  	s31 =	sadd.s32 $0x0, s7;
	[bflag:$0x0] =	sbarrier.arrive $0xFFFF  }
0x18: {  	[tilespmem:s2], [sflag:$0x1] =	stream.linear.gather [hbm4b:s31+s2], $0x80, $0x38;
	[tilespmem:$0x17900] =	vst v63  }
0x19: {  	_ =	swait.ge [sflag:s9], $0x80  }
0x1a: {  	[sflag:s9] =	ssyncset.done $0x0  }
0x1b: {  	[sflag:s9] =	ssyncadd.s32 $0xFFFFFF80  }
0x1c: {  	[tilespmem:s12], [sflag:$0x1] =	stream.strided.gather [hbm4b:s6+s10], $0x4000, s11, s10, $0x38;
	[tilespmem:$0x17900] =	vst v63  }
0x1d: {  	_ =	swait.ge [sflag:s9], $0x4000  }
0x1e: {  	[sflag:s9] =	ssyncset.done $0x0  }
0x1f: {  	[sflag:s9] =	ssyncadd.s32 $0xFFFFC000  }
0x20: {  	[spmem:s1] =	stream.indirect.scatter.add.f32 [tilespmem:s12], [sflag:$0x1], $0x80, s2, s12, $0xb8;
	[tilespmem:$0x17900] =	vst v63  }
0x21: {  	s19 =	simm.s32 $0x10;
	_ =	swait.ge [sflag:s9], $0x4000  }
0x22: {  	s20 =	simm.s32 $0x20;
	s18 =	sadd.s32 $0x1000, s6;
	[sflag:s9] =	ssyncset.done $0x0  }
.LBB2_2:
0x23: {  	s21 =	sadd.s32 s19, s7  }
0x24: {  	[sflag:s9] =	ssyncadd.s32 $0xFFFFC000;
	s19 =	smov.u32 s20;
	s22 =	sadd.s32 $0x10, s20  }
0x25: {  	[tilespmem:s2], [sflag:$0x1] =	stream.linear.gather [hbm4b:s21+s2], $0x80, $0x38;
	[tilespmem:$0x17900] =	vst v63  }
0x26: {  	p1 =	sne.s32 s20, $0x4F0;
	_ =	swait.ge [sflag:s9], $0x80  }
0x27: {  	[sflag:s9] =	ssyncset.done $0x0  }
0x28: {  	[sflag:s9] =	ssyncadd.s32 $0xFFFFFF80  }
0x29: {  	[tilespmem:s12], [sflag:$0x1] =	stream.strided.gather [hbm4b:s18+s10], $0x4000, s11, s10, $0x38;
	[tilespmem:$0x17900] =	vst v63  }
0x2a: {  	_ =	swait.ge [sflag:s9], $0x4000  }
.Ltmp0:
0x2b: {  	[sflag:s9] =	ssyncset.done $0x0;
	(pc) =	sbr.rel @p1 .LBB2_2-.Ltmp0, $4  }
0x2c: {  	[sflag:s9] =	ssyncadd.s32 $0xFFFFC000  }
0x2d: {  	[spmem:s1] =	stream.indirect.scatter.add.f32 [tilespmem:s12], [sflag:$0x1], $0x80, s2, s12, $0xb8;
	[tilespmem:$0x17900] =	vst v63  }
0x2e: {  	_ =	swait.ge [sflag:s9], $0x4000  }
0x2f: {  	s20 =	smov.u32 s22;
	s18 =	sadd.s32 $0x1000, s18;
	[sflag:s9] =	ssyncset.done $0x0  }
0x30: {  	s19 =	sadd.s32 s19, s7;
	[sflag:s9] =	ssyncadd.s32 $0xFFFFC000  }
0x31: {  	[tilespmem:s2], [sflag:$0x1] =	stream.linear.gather [hbm4b:s19+s2], $0x80, $0x38;
	[tilespmem:$0x17900] =	vst v63  }
0x32: {  	_ =	swait.ge [sflag:s9], $0x80  }
0x33: {  	[sflag:s9] =	ssyncset.done $0x0  }
0x34: {  	[sflag:s9] =	ssyncadd.s32 $0xFFFFFF80  }
0x35: {  	[tilespmem:s12], [sflag:$0x1] =	stream.strided.gather [hbm4b:s18+s10], $0x4000, s11, s10, $0x38;
	[tilespmem:$0x17900] =	vst v63  }
0x36: {  	_ =	swait.ge [sflag:s9], $0x4000  }
0x37: {  	[sflag:s9] =	ssyncset.done $0x0  }
0x38: {  	[sflag:s9] =	ssyncadd.s32 $0xFFFFC000  }
0x39: {  	[spmem:s1] =	stream.indirect.scatter.add.f32 [tilespmem:s12], [sflag:$0x1], $0x80, s2, s12, $0xb8;
	[tilespmem:$0x17900] =	vst v63  }
0x3a: {  	_ =	swait.ge [sflag:s9], $0x4000  }
0x3b: {  	s17 =	sadd.s32 $0x1, s17;
	[sflag:s9] =	ssyncset.done $0x0  }
0x3c: {  	p1 =	sne.s32 s17, s5;
	[sflag:s9] =	ssyncadd.s32 $0xFFFFC000  }
.Ltmp1:
0x3d: {  	[bflag:$0x0] =	sbarrier.arrive $0xFFFF;
	(pc) =	sbr.rel @p1 .LBB2_1-.Ltmp1, $4  }
0x3e: {  	[hbm:s4@s16], [sflag:s13] =	dma.strided [spmem:s14@s12], $0x2800, s15, $0x10   }
0x3f: {  	_ =	swait.ge [sflag:s9], $0x2800  }
0x40: {  	[sflag:s9] =	ssyncset.done $0x0  }
0x41: {  	[sflag:s9] =	ssyncadd.s32 $0xFFFFD800  }
0x42: {  	_ =	sfence.sel $0x180000  }
0x43: {  	[bflag:$0x0] =	sbarrier.arrive $0xFFFF  }
0x44: {  	_ =	strace $0x9000006E  }
0x45: {  	s0 =	sadd.s32 @!p0 $0x100000, s0;
	[bflag:$0x2] =	sbarrier.arrive $0xFFFF  }
0x46: {  	[sflag:s0] =	ssyncadd.tile.s32 @!p0 $0x1;
	_ =	shalt  }
.Lfunc_end2:
_tile_overlayer_lowered:
.L_overlay_start_2:
0x47: {  	(tag) =	ssettag $0x2  }
0x48: {  	s0 =	rddreg [dreg:$0x0];
	s2 =	stileid.u32  }
0x49: {  	s1 =	rddreg [dreg:$0x1];
	p0 =	sne.s32 s2, $0x0  }
0x4a: {  	s3 =	rddreg [dreg:$0x2];
	[bflag:$0x3] =	sbarrier.arrive $0xFFFF;
	s2 =	simm.s32 @!p0 $0x1C01  }
0x4b: {  	[timem:s3], [sflag:s2] =	dma.local @!p0 [hbm:s0], s1  }
0x4c: {  	s0 =	simm.s32 @!p0 $0x1  }
0x4d: {  	_ =	swait.ge @!p0 [sflag:s0], s1  }
0x4e: {  	s1 =	ssub.s32 @!p0 $0x0, s1;
	[sflag:s0] =	ssyncset.done @!p0 $0x0  }
0x4f: {  	[sflag:s0] =	ssyncadd.s32 @!p0 s1  }
0x50: {  	[bflag:$0x3] =	sbarrier.arrive $0xFFFF  }
0x51: {  	_ =	shalt  }

// kernel: kernel.75.cloned.1.call-start
scs
__scs_entry_jumppad:
0x0: {  	(pc) =	sbr.rel $0x88, $3  }
0x1: {  	(tag) =	ssettag $0x0;
	lr =	simm.s32 $0x1  }
0x2: {  	[smem:$0x3F82] =	sst lr;
	_ =	strace $0xD0000000  }
0x3: {  	_ = 	snop  }
0x4: {  	_ = 	snop  }
0x5: {  	_ = 	snop  }
0x6: {  	_ = 	snop  }
0x7: {  	_ = 	snop  }
__scs_overlays_trampoline_lowered:
0x8: {  	[smem:$0x3F91] =	sst s0  }
0x9: {  	[smem:$0x3F92] =	sst s1  }
0xa: {  	[smem:$0x3F93] =	sst s2  }
0xb: {  	[smem:$0x3F94] =	sst s3  }
0xc: {  	[smem:$0x3F95] =	sst s4  }
0xd: {  	[smem:$0x3F96] =	sst s5  }
0xe: {  	[smem:$0x3F97] =	sst s6  }
0xf: {  	[smem:$0x3F98] =	sst s7  }
0x10: {  	[smem:$0x3F99] =	sst s8  }
0x11: {  	[smem:$0x3F9A] =	sst s9;
	s0 =	simm.s32 @!p0 $0x0  }
0x12: {  	s1 =	sld [smem:$0x3F80];
	s0 =	simm.s32 @p0 $0x1  }
0x13: {  	[smem:$0x3F9B] =	sst s0;
	s0 =	simm.s32 @!p1 $0x0  }
0x14: {  	s2 =	sld [smem:$0x3F7F];
	s0 =	simm.s32 @p1 $0x1  }
0x15: {  	[smem:$0x3F9C] =	sst s0;
	s0 =	simm.s32 @!p2 $0x0  }
0x16: {  	s3 =	sld [smem:$0x3FDB];
	s0 =	simm.s32 @p2 $0x1  }
0x17: {  	s4 =	simm.s32 $0x1BF5;
	[smem:$0x3F9E] =	sst s0  }
0x18: {  	s0 =	sld [smem:$0x3F81];
	_ =	swait.ge [sflag:s4], $0x0  }
0x19: {  	s7 =	sld [smem:$0x3F82]  }
0x1a: {  	s8 =	sadd.s32 $0xFFFFE003, lr  }
0x1b: {  	s9 =	sadd.s32 $0xFFFFFEF7, lr;
	s5 =	simm.s32 $0xFFFFFFFF;
	p2 =	slt.u32 s8, $0xFFFFF086  }
0x1c: {  	p1 =	slt.u32 s9, $0xF7A;
	s5 =	simm.s32 @!p2 $0x0  }
0x1d: {  	s5 =	simm.s32 @p1 $0x1;
	p0 =	seq.s32 s7, s2  }
0x1e: {  	s7 =	smul.u32 @!p0 $0xF7A, s2;
	p2 =	seq.s32 @!p0 s5, $0x0  }
0x1f: {  	s9 =	smul.u32 $0xF7A, s1;
	s8 =	simm.s32 @!p0 $0x1BF5;
	p2 =	por !p2, p0  }
0x20: {  	[sflag:s8] =	ssyncset.s32 @!p0 $0xFFFFF086;
	s6 =	sadd.s32 @!p0 s3, s7;
	s7 =	simm.s32 @!p0 $0x108  }
0x21: {  	s3 =	sadd.s32 s3, s9;
	s6 =	sadd.s32 @!p0 $0x88, s6;
	s7 =	simm.s32 @p2 $0x1082  }
0x22: {  	[simem:s7], [sflag:s8] =	dma.local @!p0 [hbm:s6], $0xF7A  }
0x23: {  	s9 =	sor.u32 $0xD0000000, s2;
	s6 =	simm.s32 $0x108;
	_ =	swait.ge @!p0 [sflag:s8], $0x0  }
0x24: {  	s3 =	sadd.s32 $0x88, s3;
	s6 =	simm.s32 @!p1 $0x1082;
	[sflag:s4] =	ssyncset.s32 $0xFFFFF086  }
0x25: {  	[simem:s6], [sflag:s4] =	dma.local [hbm:s3], $0xF7A  }
0x26: {  	[smem:$0x3F82] =	sst s1;
	(tag) =	ssettag s2;
	_ =	strace s9  }
0x27: {  	s1 =	sld [smem:$0x3F92]  }
0x28: {  	s2 =	sld [smem:$0x3F93]  }
0x29: {  	s4 =	sld [smem:$0x3F95]  }
0x2a: {  	p0 =	seq.s32 s5, $0x0;
	s5 =	sld [smem:$0x3F96]  }
0x2b: {  	s6 =	sld [smem:$0x3F97]  }
0x2c: {  	s7 =	sld [smem:$0x3F98]  }
0x2d: {  	s3 =	simm.s32 $0x108;
	s8 =	sld [smem:$0x3F99]  }
0x2e: {  	s3 =	simm.s32 @!p0 $0x1082;
	s9 =	sld [smem:$0x3F9A]  }
0x2f: {  	lr =	sadd.s32 s0, s3;
	s0 =	sld [smem:$0x3F91]  }
0x30: {  	s3 =	sld [smem:$0x3F94]  }
0x31: {  	[smem:$0x3F9D] =	sst s10  }
0x32: {  	s10 =	sld [smem:$0x3F9B];
	_ =	sdelay $0x3  }
0x33: {  	p0 =	seq.s32 s10, $0x1;
	s10 =	sld [smem:$0x3F9D];
	_ =	sdelay $0x3  }
0x34: {  	[smem:$0x3F9D] =	sst s10  }
0x35: {  	s10 =	sld [smem:$0x3F9C];
	_ =	sdelay $0x3  }
0x36: {  	p1 =	seq.s32 s10, $0x1;
	s10 =	sld [smem:$0x3F9D];
	_ =	sdelay $0x3  }
0x37: {  	[smem:$0x3F9D] =	sst s10  }
0x38: {  	s10 =	sld [smem:$0x3F9E]  }
0x39: {  	_ = 	snop;
	(pc) =	sbr.ind lr, $3  }
0x3a: {  	_ = 	snop  }
0x3b: {  	_ = 	snop  }
0x3c: {  	p2 =	seq.s32 s10, $0x1;
	s10 =	sld [smem:$0x3F9D]  }
0x3d: {  	_ =	shalt  }
0x3e: {  	_ =	shalt  }
0x3f: {  	_ =	shalt  }
0x40: {  	_ =	shalt  }
0x41: {  	_ =	shalt  }
0x42: {  	_ =	shalt  }
0x43: {  	_ =	shalt  }
0x44: {  	_ =	shalt  }
0x45: {  	_ =	shalt  }
0x46: {  	_ =	shalt  }
0x47: {  	_ =	shalt  }
0x48: {  	_ =	shalt  }
0x49: {  	_ =	shalt  }
0x4a: {  	_ =	shalt  }
0x4b: {  	_ =	shalt  }
0x4c: {  	_ =	shalt  }
0x4d: {  	_ =	shalt  }
0x4e: {  	_ =	shalt  }
0x4f: {  	_ =	shalt  }
0x50: {  	_ =	shalt  }
0x51: {  	_ =	shalt  }
0x52: {  	_ =	shalt  }
0x53: {  	_ =	shalt  }
0x54: {  	_ =	shalt  }
0x55: {  	_ =	shalt  }
0x56: {  	_ =	shalt  }
0x57: {  	_ =	shalt  }
0x58: {  	_ =	shalt  }
0x59: {  	_ =	shalt  }
0x5a: {  	_ =	shalt  }
0x5b: {  	_ =	shalt  }
0x5c: {  	_ =	shalt  }
0x5d: {  	_ =	shalt  }
0x5e: {  	_ =	shalt  }
0x5f: {  	_ =	shalt  }
0x60: {  	_ =	shalt  }
0x61: {  	_ =	shalt  }
0x62: {  	_ =	shalt  }
0x63: {  	_ =	shalt  }
0x64: {  	_ =	shalt  }
0x65: {  	_ =	shalt  }
0x66: {  	_ =	shalt  }
0x67: {  	_ =	shalt  }
0x68: {  	_ =	shalt  }
0x69: {  	_ =	shalt  }
0x6a: {  	_ =	shalt  }
0x6b: {  	_ =	shalt  }
0x6c: {  	_ =	shalt  }
0x6d: {  	_ =	shalt  }
0x6e: {  	_ =	shalt  }
0x6f: {  	_ =	shalt  }
0x70: {  	_ =	shalt  }
0x71: {  	_ =	shalt  }
0x72: {  	_ =	shalt  }
0x73: {  	_ =	shalt  }
0x74: {  	_ =	shalt  }
0x75: {  	_ =	shalt  }
0x76: {  	_ =	shalt  }
0x77: {  	_ =	shalt  }
0x78: {  	_ =	shalt  }
0x79: {  	_ =	shalt  }
0x7a: {  	_ =	shalt  }
0x7b: {  	_ =	shalt  }
0x7c: {  	_ =	shalt  }
0x7d: {  	_ =	shalt  }
0x7e: {  	_ =	shalt  }
0x7f: {  	_ =	shalt  }
0x80: {  	_ =	shalt  }
0x81: {  	_ =	shalt  }
0x82: {  	_ =	shalt  }
0x83: {  	_ =	shalt  }
0x84: {  	_ =	shalt  }
0x85: {  	_ =	shalt  }
0x86: {  	_ =	shalt  }
0x87: {  	_ =	shalt  }
.Lfunc_end0:
.L_simem_size_0:
called_computation.14_lowered:
.L_overlay_start_0:
0x88: {  	s2 =	sld [smem:$0x3FD9]  }
0x89: {  	s3 =	sld [smem:$0x3FFE];
	_ =	sdelay $0x1  }
0x8a: {  	s1 =	srdreg.scid  }
0x8b: {  	s0 =	sand.u32 $0x1, s1  }
0x8c: {  	s16 =	sshll.u32 s0, $0xA;
	s2 =	sadd.s32 s3, s2  }
0x8d: {  	s2 =	sadd.s32 s2, s16  }
0x8e: {  	[smem:$0x3FA9] =	sst s2  }
0x8f: {  	_ = 	snop  }
0x90: {  	(tm) =	ssettm $0x1  }
0x91: {  	s17 =	sld [smem:$0x3FFB];
	_ =	sdelay $0x3  }
0x92: {  	_ =	strace s17  }
0x93: {  	s2 =	sld [smem:$0x3FFC];
	_ =	sdelay $0x3  }
0x94: {  	_ =	strace s2  }
0x95: {  	s2 =	sld [smem:$0x3FFD];
	_ =	sdelay $0x3  }
0x96: {  	_ =	strace s2  }
0x97: {  	_ =	strace $0x8FFFFFFF  }
0x98: {  	s18 =	sld [smem:$0x3FDB];
	_ =	sdelay $0x1  }
0x99: {  	s19 =	simm.s32 $_scs_section_size  }
0x9a: {  	s4 =	simm.s32 $_size__tile_overlayer_lowered;
	s5 =	simm.s32 $_tile_overlayer_lowered  }
0x9b: {  	s22 =	simm.s32 $0x1BFF;
	s21 =	sshll.u32 s5, $0x1;
	s2 =	sadd.s32 s19, s18  }
0x9c: {  	s6 =	simm.s32 $0x0;
	s20 =	sshll.u32 s4, $0x1;
	s4 =	sadd.s32 s21, s2  }
0x9d: {  	[timem:s6], [sflag:s22] =	dma.local [hbm:s4], s20  }
0x9e: {  	_ =	swait.ge [sflag:s22], s20  }
0x9f: {  	s3 =	ssub.s32 $0x0, s20;
	[sflag:s22] =	ssyncset.done $0x0  }
0xa0: {  	[sflag:s22] =	ssyncadd.s32 s3;
	_ =	sdelay $0x1  }
0xa1: {  	s23 =	simm.s32 $0x1B8B  }
0xa2: {  	_ =	swait.ge [sflag:s23], $0x1  }
0xa3: {  	[sflag:s23] =	ssyncset.done $0x0  }
0xa4: {  	s25 =	simm.s32 $0x1B8E;
	s24 =	sld [smem:$0x3FFE];
	[sflag:s23] =	ssyncadd.s32 $0xFFFFFFFF  }
0xa5: {  	s26 =	simm.s32 $execute0_lowered;
	[smem:$0x3FD2] =	sst s25  }
0xa6: {  	s4 =	sshll.u32 s26, $0x1;
	_ =	strace $0x80000070;
	[dreg:$0x1] =	wrdreg $0xFFFFFFFF  }
0xa7: {  	s28 =	simm.s32 $_size_execute0_lowered;
	s2 =	sadd.s32 s2, s4;
	[dreg:$0x0] =	wrdreg $0x0  }
0xa8: {  	s4 =	sshll.u32 s28, $0x1;
	[dreg:$0x2] =	wrdreg s2  }
0xa9: {  	[dreg:$0x3] =	wrdreg s4  }
0xaa: {  	[dreg:$0x4] =	wrdreg $0xC0  }
0xab: {  	_ =	task [dreg:s6], $0x5FFFF  }
0xac: {  	[dreg:$0x1] =	wrdreg $0xFFFFFFFF  }
0xad: {  	[dreg:$0x0] =	wrdreg $0x60  }
0xae: {  	[dreg:$0x2] =	wrdreg s24  }
0xaf: {  	[dreg:$0x3] =	wrdreg $0x9  }
0xb0: {  	_ =	task.clear_ibuf [dreg:s6], $0x4FFFF;
	_ =	strace $0x90000070  }
0xb1: {  	s29 =	simm.s32 $0x9;
	_ =	strace $0x80000072  }
0xb2: {  	_ =	swait.ge [sflag:s29], $0x1  }
0xb3: {  	[sflag:s29] =	ssyncadd.s32 $0xFFFFFFFF  }
0xb4: {  	_ =	strace $0x90000072  }
0xb5: {  	_ =	sfence  }
0xb6: {  	s30 =	sld [smem:$0x0];
	_ =	sdelay $0x2  }
0xb7: {  	s31 =	sshll.u32 s1, $0xD;
	s1 =	sshrl.u32 s1, $0x2  }
0xb8: {  	s3 =	sand.u32 $0x4000, s31;
	s1 =	sadd.s32 s1, s30  }
0xb9: {  	s0 =	sor.u32 s3, s0;
	s1 =	sshll.u32 s1, $0x11  }
0xba: {  	s0 =	sor.u32 s1, s0  }
0xbb: {  	s0 =	sadd.s32 $0x8F2B, s0  }
0xbc: {  	[sflag:s0] =	ssyncadd.remote.s32 $0x1  }
0xbd: {  	_ =	sfence.sel $0xFFFF  }
0xbe: {  	[dreg:$0x0] =	wrdreg $0xFFFFFFFF;
	(pc) =	sbr.abs _section_cstart, $3  }
0xbf: {  	[dreg:$0x1] =	wrdreg $0xFFFFFFFF  }
0xc0: {  	_ =	task.clear_ibuf [dreg:s6], $0x2FFFF;
	_ =	strace $0x9FFFFFFF  }
0xc1: {  	(tm) =	ssettm $0x7FFFFFFF  }
tec
execute0_lowered:
.L_overlay_start_1:
0x0: {  	(tag) =	ssettag $0x1  }
0x1: {  	s1 =	srdreg.scid  }
0x2: {  	s0 =	stileid.u32;
	s3 =	rddreg [dreg:$0x0]  }
0x3: {  	s2 =	simm.s32 $0x0;
	s9 =	simm.s32 $0x3;
	s10 =	simm.s32 $0x80  }
0x4: {  	s11 =	simm.s32 $0x100;
	s12 =	simm.s32 $0x4100;
	s13 =	simm.s32 $0x1  }
0x5: {  	s14 =	simm.s32 $0x2;
	s15 =	simm.s32 $0x0;
	s5 =	smul.u32 $0x2800, s0  }
0x6: {  	s4 =	sand.u32 $0x1, s1;
	s1 =	rddreg [dreg:$0x1];
	s28 =	smul.u32 $0x28000, s0  }
0x7: {  	[smem:$0x7FF] =	sst s2;
	s6 =	smul.u32 $0x1400, s4;
	s7 =	ssub.s32 $0x2, s4  }
0x8: {  	_ =	strace $0x80000071;
	s4 =	smul.u32 $0x14000, s4;
	s30 =	sshrl.u32 s7, $0x1  }
0x9: {  	s29 =	sadd.s32 s28, s3;
	s5 =	sadd.s32 s6, s5;
	s6 =	ssub.s32 s7, s30  }
0xa: {  	s31 =	sadd.s32 s4, s29;
	s5 =	sshrl.u32 s5, $0x3;
	s4 =	smax.u32 s6, $0x1  }
0xb: {  	s6 =	sadd.s32 $0x2C0600, s31;
	s8 =	sadd.s32 s5, s3;
	s3 =	sadd.s32 $0x19400, s3  }
0xc: {  	s5 =	sadd.s32 $0x40600, s31;
	s7 =	sadd.s32 $0xF400, s8;
	s8 =	sadd.s32 $0x14400, s8  }
.LBB2_1:
0xd: {  	s16 =	sadd.s32 $0x0, s8  }
0xe: {  	[tilespmem:s2], [sflag:$0x3] =	stream.linear.gather [hbm4b:s16+s2], $0x80, $0x38;
	[tilespmem:$0x8100] =	vst v63  }
0xf: {  	_ =	swait.ge [sflag:s9], $0x80  }
0x10: {  	[sflag:s9] =	ssyncset.done $0x0  }
0x11: {  	s31 =	sadd.s32 $0x0, s7;
	[sflag:s9] =	ssyncadd.s32 $0xFFFFFF80  }
0x12: {  	[tilespmem:s10], [sflag:$0x3] =	stream.linear.gather [hbm4b:s31+s2], $0x80, $0x38;
	[tilespmem:$0x8100] =	vst v63  }
0x13: {  	_ =	swait.ge [sflag:s9], $0x80  }
0x14: {  	[sflag:s9] =	ssyncset.done $0x0  }
0x15: {  	[sflag:s9] =	ssyncadd.s32 $0xFFFFFF80  }
0x16: {  	[tilespmem:s11], [sflag:$0x1] =	stream.indirect.gather [hbm4b:s3+s10], $0x80, s2, s10, $0xb8;
	[tilespmem:$0x8100] =	vst v63  }
0x17: {  	_ = 	snop  }
0x18: {  	[tilespmem:s12], [sflag:$0x2] =	stream.indirect.gather [hbm4b:s3+s10], $0x80, s10, s10, $0xb8;
	[tilespmem:$0x8100] =	vst v63  }
0x19: {  	_ =	swait.ge [sflag:s13], $0x4000  }
0x1a: {  	[sflag:s13] =	ssyncset.done $0x0  }
0x1b: {  	[sflag:s13] =	ssyncadd.s32 $0xFFFFC000  }
0x1c: {  	_ =	swait.ge [sflag:s14], $0x4000  }
0x1d: {  	[sflag:s14] =	ssyncset.done $0x0  }
0x1e: {  	[sflag:s14] =	ssyncadd.s32 $0xFFFFC000  }
0x1f: {  	[hbm4b:s5+s2] =	stream.linear.scatter [tilespmem:s11], [sflag:$0x3], $0x4000, $0x38;
	[tilespmem:$0x8100] =	vst v63  }
0x20: {  	_ =	swait.ge [sflag:s9], $0x4000  }
0x21: {  	[sflag:s9] =	ssyncset.done $0x0  }
0x22: {  	[sflag:s9] =	ssyncadd.s32 $0xFFFFC000  }
0x23: {  	[hbm4b:s6+s2] =	stream.linear.scatter [tilespmem:s12], [sflag:$0x3], $0x4000, $0x38;
	[tilespmem:$0x8100] =	vst v63  }
0x24: {  	s18 =	simm.s32 $0x10;
	s19 =	simm.s32 $0x20;
	_ =	swait.ge [sflag:s9], $0x4000  }
0x25: {  	s17 =	sadd.s32 $0x800, s5;
	s16 =	sadd.s32 $0x800, s6;
	[sflag:s9] =	ssyncset.done $0x0  }
.LBB2_2:
0x26: {  	s20 =	sadd.s32 s18, s8  }
0x27: {  	[sflag:s9] =	ssyncadd.s32 $0xFFFFC000;
	s21 =	smov.u32 s19;
	s22 =	sadd.s32 $0x10, s19  }
0x28: {  	[tilespmem:s2], [sflag:$0x3] =	stream.linear.gather [hbm4b:s20+s2], $0x80, $0x38;
	[tilespmem:$0x8100] =	vst v63  }
0x29: {  	p0 =	sne.s32 s19, $0x270;
	_ =	swait.ge [sflag:s9], $0x80  }
0x2a: {  	[sflag:s9] =	ssyncset.done $0x0  }
0x2b: {  	s19 =	sadd.s32 s18, s7;
	s18 =	smov.u32 s21;
	[sflag:s9] =	ssyncadd.s32 $0xFFFFFF80  }
0x2c: {  	[tilespmem:s10], [sflag:$0x3] =	stream.linear.gather [hbm4b:s19+s2], $0x80, $0x38;
	[tilespmem:$0x8100] =	vst v63  }
0x2d: {  	_ =	swait.ge [sflag:s9], $0x80  }
0x2e: {  	[sflag:s9] =	ssyncset.done $0x0  }
0x2f: {  	[sflag:s9] =	ssyncadd.s32 $0xFFFFFF80  }
0x30: {  	[tilespmem:s11], [sflag:$0x1] =	stream.indirect.gather [hbm4b:s3+s10], $0x80, s2, s10, $0xb8;
	[tilespmem:$0x8100] =	vst v63  }
0x31: {  	_ = 	snop  }
0x32: {  	[tilespmem:s12], [sflag:$0x2] =	stream.indirect.gather [hbm4b:s3+s10], $0x80, s10, s10, $0xb8;
	[tilespmem:$0x8100] =	vst v63  }
0x33: {  	_ =	swait.ge [sflag:s13], $0x4000  }
0x34: {  	[sflag:s13] =	ssyncset.done $0x0  }
0x35: {  	[sflag:s13] =	ssyncadd.s32 $0xFFFFC000  }
0x36: {  	_ =	swait.ge [sflag:s14], $0x4000  }
0x37: {  	[sflag:s14] =	ssyncset.done $0x0  }
0x38: {  	[sflag:s14] =	ssyncadd.s32 $0xFFFFC000  }
0x39: {  	[hbm4b:s17+s2] =	stream.linear.scatter [tilespmem:s11], [sflag:$0x3], $0x4000, $0x38;
	[tilespmem:$0x8100] =	vst v63  }
0x3a: {  	_ =	swait.ge [sflag:s9], $0x4000  }
.Ltmp0:
0x3b: {  	[sflag:s9] =	ssyncset.done $0x0;
	(pc) =	sbr.rel @p0 .LBB2_2-.Ltmp0, $4  }
0x3c: {  	[sflag:s9] =	ssyncadd.s32 $0xFFFFC000  }
0x3d: {  	[hbm4b:s16+s2] =	stream.linear.scatter [tilespmem:s12], [sflag:$0x3], $0x4000, $0x38;
	[tilespmem:$0x8100] =	vst v63  }
0x3e: {  	s19 =	smov.u32 s22;
	_ =	swait.ge [sflag:s9], $0x4000  }
0x3f: {  	s17 =	sadd.s32 $0x800, s17;
	s16 =	sadd.s32 $0x800, s16;
	[sflag:s9] =	ssyncset.done $0x0  }
0x40: {  	s19 =	sadd.s32 s18, s8;
	[sflag:s9] =	ssyncadd.s32 $0xFFFFC000  }
0x41: {  	[tilespmem:s2], [sflag:$0x3] =	stream.linear.gather [hbm4b:s19+s2], $0x80, $0x38;
	[tilespmem:$0x8100] =	vst v63  }
0x42: {  	_ =	swait.ge [sflag:s9], $0x80  }
0x43: {  	[sflag:s9] =	ssyncset.done $0x0  }
0x44: {  	s31 =	sadd.s32 s18, s7;
	[sflag:s9] =	ssyncadd.s32 $0xFFFFFF80  }
0x45: {  	[tilespmem:s10], [sflag:$0x3] =	stream.linear.gather [hbm4b:s31+s2], $0x80, $0x38;
	[tilespmem:$0x8100] =	vst v63  }
0x46: {  	_ =	swait.ge [sflag:s9], $0x80  }
0x47: {  	[sflag:s9] =	ssyncset.done $0x0  }
0x48: {  	[sflag:s9] =	ssyncadd.s32 $0xFFFFFF80  }
0x49: {  	[tilespmem:s11], [sflag:$0x1] =	stream.indirect.gather [hbm4b:s3+s10], $0x80, s2, s10, $0xb8;
	[tilespmem:$0x8100] =	vst v63  }
0x4a: {  	_ = 	snop  }
0x4b: {  	[tilespmem:s12], [sflag:$0x2] =	stream.indirect.gather [hbm4b:s3+s10], $0x80, s10, s10, $0xb8;
	[tilespmem:$0x8100] =	vst v63  }
0x4c: {  	_ =	swait.ge [sflag:s13], $0x4000  }
0x4d: {  	[sflag:s13] =	ssyncset.done $0x0  }
0x4e: {  	[sflag:s13] =	ssyncadd.s32 $0xFFFFC000  }
0x4f: {  	_ =	swait.ge [sflag:s14], $0x4000  }
0x50: {  	[sflag:s14] =	ssyncset.done $0x0  }
0x51: {  	[sflag:s14] =	ssyncadd.s32 $0xFFFFC000  }
0x52: {  	[hbm4b:s17+s2] =	stream.linear.scatter [tilespmem:s11], [sflag:$0x3], $0x4000, $0x38;
	[tilespmem:$0x8100] =	vst v63  }
0x53: {  	s15 =	sadd.s32 $0x1, s15;
	_ =	swait.ge [sflag:s9], $0x4000  }
0x54: {  	p0 =	sne.s32 s15, s4;
	[sflag:s9] =	ssyncset.done $0x0  }
.Ltmp1:
0x55: {  	[sflag:s9] =	ssyncadd.s32 $0xFFFFC000;
	(pc) =	sbr.rel @p0 .LBB2_1-.Ltmp1, $4  }
0x56: {  	[hbm4b:s16+s2] =	stream.linear.scatter [tilespmem:s12], [sflag:$0x3], $0x4000, $0x38;
	[tilespmem:$0x8100] =	vst v63  }
0x57: {  	_ =	swait.ge [sflag:s9], $0x4000  }
0x58: {  	[sflag:s9] =	ssyncset.done $0x0  }
0x59: {  	[sflag:s9] =	ssyncadd.s32 $0xFFFFC000  }
0x5a: {  	_ =	sfence.sel $0x180000  }
0x5b: {  	[bflag:$0x0] =	sbarrier.arrive $0xFFFF  }
0x5c: {  	p0 =	sne.s32 s0, $0x0;
	_ =	strace $0x90000071  }
0x5d: {  	s0 =	sadd.s32 @!p0 $0x100000, s1;
	[bflag:$0x2] =	sbarrier.arrive $0xFFFF  }
0x5e: {  	[sflag:s0] =	ssyncadd.tile.s32 @!p0 $0x1;
	_ =	shalt  }
.Lfunc_end2:
_tile_overlayer_lowered:
.L_overlay_start_2:
0x5f: {  	(tag) =	ssettag $0x2  }
0x60: {  	s0 =	rddreg [dreg:$0x0];
	s2 =	stileid.u32  }
0x61: {  	s1 =	rddreg [dreg:$0x1];
	p0 =	sne.s32 s2, $0x0  }
0x62: {  	s3 =	rddreg [dreg:$0x2];
	[bflag:$0x3] =	sbarrier.arrive $0xFFFF;
	s2 =	simm.s32 @!p0 $0x1C03  }
0x63: {  	[timem:s3], [sflag:s2] =	dma.local @!p0 [hbm:s0], s1  }
0x64: {  	s0 =	simm.s32 @!p0 $0x3  }
0x65: {  	_ =	swait.ge @!p0 [sflag:s0], s1  }
0x66: {  	s1 =	ssub.s32 @!p0 $0x0, s1;
	[sflag:s0] =	ssyncset.done @!p0 $0x0  }
0x67: {  	[sflag:s0] =	ssyncadd.s32 @!p0 s1  }
0x68: {  	[bflag:$0x3] =	sbarrier.arrive $0xFFFF  }
0x69: {  	_ =	shalt  }

</sc_bundles>
